<compile_context>
chip_gen: v7x
topology: tpu7x:2x2x1
jax: 0.10.2.dev20260603
libtpu: 0.0.44.dev20260713+nightly
codegen_flags: <defaults>
</compile_context>

<pallas_src>
import functools

import jax
import jax.numpy as jnp
from jax import lax
from jax.experimental import pallas as pl
from jax.experimental.pallas import tpu as pltpu
from jax.experimental.pallas import tpu_sc as plsc

VOCAB = 100000
D_MODEL = 64
NUM_WORKERS = 32
D_PER_W = D_MODEL // NUM_WORKERS
LANES = 16


BLK = 56


def _lookup_body(ids_hbm, table_hbm, out_hbm, row_v, ids_sh, ids_bufs,
                 out_bufs, isems, osems, rsem):
    n_s, n_b = ids_hbm.shape
    w = lax.axis_index("s") * 2 + lax.axis_index("c")
    blocks = []
    s0 = 0
    while s0 < n_s:
        blocks.append((s0, min(BLK, n_s - s0)))
        s0 += BLK

    for k in range(D_PER_W):
        d = w * D_PER_W + k
        row_cp = pltpu.make_async_copy(table_hbm.at[d], row_v, rsem)
        row_cp.start()

        for s0, sz in blocks:
            plsc.subcore_barrier()
            @pl.when(lax.axis_index("s") == 0)
            def _():
                pltpu.sync_copy(ids_hbm.at[pl.ds(s0, sz)],
                                ids_sh.at[pl.ds(0, sz)])

            plsc.subcore_barrier()

            if s0 == 0:
                row_cp.wait()

            for h in range(2):
                pltpu.async_copy(ids_sh.at[h], ids_bufs[h], isems[h])

            def sloop(i, carry):
                for h in range(2):
                    sl = 2 * i + h
                    pltpu.make_async_copy(ids_sh.at[0], ids_bufs[h],
                                          isems[h]).wait()
                    @pl.when(i > 0)
                    def _():
                        pltpu.make_async_copy(out_bufs[h], out_hbm.at[0, d],
                                              osems[h]).wait()

                    @plsc.parallel_loop(0, n_b, LANES, unroll=16)
                    def inner(j):
                        idx = ids_bufs[h][pl.ds(j, LANES)]
                        out_bufs[h][pl.ds(j, LANES)] = plsc.load_gather(
                            row_v, [idx])

                    @pl.when(i < sz // 2 - 1)
                    def _():
                        pltpu.async_copy(ids_sh.at[sl + 2], ids_bufs[h],
                                         isems[h])

                    pltpu.async_copy(out_bufs[h], out_hbm.at[s0 + sl, d],
                                     osems[h])
                return carry

            lax.fori_loop(0, sz // 2, sloop, 0)
            for h in range(2):
                pltpu.make_async_copy(out_bufs[h], out_hbm.at[0, d],
                                      osems[h]).wait()


def kernel(time_ids, pe_weight):
    b, s = time_ids.shape
    ids_t = time_ids.T
    table_t = pe_weight.T

    mesh = plsc.VectorSubcoreMesh(core_axis_name="c", subcore_axis_name="s")
    run = functools.partial(
        pl.kernel,
        mesh=mesh,
        out_type=jax.ShapeDtypeStruct((s, D_MODEL, b), jnp.float32),
        scratch_types=[
            pltpu.VMEM((VOCAB,), jnp.float32),
            pltpu.VMEM_SHARED((BLK, b), jnp.int32),
            [pltpu.VMEM((b,), jnp.int32) for _ in range(2)],
            [pltpu.VMEM((b,), jnp.float32) for _ in range(2)],
            [pltpu.SemaphoreType.DMA for _ in range(2)],
            [pltpu.SemaphoreType.DMA for _ in range(2)],
            pltpu.SemaphoreType.DMA,
        ],
        compiler_params=pltpu.CompilerParams(needs_layout_passes=False),
    )(_lookup_body)
    out_t = run(ids_t, table_t)
    return out_t.transpose(2, 0, 1)

# --- scband reference (transcript-rebuilt; emitter-appended) ---
"""Pipeline reference for scband-positional-encoding-42520176230544 (READ-ONLY COPY).

The authoritative reference and input builder live on the scoring server;
editing this copy changes nothing except your own understanding.
"""

import jax, jax.numpy as jnp
import numpy as np

TIME_SIZE = 100000
D_MODEL = 64

def setup_inputs(seed: int = 0) -> dict:
    key = jax.random.key(seed)
    k1, k2 = jax.random.split(key)
    time_ids = jax.random.randint(k1, (4096, 200), 0, TIME_SIZE, dtype=jnp.int64 if jax.config.jax_enable_x64 else jnp.int32)
    pe_weight = jax.random.normal(k2, (TIME_SIZE, D_MODEL), dtype=jnp.float32)
    return {"time_ids": time_ids, "pe_weight": pe_weight}

def reference(time_ids, pe_weight):
    # nn.Embedding lookup: position = self.pe(time_ids)
    position = jnp.take(pe_weight, time_ids, axis=0)
    return position

if __name__ == "__main__":
    import jax
    _d = setup_inputs()
    print(jax.jit(kernel)(*tuple(_d.values())))

</pallas_src>

<mosaic_0001>
#map = affine_map<(d0, d1) -> (0, 0)>
#map1 = affine_map<(d0, d1) -> (0, 0, 0)>
module attributes {stable_mosaic.version = 14 : i64} {
  func.func @_lookup_body(%arg0: i32, %arg1: i32, %arg2: memref<200x4096xi32, #tpu.memory_space<hbm>>, %arg3: memref<64x100000xf32, #tpu.memory_space<hbm>>, %arg4: memref<200x64x4096xf32, #tpu.memory_space<hbm>>, %arg5: memref<100000xf32, #tpu.memory_space<vmem>>, %arg6: memref<56x4096xi32, #tpu.memory_space<vmem_shared>>, %arg7: memref<4096xi32, #tpu.memory_space<vmem>>, %arg8: memref<4096xi32, #tpu.memory_space<vmem>>, %arg9: memref<4096xf32, #tpu.memory_space<vmem>>, %arg10: memref<4096xf32, #tpu.memory_space<vmem>>, %arg11: memref<!tpu.dma_semaphore, #tpu.memory_space<semaphore_mem>>, %arg12: memref<!tpu.dma_semaphore, #tpu.memory_space<semaphore_mem>>, %arg13: memref<!tpu.dma_semaphore, #tpu.memory_space<semaphore_mem>>, %arg14: memref<!tpu.dma_semaphore, #tpu.memory_space<semaphore_mem>>, %arg15: memref<!tpu.dma_semaphore, #tpu.memory_space<semaphore_mem>>) attributes {dimension_semantics = [#tpu.dimension_semantics<core_parallel>, #tpu.dimension_semantics<subcore_parallel>], iteration_bounds = array<i64: 2, 16>, scalar_prefetch = 0 : i64, scratch_operands = 11 : i64, tpu.core_type = #tpu.core_type<sc_vector_subcore>, window_params = [{transform_indices = #map}, {transform_indices = #map}, {transform_indices = #map1}]} {
    %mul3A = arith.constant 2 : i32
    %mul3A_0 = arith.muli %arg1, %mul3A : i32
    %add3A = arith.addi %mul3A_0, %arg0 : i32
    %mul3A_1 = arith.constant 2 : i32
    %mul3A_2 = arith.muli %add3A, %mul3A_1 : i32
    %add3A_3 = arith.constant 0 : i32
    %add3A_4 = arith.addi %mul3A_2, %add3A_3 : i32
    %dma_start3A = arith.constant 0 : i32
    %dma_start3A_5 = tpu.memref_slice %arg3[%add3A_4, %dma_start3A] : memref<64x100000xf32, #tpu.memory_space<hbm>> -> memref<1x100000xf32, #tpu.memory_space<hbm>>
    %dma_start3A_6 = tpu.memref_squeeze %dma_start3A_5 : memref<1x100000xf32, #tpu.memory_space<hbm>> -> memref<100000xf32, #tpu.memory_space<hbm>>
    %dma_start3A_7 = arith.constant 0 : i32
    %dma_start3A_8 = tpu.memref_slice %arg3[%add3A_4, %dma_start3A_7] : memref<64x100000xf32, #tpu.memory_space<hbm>> -> memref<1x100000xf32, #tpu.memory_space<hbm>>
    %dma_start3A_9 = tpu.memref_squeeze %dma_start3A_8 : memref<1x100000xf32, #tpu.memory_space<hbm>> -> memref<100000xf32, #tpu.memory_space<hbm>>
    tpu.enqueue_dma source(%dma_start3A_9 : memref<100000xf32, #tpu.memory_space<hbm>>) target(%arg5 : memref<100000xf32, #tpu.memory_space<vmem>>) target_semaphore(%arg15 : memref<!tpu.dma_semaphore, #tpu.memory_space<semaphore_mem>>)
    %barrier3A = arith.constant 0 : index
    tpu.barrier barrier_id(%barrier3A)
    %eq3A = arith.constant 0 : i32
    %eq3A_10 = arith.cmpi eq, %arg1, %eq3A : i32
    %convert_element_type3A = arith.extui %eq3A_10 : i1 to i32
    %cond3A = arith.constant 0 : i32
    %cond3A_11 = arith.cmpi ne, %convert_element_type3A, %cond3A : i32
    scf.if %cond3A_11 {
      "tpu.region"() ({
        %run_scoped3A = tpu.sem_alloc : memref<!tpu.dma_semaphore, #tpu.memory_space<semaphore_mem>>
        %dma_start3A_354 = arith.constant 0 : i32
        %dma_start3A_355 = arith.constant 0 : i32
        %dma_start3A_356 = tpu.memref_slice %arg6[%dma_start3A_354, %dma_start3A_355] : memref<56x4096xi32, #tpu.memory_space<vmem_shared>> -> memref<56x4096xi32, #tpu.memory_space<vmem_shared>>
        %dma_start3A_357 = arith.constant 0 : i32
        %dma_start3A_358 = arith.constant 0 : i32
        %dma_start3A_359 = tpu.memref_slice %arg2[%dma_start3A_357, %dma_start3A_358] : memref<200x4096xi32, #tpu.memory_space<hbm>> -> memref<56x4096xi32, #tpu.memory_space<hbm>>
        tpu.enqueue_dma source(%dma_start3A_359 : memref<56x4096xi32, #tpu.memory_space<hbm>>) target(%dma_start3A_356 : memref<56x4096xi32, #tpu.memory_space<vmem_shared>>) target_semaphore(%run_scoped3A : memref<!tpu.dma_semaphore, #tpu.memory_space<semaphore_mem>>)
        %dma_wait3A_360 = arith.constant 0 : i32
        %dma_wait3A_361 = arith.constant 0 : i32
        %dma_wait3A_362 = tpu.memref_slice %arg6[%dma_wait3A_360, %dma_wait3A_361] : memref<56x4096xi32, #tpu.memory_space<vmem_shared>> -> memref<56x4096xi32, #tpu.memory_space<vmem_shared>>
        %dma_wait3A_363 = arith.constant 0 : i32
        %dma_wait3A_364 = arith.constant 0 : i32
        %dma_wait3A_365 = tpu.memref_slice %arg2[%dma_wait3A_363, %dma_wait3A_364] : memref<200x4096xi32, #tpu.memory_space<hbm>> -> memref<56x4096xi32, #tpu.memory_space<hbm>>
        tpu.wait_dma2 semaphore(%run_scoped3A : memref<!tpu.dma_semaphore, #tpu.memory_space<semaphore_mem>>) src(%dma_wait3A_365 : memref<56x4096xi32, #tpu.memory_space<hbm>>) dst(%dma_wait3A_362 : memref<56x4096xi32, #tpu.memory_space<vmem_shared>>)
        tpu.yield
      }) : () -> ()
    } else {
    }
    %barrier3A_12 = arith.constant 0 : index
    tpu.barrier barrier_id(%barrier3A_12)
    %dma_wait3A = arith.constant 0 : i32
    %dma_wait3A_13 = tpu.memref_slice %arg3[%add3A_4, %dma_wait3A] : memref<64x100000xf32, #tpu.memory_space<hbm>> -> memref<1x100000xf32, #tpu.memory_space<hbm>>
    %dma_wait3A_14 = tpu.memref_squeeze %dma_wait3A_13 : memref<1x100000xf32, #tpu.memory_space<hbm>> -> memref<100000xf32, #tpu.memory_space<hbm>>
    %dma_wait3A_15 = arith.constant 0 : i32
    %dma_wait3A_16 = tpu.memref_slice %arg3[%add3A_4, %dma_wait3A_15] : memref<64x100000xf32, #tpu.memory_space<hbm>> -> memref<1x100000xf32, #tpu.memory_space<hbm>>
    %dma_wait3A_17 = tpu.memref_squeeze %dma_wait3A_16 : memref<1x100000xf32, #tpu.memory_space<hbm>> -> memref<100000xf32, #tpu.memory_space<hbm>>
    tpu.wait_dma2 semaphore(%arg15 : memref<!tpu.dma_semaphore, #tpu.memory_space<semaphore_mem>>) src(%dma_wait3A_17 : memref<100000xf32, #tpu.memory_space<hbm>>) dst(%arg5 : memref<100000xf32, #tpu.memory_space<vmem>>)
    %dma_start3A_18 = arith.constant 0 : i32
    %dma_start3A_19 = arith.constant 0 : i32
    %dma_start3A_20 = tpu.memref_slice %arg6[%dma_start3A_18, %dma_start3A_19] : memref<56x4096xi32, #tpu.memory_space<vmem_shared>> -> memref<1x4096xi32, #tpu.memory_space<vmem_shared>>
    %dma_start3A_21 = tpu.memref_squeeze %dma_start3A_20 : memref<1x4096xi32, #tpu.memory_space<vmem_shared>> -> memref<4096xi32, #tpu.memory_space<vmem_shared>>
    %dma_start3A_22 = arith.constant 0 : i32
    %dma_start3A_23 = tpu.memref_slice %arg6[%dma_start3A_18, %dma_start3A_22] : memref<56x4096xi32, #tpu.memory_space<vmem_shared>> -> memref<1x4096xi32, #tpu.memory_space<vmem_shared>>
    %dma_start3A_24 = tpu.memref_squeeze %dma_start3A_23 : memref<1x4096xi32, #tpu.memory_space<vmem_shared>> -> memref<4096xi32, #tpu.memory_space<vmem_shared>>
    tpu.enqueue_dma source(%dma_start3A_24 : memref<4096xi32, #tpu.memory_space<vmem_shared>>) target(%arg7 : memref<4096xi32, #tpu.memory_space<vmem>>) target_semaphore(%arg11 : memref<!tpu.dma_semaphore, #tpu.memory_space<semaphore_mem>>)
    %dma_start3A_25 = arith.constant 1 : i32
    %dma_start3A_26 = arith.constant 0 : i32
    %dma_start3A_27 = tpu.memref_slice %arg6[%dma_start3A_25, %dma_start3A_26] : memref<56x4096xi32, #tpu.memory_space<vmem_shared>> -> memref<1x4096xi32, #tpu.memory_space<vmem_shared>>
    %dma_start3A_28 = tpu.memref_squeeze %dma_start3A_27 : memref<1x4096xi32, #tpu.memory_space<vmem_shared>> -> memref<4096xi32, #tpu.memory_space<vmem_shared>>
    %dma_start3A_29 = arith.constant 0 : i32
    %dma_start3A_30 = tpu.memref_slice %arg6[%dma_start3A_25, %dma_start3A_29] : memref<56x4096xi32, #tpu.memory_space<vmem_shared>> -> memref<1x4096xi32, #tpu.memory_space<vmem_shared>>
    %dma_start3A_31 = tpu.memref_squeeze %dma_start3A_30 : memref<1x4096xi32, #tpu.memory_space<vmem_shared>> -> memref<4096xi32, #tpu.memory_space<vmem_shared>>
    tpu.enqueue_dma source(%dma_start3A_31 : memref<4096xi32, #tpu.memory_space<vmem_shared>>) target(%arg8 : memref<4096xi32, #tpu.memory_space<vmem>>) target_semaphore(%arg12 : memref<!tpu.dma_semaphore, #tpu.memory_space<semaphore_mem>>)
    %scan3A = arith.constant 0 : i32
    %scan3A_32 = arith.constant 0 : i32
    %scan3A_33 = arith.constant 28 : i32
    %scan3A_34 = arith.addi %scan3A_32, %scan3A_33 : i32
    %scan3A_35 = arith.constant 1 : i32
    scf.for %scan3A_354 = %scan3A_32 to %scan3A_34 step %scan3A_35  : i32 {
      %mul3A_355 = arith.constant 2 : i32
      %mul3A_356 = arith.muli %mul3A_355, %scan3A_354 : i32
      %add3A_357 = arith.constant 0 : i32
      %add3A_358 = arith.addi %mul3A_356, %add3A_357 : i32
      %dma_wait3A_359 = arith.constant 0 : i32
      %dma_wait3A_360 = arith.constant 0 : i32
      %dma_wait3A_361 = tpu.memref_slice %arg6[%dma_wait3A_359, %dma_wait3A_360] : memref<56x4096xi32, #tpu.memory_space<vmem_shared>> -> memref<1x4096xi32, #tpu.memory_space<vmem_shared>>
      %dma_wait3A_362 = tpu.memref_squeeze %dma_wait3A_361 : memref<1x4096xi32, #tpu.memory_space<vmem_shared>> -> memref<4096xi32, #tpu.memory_space<vmem_shared>>
      %dma_wait3A_363 = arith.constant 0 : i32
      %dma_wait3A_364 = tpu.memref_slice %arg6[%dma_wait3A_359, %dma_wait3A_363] : memref<56x4096xi32, #tpu.memory_space<vmem_shared>> -> memref<1x4096xi32, #tpu.memory_space<vmem_shared>>
      %dma_wait3A_365 = tpu.memref_squeeze %dma_wait3A_364 : memref<1x4096xi32, #tpu.memory_space<vmem_shared>> -> memref<4096xi32, #tpu.memory_space<vmem_shared>>
      tpu.wait_dma2 semaphore(%arg11 : memref<!tpu.dma_semaphore, #tpu.memory_space<semaphore_mem>>) src(%dma_wait3A_365 : memref<4096xi32, #tpu.memory_space<vmem_shared>>) dst(%arg7 : memref<4096xi32, #tpu.memory_space<vmem>>)
      %gt3A = arith.constant 0 : i32
      %gt3A_366 = arith.cmpi sgt, %scan3A_354, %gt3A : i32
      %convert_element_type3A_367 = arith.extui %gt3A_366 : i1 to i32
      %cond3A_368 = arith.constant 0 : i32
      %cond3A_369 = arith.cmpi ne, %convert_element_type3A_367, %cond3A_368 : i32
      scf.if %cond3A_369 {
        %dma_wait3A_416 = arith.constant 0 : i32
        %dma_wait3A_417 = arith.constant 0 : i32
        %dma_wait3A_418 = tpu.memref_slice %arg4[%dma_wait3A_416, %add3A_4, %dma_wait3A_417] : memref<200x64x4096xf32, #tpu.memory_space<hbm>> -> memref<1x1x4096xf32, #tpu.memory_space<hbm>>
        %dma_wait3A_419 = tpu.memref_squeeze %dma_wait3A_418 : memref<1x1x4096xf32, #tpu.memory_space<hbm>> -> memref<4096xf32, #tpu.memory_space<hbm>>
        %dma_wait3A_420 = arith.constant 0 : i32
        %dma_wait3A_421 = tpu.memref_slice %arg4[%dma_wait3A_416, %add3A_4, %dma_wait3A_420] : memref<200x64x4096xf32, #tpu.memory_space<hbm>> -> memref<1x1x4096xf32, #tpu.memory_space<hbm>>
        %dma_wait3A_422 = tpu.memref_squeeze %dma_wait3A_421 : memref<1x1x4096xf32, #tpu.memory_space<hbm>> -> memref<4096xf32, #tpu.memory_space<hbm>>
        tpu.wait_dma2 semaphore(%arg13 : memref<!tpu.dma_semaphore, #tpu.memory_space<semaphore_mem>>) src(%arg9 : memref<4096xf32, #tpu.memory_space<vmem>>) dst(%dma_wait3A_422 : memref<4096xf32, #tpu.memory_space<hbm>>)
      } else {
      }
      %parallel_loop3A = arith.constant 0 : i32
      %parallel_loop3A_370 = arith.constant 4096 : i32
      %parallel_loop3A_371 = arith.constant 16 : i32
      scf.for %parallel_loop3A_416 = %parallel_loop3A to %parallel_loop3A_370 step %parallel_loop3A_371  : i32 {
        %parallel_loop3A_417 = arith.index_cast %parallel_loop3A_416 : i32 to index
        %parallel_loop3A_418 = tpu.vector_load %arg7[%parallel_loop3A_417] {strides = array<i32>} : memref<4096xi32, #tpu.memory_space<vmem>>, vector<16xi32>,
        %parallel_loop3A_419 = tpu.vector_load_idx %arg5[%parallel_loop3A_418] : memref<100000xf32, #tpu.memory_space<vmem>>[vector<16xi32>], vector<16xf32>,
        %parallel_loop3A_420 = arith.index_cast %parallel_loop3A_416 : i32 to index
        %parallel_loop3A_421 = tpu.vector_load %arg9[%parallel_loop3A_420] {strides = array<i32>} : memref<4096xf32, #tpu.memory_space<vmem>>, vector<16xf32>,
        tpu.vector_store %arg9[%parallel_loop3A_420], %parallel_loop3A_419 {strides = array<i32>} : memref<4096xf32, #tpu.memory_space<vmem>>, vector<16xf32>,
      } {sc.loop_unroll_factor = 16 : i64, sc.parallel_access}
      %lt3A = arith.constant 27 : i32
      %lt3A_372 = arith.cmpi slt, %scan3A_354, %lt3A : i32
      %convert_element_type3A_373 = arith.extui %lt3A_372 : i1 to i32
      %cond3A_374 = arith.constant 0 : i32
      %cond3A_375 = arith.cmpi ne, %convert_element_type3A_373, %cond3A_374 : i32
      scf.if %cond3A_375 {
        %add3A_416 = arith.constant 2 : i32
        %add3A_417 = arith.addi %add3A_358, %add3A_416 : i32
        %dma_start3A_418 = arith.constant 0 : i32
        %dma_start3A_419 = tpu.memref_slice %arg6[%add3A_417, %dma_start3A_418] : memref<56x4096xi32, #tpu.memory_space<vmem_shared>> -> memref<1x4096xi32, #tpu.memory_space<vmem_shared>>
        %dma_start3A_420 = tpu.memref_squeeze %dma_start3A_419 : memref<1x4096xi32, #tpu.memory_space<vmem_shared>> -> memref<4096xi32, #tpu.memory_space<vmem_shared>>
        %dma_start3A_421 = arith.constant 0 : i32
        %dma_start3A_422 = tpu.memref_slice %arg6[%add3A_417, %dma_start3A_421] : memref<56x4096xi32, #tpu.memory_space<vmem_shared>> -> memref<1x4096xi32, #tpu.memory_space<vmem_shared>>
        %dma_start3A_423 = tpu.memref_squeeze %dma_start3A_422 : memref<1x4096xi32, #tpu.memory_space<vmem_shared>> -> memref<4096xi32, #tpu.memory_space<vmem_shared>>
        tpu.enqueue_dma source(%dma_start3A_423 : memref<4096xi32, #tpu.memory_space<vmem_shared>>) target(%arg7 : memref<4096xi32, #tpu.memory_space<vmem>>) target_semaphore(%arg11 : memref<!tpu.dma_semaphore, #tpu.memory_space<semaphore_mem>>)
      } else {
      }
      %add3A_376 = arith.constant 0 : i32
      %add3A_377 = arith.addi %add3A_376, %add3A_358 : i32
      %dma_start3A_378 = arith.constant 0 : i32
      %dma_start3A_379 = tpu.memref_slice %arg4[%add3A_377, %add3A_4, %dma_start3A_378] : memref<200x64x4096xf32, #tpu.memory_space<hbm>> -> memref<1x1x4096xf32, #tpu.memory_space<hbm>>
      %dma_start3A_380 = tpu.memref_squeeze %dma_start3A_379 : memref<1x1x4096xf32, #tpu.memory_space<hbm>> -> memref<4096xf32, #tpu.memory_space<hbm>>
      %dma_start3A_381 = arith.constant 0 : i32
      %dma_start3A_382 = tpu.memref_slice %arg4[%add3A_377, %add3A_4, %dma_start3A_381] : memref<200x64x4096xf32, #tpu.memory_space<hbm>> -> memref<1x1x4096xf32, #tpu.memory_space<hbm>>
      %dma_start3A_383 = tpu.memref_squeeze %dma_start3A_382 : memref<1x1x4096xf32, #tpu.memory_space<hbm>> -> memref<4096xf32, #tpu.memory_space<hbm>>
      tpu.enqueue_dma source(%arg9 : memref<4096xf32, #tpu.memory_space<vmem>>) target(%dma_start3A_383 : memref<4096xf32, #tpu.memory_space<hbm>>) target_semaphore(%arg13 : memref<!tpu.dma_semaphore, #tpu.memory_space<semaphore_mem>>)
      %mul3A_384 = arith.constant 2 : i32
      %mul3A_385 = arith.muli %mul3A_384, %scan3A_354 : i32
      %add3A_386 = arith.constant 1 : i32
      %add3A_387 = arith.addi %mul3A_385, %add3A_386 : i32
      %dma_wait3A_388 = arith.constant 0 : i32
      %dma_wait3A_389 = arith.constant 0 : i32
      %dma_wait3A_390 = tpu.memref_slice %arg6[%dma_wait3A_388, %dma_wait3A_389] : memref<56x4096xi32, #tpu.memory_space<vmem_shared>> -> memref<1x4096xi32, #tpu.memory_space<vmem_shared>>
      %dma_wait3A_391 = tpu.memref_squeeze %dma_wait3A_390 : memref<1x4096xi32, #tpu.memory_space<vmem_shared>> -> memref<4096xi32, #tpu.memory_space<vmem_shared>>
      %dma_wait3A_392 = arith.constant 0 : i32
      %dma_wait3A_393 = tpu.memref_slice %arg6[%dma_wait3A_388, %dma_wait3A_392] : memref<56x4096xi32, #tpu.memory_space<vmem_shared>> -> memref<1x4096xi32, #tpu.memory_space<vmem_shared>>
      %dma_wait3A_394 = tpu.memref_squeeze %dma_wait3A_393 : memref<1x4096xi32, #tpu.memory_space<vmem_shared>> -> memref<4096xi32, #tpu.memory_space<vmem_shared>>
      tpu.wait_dma2 semaphore(%arg12 : memref<!tpu.dma_semaphore, #tpu.memory_space<semaphore_mem>>) src(%dma_wait3A_394 : memref<4096xi32, #tpu.memory_space<vmem_shared>>) dst(%arg8 : memref<4096xi32, #tpu.memory_space<vmem>>)
      %gt3A_395 = arith.constant 0 : i32
      %gt3A_396 = arith.cmpi sgt, %scan3A_354, %gt3A_395 : i32
      %convert_element_type3A_397 = arith.extui %gt3A_396 : i1 to i32
      %cond3A_398 = arith.constant 0 : i32
      %cond3A_399 = arith.cmpi ne, %convert_element_type3A_397, %cond3A_398 : i32
      scf.if %cond3A_399 {
        %dma_wait3A_416 = arith.constant 0 : i32
        %dma_wait3A_417 = arith.constant 0 : i32
        %dma_wait3A_418 = tpu.memref_slice %arg4[%dma_wait3A_416, %add3A_4, %dma_wait3A_417] : memref<200x64x4096xf32, #tpu.memory_space<hbm>> -> memref<1x1x4096xf32, #tpu.memory_space<hbm>>
        %dma_wait3A_419 = tpu.memref_squeeze %dma_wait3A_418 : memref<1x1x4096xf32, #tpu.memory_space<hbm>> -> memref<4096xf32, #tpu.memory_space<hbm>>
        %dma_wait3A_420 = arith.constant 0 : i32
        %dma_wait3A_421 = tpu.memref_slice %arg4[%dma_wait3A_416, %add3A_4, %dma_wait3A_420] : memref<200x64x4096xf32, #tpu.memory_space<hbm>> -> memref<1x1x4096xf32, #tpu.memory_space<hbm>>
        %dma_wait3A_422 = tpu.memref_squeeze %dma_wait3A_421 : memref<1x1x4096xf32, #tpu.memory_space<hbm>> -> memref<4096xf32, #tpu.memory_space<hbm>>
        tpu.wait_dma2 semaphore(%arg14 : memref<!tpu.dma_semaphore, #tpu.memory_space<semaphore_mem>>) src(%arg10 : memref<4096xf32, #tpu.memory_space<vmem>>) dst(%dma_wait3A_422 : memref<4096xf32, #tpu.memory_space<hbm>>)
      } else {
      }
      %parallel_loop3A_400 = arith.constant 0 : i32
      %parallel_loop3A_401 = arith.constant 4096 : i32
      %parallel_loop3A_402 = arith.constant 16 : i32
      scf.for %parallel_loop3A_416 = %parallel_loop3A_400 to %parallel_loop3A_401 step %parallel_loop3A_402  : i32 {
        %parallel_loop3A_417 = arith.index_cast %parallel_loop3A_416 : i32 to index
        %parallel_loop3A_418 = tpu.vector_load %arg8[%parallel_loop3A_417] {strides = array<i32>} : memref<4096xi32, #tpu.memory_space<vmem>>, vector<16xi32>,
        %parallel_loop3A_419 = tpu.vector_load_idx %arg5[%parallel_loop3A_418] : memref<100000xf32, #tpu.memory_space<vmem>>[vector<16xi32>], vector<16xf32>,
        %parallel_loop3A_420 = arith.index_cast %parallel_loop3A_416 : i32 to index
        %parallel_loop3A_421 = tpu.vector_load %arg10[%parallel_loop3A_420] {strides = array<i32>} : memref<4096xf32, #tpu.memory_space<vmem>>, vector<16xf32>,
        tpu.vector_store %arg10[%parallel_loop3A_420], %parallel_loop3A_419 {strides = array<i32>} : memref<4096xf32, #tpu.memory_space<vmem>>, vector<16xf32>,
      } {sc.loop_unroll_factor = 16 : i64, sc.parallel_access}
      %lt3A_403 = arith.constant 27 : i32
      %lt3A_404 = arith.cmpi slt, %scan3A_354, %lt3A_403 : i32
      %convert_element_type3A_405 = arith.extui %lt3A_404 : i1 to i32
      %cond3A_406 = arith.constant 0 : i32
      %cond3A_407 = arith.cmpi ne, %convert_element_type3A_405, %cond3A_406 : i32
      scf.if %cond3A_407 {
        %add3A_416 = arith.constant 2 : i32
        %add3A_417 = arith.addi %add3A_387, %add3A_416 : i32
        %dma_start3A_418 = arith.constant 0 : i32
        %dma_start3A_419 = tpu.memref_slice %arg6[%add3A_417, %dma_start3A_418] : memref<56x4096xi32, #tpu.memory_space<vmem_shared>> -> memref<1x4096xi32, #tpu.memory_space<vmem_shared>>
        %dma_start3A_420 = tpu.memref_squeeze %dma_start3A_419 : memref<1x4096xi32, #tpu.memory_space<vmem_shared>> -> memref<4096xi32, #tpu.memory_space<vmem_shared>>
        %dma_start3A_421 = arith.constant 0 : i32
        %dma_start3A_422 = tpu.memref_slice %arg6[%add3A_417, %dma_start3A_421] : memref<56x4096xi32, #tpu.memory_space<vmem_shared>> -> memref<1x4096xi32, #tpu.memory_space<vmem_shared>>
        %dma_start3A_423 = tpu.memref_squeeze %dma_start3A_422 : memref<1x4096xi32, #tpu.memory_space<vmem_shared>> -> memref<4096xi32, #tpu.memory_space<vmem_shared>>
        tpu.enqueue_dma source(%dma_start3A_423 : memref<4096xi32, #tpu.memory_space<vmem_shared>>) target(%arg8 : memref<4096xi32, #tpu.memory_space<vmem>>) target_semaphore(%arg12 : memref<!tpu.dma_semaphore, #tpu.memory_space<semaphore_mem>>)
      } else {
      }
      %add3A_408 = arith.constant 0 : i32
      %add3A_409 = arith.addi %add3A_408, %add3A_387 : i32
      %dma_start3A_410 = arith.constant 0 : i32
      %dma_start3A_411 = tpu.memref_slice %arg4[%add3A_409, %add3A_4, %dma_start3A_410] : memref<200x64x4096xf32, #tpu.memory_space<hbm>> -> memref<1x1x4096xf32, #tpu.memory_space<hbm>>
      %dma_start3A_412 = tpu.memref_squeeze %dma_start3A_411 : memref<1x1x4096xf32, #tpu.memory_space<hbm>> -> memref<4096xf32, #tpu.memory_space<hbm>>
      %dma_start3A_413 = arith.constant 0 : i32
      %dma_start3A_414 = tpu.memref_slice %arg4[%add3A_409, %add3A_4, %dma_start3A_413] : memref<200x64x4096xf32, #tpu.memory_space<hbm>> -> memref<1x1x4096xf32, #tpu.memory_space<hbm>>
      %dma_start3A_415 = tpu.memref_squeeze %dma_start3A_414 : memref<1x1x4096xf32, #tpu.memory_space<hbm>> -> memref<4096xf32, #tpu.memory_space<hbm>>
      tpu.enqueue_dma source(%arg10 : memref<4096xf32, #tpu.memory_space<vmem>>) target(%dma_start3A_415 : memref<4096xf32, #tpu.memory_space<hbm>>) target_semaphore(%arg14 : memref<!tpu.dma_semaphore, #tpu.memory_space<semaphore_mem>>)
    }
    %scan3A_36 = arith.constant 28 : i32
    %dma_wait3A_37 = arith.constant 0 : i32
    %dma_wait3A_38 = arith.constant 0 : i32
    %dma_wait3A_39 = tpu.memref_slice %arg4[%dma_wait3A_37, %add3A_4, %dma_wait3A_38] : memref<200x64x4096xf32, #tpu.memory_space<hbm>> -> memref<1x1x4096xf32, #tpu.memory_space<hbm>>
    %dma_wait3A_40 = tpu.memref_squeeze %dma_wait3A_39 : memref<1x1x4096xf32, #tpu.memory_space<hbm>> -> memref<4096xf32, #tpu.memory_space<hbm>>
    %dma_wait3A_41 = arith.constant 0 : i32
    %dma_wait3A_42 = tpu.memref_slice %arg4[%dma_wait3A_37, %add3A_4, %dma_wait3A_41] : memref<200x64x4096xf32, #tpu.memory_space<hbm>> -> memref<1x1x4096xf32, #tpu.memory_space<hbm>>
    %dma_wait3A_43 = tpu.memref_squeeze %dma_wait3A_42 : memref<1x1x4096xf32, #tpu.memory_space<hbm>> -> memref<4096xf32, #tpu.memory_space<hbm>>
    tpu.wait_dma2 semaphore(%arg13 : memref<!tpu.dma_semaphore, #tpu.memory_space<semaphore_mem>>) src(%arg9 : memref<4096xf32, #tpu.memory_space<vmem>>) dst(%dma_wait3A_43 : memref<4096xf32, #tpu.memory_space<hbm>>)
    %dma_wait3A_44 = arith.constant 0 : i32
    %dma_wait3A_45 = arith.constant 0 : i32
    %dma_wait3A_46 = tpu.memref_slice %arg4[%dma_wait3A_44, %add3A_4, %dma_wait3A_45] : memref<200x64x4096xf32, #tpu.memory_space<hbm>> -> memref<1x1x4096xf32, #tpu.memory_space<hbm>>
    %dma_wait3A_47 = tpu.memref_squeeze %dma_wait3A_46 : memref<1x1x4096xf32, #tpu.memory_space<hbm>> -> memref<4096xf32, #tpu.memory_space<hbm>>
    %dma_wait3A_48 = arith.constant 0 : i32
    %dma_wait3A_49 = tpu.memref_slice %arg4[%dma_wait3A_44, %add3A_4, %dma_wait3A_48] : memref<200x64x4096xf32, #tpu.memory_space<hbm>> -> memref<1x1x4096xf32, #tpu.memory_space<hbm>>
    %dma_wait3A_50 = tpu.memref_squeeze %dma_wait3A_49 : memref<1x1x4096xf32, #tpu.memory_space<hbm>> -> memref<4096xf32, #tpu.memory_space<hbm>>
    tpu.wait_dma2 semaphore(%arg14 : memref<!tpu.dma_semaphore, #tpu.memory_space<semaphore_mem>>) src(%arg10 : memref<4096xf32, #tpu.memory_space<vmem>>) dst(%dma_wait3A_50 : memref<4096xf32, #tpu.memory_space<hbm>>)
    %barrier3A_51 = arith.constant 0 : index
    tpu.barrier barrier_id(%barrier3A_51)
    %eq3A_52 = arith.constant 0 : i32
    %eq3A_53 = arith.cmpi eq, %arg1, %eq3A_52 : i32
    %convert_element_type3A_54 = arith.extui %eq3A_53 : i1 to i32
    %cond3A_55 = arith.constant 0 : i32
    %cond3A_56 = arith.cmpi ne, %convert_element_type3A_54, %cond3A_55 : i32
    scf.if %cond3A_56 {
      "tpu.region"() ({
        %run_scoped3A = tpu.sem_alloc : memref<!tpu.dma_semaphore, #tpu.memory_space<semaphore_mem>>
        %dma_start3A_354 = arith.constant 0 : i32
        %dma_start3A_355 = arith.constant 0 : i32
        %dma_start3A_356 = tpu.memref_slice %arg6[%dma_start3A_354, %dma_start3A_355] : memref<56x4096xi32, #tpu.memory_space<vmem_shared>> -> memref<56x4096xi32, #tpu.memory_space<vmem_shared>>
        %dma_start3A_357 = arith.constant 56 : i32
        %dma_start3A_358 = arith.constant 0 : i32
        %dma_start3A_359 = tpu.memref_slice %arg2[%dma_start3A_357, %dma_start3A_358] : memref<200x4096xi32, #tpu.memory_space<hbm>> -> memref<56x4096xi32, #tpu.memory_space<hbm>>
        tpu.enqueue_dma source(%dma_start3A_359 : memref<56x4096xi32, #tpu.memory_space<hbm>>) target(%dma_start3A_356 : memref<56x4096xi32, #tpu.memory_space<vmem_shared>>) target_semaphore(%run_scoped3A : memref<!tpu.dma_semaphore, #tpu.memory_space<semaphore_mem>>)
        %dma_wait3A_360 = arith.constant 0 : i32
        %dma_wait3A_361 = arith.constant 0 : i32
        %dma_wait3A_362 = tpu.memref_slice %arg6[%dma_wait3A_360, %dma_wait3A_361] : memref<56x4096xi32, #tpu.memory_space<vmem_shared>> -> memref<56x4096xi32, #tpu.memory_space<vmem_shared>>
        %dma_wait3A_363 = arith.constant 56 : i32
        %dma_wait3A_364 = arith.constant 0 : i32
        %dma_wait3A_365 = tpu.memref_slice %arg2[%dma_wait3A_363, %dma_wait3A_364] : memref<200x4096xi32, #tpu.memory_space<hbm>> -> memref<56x4096xi32, #tpu.memory_space<hbm>>
        tpu.wait_dma2 semaphore(%run_scoped3A : memref<!tpu.dma_semaphore, #tpu.memory_space<semaphore_mem>>) src(%dma_wait3A_365 : memref<56x4096xi32, #tpu.memory_space<hbm>>) dst(%dma_wait3A_362 : memref<56x4096xi32, #tpu.memory_space<vmem_shared>>)
        tpu.yield
      }) : () -> ()
    } else {
    }
    %barrier3A_57 = arith.constant 0 : index
    tpu.barrier barrier_id(%barrier3A_57)
    %dma_start3A_58 = arith.constant 0 : i32
    %dma_start3A_59 = arith.constant 0 : i32
    %dma_start3A_60 = tpu.memref_slice %arg6[%dma_start3A_58, %dma_start3A_59] : memref<56x4096xi32, #tpu.memory_space<vmem_shared>> -> memref<1x4096xi32, #tpu.memory_space<vmem_shared>>
    %dma_start3A_61 = tpu.memref_squeeze %dma_start3A_60 : memref<1x4096xi32, #tpu.memory_space<vmem_shared>> -> memref<4096xi32, #tpu.memory_space<vmem_shared>>
    %dma_start3A_62 = arith.constant 0 : i32
    %dma_start3A_63 = tpu.memref_slice %arg6[%dma_start3A_58, %dma_start3A_62] : memref<56x4096xi32, #tpu.memory_space<vmem_shared>> -> memref<1x4096xi32, #tpu.memory_space<vmem_shared>>
    %dma_start3A_64 = tpu.memref_squeeze %dma_start3A_63 : memref<1x4096xi32, #tpu.memory_space<vmem_shared>> -> memref<4096xi32, #tpu.memory_space<vmem_shared>>
    tpu.enqueue_dma source(%dma_start3A_64 : memref<4096xi32, #tpu.memory_space<vmem_shared>>) target(%arg7 : memref<4096xi32, #tpu.memory_space<vmem>>) target_semaphore(%arg11 : memref<!tpu.dma_semaphore, #tpu.memory_space<semaphore_mem>>)
    %dma_start3A_65 = arith.constant 1 : i32
    %dma_start3A_66 = arith.constant 0 : i32
    %dma_start3A_67 = tpu.memref_slice %arg6[%dma_start3A_65, %dma_start3A_66] : memref<56x4096xi32, #tpu.memory_space<vmem_shared>> -> memref<1x4096xi32, #tpu.memory_space<vmem_shared>>
    %dma_start3A_68 = tpu.memref_squeeze %dma_start3A_67 : memref<1x4096xi32, #tpu.memory_space<vmem_shared>> -> memref<4096xi32, #tpu.memory_space<vmem_shared>>
    %dma_start3A_69 = arith.constant 0 : i32
    %dma_start3A_70 = tpu.memref_slice %arg6[%dma_start3A_65, %dma_start3A_69] : memref<56x4096xi32, #tpu.memory_space<vmem_shared>> -> memref<1x4096xi32, #tpu.memory_space<vmem_shared>>
    %dma_start3A_71 = tpu.memref_squeeze %dma_start3A_70 : memref<1x4096xi32, #tpu.memory_space<vmem_shared>> -> memref<4096xi32, #tpu.memory_space<vmem_shared>>
    tpu.enqueue_dma source(%dma_start3A_71 : memref<4096xi32, #tpu.memory_space<vmem_shared>>) target(%arg8 : memref<4096xi32, #tpu.memory_space<vmem>>) target_semaphore(%arg12 : memref<!tpu.dma_semaphore, #tpu.memory_space<semaphore_mem>>)
    %scan3A_72 = arith.constant 0 : i32
    %scan3A_73 = arith.constant 0 : i32
    %scan3A_74 = arith.constant 28 : i32
    %scan3A_75 = arith.addi %scan3A_73, %scan3A_74 : i32
    %scan3A_76 = arith.constant 1 : i32
    scf.for %scan3A_354 = %scan3A_73 to %scan3A_75 step %scan3A_76  : i32 {
      %mul3A_355 = arith.constant 2 : i32
      %mul3A_356 = arith.muli %mul3A_355, %scan3A_354 : i32
      %add3A_357 = arith.constant 0 : i32
      %add3A_358 = arith.addi %mul3A_356, %add3A_357 : i32
      %dma_wait3A_359 = arith.constant 0 : i32
      %dma_wait3A_360 = arith.constant 0 : i32
      %dma_wait3A_361 = tpu.memref_slice %arg6[%dma_wait3A_359, %dma_wait3A_360] : memref<56x4096xi32, #tpu.memory_space<vmem_shared>> -> memref<1x4096xi32, #tpu.memory_space<vmem_shared>>
      %dma_wait3A_362 = tpu.memref_squeeze %dma_wait3A_361 : memref<1x4096xi32, #tpu.memory_space<vmem_shared>> -> memref<4096xi32, #tpu.memory_space<vmem_shared>>
      %dma_wait3A_363 = arith.constant 0 : i32
      %dma_wait3A_364 = tpu.memref_slice %arg6[%dma_wait3A_359, %dma_wait3A_363] : memref<56x4096xi32, #tpu.memory_space<vmem_shared>> -> memref<1x4096xi32, #tpu.memory_space<vmem_shared>>
      %dma_wait3A_365 = tpu.memref_squeeze %dma_wait3A_364 : memref<1x4096xi32, #tpu.memory_space<vmem_shared>> -> memref<4096xi32, #tpu.memory_space<vmem_shared>>
      tpu.wait_dma2 semaphore(%arg11 : memref<!tpu.dma_semaphore, #tpu.memory_space<semaphore_mem>>) src(%dma_wait3A_365 : memref<4096xi32, #tpu.memory_space<vmem_shared>>) dst(%arg7 : memref<4096xi32, #tpu.memory_space<vmem>>)
      %gt3A = arith.constant 0 : i32
      %gt3A_366 = arith.cmpi sgt, %scan3A_354, %gt3A : i32
      %convert_element_type3A_367 = arith.extui %gt3A_366 : i1 to i32
      %cond3A_368 = arith.constant 0 : i32
      %cond3A_369 = arith.cmpi ne, %convert_element_type3A_367, %cond3A_368 : i32
      scf.if %cond3A_369 {
        %dma_wait3A_416 = arith.constant 0 : i32
        %dma_wait3A_417 = arith.constant 0 : i32
        %dma_wait3A_418 = tpu.memref_slice %arg4[%dma_wait3A_416, %add3A_4, %dma_wait3A_417] : memref<200x64x4096xf32, #tpu.memory_space<hbm>> -> memref<1x1x4096xf32, #tpu.memory_space<hbm>>
        %dma_wait3A_419 = tpu.memref_squeeze %dma_wait3A_418 : memref<1x1x4096xf32, #tpu.memory_space<hbm>> -> memref<4096xf32, #tpu.memory_space<hbm>>
        %dma_wait3A_420 = arith.constant 0 : i32
        %dma_wait3A_421 = tpu.memref_slice %arg4[%dma_wait3A_416, %add3A_4, %dma_wait3A_420] : memref<200x64x4096xf32, #tpu.memory_space<hbm>> -> memref<1x1x4096xf32, #tpu.memory_space<hbm>>
        %dma_wait3A_422 = tpu.memref_squeeze %dma_wait3A_421 : memref<1x1x4096xf32, #tpu.memory_space<hbm>> -> memref<4096xf32, #tpu.memory_space<hbm>>
        tpu.wait_dma2 semaphore(%arg13 : memref<!tpu.dma_semaphore, #tpu.memory_space<semaphore_mem>>) src(%arg9 : memref<4096xf32, #tpu.memory_space<vmem>>) dst(%dma_wait3A_422 : memref<4096xf32, #tpu.memory_space<hbm>>)
      } else {
      }
      %parallel_loop3A = arith.constant 0 : i32
      %parallel_loop3A_370 = arith.constant 4096 : i32
      %parallel_loop3A_371 = arith.constant 16 : i32
      scf.for %parallel_loop3A_416 = %parallel_loop3A to %parallel_loop3A_370 step %parallel_loop3A_371  : i32 {
        %parallel_loop3A_417 = arith.index_cast %parallel_loop3A_416 : i32 to index
        %parallel_loop3A_418 = tpu.vector_load %arg7[%parallel_loop3A_417] {strides = array<i32>} : memref<4096xi32, #tpu.memory_space<vmem>>, vector<16xi32>,
        %parallel_loop3A_419 = tpu.vector_load_idx %arg5[%parallel_loop3A_418] : memref<100000xf32, #tpu.memory_space<vmem>>[vector<16xi32>], vector<16xf32>,
        %parallel_loop3A_420 = arith.index_cast %parallel_loop3A_416 : i32 to index
        %parallel_loop3A_421 = tpu.vector_load %arg9[%parallel_loop3A_420] {strides = array<i32>} : memref<4096xf32, #tpu.memory_space<vmem>>, vector<16xf32>,
        tpu.vector_store %arg9[%parallel_loop3A_420], %parallel_loop3A_419 {strides = array<i32>} : memref<4096xf32, #tpu.memory_space<vmem>>, vector<16xf32>,
      } {sc.loop_unroll_factor = 16 : i64, sc.parallel_access}
      %lt3A = arith.constant 27 : i32
      %lt3A_372 = arith.cmpi slt, %scan3A_354, %lt3A : i32
      %convert_element_type3A_373 = arith.extui %lt3A_372 : i1 to i32
      %cond3A_374 = arith.constant 0 : i32
      %cond3A_375 = arith.cmpi ne, %convert_element_type3A_373, %cond3A_374 : i32
      scf.if %cond3A_375 {
        %add3A_416 = arith.constant 2 : i32
        %add3A_417 = arith.addi %add3A_358, %add3A_416 : i32
        %dma_start3A_418 = arith.constant 0 : i32
        %dma_start3A_419 = tpu.memref_slice %arg6[%add3A_417, %dma_start3A_418] : memref<56x4096xi32, #tpu.memory_space<vmem_shared>> -> memref<1x4096xi32, #tpu.memory_space<vmem_shared>>
        %dma_start3A_420 = tpu.memref_squeeze %dma_start3A_419 : memref<1x4096xi32, #tpu.memory_space<vmem_shared>> -> memref<4096xi32, #tpu.memory_space<vmem_shared>>
        %dma_start3A_421 = arith.constant 0 : i32
        %dma_start3A_422 = tpu.memref_slice %arg6[%add3A_417, %dma_start3A_421] : memref<56x4096xi32, #tpu.memory_space<vmem_shared>> -> memref<1x4096xi32, #tpu.memory_space<vmem_shared>>
        %dma_start3A_423 = tpu.memref_squeeze %dma_start3A_422 : memref<1x4096xi32, #tpu.memory_space<vmem_shared>> -> memref<4096xi32, #tpu.memory_space<vmem_shared>>
        tpu.enqueue_dma source(%dma_start3A_423 : memref<4096xi32, #tpu.memory_space<vmem_shared>>) target(%arg7 : memref<4096xi32, #tpu.memory_space<vmem>>) target_semaphore(%arg11 : memref<!tpu.dma_semaphore, #tpu.memory_space<semaphore_mem>>)
      } else {
      }
      %add3A_376 = arith.constant 56 : i32
      %add3A_377 = arith.addi %add3A_376, %add3A_358 : i32
      %dma_start3A_378 = arith.constant 0 : i32
      %dma_start3A_379 = tpu.memref_slice %arg4[%add3A_377, %add3A_4, %dma_start3A_378] : memref<200x64x4096xf32, #tpu.memory_space<hbm>> -> memref<1x1x4096xf32, #tpu.memory_space<hbm>>
      %dma_start3A_380 = tpu.memref_squeeze %dma_start3A_379 : memref<1x1x4096xf32, #tpu.memory_space<hbm>> -> memref<4096xf32, #tpu.memory_space<hbm>>
      %dma_start3A_381 = arith.constant 0 : i32
      %dma_start3A_382 = tpu.memref_slice %arg4[%add3A_377, %add3A_4, %dma_start3A_381] : memref<200x64x4096xf32, #tpu.memory_space<hbm>> -> memref<1x1x4096xf32, #tpu.memory_space<hbm>>
      %dma_start3A_383 = tpu.memref_squeeze %dma_start3A_382 : memref<1x1x4096xf32, #tpu.memory_space<hbm>> -> memref<4096xf32, #tpu.memory_space<hbm>>
      tpu.enqueue_dma source(%arg9 : memref<4096xf32, #tpu.memory_space<vmem>>) target(%dma_start3A_383 : memref<4096xf32, #tpu.memory_space<hbm>>) target_semaphore(%arg13 : memref<!tpu.dma_semaphore, #tpu.memory_space<semaphore_mem>>)
      %mul3A_384 = arith.constant 2 : i32
      %mul3A_385 = arith.muli %mul3A_384, %scan3A_354 : i32
      %add3A_386 = arith.constant 1 : i32
      %add3A_387 = arith.addi %mul3A_385, %add3A_386 : i32
      %dma_wait3A_388 = arith.constant 0 : i32
      %dma_wait3A_389 = arith.constant 0 : i32
      %dma_wait3A_390 = tpu.memref_slice %arg6[%dma_wait3A_388, %dma_wait3A_389] : memref<56x4096xi32, #tpu.memory_space<vmem_shared>> -> memref<1x4096xi32, #tpu.memory_space<vmem_shared>>
      %dma_wait3A_391 = tpu.memref_squeeze %dma_wait3A_390 : memref<1x4096xi32, #tpu.memory_space<vmem_shared>> -> memref<4096xi32, #tpu.memory_space<vmem_shared>>
      %dma_wait3A_392 = arith.constant 0 : i32
      %dma_wait3A_393 = tpu.memref_slice %arg6[%dma_wait3A_388, %dma_wait3A_392] : memref<56x4096xi32, #tpu.memory_space<vmem_shared>> -> memref<1x4096xi32, #tpu.memory_space<vmem_shared>>
      %dma_wait3A_394 = tpu.memref_squeeze %dma_wait3A_393 : memref<1x4096xi32, #tpu.memory_space<vmem_shared>> -> memref<4096xi32, #tpu.memory_space<vmem_shared>>
      tpu.wait_dma2 semaphore(%arg12 : memref<!tpu.dma_semaphore, #tpu.memory_space<semaphore_mem>>) src(%dma_wait3A_394 : memref<4096xi32, #tpu.memory_space<vmem_shared>>) dst(%arg8 : memref<4096xi32, #tpu.memory_space<vmem>>)
      %gt3A_395 = arith.constant 0 : i32
      %gt3A_396 = arith.cmpi sgt, %scan3A_354, %gt3A_395 : i32
      %convert_element_type3A_397 = arith.extui %gt3A_396 : i1 to i32
      %cond3A_398 = arith.constant 0 : i32
      %cond3A_399 = arith.cmpi ne, %convert_element_type3A_397, %cond3A_398 : i32
      scf.if %cond3A_399 {
        %dma_wait3A_416 = arith.constant 0 : i32
        %dma_wait3A_417 = arith.constant 0 : i32
        %dma_wait3A_418 = tpu.memref_slice %arg4[%dma_wait3A_416, %add3A_4, %dma_wait3A_417] : memref<200x64x4096xf32, #tpu.memory_space<hbm>> -> memref<1x1x4096xf32, #tpu.memory_space<hbm>>
        %dma_wait3A_419 = tpu.memref_squeeze %dma_wait3A_418 : memref<1x1x4096xf32, #tpu.memory_space<hbm>> -> memref<4096xf32, #tpu.memory_space<hbm>>
        %dma_wait3A_420 = arith.constant 0 : i32
        %dma_wait3A_421 = tpu.memref_slice %arg4[%dma_wait3A_416, %add3A_4, %dma_wait3A_420] : memref<200x64x4096xf32, #tpu.memory_space<hbm>> -> memref<1x1x4096xf32, #tpu.memory_space<hbm>>
        %dma_wait3A_422 = tpu.memref_squeeze %dma_wait3A_421 : memref<1x1x4096xf32, #tpu.memory_space<hbm>> -> memref<4096xf32, #tpu.memory_space<hbm>>
        tpu.wait_dma2 semaphore(%arg14 : memref<!tpu.dma_semaphore, #tpu.memory_space<semaphore_mem>>) src(%arg10 : memref<4096xf32, #tpu.memory_space<vmem>>) dst(%dma_wait3A_422 : memref<4096xf32, #tpu.memory_space<hbm>>)
      } else {
      }
      %parallel_loop3A_400 = arith.constant 0 : i32
      %parallel_loop3A_401 = arith.constant 4096 : i32
      %parallel_loop3A_402 = arith.constant 16 : i32
      scf.for %parallel_loop3A_416 = %parallel_loop3A_400 to %parallel_loop3A_401 step %parallel_loop3A_402  : i32 {
        %parallel_loop3A_417 = arith.index_cast %parallel_loop3A_416 : i32 to index
        %parallel_loop3A_418 = tpu.vector_load %arg8[%parallel_loop3A_417] {strides = array<i32>} : memref<4096xi32, #tpu.memory_space<vmem>>, vector<16xi32>,
        %parallel_loop3A_419 = tpu.vector_load_idx %arg5[%parallel_loop3A_418] : memref<100000xf32, #tpu.memory_space<vmem>>[vector<16xi32>], vector<16xf32>,
        %parallel_loop3A_420 = arith.index_cast %parallel_loop3A_416 : i32 to index
        %parallel_loop3A_421 = tpu.vector_load %arg10[%parallel_loop3A_420] {strides = array<i32>} : memref<4096xf32, #tpu.memory_space<vmem>>, vector<16xf32>,
        tpu.vector_store %arg10[%parallel_loop3A_420], %parallel_loop3A_419 {strides = array<i32>} : memref<4096xf32, #tpu.memory_space<vmem>>, vector<16xf32>,
      } {sc.loop_unroll_factor = 16 : i64, sc.parallel_access}
      %lt3A_403 = arith.constant 27 : i32
      %lt3A_404 = arith.cmpi slt, %scan3A_354, %lt3A_403 : i32
      %convert_element_type3A_405 = arith.extui %lt3A_404 : i1 to i32
      %cond3A_406 = arith.constant 0 : i32
      %cond3A_407 = arith.cmpi ne, %convert_element_type3A_405, %cond3A_406 : i32
      scf.if %cond3A_407 {
        %add3A_416 = arith.constant 2 : i32
        %add3A_417 = arith.addi %add3A_387, %add3A_416 : i32
        %dma_start3A_418 = arith.constant 0 : i32
        %dma_start3A_419 = tpu.memref_slice %arg6[%add3A_417, %dma_start3A_418] : memref<56x4096xi32, #tpu.memory_space<vmem_shared>> -> memref<1x4096xi32, #tpu.memory_space<vmem_shared>>
        %dma_start3A_420 = tpu.memref_squeeze %dma_start3A_419 : memref<1x4096xi32, #tpu.memory_space<vmem_shared>> -> memref<4096xi32, #tpu.memory_space<vmem_shared>>
        %dma_start3A_421 = arith.constant 0 : i32
        %dma_start3A_422 = tpu.memref_slice %arg6[%add3A_417, %dma_start3A_421] : memref<56x4096xi32, #tpu.memory_space<vmem_shared>> -> memref<1x4096xi32, #tpu.memory_space<vmem_shared>>
        %dma_start3A_423 = tpu.memref_squeeze %dma_start3A_422 : memref<1x4096xi32, #tpu.memory_space<vmem_shared>> -> memref<4096xi32, #tpu.memory_space<vmem_shared>>
        tpu.enqueue_dma source(%dma_start3A_423 : memref<4096xi32, #tpu.memory_space<vmem_shared>>) target(%arg8 : memref<4096xi32, #tpu.memory_space<vmem>>) target_semaphore(%arg12 : memref<!tpu.dma_semaphore, #tpu.memory_space<semaphore_mem>>)
      } else {
      }
      %add3A_408 = arith.constant 56 : i32
      %add3A_409 = arith.addi %add3A_408, %add3A_387 : i32
      %dma_start3A_410 = arith.constant 0 : i32
      %dma_start3A_411 = tpu.memref_slice %arg4[%add3A_409, %add3A_4, %dma_start3A_410] : memref<200x64x4096xf32, #tpu.memory_space<hbm>> -> memref<1x1x4096xf32, #tpu.memory_space<hbm>>
      %dma_start3A_412 = tpu.memref_squeeze %dma_start3A_411 : memref<1x1x4096xf32, #tpu.memory_space<hbm>> -> memref<4096xf32, #tpu.memory_space<hbm>>
      %dma_start3A_413 = arith.constant 0 : i32
      %dma_start3A_414 = tpu.memref_slice %arg4[%add3A_409, %add3A_4, %dma_start3A_413] : memref<200x64x4096xf32, #tpu.memory_space<hbm>> -> memref<1x1x4096xf32, #tpu.memory_space<hbm>>
      %dma_start3A_415 = tpu.memref_squeeze %dma_start3A_414 : memref<1x1x4096xf32, #tpu.memory_space<hbm>> -> memref<4096xf32, #tpu.memory_space<hbm>>
      tpu.enqueue_dma source(%arg10 : memref<4096xf32, #tpu.memory_space<vmem>>) target(%dma_start3A_415 : memref<4096xf32, #tpu.memory_space<hbm>>) target_semaphore(%arg14 : memref<!tpu.dma_semaphore, #tpu.memory_space<semaphore_mem>>)
    }
    %scan3A_77 = arith.constant 28 : i32
    %dma_wait3A_78 = arith.constant 0 : i32
    %dma_wait3A_79 = arith.constant 0 : i32
    %dma_wait3A_80 = tpu.memref_slice %arg4[%dma_wait3A_78, %add3A_4, %dma_wait3A_79] : memref<200x64x4096xf32, #tpu.memory_space<hbm>> -> memref<1x1x4096xf32, #tpu.memory_space<hbm>>
    %dma_wait3A_81 = tpu.memref_squeeze %dma_wait3A_80 : memref<1x1x4096xf32, #tpu.memory_space<hbm>> -> memref<4096xf32, #tpu.memory_space<hbm>>
    %dma_wait3A_82 = arith.constant 0 : i32
    %dma_wait3A_83 = tpu.memref_slice %arg4[%dma_wait3A_78, %add3A_4, %dma_wait3A_82] : memref<200x64x4096xf32, #tpu.memory_space<hbm>> -> memref<1x1x4096xf32, #tpu.memory_space<hbm>>
    %dma_wait3A_84 = tpu.memref_squeeze %dma_wait3A_83 : memref<1x1x4096xf32, #tpu.memory_space<hbm>> -> memref<4096xf32, #tpu.memory_space<hbm>>
    tpu.wait_dma2 semaphore(%arg13 : memref<!tpu.dma_semaphore, #tpu.memory_space<semaphore_mem>>) src(%arg9 : memref<4096xf32, #tpu.memory_space<vmem>>) dst(%dma_wait3A_84 : memref<4096xf32, #tpu.memory_space<hbm>>)
    %dma_wait3A_85 = arith.constant 0 : i32
    %dma_wait3A_86 = arith.constant 0 : i32
    %dma_wait3A_87 = tpu.memref_slice %arg4[%dma_wait3A_85, %add3A_4, %dma_wait3A_86] : memref<200x64x4096xf32, #tpu.memory_space<hbm>> -> memref<1x1x4096xf32, #tpu.memory_space<hbm>>
    %dma_wait3A_88 = tpu.memref_squeeze %dma_wait3A_87 : memref<1x1x4096xf32, #tpu.memory_space<hbm>> -> memref<4096xf32, #tpu.memory_space<hbm>>
    %dma_wait3A_89 = arith.constant 0 : i32
    %dma_wait3A_90 = tpu.memref_slice %arg4[%dma_wait3A_85, %add3A_4, %dma_wait3A_89] : memref<200x64x4096xf32, #tpu.memory_space<hbm>> -> memref<1x1x4096xf32, #tpu.memory_space<hbm>>
    %dma_wait3A_91 = tpu.memref_squeeze %dma_wait3A_90 : memref<1x1x4096xf32, #tpu.memory_space<hbm>> -> memref<4096xf32, #tpu.memory_space<hbm>>
    tpu.wait_dma2 semaphore(%arg14 : memref<!tpu.dma_semaphore, #tpu.memory_space<semaphore_mem>>) src(%arg10 : memref<4096xf32, #tpu.memory_space<vmem>>) dst(%dma_wait3A_91 : memref<4096xf32, #tpu.memory_space<hbm>>)
    %barrier3A_92 = arith.constant 0 : index
    tpu.barrier barrier_id(%barrier3A_92)
    %eq3A_93 = arith.constant 0 : i32
    %eq3A_94 = arith.cmpi eq, %arg1, %eq3A_93 : i32
    %convert_element_type3A_95 = arith.extui %eq3A_94 : i1 to i32
    %cond3A_96 = arith.constant 0 : i32
    %cond3A_97 = arith.cmpi ne, %convert_element_type3A_95, %cond3A_96 : i32
    scf.if %cond3A_97 {
      "tpu.region"() ({
        %run_scoped3A = tpu.sem_alloc : memref<!tpu.dma_semaphore, #tpu.memory_space<semaphore_mem>>
        %dma_start3A_354 = arith.constant 0 : i32
        %dma_start3A_355 = arith.constant 0 : i32
        %dma_start3A_356 = tpu.memref_slice %arg6[%dma_start3A_354, %dma_start3A_355] : memref<56x4096xi32, #tpu.memory_space<vmem_shared>> -> memref<56x4096xi32, #tpu.memory_space<vmem_shared>>
        %dma_start3A_357 = arith.constant 112 : i32
        %dma_start3A_358 = arith.constant 0 : i32
        %dma_start3A_359 = tpu.memref_slice %arg2[%dma_start3A_357, %dma_start3A_358] : memref<200x4096xi32, #tpu.memory_space<hbm>> -> memref<56x4096xi32, #tpu.memory_space<hbm>>
        tpu.enqueue_dma source(%dma_start3A_359 : memref<56x4096xi32, #tpu.memory_space<hbm>>) target(%dma_start3A_356 : memref<56x4096xi32, #tpu.memory_space<vmem_shared>>) target_semaphore(%run_scoped3A : memref<!tpu.dma_semaphore, #tpu.memory_space<semaphore_mem>>)
        %dma_wait3A_360 = arith.constant 0 : i32
        %dma_wait3A_361 = arith.constant 0 : i32
        %dma_wait3A_362 = tpu.memref_slice %arg6[%dma_wait3A_360, %dma_wait3A_361] : memref<56x4096xi32, #tpu.memory_space<vmem_shared>> -> memref<56x4096xi32, #tpu.memory_space<vmem_shared>>
        %dma_wait3A_363 = arith.constant 112 : i32
        %dma_wait3A_364 = arith.constant 0 : i32
        %dma_wait3A_365 = tpu.memref_slice %arg2[%dma_wait3A_363, %dma_wait3A_364] : memref<200x4096xi32, #tpu.memory_space<hbm>> -> memref<56x4096xi32, #tpu.memory_space<hbm>>
        tpu.wait_dma2 semaphore(%run_scoped3A : memref<!tpu.dma_semaphore, #tpu.memory_space<semaphore_mem>>) src(%dma_wait3A_365 : memref<56x4096xi32, #tpu.memory_space<hbm>>) dst(%dma_wait3A_362 : memref<56x4096xi32, #tpu.memory_space<vmem_shared>>)
        tpu.yield
      }) : () -> ()
    } else {
    }
    %barrier3A_98 = arith.constant 0 : index
    tpu.barrier barrier_id(%barrier3A_98)
    %dma_start3A_99 = arith.constant 0 : i32
    %dma_start3A_100 = arith.constant 0 : i32
    %dma_start3A_101 = tpu.memref_slice %arg6[%dma_start3A_99, %dma_start3A_100] : memref<56x4096xi32, #tpu.memory_space<vmem_shared>> -> memref<1x4096xi32, #tpu.memory_space<vmem_shared>>
    %dma_start3A_102 = tpu.memref_squeeze %dma_start3A_101 : memref<1x4096xi32, #tpu.memory_space<vmem_shared>> -> memref<4096xi32, #tpu.memory_space<vmem_shared>>
    %dma_start3A_103 = arith.constant 0 : i32
    %dma_start3A_104 = tpu.memref_slice %arg6[%dma_start3A_99, %dma_start3A_103] : memref<56x4096xi32, #tpu.memory_space<vmem_shared>> -> memref<1x4096xi32, #tpu.memory_space<vmem_shared>>
    %dma_start3A_105 = tpu.memref_squeeze %dma_start3A_104 : memref<1x4096xi32, #tpu.memory_space<vmem_shared>> -> memref<4096xi32, #tpu.memory_space<vmem_shared>>
    tpu.enqueue_dma source(%dma_start3A_105 : memref<4096xi32, #tpu.memory_space<vmem_shared>>) target(%arg7 : memref<4096xi32, #tpu.memory_space<vmem>>) target_semaphore(%arg11 : memref<!tpu.dma_semaphore, #tpu.memory_space<semaphore_mem>>)
    %dma_start3A_106 = arith.constant 1 : i32
    %dma_start3A_107 = arith.constant 0 : i32
    %dma_start3A_108 = tpu.memref_slice %arg6[%dma_start3A_106, %dma_start3A_107] : memref<56x4096xi32, #tpu.memory_space<vmem_shared>> -> memref<1x4096xi32, #tpu.memory_space<vmem_shared>>
    %dma_start3A_109 = tpu.memref_squeeze %dma_start3A_108 : memref<1x4096xi32, #tpu.memory_space<vmem_shared>> -> memref<4096xi32, #tpu.memory_space<vmem_shared>>
    %dma_start3A_110 = arith.constant 0 : i32
    %dma_start3A_111 = tpu.memref_slice %arg6[%dma_start3A_106, %dma_start3A_110] : memref<56x4096xi32, #tpu.memory_space<vmem_shared>> -> memref<1x4096xi32, #tpu.memory_space<vmem_shared>>
    %dma_start3A_112 = tpu.memref_squeeze %dma_start3A_111 : memref<1x4096xi32, #tpu.memory_space<vmem_shared>> -> memref<4096xi32, #tpu.memory_space<vmem_shared>>
    tpu.enqueue_dma source(%dma_start3A_112 : memref<4096xi32, #tpu.memory_space<vmem_shared>>) target(%arg8 : memref<4096xi32, #tpu.memory_space<vmem>>) target_semaphore(%arg12 : memref<!tpu.dma_semaphore, #tpu.memory_space<semaphore_mem>>)
    %scan3A_113 = arith.constant 0 : i32
    %scan3A_114 = arith.constant 0 : i32
    %scan3A_115 = arith.constant 28 : i32
    %scan3A_116 = arith.addi %scan3A_114, %scan3A_115 : i32
    %scan3A_117 = arith.constant 1 : i32
    scf.for %scan3A_354 = %scan3A_114 to %scan3A_116 step %scan3A_117  : i32 {
      %mul3A_355 = arith.constant 2 : i32
      %mul3A_356 = arith.muli %mul3A_355, %scan3A_354 : i32
      %add3A_357 = arith.constant 0 : i32
      %add3A_358 = arith.addi %mul3A_356, %add3A_357 : i32
      %dma_wait3A_359 = arith.constant 0 : i32
      %dma_wait3A_360 = arith.constant 0 : i32
      %dma_wait3A_361 = tpu.memref_slice %arg6[%dma_wait3A_359, %dma_wait3A_360] : memref<56x4096xi32, #tpu.memory_space<vmem_shared>> -> memref<1x4096xi32, #tpu.memory_space<vmem_shared>>
      %dma_wait3A_362 = tpu.memref_squeeze %dma_wait3A_361 : memref<1x4096xi32, #tpu.memory_space<vmem_shared>> -> memref<4096xi32, #tpu.memory_space<vmem_shared>>
      %dma_wait3A_363 = arith.constant 0 : i32
      %dma_wait3A_364 = tpu.memref_slice %arg6[%dma_wait3A_359, %dma_wait3A_363] : memref<56x4096xi32, #tpu.memory_space<vmem_shared>> -> memref<1x4096xi32, #tpu.memory_space<vmem_shared>>
      %dma_wait3A_365 = tpu.memref_squeeze %dma_wait3A_364 : memref<1x4096xi32, #tpu.memory_space<vmem_shared>> -> memref<4096xi32, #tpu.memory_space<vmem_shared>>
      tpu.wait_dma2 semaphore(%arg11 : memref<!tpu.dma_semaphore, #tpu.memory_space<semaphore_mem>>) src(%dma_wait3A_365 : memref<4096xi32, #tpu.memory_space<vmem_shared>>) dst(%arg7 : memref<4096xi32, #tpu.memory_space<vmem>>)
      %gt3A = arith.constant 0 : i32
      %gt3A_366 = arith.cmpi sgt, %scan3A_354, %gt3A : i32
      %convert_element_type3A_367 = arith.extui %gt3A_366 : i1 to i32
      %cond3A_368 = arith.constant 0 : i32
      %cond3A_369 = arith.cmpi ne, %convert_element_type3A_367, %cond3A_368 : i32
      scf.if %cond3A_369 {
        %dma_wait3A_416 = arith.constant 0 : i32
        %dma_wait3A_417 = arith.constant 0 : i32
        %dma_wait3A_418 = tpu.memref_slice %arg4[%dma_wait3A_416, %add3A_4, %dma_wait3A_417] : memref<200x64x4096xf32, #tpu.memory_space<hbm>> -> memref<1x1x4096xf32, #tpu.memory_space<hbm>>
        %dma_wait3A_419 = tpu.memref_squeeze %dma_wait3A_418 : memref<1x1x4096xf32, #tpu.memory_space<hbm>> -> memref<4096xf32, #tpu.memory_space<hbm>>
        %dma_wait3A_420 = arith.constant 0 : i32
        %dma_wait3A_421 = tpu.memref_slice %arg4[%dma_wait3A_416, %add3A_4, %dma_wait3A_420] : memref<200x64x4096xf32, #tpu.memory_space<hbm>> -> memref<1x1x4096xf32, #tpu.memory_space<hbm>>
        %dma_wait3A_422 = tpu.memref_squeeze %dma_wait3A_421 : memref<1x1x4096xf32, #tpu.memory_space<hbm>> -> memref<4096xf32, #tpu.memory_space<hbm>>
        tpu.wait_dma2 semaphore(%arg13 : memref<!tpu.dma_semaphore, #tpu.memory_space<semaphore_mem>>) src(%arg9 : memref<4096xf32, #tpu.memory_space<vmem>>) dst(%dma_wait3A_422 : memref<4096xf32, #tpu.memory_space<hbm>>)
      } else {
      }
      %parallel_loop3A = arith.constant 0 : i32
      %parallel_loop3A_370 = arith.constant 4096 : i32
      %parallel_loop3A_371 = arith.constant 16 : i32
      scf.for %parallel_loop3A_416 = %parallel_loop3A to %parallel_loop3A_370 step %parallel_loop3A_371  : i32 {
        %parallel_loop3A_417 = arith.index_cast %parallel_loop3A_416 : i32 to index
        %parallel_loop3A_418 = tpu.vector_load %arg7[%parallel_loop3A_417] {strides = array<i32>} : memref<4096xi32, #tpu.memory_space<vmem>>, vector<16xi32>,
        %parallel_loop3A_419 = tpu.vector_load_idx %arg5[%parallel_loop3A_418] : memref<100000xf32, #tpu.memory_space<vmem>>[vector<16xi32>], vector<16xf32>,
        %parallel_loop3A_420 = arith.index_cast %parallel_loop3A_416 : i32 to index
        %parallel_loop3A_421 = tpu.vector_load %arg9[%parallel_loop3A_420] {strides = array<i32>} : memref<4096xf32, #tpu.memory_space<vmem>>, vector<16xf32>,
        tpu.vector_store %arg9[%parallel_loop3A_420], %parallel_loop3A_419 {strides = array<i32>} : memref<4096xf32, #tpu.memory_space<vmem>>, vector<16xf32>,
      } {sc.loop_unroll_factor = 16 : i64, sc.parallel_access}
      %lt3A = arith.constant 27 : i32
      %lt3A_372 = arith.cmpi slt, %scan3A_354, %lt3A : i32
      %convert_element_type3A_373 = arith.extui %lt3A_372 : i1 to i32
      %cond3A_374 = arith.constant 0 : i32
      %cond3A_375 = arith.cmpi ne, %convert_element_type3A_373, %cond3A_374 : i32
      scf.if %cond3A_375 {
        %add3A_416 = arith.constant 2 : i32
        %add3A_417 = arith.addi %add3A_358, %add3A_416 : i32
        %dma_start3A_418 = arith.constant 0 : i32
        %dma_start3A_419 = tpu.memref_slice %arg6[%add3A_417, %dma_start3A_418] : memref<56x4096xi32, #tpu.memory_space<vmem_shared>> -> memref<1x4096xi32, #tpu.memory_space<vmem_shared>>
        %dma_start3A_420 = tpu.memref_squeeze %dma_start3A_419 : memref<1x4096xi32, #tpu.memory_space<vmem_shared>> -> memref<4096xi32, #tpu.memory_space<vmem_shared>>
        %dma_start3A_421 = arith.constant 0 : i32
        %dma_start3A_422 = tpu.memref_slice %arg6[%add3A_417, %dma_start3A_421] : memref<56x4096xi32, #tpu.memory_space<vmem_shared>> -> memref<1x4096xi32, #tpu.memory_space<vmem_shared>>
        %dma_start3A_423 = tpu.memref_squeeze %dma_start3A_422 : memref<1x4096xi32, #tpu.memory_space<vmem_shared>> -> memref<4096xi32, #tpu.memory_space<vmem_shared>>
        tpu.enqueue_dma source(%dma_start3A_423 : memref<4096xi32, #tpu.memory_space<vmem_shared>>) target(%arg7 : memref<4096xi32, #tpu.memory_space<vmem>>) target_semaphore(%arg11 : memref<!tpu.dma_semaphore, #tpu.memory_space<semaphore_mem>>)
      } else {
      }
      %add3A_376 = arith.constant 112 : i32
      %add3A_377 = arith.addi %add3A_376, %add3A_358 : i32
      %dma_start3A_378 = arith.constant 0 : i32
      %dma_start3A_379 = tpu.memref_slice %arg4[%add3A_377, %add3A_4, %dma_start3A_378] : memref<200x64x4096xf32, #tpu.memory_space<hbm>> -> memref<1x1x4096xf32, #tpu.memory_space<hbm>>
      %dma_start3A_380 = tpu.memref_squeeze %dma_start3A_379 : memref<1x1x4096xf32, #tpu.memory_space<hbm>> -> memref<4096xf32, #tpu.memory_space<hbm>>
      %dma_start3A_381 = arith.constant 0 : i32
      %dma_start3A_382 = tpu.memref_slice %arg4[%add3A_377, %add3A_4, %dma_start3A_381] : memref<200x64x4096xf32, #tpu.memory_space<hbm>> -> memref<1x1x4096xf32, #tpu.memory_space<hbm>>
      %dma_start3A_383 = tpu.memref_squeeze %dma_start3A_382 : memref<1x1x4096xf32, #tpu.memory_space<hbm>> -> memref<4096xf32, #tpu.memory_space<hbm>>
      tpu.enqueue_dma source(%arg9 : memref<4096xf32, #tpu.memory_space<vmem>>) target(%dma_start3A_383 : memref<4096xf32, #tpu.memory_space<hbm>>) target_semaphore(%arg13 : memref<!tpu.dma_semaphore, #tpu.memory_space<semaphore_mem>>)
      %mul3A_384 = arith.constant 2 : i32
      %mul3A_385 = arith.muli %mul3A_384, %scan3A_354 : i32
      %add3A_386 = arith.constant 1 : i32
      %add3A_387 = arith.addi %mul3A_385, %add3A_386 : i32
      %dma_wait3A_388 = arith.constant 0 : i32
      %dma_wait3A_389 = arith.constant 0 : i32
      %dma_wait3A_390 = tpu.memref_slice %arg6[%dma_wait3A_388, %dma_wait3A_389] : memref<56x4096xi32, #tpu.memory_space<vmem_shared>> -> memref<1x4096xi32, #tpu.memory_space<vmem_shared>>
      %dma_wait3A_391 = tpu.memref_squeeze %dma_wait3A_390 : memref<1x4096xi32, #tpu.memory_space<vmem_shared>> -> memref<4096xi32, #tpu.memory_space<vmem_shared>>
      %dma_wait3A_392 = arith.constant 0 : i32
      %dma_wait3A_393 = tpu.memref_slice %arg6[%dma_wait3A_388, %dma_wait3A_392] : memref<56x4096xi32, #tpu.memory_space<vmem_shared>> -> memref<1x4096xi32, #tpu.memory_space<vmem_shared>>
      %dma_wait3A_394 = tpu.memref_squeeze %dma_wait3A_393 : memref<1x4096xi32, #tpu.memory_space<vmem_shared>> -> memref<4096xi32, #tpu.memory_space<vmem_shared>>
      tpu.wait_dma2 semaphore(%arg12 : memref<!tpu.dma_semaphore, #tpu.memory_space<semaphore_mem>>) src(%dma_wait3A_394 : memref<4096xi32, #tpu.memory_space<vmem_shared>>) dst(%arg8 : memref<4096xi32, #tpu.memory_space<vmem>>)
      %gt3A_395 = arith.constant 0 : i32
      %gt3A_396 = arith.cmpi sgt, %scan3A_354, %gt3A_395 : i32
      %convert_element_type3A_397 = arith.extui %gt3A_396 : i1 to i32
      %cond3A_398 = arith.constant 0 : i32
      %cond3A_399 = arith.cmpi ne, %convert_element_type3A_397, %cond3A_398 : i32
      scf.if %cond3A_399 {
        %dma_wait3A_416 = arith.constant 0 : i32
        %dma_wait3A_417 = arith.constant 0 : i32
        %dma_wait3A_418 = tpu.memref_slice %arg4[%dma_wait3A_416, %add3A_4, %dma_wait3A_417] : memref<200x64x4096xf32, #tpu.memory_space<hbm>> -> memref<1x1x4096xf32, #tpu.memory_space<hbm>>
        %dma_wait3A_419 = tpu.memref_squeeze %dma_wait3A_418 : memref<1x1x4096xf32, #tpu.memory_space<hbm>> -> memref<4096xf32, #tpu.memory_space<hbm>>
        %dma_wait3A_420 = arith.constant 0 : i32
        %dma_wait3A_421 = tpu.memref_slice %arg4[%dma_wait3A_416, %add3A_4, %dma_wait3A_420] : memref<200x64x4096xf32, #tpu.memory_space<hbm>> -> memref<1x1x4096xf32, #tpu.memory_space<hbm>>
        %dma_wait3A_422 = tpu.memref_squeeze %dma_wait3A_421 : memref<1x1x4096xf32, #tpu.memory_space<hbm>> -> memref<4096xf32, #tpu.memory_space<hbm>>
        tpu.wait_dma2 semaphore(%arg14 : memref<!tpu.dma_semaphore, #tpu.memory_space<semaphore_mem>>) src(%arg10 : memref<4096xf32, #tpu.memory_space<vmem>>) dst(%dma_wait3A_422 : memref<4096xf32, #tpu.memory_space<hbm>>)
      } else {
      }
      %parallel_loop3A_400 = arith.constant 0 : i32
      %parallel_loop3A_401 = arith.constant 4096 : i32
      %parallel_loop3A_402 = arith.constant 16 : i32
      scf.for %parallel_loop3A_416 = %parallel_loop3A_400 to %parallel_loop3A_401 step %parallel_loop3A_402  : i32 {
        %parallel_loop3A_417 = arith.index_cast %parallel_loop3A_416 : i32 to index
        %parallel_loop3A_418 = tpu.vector_load %arg8[%parallel_loop3A_417] {strides = array<i32>} : memref<4096xi32, #tpu.memory_space<vmem>>, vector<16xi32>,
        %parallel_loop3A_419 = tpu.vector_load_idx %arg5[%parallel_loop3A_418] : memref<100000xf32, #tpu.memory_space<vmem>>[vector<16xi32>], vector<16xf32>,
        %parallel_loop3A_420 = arith.index_cast %parallel_loop3A_416 : i32 to index
        %parallel_loop3A_421 = tpu.vector_load %arg10[%parallel_loop3A_420] {strides = array<i32>} : memref<4096xf32, #tpu.memory_space<vmem>>, vector<16xf32>,
        tpu.vector_store %arg10[%parallel_loop3A_420], %parallel_loop3A_419 {strides = array<i32>} : memref<4096xf32, #tpu.memory_space<vmem>>, vector<16xf32>,
      } {sc.loop_unroll_factor = 16 : i64, sc.parallel_access}
      %lt3A_403 = arith.constant 27 : i32
      %lt3A_404 = arith.cmpi slt, %scan3A_354, %lt3A_403 : i32
      %convert_element_type3A_405 = arith.extui %lt3A_404 : i1 to i32
      %cond3A_406 = arith.constant 0 : i32
      %cond3A_407 = arith.cmpi ne, %convert_element_type3A_405, %cond3A_406 : i32
      scf.if %cond3A_407 {
        %add3A_416 = arith.constant 2 : i32
        %add3A_417 = arith.addi %add3A_387, %add3A_416 : i32
        %dma_start3A_418 = arith.constant 0 : i32
        %dma_start3A_419 = tpu.memref_slice %arg6[%add3A_417, %dma_start3A_418] : memref<56x4096xi32, #tpu.memory_space<vmem_shared>> -> memref<1x4096xi32, #tpu.memory_space<vmem_shared>>
        %dma_start3A_420 = tpu.memref_squeeze %dma_start3A_419 : memref<1x4096xi32, #tpu.memory_space<vmem_shared>> -> memref<4096xi32, #tpu.memory_space<vmem_shared>>
        %dma_start3A_421 = arith.constant 0 : i32
        %dma_start3A_422 = tpu.memref_slice %arg6[%add3A_417, %dma_start3A_421] : memref<56x4096xi32, #tpu.memory_space<vmem_shared>> -> memref<1x4096xi32, #tpu.memory_space<vmem_shared>>
        %dma_start3A_423 = tpu.memref_squeeze %dma_start3A_422 : memref<1x4096xi32, #tpu.memory_space<vmem_shared>> -> memref<4096xi32, #tpu.memory_space<vmem_shared>>
        tpu.enqueue_dma source(%dma_start3A_423 : memref<4096xi32, #tpu.memory_space<vmem_shared>>) target(%arg8 : memref<4096xi32, #tpu.memory_space<vmem>>) target_semaphore(%arg12 : memref<!tpu.dma_semaphore, #tpu.memory_space<semaphore_mem>>)
      } else {
      }
      %add3A_408 = arith.constant 112 : i32
      %add3A_409 = arith.addi %add3A_408, %add3A_387 : i32
      %dma_start3A_410 = arith.constant 0 : i32
      %dma_start3A_411 = tpu.memref_slice %arg4[%add3A_409, %add3A_4, %dma_start3A_410] : memref<200x64x4096xf32, #tpu.memory_space<hbm>> -> memref<1x1x4096xf32, #tpu.memory_space<hbm>>
      %dma_start3A_412 = tpu.memref_squeeze %dma_start3A_411 : memref<1x1x4096xf32, #tpu.memory_space<hbm>> -> memref<4096xf32, #tpu.memory_space<hbm>>
      %dma_start3A_413 = arith.constant 0 : i32
      %dma_start3A_414 = tpu.memref_slice %arg4[%add3A_409, %add3A_4, %dma_start3A_413] : memref<200x64x4096xf32, #tpu.memory_space<hbm>> -> memref<1x1x4096xf32, #tpu.memory_space<hbm>>
      %dma_start3A_415 = tpu.memref_squeeze %dma_start3A_414 : memref<1x1x4096xf32, #tpu.memory_space<hbm>> -> memref<4096xf32, #tpu.memory_space<hbm>>
      tpu.enqueue_dma source(%arg10 : memref<4096xf32, #tpu.memory_space<vmem>>) target(%dma_start3A_415 : memref<4096xf32, #tpu.memory_space<hbm>>) target_semaphore(%arg14 : memref<!tpu.dma_semaphore, #tpu.memory_space<semaphore_mem>>)
    }
    %scan3A_118 = arith.constant 28 : i32
    %dma_wait3A_119 = arith.constant 0 : i32
    %dma_wait3A_120 = arith.constant 0 : i32
    %dma_wait3A_121 = tpu.memref_slice %arg4[%dma_wait3A_119, %add3A_4, %dma_wait3A_120] : memref<200x64x4096xf32, #tpu.memory_space<hbm>> -> memref<1x1x4096xf32, #tpu.memory_space<hbm>>
    %dma_wait3A_122 = tpu.memref_squeeze %dma_wait3A_121 : memref<1x1x4096xf32, #tpu.memory_space<hbm>> -> memref<4096xf32, #tpu.memory_space<hbm>>
    %dma_wait3A_123 = arith.constant 0 : i32
    %dma_wait3A_124 = tpu.memref_slice %arg4[%dma_wait3A_119, %add3A_4, %dma_wait3A_123] : memref<200x64x4096xf32, #tpu.memory_space<hbm>> -> memref<1x1x4096xf32, #tpu.memory_space<hbm>>
    %dma_wait3A_125 = tpu.memref_squeeze %dma_wait3A_124 : memref<1x1x4096xf32, #tpu.memory_space<hbm>> -> memref<4096xf32, #tpu.memory_space<hbm>>
    tpu.wait_dma2 semaphore(%arg13 : memref<!tpu.dma_semaphore, #tpu.memory_space<semaphore_mem>>) src(%arg9 : memref<4096xf32, #tpu.memory_space<vmem>>) dst(%dma_wait3A_125 : memref<4096xf32, #tpu.memory_space<hbm>>)
    %dma_wait3A_126 = arith.constant 0 : i32
    %dma_wait3A_127 = arith.constant 0 : i32
    %dma_wait3A_128 = tpu.memref_slice %arg4[%dma_wait3A_126, %add3A_4, %dma_wait3A_127] : memref<200x64x4096xf32, #tpu.memory_space<hbm>> -> memref<1x1x4096xf32, #tpu.memory_space<hbm>>
    %dma_wait3A_129 = tpu.memref_squeeze %dma_wait3A_128 : memref<1x1x4096xf32, #tpu.memory_space<hbm>> -> memref<4096xf32, #tpu.memory_space<hbm>>
    %dma_wait3A_130 = arith.constant 0 : i32
    %dma_wait3A_131 = tpu.memref_slice %arg4[%dma_wait3A_126, %add3A_4, %dma_wait3A_130] : memref<200x64x4096xf32, #tpu.memory_space<hbm>> -> memref<1x1x4096xf32, #tpu.memory_space<hbm>>
    %dma_wait3A_132 = tpu.memref_squeeze %dma_wait3A_131 : memref<1x1x4096xf32, #tpu.memory_space<hbm>> -> memref<4096xf32, #tpu.memory_space<hbm>>
    tpu.wait_dma2 semaphore(%arg14 : memref<!tpu.dma_semaphore, #tpu.memory_space<semaphore_mem>>) src(%arg10 : memref<4096xf32, #tpu.memory_space<vmem>>) dst(%dma_wait3A_132 : memref<4096xf32, #tpu.memory_space<hbm>>)
    %barrier3A_133 = arith.constant 0 : index
    tpu.barrier barrier_id(%barrier3A_133)
    %eq3A_134 = arith.constant 0 : i32
    %eq3A_135 = arith.cmpi eq, %arg1, %eq3A_134 : i32
    %convert_element_type3A_136 = arith.extui %eq3A_135 : i1 to i32
    %cond3A_137 = arith.constant 0 : i32
    %cond3A_138 = arith.cmpi ne, %convert_element_type3A_136, %cond3A_137 : i32
    scf.if %cond3A_138 {
      "tpu.region"() ({
        %run_scoped3A = tpu.sem_alloc : memref<!tpu.dma_semaphore, #tpu.memory_space<semaphore_mem>>
        %dma_start3A_354 = arith.constant 0 : i32
        %dma_start3A_355 = arith.constant 0 : i32
        %dma_start3A_356 = tpu.memref_slice %arg6[%dma_start3A_354, %dma_start3A_355] : memref<56x4096xi32, #tpu.memory_space<vmem_shared>> -> memref<32x4096xi32, #tpu.memory_space<vmem_shared>>
        %dma_start3A_357 = arith.constant 168 : i32
        %dma_start3A_358 = arith.constant 0 : i32
        %dma_start3A_359 = tpu.memref_slice %arg2[%dma_start3A_357, %dma_start3A_358] : memref<200x4096xi32, #tpu.memory_space<hbm>> -> memref<32x4096xi32, #tpu.memory_space<hbm>>
        tpu.enqueue_dma source(%dma_start3A_359 : memref<32x4096xi32, #tpu.memory_space<hbm>>) target(%dma_start3A_356 : memref<32x4096xi32, #tpu.memory_space<vmem_shared>>) target_semaphore(%run_scoped3A : memref<!tpu.dma_semaphore, #tpu.memory_space<semaphore_mem>>)
        %dma_wait3A_360 = arith.constant 0 : i32
        %dma_wait3A_361 = arith.constant 0 : i32
        %dma_wait3A_362 = tpu.memref_slice %arg6[%dma_wait3A_360, %dma_wait3A_361] : memref<56x4096xi32, #tpu.memory_space<vmem_shared>> -> memref<32x4096xi32, #tpu.memory_space<vmem_shared>>
        %dma_wait3A_363 = arith.constant 168 : i32
        %dma_wait3A_364 = arith.constant 0 : i32
        %dma_wait3A_365 = tpu.memref_slice %arg2[%dma_wait3A_363, %dma_wait3A_364] : memref<200x4096xi32, #tpu.memory_space<hbm>> -> memref<32x4096xi32, #tpu.memory_space<hbm>>
        tpu.wait_dma2 semaphore(%run_scoped3A : memref<!tpu.dma_semaphore, #tpu.memory_space<semaphore_mem>>) src(%dma_wait3A_365 : memref<32x4096xi32, #tpu.memory_space<hbm>>) dst(%dma_wait3A_362 : memref<32x4096xi32, #tpu.memory_space<vmem_shared>>)
        tpu.yield
      }) : () -> ()
    } else {
    }
    %barrier3A_139 = arith.constant 0 : index
    tpu.barrier barrier_id(%barrier3A_139)
    %dma_start3A_140 = arith.constant 0 : i32
    %dma_start3A_141 = arith.constant 0 : i32
    %dma_start3A_142 = tpu.memref_slice %arg6[%dma_start3A_140, %dma_start3A_141] : memref<56x4096xi32, #tpu.memory_space<vmem_shared>> -> memref<1x4096xi32, #tpu.memory_space<vmem_shared>>
    %dma_start3A_143 = tpu.memref_squeeze %dma_start3A_142 : memref<1x4096xi32, #tpu.memory_space<vmem_shared>> -> memref<4096xi32, #tpu.memory_space<vmem_shared>>
    %dma_start3A_144 = arith.constant 0 : i32
    %dma_start3A_145 = tpu.memref_slice %arg6[%dma_start3A_140, %dma_start3A_144] : memref<56x4096xi32, #tpu.memory_space<vmem_shared>> -> memref<1x4096xi32, #tpu.memory_space<vmem_shared>>
    %dma_start3A_146 = tpu.memref_squeeze %dma_start3A_145 : memref<1x4096xi32, #tpu.memory_space<vmem_shared>> -> memref<4096xi32, #tpu.memory_space<vmem_shared>>
    tpu.enqueue_dma source(%dma_start3A_146 : memref<4096xi32, #tpu.memory_space<vmem_shared>>) target(%arg7 : memref<4096xi32, #tpu.memory_space<vmem>>) target_semaphore(%arg11 : memref<!tpu.dma_semaphore, #tpu.memory_space<semaphore_mem>>)
    %dma_start3A_147 = arith.constant 1 : i32
    %dma_start3A_148 = arith.constant 0 : i32
    %dma_start3A_149 = tpu.memref_slice %arg6[%dma_start3A_147, %dma_start3A_148] : memref<56x4096xi32, #tpu.memory_space<vmem_shared>> -> memref<1x4096xi32, #tpu.memory_space<vmem_shared>>
    %dma_start3A_150 = tpu.memref_squeeze %dma_start3A_149 : memref<1x4096xi32, #tpu.memory_space<vmem_shared>> -> memref<4096xi32, #tpu.memory_space<vmem_shared>>
    %dma_start3A_151 = arith.constant 0 : i32
    %dma_start3A_152 = tpu.memref_slice %arg6[%dma_start3A_147, %dma_start3A_151] : memref<56x4096xi32, #tpu.memory_space<vmem_shared>> -> memref<1x4096xi32, #tpu.memory_space<vmem_shared>>
    %dma_start3A_153 = tpu.memref_squeeze %dma_start3A_152 : memref<1x4096xi32, #tpu.memory_space<vmem_shared>> -> memref<4096xi32, #tpu.memory_space<vmem_shared>>
    tpu.enqueue_dma source(%dma_start3A_153 : memref<4096xi32, #tpu.memory_space<vmem_shared>>) target(%arg8 : memref<4096xi32, #tpu.memory_space<vmem>>) target_semaphore(%arg12 : memref<!tpu.dma_semaphore, #tpu.memory_space<semaphore_mem>>)
    %scan3A_154 = arith.constant 0 : i32
    %scan3A_155 = arith.constant 0 : i32
    %scan3A_156 = arith.constant 16 : i32
    %scan3A_157 = arith.addi %scan3A_155, %scan3A_156 : i32
    %scan3A_158 = arith.constant 1 : i32
    scf.for %scan3A_354 = %scan3A_155 to %scan3A_157 step %scan3A_158  : i32 {
      %mul3A_355 = arith.constant 2 : i32
      %mul3A_356 = arith.muli %mul3A_355, %scan3A_354 : i32
      %add3A_357 = arith.constant 0 : i32
      %add3A_358 = arith.addi %mul3A_356, %add3A_357 : i32
      %dma_wait3A_359 = arith.constant 0 : i32
      %dma_wait3A_360 = arith.constant 0 : i32
      %dma_wait3A_361 = tpu.memref_slice %arg6[%dma_wait3A_359, %dma_wait3A_360] : memref<56x4096xi32, #tpu.memory_space<vmem_shared>> -> memref<1x4096xi32, #tpu.memory_space<vmem_shared>>
      %dma_wait3A_362 = tpu.memref_squeeze %dma_wait3A_361 : memref<1x4096xi32, #tpu.memory_space<vmem_shared>> -> memref<4096xi32, #tpu.memory_space<vmem_shared>>
      %dma_wait3A_363 = arith.constant 0 : i32
      %dma_wait3A_364 = tpu.memref_slice %arg6[%dma_wait3A_359, %dma_wait3A_363] : memref<56x4096xi32, #tpu.memory_space<vmem_shared>> -> memref<1x4096xi32, #tpu.memory_space<vmem_shared>>
      %dma_wait3A_365 = tpu.memref_squeeze %dma_wait3A_364 : memref<1x4096xi32, #tpu.memory_space<vmem_shared>> -> memref<4096xi32, #tpu.memory_space<vmem_shared>>
      tpu.wait_dma2 semaphore(%arg11 : memref<!tpu.dma_semaphore, #tpu.memory_space<semaphore_mem>>) src(%dma_wait3A_365 : memref<4096xi32, #tpu.memory_space<vmem_shared>>) dst(%arg7 : memref<4096xi32, #tpu.memory_space<vmem>>)
      %gt3A = arith.constant 0 : i32
      %gt3A_366 = arith.cmpi sgt, %scan3A_354, %gt3A : i32
      %convert_element_type3A_367 = arith.extui %gt3A_366 : i1 to i32
      %cond3A_368 = arith.constant 0 : i32
      %cond3A_369 = arith.cmpi ne, %convert_element_type3A_367, %cond3A_368 : i32
      scf.if %cond3A_369 {
        %dma_wait3A_416 = arith.constant 0 : i32
        %dma_wait3A_417 = arith.constant 0 : i32
        %dma_wait3A_418 = tpu.memref_slice %arg4[%dma_wait3A_416, %add3A_4, %dma_wait3A_417] : memref<200x64x4096xf32, #tpu.memory_space<hbm>> -> memref<1x1x4096xf32, #tpu.memory_space<hbm>>
        %dma_wait3A_419 = tpu.memref_squeeze %dma_wait3A_418 : memref<1x1x4096xf32, #tpu.memory_space<hbm>> -> memref<4096xf32, #tpu.memory_space<hbm>>
        %dma_wait3A_420 = arith.constant 0 : i32
        %dma_wait3A_421 = tpu.memref_slice %arg4[%dma_wait3A_416, %add3A_4, %dma_wait3A_420] : memref<200x64x4096xf32, #tpu.memory_space<hbm>> -> memref<1x1x4096xf32, #tpu.memory_space<hbm>>
        %dma_wait3A_422 = tpu.memref_squeeze %dma_wait3A_421 : memref<1x1x4096xf32, #tpu.memory_space<hbm>> -> memref<4096xf32, #tpu.memory_space<hbm>>
        tpu.wait_dma2 semaphore(%arg13 : memref<!tpu.dma_semaphore, #tpu.memory_space<semaphore_mem>>) src(%arg9 : memref<4096xf32, #tpu.memory_space<vmem>>) dst(%dma_wait3A_422 : memref<4096xf32, #tpu.memory_space<hbm>>)
      } else {
      }
      %parallel_loop3A = arith.constant 0 : i32
      %parallel_loop3A_370 = arith.constant 4096 : i32
      %parallel_loop3A_371 = arith.constant 16 : i32
      scf.for %parallel_loop3A_416 = %parallel_loop3A to %parallel_loop3A_370 step %parallel_loop3A_371  : i32 {
        %parallel_loop3A_417 = arith.index_cast %parallel_loop3A_416 : i32 to index
        %parallel_loop3A_418 = tpu.vector_load %arg7[%parallel_loop3A_417] {strides = array<i32>} : memref<4096xi32, #tpu.memory_space<vmem>>, vector<16xi32>,
        %parallel_loop3A_419 = tpu.vector_load_idx %arg5[%parallel_loop3A_418] : memref<100000xf32, #tpu.memory_space<vmem>>[vector<16xi32>], vector<16xf32>,
        %parallel_loop3A_420 = arith.index_cast %parallel_loop3A_416 : i32 to index
        %parallel_loop3A_421 = tpu.vector_load %arg9[%parallel_loop3A_420] {strides = array<i32>} : memref<4096xf32, #tpu.memory_space<vmem>>, vector<16xf32>,
        tpu.vector_store %arg9[%parallel_loop3A_420], %parallel_loop3A_419 {strides = array<i32>} : memref<4096xf32, #tpu.memory_space<vmem>>, vector<16xf32>,
      } {sc.loop_unroll_factor = 16 : i64, sc.parallel_access}
      %lt3A = arith.constant 15 : i32
      %lt3A_372 = arith.cmpi slt, %scan3A_354, %lt3A : i32
      %convert_element_type3A_373 = arith.extui %lt3A_372 : i1 to i32
      %cond3A_374 = arith.constant 0 : i32
      %cond3A_375 = arith.cmpi ne, %convert_element_type3A_373, %cond3A_374 : i32
      scf.if %cond3A_375 {
        %add3A_416 = arith.constant 2 : i32
        %add3A_417 = arith.addi %add3A_358, %add3A_416 : i32
        %dma_start3A_418 = arith.constant 0 : i32
        %dma_start3A_419 = tpu.memref_slice %arg6[%add3A_417, %dma_start3A_418] : memref<56x4096xi32, #tpu.memory_space<vmem_shared>> -> memref<1x4096xi32, #tpu.memory_space<vmem_shared>>
        %dma_start3A_420 = tpu.memref_squeeze %dma_start3A_419 : memref<1x4096xi32, #tpu.memory_space<vmem_shared>> -> memref<4096xi32, #tpu.memory_space<vmem_shared>>
        %dma_start3A_421 = arith.constant 0 : i32
        %dma_start3A_422 = tpu.memref_slice %arg6[%add3A_417, %dma_start3A_421] : memref<56x4096xi32, #tpu.memory_space<vmem_shared>> -> memref<1x4096xi32, #tpu.memory_space<vmem_shared>>
        %dma_start3A_423 = tpu.memref_squeeze %dma_start3A_422 : memref<1x4096xi32, #tpu.memory_space<vmem_shared>> -> memref<4096xi32, #tpu.memory_space<vmem_shared>>
        tpu.enqueue_dma source(%dma_start3A_423 : memref<4096xi32, #tpu.memory_space<vmem_shared>>) target(%arg7 : memref<4096xi32, #tpu.memory_space<vmem>>) target_semaphore(%arg11 : memref<!tpu.dma_semaphore, #tpu.memory_space<semaphore_mem>>)
      } else {
      }
      %add3A_376 = arith.constant 168 : i32
      %add3A_377 = arith.addi %add3A_376, %add3A_358 : i32
      %dma_start3A_378 = arith.constant 0 : i32
      %dma_start3A_379 = tpu.memref_slice %arg4[%add3A_377, %add3A_4, %dma_start3A_378] : memref<200x64x4096xf32, #tpu.memory_space<hbm>> -> memref<1x1x4096xf32, #tpu.memory_space<hbm>>
      %dma_start3A_380 = tpu.memref_squeeze %dma_start3A_379 : memref<1x1x4096xf32, #tpu.memory_space<hbm>> -> memref<4096xf32, #tpu.memory_space<hbm>>
      %dma_start3A_381 = arith.constant 0 : i32
      %dma_start3A_382 = tpu.memref_slice %arg4[%add3A_377, %add3A_4, %dma_start3A_381] : memref<200x64x4096xf32, #tpu.memory_space<hbm>> -> memref<1x1x4096xf32, #tpu.memory_space<hbm>>
      %dma_start3A_383 = tpu.memref_squeeze %dma_start3A_382 : memref<1x1x4096xf32, #tpu.memory_space<hbm>> -> memref<4096xf32, #tpu.memory_space<hbm>>
      tpu.enqueue_dma source(%arg9 : memref<4096xf32, #tpu.memory_space<vmem>>) target(%dma_start3A_383 : memref<4096xf32, #tpu.memory_space<hbm>>) target_semaphore(%arg13 : memref<!tpu.dma_semaphore, #tpu.memory_space<semaphore_mem>>)
      %mul3A_384 = arith.constant 2 : i32
      %mul3A_385 = arith.muli %mul3A_384, %scan3A_354 : i32
      %add3A_386 = arith.constant 1 : i32
      %add3A_387 = arith.addi %mul3A_385, %add3A_386 : i32
      %dma_wait3A_388 = arith.constant 0 : i32
      %dma_wait3A_389 = arith.constant 0 : i32
      %dma_wait3A_390 = tpu.memref_slice %arg6[%dma_wait3A_388, %dma_wait3A_389] : memref<56x4096xi32, #tpu.memory_space<vmem_shared>> -> memref<1x4096xi32, #tpu.memory_space<vmem_shared>>
      %dma_wait3A_391 = tpu.memref_squeeze %dma_wait3A_390 : memref<1x4096xi32, #tpu.memory_space<vmem_shared>> -> memref<4096xi32, #tpu.memory_space<vmem_shared>>
      %dma_wait3A_392 = arith.constant 0 : i32
      %dma_wait3A_393 = tpu.memref_slice %arg6[%dma_wait3A_388, %dma_wait3A_392] : memref<56x4096xi32, #tpu.memory_space<vmem_shared>> -> memref<1x4096xi32, #tpu.memory_space<vmem_shared>>
      %dma_wait3A_394 = tpu.memref_squeeze %dma_wait3A_393 : memref<1x4096xi32, #tpu.memory_space<vmem_shared>> -> memref<4096xi32, #tpu.memory_space<vmem_shared>>
      tpu.wait_dma2 semaphore(%arg12 : memref<!tpu.dma_semaphore, #tpu.memory_space<semaphore_mem>>) src(%dma_wait3A_394 : memref<4096xi32, #tpu.memory_space<vmem_shared>>) dst(%arg8 : memref<4096xi32, #tpu.memory_space<vmem>>)
      %gt3A_395 = arith.constant 0 : i32
      %gt3A_396 = arith.cmpi sgt, %scan3A_354, %gt3A_395 : i32
      %convert_element_type3A_397 = arith.extui %gt3A_396 : i1 to i32
      %cond3A_398 = arith.constant 0 : i32
      %cond3A_399 = arith.cmpi ne, %convert_element_type3A_397, %cond3A_398 : i32
      scf.if %cond3A_399 {
        %dma_wait3A_416 = arith.constant 0 : i32
        %dma_wait3A_417 = arith.constant 0 : i32
        %dma_wait3A_418 = tpu.memref_slice %arg4[%dma_wait3A_416, %add3A_4, %dma_wait3A_417] : memref<200x64x4096xf32, #tpu.memory_space<hbm>> -> memref<1x1x4096xf32, #tpu.memory_space<hbm>>
        %dma_wait3A_419 = tpu.memref_squeeze %dma_wait3A_418 : memref<1x1x4096xf32, #tpu.memory_space<hbm>> -> memref<4096xf32, #tpu.memory_space<hbm>>
        %dma_wait3A_420 = arith.constant 0 : i32
        %dma_wait3A_421 = tpu.memref_slice %arg4[%dma_wait3A_416, %add3A_4, %dma_wait3A_420] : memref<200x64x4096xf32, #tpu.memory_space<hbm>> -> memref<1x1x4096xf32, #tpu.memory_space<hbm>>
        %dma_wait3A_422 = tpu.memref_squeeze %dma_wait3A_421 : memref<1x1x4096xf32, #tpu.memory_space<hbm>> -> memref<4096xf32, #tpu.memory_space<hbm>>
        tpu.wait_dma2 semaphore(%arg14 : memref<!tpu.dma_semaphore, #tpu.memory_space<semaphore_mem>>) src(%arg10 : memref<4096xf32, #tpu.memory_space<vmem>>) dst(%dma_wait3A_422 : memref<4096xf32, #tpu.memory_space<hbm>>)
      } else {
      }
      %parallel_loop3A_400 = arith.constant 0 : i32
      %parallel_loop3A_401 = arith.constant 4096 : i32
      %parallel_loop3A_402 = arith.constant 16 : i32
      scf.for %parallel_loop3A_416 = %parallel_loop3A_400 to %parallel_loop3A_401 step %parallel_loop3A_402  : i32 {
        %parallel_loop3A_417 = arith.index_cast %parallel_loop3A_416 : i32 to index
        %parallel_loop3A_418 = tpu.vector_load %arg8[%parallel_loop3A_417] {strides = array<i32>} : memref<4096xi32, #tpu.memory_space<vmem>>, vector<16xi32>,
        %parallel_loop3A_419 = tpu.vector_load_idx %arg5[%parallel_loop3A_418] : memref<100000xf32, #tpu.memory_space<vmem>>[vector<16xi32>], vector<16xf32>,
        %parallel_loop3A_420 = arith.index_cast %parallel_loop3A_416 : i32 to index
        %parallel_loop3A_421 = tpu.vector_load %arg10[%parallel_loop3A_420] {strides = array<i32>} : memref<4096xf32, #tpu.memory_space<vmem>>, vector<16xf32>,
        tpu.vector_store %arg10[%parallel_loop3A_420], %parallel_loop3A_419 {strides = array<i32>} : memref<4096xf32, #tpu.memory_space<vmem>>, vector<16xf32>,
      } {sc.loop_unroll_factor = 16 : i64, sc.parallel_access}
      %lt3A_403 = arith.constant 15 : i32
      %lt3A_404 = arith.cmpi slt, %scan3A_354, %lt3A_403 : i32
      %convert_element_type3A_405 = arith.extui %lt3A_404 : i1 to i32
      %cond3A_406 = arith.constant 0 : i32
      %cond3A_407 = arith.cmpi ne, %convert_element_type3A_405, %cond3A_406 : i32
      scf.if %cond3A_407 {
        %add3A_416 = arith.constant 2 : i32
        %add3A_417 = arith.addi %add3A_387, %add3A_416 : i32
        %dma_start3A_418 = arith.constant 0 : i32
        %dma_start3A_419 = tpu.memref_slice %arg6[%add3A_417, %dma_start3A_418] : memref<56x4096xi32, #tpu.memory_space<vmem_shared>> -> memref<1x4096xi32, #tpu.memory_space<vmem_shared>>
        %dma_start3A_420 = tpu.memref_squeeze %dma_start3A_419 : memref<1x4096xi32, #tpu.memory_space<vmem_shared>> -> memref<4096xi32, #tpu.memory_space<vmem_shared>>
        %dma_start3A_421 = arith.constant 0 : i32
        %dma_start3A_422 = tpu.memref_slice %arg6[%add3A_417, %dma_start3A_421] : memref<56x4096xi32, #tpu.memory_space<vmem_shared>> -> memref<1x4096xi32, #tpu.memory_space<vmem_shared>>
        %dma_start3A_423 = tpu.memref_squeeze %dma_start3A_422 : memref<1x4096xi32, #tpu.memory_space<vmem_shared>> -> memref<4096xi32, #tpu.memory_space<vmem_shared>>
        tpu.enqueue_dma source(%dma_start3A_423 : memref<4096xi32, #tpu.memory_space<vmem_shared>>) target(%arg8 : memref<4096xi32, #tpu.memory_space<vmem>>) target_semaphore(%arg12 : memref<!tpu.dma_semaphore, #tpu.memory_space<semaphore_mem>>)
      } else {
      }
      %add3A_408 = arith.constant 168 : i32
      %add3A_409 = arith.addi %add3A_408, %add3A_387 : i32
      %dma_start3A_410 = arith.constant 0 : i32
      %dma_start3A_411 = tpu.memref_slice %arg4[%add3A_409, %add3A_4, %dma_start3A_410] : memref<200x64x4096xf32, #tpu.memory_space<hbm>> -> memref<1x1x4096xf32, #tpu.memory_space<hbm>>
      %dma_start3A_412 = tpu.memref_squeeze %dma_start3A_411 : memref<1x1x4096xf32, #tpu.memory_space<hbm>> -> memref<4096xf32, #tpu.memory_space<hbm>>
      %dma_start3A_413 = arith.constant 0 : i32
      %dma_start3A_414 = tpu.memref_slice %arg4[%add3A_409, %add3A_4, %dma_start3A_413] : memref<200x64x4096xf32, #tpu.memory_space<hbm>> -> memref<1x1x4096xf32, #tpu.memory_space<hbm>>
      %dma_start3A_415 = tpu.memref_squeeze %dma_start3A_414 : memref<1x1x4096xf32, #tpu.memory_space<hbm>> -> memref<4096xf32, #tpu.memory_space<hbm>>
      tpu.enqueue_dma source(%arg10 : memref<4096xf32, #tpu.memory_space<vmem>>) target(%dma_start3A_415 : memref<4096xf32, #tpu.memory_space<hbm>>) target_semaphore(%arg14 : memref<!tpu.dma_semaphore, #tpu.memory_space<semaphore_mem>>)
    }
    %scan3A_159 = arith.constant 16 : i32
    %dma_wait3A_160 = arith.constant 0 : i32
    %dma_wait3A_161 = arith.constant 0 : i32
    %dma_wait3A_162 = tpu.memref_slice %arg4[%dma_wait3A_160, %add3A_4, %dma_wait3A_161] : memref<200x64x4096xf32, #tpu.memory_space<hbm>> -> memref<1x1x4096xf32, #tpu.memory_space<hbm>>
    %dma_wait3A_163 = tpu.memref_squeeze %dma_wait3A_162 : memref<1x1x4096xf32, #tpu.memory_space<hbm>> -> memref<4096xf32, #tpu.memory_space<hbm>>
    %dma_wait3A_164 = arith.constant 0 : i32
    %dma_wait3A_165 = tpu.memref_slice %arg4[%dma_wait3A_160, %add3A_4, %dma_wait3A_164] : memref<200x64x4096xf32, #tpu.memory_space<hbm>> -> memref<1x1x4096xf32, #tpu.memory_space<hbm>>
    %dma_wait3A_166 = tpu.memref_squeeze %dma_wait3A_165 : memref<1x1x4096xf32, #tpu.memory_space<hbm>> -> memref<4096xf32, #tpu.memory_space<hbm>>
    tpu.wait_dma2 semaphore(%arg13 : memref<!tpu.dma_semaphore, #tpu.memory_space<semaphore_mem>>) src(%arg9 : memref<4096xf32, #tpu.memory_space<vmem>>) dst(%dma_wait3A_166 : memref<4096xf32, #tpu.memory_space<hbm>>)
    %dma_wait3A_167 = arith.constant 0 : i32
    %dma_wait3A_168 = arith.constant 0 : i32
    %dma_wait3A_169 = tpu.memref_slice %arg4[%dma_wait3A_167, %add3A_4, %dma_wait3A_168] : memref<200x64x4096xf32, #tpu.memory_space<hbm>> -> memref<1x1x4096xf32, #tpu.memory_space<hbm>>
    %dma_wait3A_170 = tpu.memref_squeeze %dma_wait3A_169 : memref<1x1x4096xf32, #tpu.memory_space<hbm>> -> memref<4096xf32, #tpu.memory_space<hbm>>
    %dma_wait3A_171 = arith.constant 0 : i32
    %dma_wait3A_172 = tpu.memref_slice %arg4[%dma_wait3A_167, %add3A_4, %dma_wait3A_171] : memref<200x64x4096xf32, #tpu.memory_space<hbm>> -> memref<1x1x4096xf32, #tpu.memory_space<hbm>>
    %dma_wait3A_173 = tpu.memref_squeeze %dma_wait3A_172 : memref<1x1x4096xf32, #tpu.memory_space<hbm>> -> memref<4096xf32, #tpu.memory_space<hbm>>
    tpu.wait_dma2 semaphore(%arg14 : memref<!tpu.dma_semaphore, #tpu.memory_space<semaphore_mem>>) src(%arg10 : memref<4096xf32, #tpu.memory_space<vmem>>) dst(%dma_wait3A_173 : memref<4096xf32, #tpu.memory_space<hbm>>)
    %mul3A_174 = arith.constant 2 : i32
    %mul3A_175 = arith.muli %add3A, %mul3A_174 : i32
    %add3A_176 = arith.constant 1 : i32
    %add3A_177 = arith.addi %mul3A_175, %add3A_176 : i32
    %dma_start3A_178 = arith.constant 0 : i32
    %dma_start3A_179 = tpu.memref_slice %arg3[%add3A_177, %dma_start3A_178] : memref<64x100000xf32, #tpu.memory_space<hbm>> -> memref<1x100000xf32, #tpu.memory_space<hbm>>
    %dma_start3A_180 = tpu.memref_squeeze %dma_start3A_179 : memref<1x100000xf32, #tpu.memory_space<hbm>> -> memref<100000xf32, #tpu.memory_space<hbm>>
    %dma_start3A_181 = arith.constant 0 : i32
    %dma_start3A_182 = tpu.memref_slice %arg3[%add3A_177, %dma_start3A_181] : memref<64x100000xf32, #tpu.memory_space<hbm>> -> memref<1x100000xf32, #tpu.memory_space<hbm>>
    %dma_start3A_183 = tpu.memref_squeeze %dma_start3A_182 : memref<1x100000xf32, #tpu.memory_space<hbm>> -> memref<100000xf32, #tpu.memory_space<hbm>>
    tpu.enqueue_dma source(%dma_start3A_183 : memref<100000xf32, #tpu.memory_space<hbm>>) target(%arg5 : memref<100000xf32, #tpu.memory_space<vmem>>) target_semaphore(%arg15 : memref<!tpu.dma_semaphore, #tpu.memory_space<semaphore_mem>>)
    %barrier3A_184 = arith.constant 0 : index
    tpu.barrier barrier_id(%barrier3A_184)
    %eq3A_185 = arith.constant 0 : i32
    %eq3A_186 = arith.cmpi eq, %arg1, %eq3A_185 : i32
    %convert_element_type3A_187 = arith.extui %eq3A_186 : i1 to i32
    %cond3A_188 = arith.constant 0 : i32
    %cond3A_189 = arith.cmpi ne, %convert_element_type3A_187, %cond3A_188 : i32
    scf.if %cond3A_189 {
      "tpu.region"() ({
        %run_scoped3A = tpu.sem_alloc : memref<!tpu.dma_semaphore, #tpu.memory_space<semaphore_mem>>
        %dma_start3A_354 = arith.constant 0 : i32
        %dma_start3A_355 = arith.constant 0 : i32
        %dma_start3A_356 = tpu.memref_slice %arg6[%dma_start3A_354, %dma_start3A_355] : memref<56x4096xi32, #tpu.memory_space<vmem_shared>> -> memref<56x4096xi32, #tpu.memory_space<vmem_shared>>
        %dma_start3A_357 = arith.constant 0 : i32
        %dma_start3A_358 = arith.constant 0 : i32
        %dma_start3A_359 = tpu.memref_slice %arg2[%dma_start3A_357, %dma_start3A_358] : memref<200x4096xi32, #tpu.memory_space<hbm>> -> memref<56x4096xi32, #tpu.memory_space<hbm>>
        tpu.enqueue_dma source(%dma_start3A_359 : memref<56x4096xi32, #tpu.memory_space<hbm>>) target(%dma_start3A_356 : memref<56x4096xi32, #tpu.memory_space<vmem_shared>>) target_semaphore(%run_scoped3A : memref<!tpu.dma_semaphore, #tpu.memory_space<semaphore_mem>>)
        %dma_wait3A_360 = arith.constant 0 : i32
        %dma_wait3A_361 = arith.constant 0 : i32
        %dma_wait3A_362 = tpu.memref_slice %arg6[%dma_wait3A_360, %dma_wait3A_361] : memref<56x4096xi32, #tpu.memory_space<vmem_shared>> -> memref<56x4096xi32, #tpu.memory_space<vmem_shared>>
        %dma_wait3A_363 = arith.constant 0 : i32
        %dma_wait3A_364 = arith.constant 0 : i32
        %dma_wait3A_365 = tpu.memref_slice %arg2[%dma_wait3A_363, %dma_wait3A_364] : memref<200x4096xi32, #tpu.memory_space<hbm>> -> memref<56x4096xi32, #tpu.memory_space<hbm>>
        tpu.wait_dma2 semaphore(%run_scoped3A : memref<!tpu.dma_semaphore, #tpu.memory_space<semaphore_mem>>) src(%dma_wait3A_365 : memref<56x4096xi32, #tpu.memory_space<hbm>>) dst(%dma_wait3A_362 : memref<56x4096xi32, #tpu.memory_space<vmem_shared>>)
        tpu.yield
      }) : () -> ()
    } else {
    }
    %barrier3A_190 = arith.constant 0 : index
    tpu.barrier barrier_id(%barrier3A_190)
    %dma_wait3A_191 = arith.constant 0 : i32
    %dma_wait3A_192 = tpu.memref_slice %arg3[%add3A_177, %dma_wait3A_191] : memref<64x100000xf32, #tpu.memory_space<hbm>> -> memref<1x100000xf32, #tpu.memory_space<hbm>>
    %dma_wait3A_193 = tpu.memref_squeeze %dma_wait3A_192 : memref<1x100000xf32, #tpu.memory_space<hbm>> -> memref<100000xf32, #tpu.memory_space<hbm>>
    %dma_wait3A_194 = arith.constant 0 : i32
    %dma_wait3A_195 = tpu.memref_slice %arg3[%add3A_177, %dma_wait3A_194] : memref<64x100000xf32, #tpu.memory_space<hbm>> -> memref<1x100000xf32, #tpu.memory_space<hbm>>
    %dma_wait3A_196 = tpu.memref_squeeze %dma_wait3A_195 : memref<1x100000xf32, #tpu.memory_space<hbm>> -> memref<100000xf32, #tpu.memory_space<hbm>>
    tpu.wait_dma2 semaphore(%arg15 : memref<!tpu.dma_semaphore, #tpu.memory_space<semaphore_mem>>) src(%dma_wait3A_196 : memref<100000xf32, #tpu.memory_space<hbm>>) dst(%arg5 : memref<100000xf32, #tpu.memory_space<vmem>>)
    %dma_start3A_197 = arith.constant 0 : i32
    %dma_start3A_198 = arith.constant 0 : i32
    %dma_start3A_199 = tpu.memref_slice %arg6[%dma_start3A_197, %dma_start3A_198] : memref<56x4096xi32, #tpu.memory_space<vmem_shared>> -> memref<1x4096xi32, #tpu.memory_space<vmem_shared>>
    %dma_start3A_200 = tpu.memref_squeeze %dma_start3A_199 : memref<1x4096xi32, #tpu.memory_space<vmem_shared>> -> memref<4096xi32, #tpu.memory_space<vmem_shared>>
    %dma_start3A_201 = arith.constant 0 : i32
    %dma_start3A_202 = tpu.memref_slice %arg6[%dma_start3A_197, %dma_start3A_201] : memref<56x4096xi32, #tpu.memory_space<vmem_shared>> -> memref<1x4096xi32, #tpu.memory_space<vmem_shared>>
    %dma_start3A_203 = tpu.memref_squeeze %dma_start3A_202 : memref<1x4096xi32, #tpu.memory_space<vmem_shared>> -> memref<4096xi32, #tpu.memory_space<vmem_shared>>
    tpu.enqueue_dma source(%dma_start3A_203 : memref<4096xi32, #tpu.memory_space<vmem_shared>>) target(%arg7 : memref<4096xi32, #tpu.memory_space<vmem>>) target_semaphore(%arg11 : memref<!tpu.dma_semaphore, #tpu.memory_space<semaphore_mem>>)
    %dma_start3A_204 = arith.constant 1 : i32
    %dma_start3A_205 = arith.constant 0 : i32
    %dma_start3A_206 = tpu.memref_slice %arg6[%dma_start3A_204, %dma_start3A_205] : memref<56x4096xi32, #tpu.memory_space<vmem_shared>> -> memref<1x4096xi32, #tpu.memory_space<vmem_shared>>
    %dma_start3A_207 = tpu.memref_squeeze %dma_start3A_206 : memref<1x4096xi32, #tpu.memory_space<vmem_shared>> -> memref<4096xi32, #tpu.memory_space<vmem_shared>>
    %dma_start3A_208 = arith.constant 0 : i32
    %dma_start3A_209 = tpu.memref_slice %arg6[%dma_start3A_204, %dma_start3A_208] : memref<56x4096xi32, #tpu.memory_space<vmem_shared>> -> memref<1x4096xi32, #tpu.memory_space<vmem_shared>>
    %dma_start3A_210 = tpu.memref_squeeze %dma_start3A_209 : memref<1x4096xi32, #tpu.memory_space<vmem_shared>> -> memref<4096xi32, #tpu.memory_space<vmem_shared>>
    tpu.enqueue_dma source(%dma_start3A_210 : memref<4096xi32, #tpu.memory_space<vmem_shared>>) target(%arg8 : memref<4096xi32, #tpu.memory_space<vmem>>) target_semaphore(%arg12 : memref<!tpu.dma_semaphore, #tpu.memory_space<semaphore_mem>>)
    %scan3A_211 = arith.constant 0 : i32
    %scan3A_212 = arith.constant 0 : i32
    %scan3A_213 = arith.constant 28 : i32
    %scan3A_214 = arith.addi %scan3A_212, %scan3A_213 : i32
    %scan3A_215 = arith.constant 1 : i32
    scf.for %scan3A_354 = %scan3A_212 to %scan3A_214 step %scan3A_215  : i32 {
      %mul3A_355 = arith.constant 2 : i32
      %mul3A_356 = arith.muli %mul3A_355, %scan3A_354 : i32
      %add3A_357 = arith.constant 0 : i32
      %add3A_358 = arith.addi %mul3A_356, %add3A_357 : i32
      %dma_wait3A_359 = arith.constant 0 : i32
      %dma_wait3A_360 = arith.constant 0 : i32
      %dma_wait3A_361 = tpu.memref_slice %arg6[%dma_wait3A_359, %dma_wait3A_360] : memref<56x4096xi32, #tpu.memory_space<vmem_shared>> -> memref<1x4096xi32, #tpu.memory_space<vmem_shared>>
      %dma_wait3A_362 = tpu.memref_squeeze %dma_wait3A_361 : memref<1x4096xi32, #tpu.memory_space<vmem_shared>> -> memref<4096xi32, #tpu.memory_space<vmem_shared>>
      %dma_wait3A_363 = arith.constant 0 : i32
      %dma_wait3A_364 = tpu.memref_slice %arg6[%dma_wait3A_359, %dma_wait3A_363] : memref<56x4096xi32, #tpu.memory_space<vmem_shared>> -> memref<1x4096xi32, #tpu.memory_space<vmem_shared>>
      %dma_wait3A_365 = tpu.memref_squeeze %dma_wait3A_364 : memref<1x4096xi32, #tpu.memory_space<vmem_shared>> -> memref<4096xi32, #tpu.memory_space<vmem_shared>>
      tpu.wait_dma2 semaphore(%arg11 : memref<!tpu.dma_semaphore, #tpu.memory_space<semaphore_mem>>) src(%dma_wait3A_365 : memref<4096xi32, #tpu.memory_space<vmem_shared>>) dst(%arg7 : memref<4096xi32, #tpu.memory_space<vmem>>)
      %gt3A = arith.constant 0 : i32
      %gt3A_366 = arith.cmpi sgt, %scan3A_354, %gt3A : i32
      %convert_element_type3A_367 = arith.extui %gt3A_366 : i1 to i32
      %cond3A_368 = arith.constant 0 : i32
      %cond3A_369 = arith.cmpi ne, %convert_element_type3A_367, %cond3A_368 : i32
      scf.if %cond3A_369 {
        %dma_wait3A_416 = arith.constant 0 : i32
        %dma_wait3A_417 = arith.constant 0 : i32
        %dma_wait3A_418 = tpu.memref_slice %arg4[%dma_wait3A_416, %add3A_177, %dma_wait3A_417] : memref<200x64x4096xf32, #tpu.memory_space<hbm>> -> memref<1x1x4096xf32, #tpu.memory_space<hbm>>
        %dma_wait3A_419 = tpu.memref_squeeze %dma_wait3A_418 : memref<1x1x4096xf32, #tpu.memory_space<hbm>> -> memref<4096xf32, #tpu.memory_space<hbm>>
        %dma_wait3A_420 = arith.constant 0 : i32
        %dma_wait3A_421 = tpu.memref_slice %arg4[%dma_wait3A_416, %add3A_177, %dma_wait3A_420] : memref<200x64x4096xf32, #tpu.memory_space<hbm>> -> memref<1x1x4096xf32, #tpu.memory_space<hbm>>
        %dma_wait3A_422 = tpu.memref_squeeze %dma_wait3A_421 : memref<1x1x4096xf32, #tpu.memory_space<hbm>> -> memref<4096xf32, #tpu.memory_space<hbm>>
        tpu.wait_dma2 semaphore(%arg13 : memref<!tpu.dma_semaphore, #tpu.memory_space<semaphore_mem>>) src(%arg9 : memref<4096xf32, #tpu.memory_space<vmem>>) dst(%dma_wait3A_422 : memref<4096xf32, #tpu.memory_space<hbm>>)
      } else {
      }
      %parallel_loop3A = arith.constant 0 : i32
      %parallel_loop3A_370 = arith.constant 4096 : i32
      %parallel_loop3A_371 = arith.constant 16 : i32
      scf.for %parallel_loop3A_416 = %parallel_loop3A to %parallel_loop3A_370 step %parallel_loop3A_371  : i32 {
        %parallel_loop3A_417 = arith.index_cast %parallel_loop3A_416 : i32 to index
        %parallel_loop3A_418 = tpu.vector_load %arg7[%parallel_loop3A_417] {strides = array<i32>} : memref<4096xi32, #tpu.memory_space<vmem>>, vector<16xi32>,
        %parallel_loop3A_419 = tpu.vector_load_idx %arg5[%parallel_loop3A_418] : memref<100000xf32, #tpu.memory_space<vmem>>[vector<16xi32>], vector<16xf32>,
        %parallel_loop3A_420 = arith.index_cast %parallel_loop3A_416 : i32 to index
        %parallel_loop3A_421 = tpu.vector_load %arg9[%parallel_loop3A_420] {strides = array<i32>} : memref<4096xf32, #tpu.memory_space<vmem>>, vector<16xf32>,
        tpu.vector_store %arg9[%parallel_loop3A_420], %parallel_loop3A_419 {strides = array<i32>} : memref<4096xf32, #tpu.memory_space<vmem>>, vector<16xf32>,
      } {sc.loop_unroll_factor = 16 : i64, sc.parallel_access}
      %lt3A = arith.constant 27 : i32
      %lt3A_372 = arith.cmpi slt, %scan3A_354, %lt3A : i32
      %convert_element_type3A_373 = arith.extui %lt3A_372 : i1 to i32
      %cond3A_374 = arith.constant 0 : i32
      %cond3A_375 = arith.cmpi ne, %convert_element_type3A_373, %cond3A_374 : i32
      scf.if %cond3A_375 {
        %add3A_416 = arith.constant 2 : i32
        %add3A_417 = arith.addi %add3A_358, %add3A_416 : i32
        %dma_start3A_418 = arith.constant 0 : i32
        %dma_start3A_419 = tpu.memref_slice %arg6[%add3A_417, %dma_start3A_418] : memref<56x4096xi32, #tpu.memory_space<vmem_shared>> -> memref<1x4096xi32, #tpu.memory_space<vmem_shared>>
        %dma_start3A_420 = tpu.memref_squeeze %dma_start3A_419 : memref<1x4096xi32, #tpu.memory_space<vmem_shared>> -> memref<4096xi32, #tpu.memory_space<vmem_shared>>
        %dma_start3A_421 = arith.constant 0 : i32
        %dma_start3A_422 = tpu.memref_slice %arg6[%add3A_417, %dma_start3A_421] : memref<56x4096xi32, #tpu.memory_space<vmem_shared>> -> memref<1x4096xi32, #tpu.memory_space<vmem_shared>>
        %dma_start3A_423 = tpu.memref_squeeze %dma_start3A_422 : memref<1x4096xi32, #tpu.memory_space<vmem_shared>> -> memref<4096xi32, #tpu.memory_space<vmem_shared>>
        tpu.enqueue_dma source(%dma_start3A_423 : memref<4096xi32, #tpu.memory_space<vmem_shared>>) target(%arg7 : memref<4096xi32, #tpu.memory_space<vmem>>) target_semaphore(%arg11 : memref<!tpu.dma_semaphore, #tpu.memory_space<semaphore_mem>>)
      } else {
      }
      %add3A_376 = arith.constant 0 : i32
      %add3A_377 = arith.addi %add3A_376, %add3A_358 : i32
      %dma_start3A_378 = arith.constant 0 : i32
      %dma_start3A_379 = tpu.memref_slice %arg4[%add3A_377, %add3A_177, %dma_start3A_378] : memref<200x64x4096xf32, #tpu.memory_space<hbm>> -> memref<1x1x4096xf32, #tpu.memory_space<hbm>>
      %dma_start3A_380 = tpu.memref_squeeze %dma_start3A_379 : memref<1x1x4096xf32, #tpu.memory_space<hbm>> -> memref<4096xf32, #tpu.memory_space<hbm>>
      %dma_start3A_381 = arith.constant 0 : i32
      %dma_start3A_382 = tpu.memref_slice %arg4[%add3A_377, %add3A_177, %dma_start3A_381] : memref<200x64x4096xf32, #tpu.memory_space<hbm>> -> memref<1x1x4096xf32, #tpu.memory_space<hbm>>
      %dma_start3A_383 = tpu.memref_squeeze %dma_start3A_382 : memref<1x1x4096xf32, #tpu.memory_space<hbm>> -> memref<4096xf32, #tpu.memory_space<hbm>>
      tpu.enqueue_dma source(%arg9 : memref<4096xf32, #tpu.memory_space<vmem>>) target(%dma_start3A_383 : memref<4096xf32, #tpu.memory_space<hbm>>) target_semaphore(%arg13 : memref<!tpu.dma_semaphore, #tpu.memory_space<semaphore_mem>>)
      %mul3A_384 = arith.constant 2 : i32
      %mul3A_385 = arith.muli %mul3A_384, %scan3A_354 : i32
      %add3A_386 = arith.constant 1 : i32
      %add3A_387 = arith.addi %mul3A_385, %add3A_386 : i32
      %dma_wait3A_388 = arith.constant 0 : i32
      %dma_wait3A_389 = arith.constant 0 : i32
      %dma_wait3A_390 = tpu.memref_slice %arg6[%dma_wait3A_388, %dma_wait3A_389] : memref<56x4096xi32, #tpu.memory_space<vmem_shared>> -> memref<1x4096xi32, #tpu.memory_space<vmem_shared>>
      %dma_wait3A_391 = tpu.memref_squeeze %dma_wait3A_390 : memref<1x4096xi32, #tpu.memory_space<vmem_shared>> -> memref<4096xi32, #tpu.memory_space<vmem_shared>>
      %dma_wait3A_392 = arith.constant 0 : i32
      %dma_wait3A_393 = tpu.memref_slice %arg6[%dma_wait3A_388, %dma_wait3A_392] : memref<56x4096xi32, #tpu.memory_space<vmem_shared>> -> memref<1x4096xi32, #tpu.memory_space<vmem_shared>>
      %dma_wait3A_394 = tpu.memref_squeeze %dma_wait3A_393 : memref<1x4096xi32, #tpu.memory_space<vmem_shared>> -> memref<4096xi32, #tpu.memory_space<vmem_shared>>
      tpu.wait_dma2 semaphore(%arg12 : memref<!tpu.dma_semaphore, #tpu.memory_space<semaphore_mem>>) src(%dma_wait3A_394 : memref<4096xi32, #tpu.memory_space<vmem_shared>>) dst(%arg8 : memref<4096xi32, #tpu.memory_space<vmem>>)
      %gt3A_395 = arith.constant 0 : i32
      %gt3A_396 = arith.cmpi sgt, %scan3A_354, %gt3A_395 : i32
      %convert_element_type3A_397 = arith.extui %gt3A_396 : i1 to i32
      %cond3A_398 = arith.constant 0 : i32
      %cond3A_399 = arith.cmpi ne, %convert_element_type3A_397, %cond3A_398 : i32
      scf.if %cond3A_399 {
        %dma_wait3A_416 = arith.constant 0 : i32
        %dma_wait3A_417 = arith.constant 0 : i32
        %dma_wait3A_418 = tpu.memref_slice %arg4[%dma_wait3A_416, %add3A_177, %dma_wait3A_417] : memref<200x64x4096xf32, #tpu.memory_space<hbm>> -> memref<1x1x4096xf32, #tpu.memory_space<hbm>>
        %dma_wait3A_419 = tpu.memref_squeeze %dma_wait3A_418 : memref<1x1x4096xf32, #tpu.memory_space<hbm>> -> memref<4096xf32, #tpu.memory_space<hbm>>
        %dma_wait3A_420 = arith.constant 0 : i32
        %dma_wait3A_421 = tpu.memref_slice %arg4[%dma_wait3A_416, %add3A_177, %dma_wait3A_420] : memref<200x64x4096xf32, #tpu.memory_space<hbm>> -> memref<1x1x4096xf32, #tpu.memory_space<hbm>>
        %dma_wait3A_422 = tpu.memref_squeeze %dma_wait3A_421 : memref<1x1x4096xf32, #tpu.memory_space<hbm>> -> memref<4096xf32, #tpu.memory_space<hbm>>
        tpu.wait_dma2 semaphore(%arg14 : memref<!tpu.dma_semaphore, #tpu.memory_space<semaphore_mem>>) src(%arg10 : memref<4096xf32, #tpu.memory_space<vmem>>) dst(%dma_wait3A_422 : memref<4096xf32, #tpu.memory_space<hbm>>)
      } else {
      }
      %parallel_loop3A_400 = arith.constant 0 : i32
      %parallel_loop3A_401 = arith.constant 4096 : i32
      %parallel_loop3A_402 = arith.constant 16 : i32
      scf.for %parallel_loop3A_416 = %parallel_loop3A_400 to %parallel_loop3A_401 step %parallel_loop3A_402  : i32 {
        %parallel_loop3A_417 = arith.index_cast %parallel_loop3A_416 : i32 to index
        %parallel_loop3A_418 = tpu.vector_load %arg8[%parallel_loop3A_417] {strides = array<i32>} : memref<4096xi32, #tpu.memory_space<vmem>>, vector<16xi32>,
        %parallel_loop3A_419 = tpu.vector_load_idx %arg5[%parallel_loop3A_418] : memref<100000xf32, #tpu.memory_space<vmem>>[vector<16xi32>], vector<16xf32>,
        %parallel_loop3A_420 = arith.index_cast %parallel_loop3A_416 : i32 to index
        %parallel_loop3A_421 = tpu.vector_load %arg10[%parallel_loop3A_420] {strides = array<i32>} : memref<4096xf32, #tpu.memory_space<vmem>>, vector<16xf32>,
        tpu.vector_store %arg10[%parallel_loop3A_420], %parallel_loop3A_419 {strides = array<i32>} : memref<4096xf32, #tpu.memory_space<vmem>>, vector<16xf32>,
      } {sc.loop_unroll_factor = 16 : i64, sc.parallel_access}
      %lt3A_403 = arith.constant 27 : i32
      %lt3A_404 = arith.cmpi slt, %scan3A_354, %lt3A_403 : i32
      %convert_element_type3A_405 = arith.extui %lt3A_404 : i1 to i32
      %cond3A_406 = arith.constant 0 : i32
      %cond3A_407 = arith.cmpi ne, %convert_element_type3A_405, %cond3A_406 : i32
      scf.if %cond3A_407 {
        %add3A_416 = arith.constant 2 : i32
        %add3A_417 = arith.addi %add3A_387, %add3A_416 : i32
        %dma_start3A_418 = arith.constant 0 : i32
        %dma_start3A_419 = tpu.memref_slice %arg6[%add3A_417, %dma_start3A_418] : memref<56x4096xi32, #tpu.memory_space<vmem_shared>> -> memref<1x4096xi32, #tpu.memory_space<vmem_shared>>
        %dma_start3A_420 = tpu.memref_squeeze %dma_start3A_419 : memref<1x4096xi32, #tpu.memory_space<vmem_shared>> -> memref<4096xi32, #tpu.memory_space<vmem_shared>>
        %dma_start3A_421 = arith.constant 0 : i32
        %dma_start3A_422 = tpu.memref_slice %arg6[%add3A_417, %dma_start3A_421] : memref<56x4096xi32, #tpu.memory_space<vmem_shared>> -> memref<1x4096xi32, #tpu.memory_space<vmem_shared>>
        %dma_start3A_423 = tpu.memref_squeeze %dma_start3A_422 : memref<1x4096xi32, #tpu.memory_space<vmem_shared>> -> memref<4096xi32, #tpu.memory_space<vmem_shared>>
        tpu.enqueue_dma source(%dma_start3A_423 : memref<4096xi32, #tpu.memory_space<vmem_shared>>) target(%arg8 : memref<4096xi32, #tpu.memory_space<vmem>>) target_semaphore(%arg12 : memref<!tpu.dma_semaphore, #tpu.memory_space<semaphore_mem>>)
      } else {
      }
      %add3A_408 = arith.constant 0 : i32
      %add3A_409 = arith.addi %add3A_408, %add3A_387 : i32
      %dma_start3A_410 = arith.constant 0 : i32
      %dma_start3A_411 = tpu.memref_slice %arg4[%add3A_409, %add3A_177, %dma_start3A_410] : memref<200x64x4096xf32, #tpu.memory_space<hbm>> -> memref<1x1x4096xf32, #tpu.memory_space<hbm>>
      %dma_start3A_412 = tpu.memref_squeeze %dma_start3A_411 : memref<1x1x4096xf32, #tpu.memory_space<hbm>> -> memref<4096xf32, #tpu.memory_space<hbm>>
      %dma_start3A_413 = arith.constant 0 : i32
      %dma_start3A_414 = tpu.memref_slice %arg4[%add3A_409, %add3A_177, %dma_start3A_413] : memref<200x64x4096xf32, #tpu.memory_space<hbm>> -> memref<1x1x4096xf32, #tpu.memory_space<hbm>>
      %dma_start3A_415 = tpu.memref_squeeze %dma_start3A_414 : memref<1x1x4096xf32, #tpu.memory_space<hbm>> -> memref<4096xf32, #tpu.memory_space<hbm>>
      tpu.enqueue_dma source(%arg10 : memref<4096xf32, #tpu.memory_space<vmem>>) target(%dma_start3A_415 : memref<4096xf32, #tpu.memory_space<hbm>>) target_semaphore(%arg14 : memref<!tpu.dma_semaphore, #tpu.memory_space<semaphore_mem>>)
    }
    %scan3A_216 = arith.constant 28 : i32
    %dma_wait3A_217 = arith.constant 0 : i32
    %dma_wait3A_218 = arith.constant 0 : i32
    %dma_wait3A_219 = tpu.memref_slice %arg4[%dma_wait3A_217, %add3A_177, %dma_wait3A_218] : memref<200x64x4096xf32, #tpu.memory_space<hbm>> -> memref<1x1x4096xf32, #tpu.memory_space<hbm>>
    %dma_wait3A_220 = tpu.memref_squeeze %dma_wait3A_219 : memref<1x1x4096xf32, #tpu.memory_space<hbm>> -> memref<4096xf32, #tpu.memory_space<hbm>>
    %dma_wait3A_221 = arith.constant 0 : i32
    %dma_wait3A_222 = tpu.memref_slice %arg4[%dma_wait3A_217, %add3A_177, %dma_wait3A_221] : memref<200x64x4096xf32, #tpu.memory_space<hbm>> -> memref<1x1x4096xf32, #tpu.memory_space<hbm>>
    %dma_wait3A_223 = tpu.memref_squeeze %dma_wait3A_222 : memref<1x1x4096xf32, #tpu.memory_space<hbm>> -> memref<4096xf32, #tpu.memory_space<hbm>>
    tpu.wait_dma2 semaphore(%arg13 : memref<!tpu.dma_semaphore, #tpu.memory_space<semaphore_mem>>) src(%arg9 : memref<4096xf32, #tpu.memory_space<vmem>>) dst(%dma_wait3A_223 : memref<4096xf32, #tpu.memory_space<hbm>>)
    %dma_wait3A_224 = arith.constant 0 : i32
    %dma_wait3A_225 = arith.constant 0 : i32
    %dma_wait3A_226 = tpu.memref_slice %arg4[%dma_wait3A_224, %add3A_177, %dma_wait3A_225] : memref<200x64x4096xf32, #tpu.memory_space<hbm>> -> memref<1x1x4096xf32, #tpu.memory_space<hbm>>
    %dma_wait3A_227 = tpu.memref_squeeze %dma_wait3A_226 : memref<1x1x4096xf32, #tpu.memory_space<hbm>> -> memref<4096xf32, #tpu.memory_space<hbm>>
    %dma_wait3A_228 = arith.constant 0 : i32
    %dma_wait3A_229 = tpu.memref_slice %arg4[%dma_wait3A_224, %add3A_177, %dma_wait3A_228] : memref<200x64x4096xf32, #tpu.memory_space<hbm>> -> memref<1x1x4096xf32, #tpu.memory_space<hbm>>
    %dma_wait3A_230 = tpu.memref_squeeze %dma_wait3A_229 : memref<1x1x4096xf32, #tpu.memory_space<hbm>> -> memref<4096xf32, #tpu.memory_space<hbm>>
    tpu.wait_dma2 semaphore(%arg14 : memref<!tpu.dma_semaphore, #tpu.memory_space<semaphore_mem>>) src(%arg10 : memref<4096xf32, #tpu.memory_space<vmem>>) dst(%dma_wait3A_230 : memref<4096xf32, #tpu.memory_space<hbm>>)
    %barrier3A_231 = arith.constant 0 : index
    tpu.barrier barrier_id(%barrier3A_231)
    %eq3A_232 = arith.constant 0 : i32
    %eq3A_233 = arith.cmpi eq, %arg1, %eq3A_232 : i32
    %convert_element_type3A_234 = arith.extui %eq3A_233 : i1 to i32
    %cond3A_235 = arith.constant 0 : i32
    %cond3A_236 = arith.cmpi ne, %convert_element_type3A_234, %cond3A_235 : i32
    scf.if %cond3A_236 {
      "tpu.region"() ({
        %run_scoped3A = tpu.sem_alloc : memref<!tpu.dma_semaphore, #tpu.memory_space<semaphore_mem>>
        %dma_start3A_354 = arith.constant 0 : i32
        %dma_start3A_355 = arith.constant 0 : i32
        %dma_start3A_356 = tpu.memref_slice %arg6[%dma_start3A_354, %dma_start3A_355] : memref<56x4096xi32, #tpu.memory_space<vmem_shared>> -> memref<56x4096xi32, #tpu.memory_space<vmem_shared>>
        %dma_start3A_357 = arith.constant 56 : i32
        %dma_start3A_358 = arith.constant 0 : i32
        %dma_start3A_359 = tpu.memref_slice %arg2[%dma_start3A_357, %dma_start3A_358] : memref<200x4096xi32, #tpu.memory_space<hbm>> -> memref<56x4096xi32, #tpu.memory_space<hbm>>
        tpu.enqueue_dma source(%dma_start3A_359 : memref<56x4096xi32, #tpu.memory_space<hbm>>) target(%dma_start3A_356 : memref<56x4096xi32, #tpu.memory_space<vmem_shared>>) target_semaphore(%run_scoped3A : memref<!tpu.dma_semaphore, #tpu.memory_space<semaphore_mem>>)
        %dma_wait3A_360 = arith.constant 0 : i32
        %dma_wait3A_361 = arith.constant 0 : i32
        %dma_wait3A_362 = tpu.memref_slice %arg6[%dma_wait3A_360, %dma_wait3A_361] : memref<56x4096xi32, #tpu.memory_space<vmem_shared>> -> memref<56x4096xi32, #tpu.memory_space<vmem_shared>>
        %dma_wait3A_363 = arith.constant 56 : i32
        %dma_wait3A_364 = arith.constant 0 : i32
        %dma_wait3A_365 = tpu.memref_slice %arg2[%dma_wait3A_363, %dma_wait3A_364] : memref<200x4096xi32, #tpu.memory_space<hbm>> -> memref<56x4096xi32, #tpu.memory_space<hbm>>
        tpu.wait_dma2 semaphore(%run_scoped3A : memref<!tpu.dma_semaphore, #tpu.memory_space<semaphore_mem>>) src(%dma_wait3A_365 : memref<56x4096xi32, #tpu.memory_space<hbm>>) dst(%dma_wait3A_362 : memref<56x4096xi32, #tpu.memory_space<vmem_shared>>)
        tpu.yield
      }) : () -> ()
    } else {
    }
    %barrier3A_237 = arith.constant 0 : index
    tpu.barrier barrier_id(%barrier3A_237)
    %dma_start3A_238 = arith.constant 0 : i32
    %dma_start3A_239 = arith.constant 0 : i32
    %dma_start3A_240 = tpu.memref_slice %arg6[%dma_start3A_238, %dma_start3A_239] : memref<56x4096xi32, #tpu.memory_space<vmem_shared>> -> memref<1x4096xi32, #tpu.memory_space<vmem_shared>>
    %dma_start3A_241 = tpu.memref_squeeze %dma_start3A_240 : memref<1x4096xi32, #tpu.memory_space<vmem_shared>> -> memref<4096xi32, #tpu.memory_space<vmem_shared>>
    %dma_start3A_242 = arith.constant 0 : i32
    %dma_start3A_243 = tpu.memref_slice %arg6[%dma_start3A_238, %dma_start3A_242] : memref<56x4096xi32, #tpu.memory_space<vmem_shared>> -> memref<1x4096xi32, #tpu.memory_space<vmem_shared>>
    %dma_start3A_244 = tpu.memref_squeeze %dma_start3A_243 : memref<1x4096xi32, #tpu.memory_space<vmem_shared>> -> memref<4096xi32, #tpu.memory_space<vmem_shared>>
    tpu.enqueue_dma source(%dma_start3A_244 : memref<4096xi32, #tpu.memory_space<vmem_shared>>) target(%arg7 : memref<4096xi32, #tpu.memory_space<vmem>>) target_semaphore(%arg11 : memref<!tpu.dma_semaphore, #tpu.memory_space<semaphore_mem>>)
    %dma_start3A_245 = arith.constant 1 : i32
    %dma_start3A_246 = arith.constant 0 : i32
    %dma_start3A_247 = tpu.memref_slice %arg6[%dma_start3A_245, %dma_start3A_246] : memref<56x4096xi32, #tpu.memory_space<vmem_shared>> -> memref<1x4096xi32, #tpu.memory_space<vmem_shared>>
    %dma_start3A_248 = tpu.memref_squeeze %dma_start3A_247 : memref<1x4096xi32, #tpu.memory_space<vmem_shared>> -> memref<4096xi32, #tpu.memory_space<vmem_shared>>
    %dma_start3A_249 = arith.constant 0 : i32
    %dma_start3A_250 = tpu.memref_slice %arg6[%dma_start3A_245, %dma_start3A_249] : memref<56x4096xi32, #tpu.memory_space<vmem_shared>> -> memref<1x4096xi32, #tpu.memory_space<vmem_shared>>
    %dma_start3A_251 = tpu.memref_squeeze %dma_start3A_250 : memref<1x4096xi32, #tpu.memory_space<vmem_shared>> -> memref<4096xi32, #tpu.memory_space<vmem_shared>>
    tpu.enqueue_dma source(%dma_start3A_251 : memref<4096xi32, #tpu.memory_space<vmem_shared>>) target(%arg8 : memref<4096xi32, #tpu.memory_space<vmem>>) target_semaphore(%arg12 : memref<!tpu.dma_semaphore, #tpu.memory_space<semaphore_mem>>)
    %scan3A_252 = arith.constant 0 : i32
    %scan3A_253 = arith.constant 0 : i32
    %scan3A_254 = arith.constant 28 : i32
    %scan3A_255 = arith.addi %scan3A_253, %scan3A_254 : i32
    %scan3A_256 = arith.constant 1 : i32
    scf.for %scan3A_354 = %scan3A_253 to %scan3A_255 step %scan3A_256  : i32 {
      %mul3A_355 = arith.constant 2 : i32
      %mul3A_356 = arith.muli %mul3A_355, %scan3A_354 : i32
      %add3A_357 = arith.constant 0 : i32
      %add3A_358 = arith.addi %mul3A_356, %add3A_357 : i32
      %dma_wait3A_359 = arith.constant 0 : i32
      %dma_wait3A_360 = arith.constant 0 : i32
      %dma_wait3A_361 = tpu.memref_slice %arg6[%dma_wait3A_359, %dma_wait3A_360] : memref<56x4096xi32, #tpu.memory_space<vmem_shared>> -> memref<1x4096xi32, #tpu.memory_space<vmem_shared>>
      %dma_wait3A_362 = tpu.memref_squeeze %dma_wait3A_361 : memref<1x4096xi32, #tpu.memory_space<vmem_shared>> -> memref<4096xi32, #tpu.memory_space<vmem_shared>>
      %dma_wait3A_363 = arith.constant 0 : i32
      %dma_wait3A_364 = tpu.memref_slice %arg6[%dma_wait3A_359, %dma_wait3A_363] : memref<56x4096xi32, #tpu.memory_space<vmem_shared>> -> memref<1x4096xi32, #tpu.memory_space<vmem_shared>>
      %dma_wait3A_365 = tpu.memref_squeeze %dma_wait3A_364 : memref<1x4096xi32, #tpu.memory_space<vmem_shared>> -> memref<4096xi32, #tpu.memory_space<vmem_shared>>
      tpu.wait_dma2 semaphore(%arg11 : memref<!tpu.dma_semaphore, #tpu.memory_space<semaphore_mem>>) src(%dma_wait3A_365 : memref<4096xi32, #tpu.memory_space<vmem_shared>>) dst(%arg7 : memref<4096xi32, #tpu.memory_space<vmem>>)
      %gt3A = arith.constant 0 : i32
      %gt3A_366 = arith.cmpi sgt, %scan3A_354, %gt3A : i32
      %convert_element_type3A_367 = arith.extui %gt3A_366 : i1 to i32
      %cond3A_368 = arith.constant 0 : i32
      %cond3A_369 = arith.cmpi ne, %convert_element_type3A_367, %cond3A_368 : i32
      scf.if %cond3A_369 {
        %dma_wait3A_416 = arith.constant 0 : i32
        %dma_wait3A_417 = arith.constant 0 : i32
        %dma_wait3A_418 = tpu.memref_slice %arg4[%dma_wait3A_416, %add3A_177, %dma_wait3A_417] : memref<200x64x4096xf32, #tpu.memory_space<hbm>> -> memref<1x1x4096xf32, #tpu.memory_space<hbm>>
        %dma_wait3A_419 = tpu.memref_squeeze %dma_wait3A_418 : memref<1x1x4096xf32, #tpu.memory_space<hbm>> -> memref<4096xf32, #tpu.memory_space<hbm>>
        %dma_wait3A_420 = arith.constant 0 : i32
        %dma_wait3A_421 = tpu.memref_slice %arg4[%dma_wait3A_416, %add3A_177, %dma_wait3A_420] : memref<200x64x4096xf32, #tpu.memory_space<hbm>> -> memref<1x1x4096xf32, #tpu.memory_space<hbm>>
        %dma_wait3A_422 = tpu.memref_squeeze %dma_wait3A_421 : memref<1x1x4096xf32, #tpu.memory_space<hbm>> -> memref<4096xf32, #tpu.memory_space<hbm>>
        tpu.wait_dma2 semaphore(%arg13 : memref<!tpu.dma_semaphore, #tpu.memory_space<semaphore_mem>>) src(%arg9 : memref<4096xf32, #tpu.memory_space<vmem>>) dst(%dma_wait3A_422 : memref<4096xf32, #tpu.memory_space<hbm>>)
      } else {
      }
      %parallel_loop3A = arith.constant 0 : i32
      %parallel_loop3A_370 = arith.constant 4096 : i32
      %parallel_loop3A_371 = arith.constant 16 : i32
      scf.for %parallel_loop3A_416 = %parallel_loop3A to %parallel_loop3A_370 step %parallel_loop3A_371  : i32 {
        %parallel_loop3A_417 = arith.index_cast %parallel_loop3A_416 : i32 to index
        %parallel_loop3A_418 = tpu.vector_load %arg7[%parallel_loop3A_417] {strides = array<i32>} : memref<4096xi32, #tpu.memory_space<vmem>>, vector<16xi32>,
        %parallel_loop3A_419 = tpu.vector_load_idx %arg5[%parallel_loop3A_418] : memref<100000xf32, #tpu.memory_space<vmem>>[vector<16xi32>], vector<16xf32>,
        %parallel_loop3A_420 = arith.index_cast %parallel_loop3A_416 : i32 to index
        %parallel_loop3A_421 = tpu.vector_load %arg9[%parallel_loop3A_420] {strides = array<i32>} : memref<4096xf32, #tpu.memory_space<vmem>>, vector<16xf32>,
        tpu.vector_store %arg9[%parallel_loop3A_420], %parallel_loop3A_419 {strides = array<i32>} : memref<4096xf32, #tpu.memory_space<vmem>>, vector<16xf32>,
      } {sc.loop_unroll_factor = 16 : i64, sc.parallel_access}
      %lt3A = arith.constant 27 : i32
      %lt3A_372 = arith.cmpi slt, %scan3A_354, %lt3A : i32
      %convert_element_type3A_373 = arith.extui %lt3A_372 : i1 to i32
      %cond3A_374 = arith.constant 0 : i32
      %cond3A_375 = arith.cmpi ne, %convert_element_type3A_373, %cond3A_374 : i32
      scf.if %cond3A_375 {
        %add3A_416 = arith.constant 2 : i32
        %add3A_417 = arith.addi %add3A_358, %add3A_416 : i32
        %dma_start3A_418 = arith.constant 0 : i32
        %dma_start3A_419 = tpu.memref_slice %arg6[%add3A_417, %dma_start3A_418] : memref<56x4096xi32, #tpu.memory_space<vmem_shared>> -> memref<1x4096xi32, #tpu.memory_space<vmem_shared>>
        %dma_start3A_420 = tpu.memref_squeeze %dma_start3A_419 : memref<1x4096xi32, #tpu.memory_space<vmem_shared>> -> memref<4096xi32, #tpu.memory_space<vmem_shared>>
        %dma_start3A_421 = arith.constant 0 : i32
        %dma_start3A_422 = tpu.memref_slice %arg6[%add3A_417, %dma_start3A_421] : memref<56x4096xi32, #tpu.memory_space<vmem_shared>> -> memref<1x4096xi32, #tpu.memory_space<vmem_shared>>
        %dma_start3A_423 = tpu.memref_squeeze %dma_start3A_422 : memref<1x4096xi32, #tpu.memory_space<vmem_shared>> -> memref<4096xi32, #tpu.memory_space<vmem_shared>>
        tpu.enqueue_dma source(%dma_start3A_423 : memref<4096xi32, #tpu.memory_space<vmem_shared>>) target(%arg7 : memref<4096xi32, #tpu.memory_space<vmem>>) target_semaphore(%arg11 : memref<!tpu.dma_semaphore, #tpu.memory_space<semaphore_mem>>)
      } else {
      }
      %add3A_376 = arith.constant 56 : i32
      %add3A_377 = arith.addi %add3A_376, %add3A_358 : i32
      %dma_start3A_378 = arith.constant 0 : i32
      %dma_start3A_379 = tpu.memref_slice %arg4[%add3A_377, %add3A_177, %dma_start3A_378] : memref<200x64x4096xf32, #tpu.memory_space<hbm>> -> memref<1x1x4096xf32, #tpu.memory_space<hbm>>
      %dma_start3A_380 = tpu.memref_squeeze %dma_start3A_379 : memref<1x1x4096xf32, #tpu.memory_space<hbm>> -> memref<4096xf32, #tpu.memory_space<hbm>>
      %dma_start3A_381 = arith.constant 0 : i32
      %dma_start3A_382 = tpu.memref_slice %arg4[%add3A_377, %add3A_177, %dma_start3A_381] : memref<200x64x4096xf32, #tpu.memory_space<hbm>> -> memref<1x1x4096xf32, #tpu.memory_space<hbm>>
      %dma_start3A_383 = tpu.memref_squeeze %dma_start3A_382 : memref<1x1x4096xf32, #tpu.memory_space<hbm>> -> memref<4096xf32, #tpu.memory_space<hbm>>
      tpu.enqueue_dma source(%arg9 : memref<4096xf32, #tpu.memory_space<vmem>>) target(%dma_start3A_383 : memref<4096xf32, #tpu.memory_space<hbm>>) target_semaphore(%arg13 : memref<!tpu.dma_semaphore, #tpu.memory_space<semaphore_mem>>)
      %mul3A_384 = arith.constant 2 : i32
      %mul3A_385 = arith.muli %mul3A_384, %scan3A_354 : i32
      %add3A_386 = arith.constant 1 : i32
      %add3A_387 = arith.addi %mul3A_385, %add3A_386 : i32
      %dma_wait3A_388 = arith.constant 0 : i32
      %dma_wait3A_389 = arith.constant 0 : i32
      %dma_wait3A_390 = tpu.memref_slice %arg6[%dma_wait3A_388, %dma_wait3A_389] : memref<56x4096xi32, #tpu.memory_space<vmem_shared>> -> memref<1x4096xi32, #tpu.memory_space<vmem_shared>>
      %dma_wait3A_391 = tpu.memref_squeeze %dma_wait3A_390 : memref<1x4096xi32, #tpu.memory_space<vmem_shared>> -> memref<4096xi32, #tpu.memory_space<vmem_shared>>
      %dma_wait3A_392 = arith.constant 0 : i32
      %dma_wait3A_393 = tpu.memref_slice %arg6[%dma_wait3A_388, %dma_wait3A_392] : memref<56x4096xi32, #tpu.memory_space<vmem_shared>> -> memref<1x4096xi32, #tpu.memory_space<vmem_shared>>
      %dma_wait3A_394 = tpu.memref_squeeze %dma_wait3A_393 : memref<1x4096xi32, #tpu.memory_space<vmem_shared>> -> memref<4096xi32, #tpu.memory_space<vmem_shared>>
      tpu.wait_dma2 semaphore(%arg12 : memref<!tpu.dma_semaphore, #tpu.memory_space<semaphore_mem>>) src(%dma_wait3A_394 : memref<4096xi32, #tpu.memory_space<vmem_shared>>) dst(%arg8 : memref<4096xi32, #tpu.memory_space<vmem>>)
      %gt3A_395 = arith.constant 0 : i32
      %gt3A_396 = arith.cmpi sgt, %scan3A_354, %gt3A_395 : i32
      %convert_element_type3A_397 = arith.extui %gt3A_396 : i1 to i32
      %cond3A_398 = arith.constant 0 : i32
      %cond3A_399 = arith.cmpi ne, %convert_element_type3A_397, %cond3A_398 : i32
      scf.if %cond3A_399 {
        %dma_wait3A_416 = arith.constant 0 : i32
        %dma_wait3A_417 = arith.constant 0 : i32
        %dma_wait3A_418 = tpu.memref_slice %arg4[%dma_wait3A_416, %add3A_177, %dma_wait3A_417] : memref<200x64x4096xf32, #tpu.memory_space<hbm>> -> memref<1x1x4096xf32, #tpu.memory_space<hbm>>
        %dma_wait3A_419 = tpu.memref_squeeze %dma_wait3A_418 : memref<1x1x4096xf32, #tpu.memory_space<hbm>> -> memref<4096xf32, #tpu.memory_space<hbm>>
        %dma_wait3A_420 = arith.constant 0 : i32
        %dma_wait3A_421 = tpu.memref_slice %arg4[%dma_wait3A_416, %add3A_177, %dma_wait3A_420] : memref<200x64x4096xf32, #tpu.memory_space<hbm>> -> memref<1x1x4096xf32, #tpu.memory_space<hbm>>
        %dma_wait3A_422 = tpu.memref_squeeze %dma_wait3A_421 : memref<1x1x4096xf32, #tpu.memory_space<hbm>> -> memref<4096xf32, #tpu.memory_space<hbm>>
        tpu.wait_dma2 semaphore(%arg14 : memref<!tpu.dma_semaphore, #tpu.memory_space<semaphore_mem>>) src(%arg10 : memref<4096xf32, #tpu.memory_space<vmem>>) dst(%dma_wait3A_422 : memref<4096xf32, #tpu.memory_space<hbm>>)
      } else {
      }
      %parallel_loop3A_400 = arith.constant 0 : i32
      %parallel_loop3A_401 = arith.constant 4096 : i32
      %parallel_loop3A_402 = arith.constant 16 : i32
      scf.for %parallel_loop3A_416 = %parallel_loop3A_400 to %parallel_loop3A_401 step %parallel_loop3A_402  : i32 {
        %parallel_loop3A_417 = arith.index_cast %parallel_loop3A_416 : i32 to index
        %parallel_loop3A_418 = tpu.vector_load %arg8[%parallel_loop3A_417] {strides = array<i32>} : memref<4096xi32, #tpu.memory_space<vmem>>, vector<16xi32>,
        %parallel_loop3A_419 = tpu.vector_load_idx %arg5[%parallel_loop3A_418] : memref<100000xf32, #tpu.memory_space<vmem>>[vector<16xi32>], vector<16xf32>,
        %parallel_loop3A_420 = arith.index_cast %parallel_loop3A_416 : i32 to index
        %parallel_loop3A_421 = tpu.vector_load %arg10[%parallel_loop3A_420] {strides = array<i32>} : memref<4096xf32, #tpu.memory_space<vmem>>, vector<16xf32>,
        tpu.vector_store %arg10[%parallel_loop3A_420], %parallel_loop3A_419 {strides = array<i32>} : memref<4096xf32, #tpu.memory_space<vmem>>, vector<16xf32>,
      } {sc.loop_unroll_factor = 16 : i64, sc.parallel_access}
      %lt3A_403 = arith.constant 27 : i32
      %lt3A_404 = arith.cmpi slt, %scan3A_354, %lt3A_403 : i32
      %convert_element_type3A_405 = arith.extui %lt3A_404 : i1 to i32
      %cond3A_406 = arith.constant 0 : i32
      %cond3A_407 = arith.cmpi ne, %convert_element_type3A_405, %cond3A_406 : i32
      scf.if %cond3A_407 {
        %add3A_416 = arith.constant 2 : i32
        %add3A_417 = arith.addi %add3A_387, %add3A_416 : i32
        %dma_start3A_418 = arith.constant 0 : i32
        %dma_start3A_419 = tpu.memref_slice %arg6[%add3A_417, %dma_start3A_418] : memref<56x4096xi32, #tpu.memory_space<vmem_shared>> -> memref<1x4096xi32, #tpu.memory_space<vmem_shared>>
        %dma_start3A_420 = tpu.memref_squeeze %dma_start3A_419 : memref<1x4096xi32, #tpu.memory_space<vmem_shared>> -> memref<4096xi32, #tpu.memory_space<vmem_shared>>
        %dma_start3A_421 = arith.constant 0 : i32
        %dma_start3A_422 = tpu.memref_slice %arg6[%add3A_417, %dma_start3A_421] : memref<56x4096xi32, #tpu.memory_space<vmem_shared>> -> memref<1x4096xi32, #tpu.memory_space<vmem_shared>>
        %dma_start3A_423 = tpu.memref_squeeze %dma_start3A_422 : memref<1x4096xi32, #tpu.memory_space<vmem_shared>> -> memref<4096xi32, #tpu.memory_space<vmem_shared>>
        tpu.enqueue_dma source(%dma_start3A_423 : memref<4096xi32, #tpu.memory_space<vmem_shared>>) target(%arg8 : memref<4096xi32, #tpu.memory_space<vmem>>) target_semaphore(%arg12 : memref<!tpu.dma_semaphore, #tpu.memory_space<semaphore_mem>>)
      } else {
      }
      %add3A_408 = arith.constant 56 : i32
      %add3A_409 = arith.addi %add3A_408, %add3A_387 : i32
      %dma_start3A_410 = arith.constant 0 : i32
      %dma_start3A_411 = tpu.memref_slice %arg4[%add3A_409, %add3A_177, %dma_start3A_410] : memref<200x64x4096xf32, #tpu.memory_space<hbm>> -> memref<1x1x4096xf32, #tpu.memory_space<hbm>>
      %dma_start3A_412 = tpu.memref_squeeze %dma_start3A_411 : memref<1x1x4096xf32, #tpu.memory_space<hbm>> -> memref<4096xf32, #tpu.memory_space<hbm>>
      %dma_start3A_413 = arith.constant 0 : i32
      %dma_start3A_414 = tpu.memref_slice %arg4[%add3A_409, %add3A_177, %dma_start3A_413] : memref<200x64x4096xf32, #tpu.memory_space<hbm>> -> memref<1x1x4096xf32, #tpu.memory_space<hbm>>
      %dma_start3A_415 = tpu.memref_squeeze %dma_start3A_414 : memref<1x1x4096xf32, #tpu.memory_space<hbm>> -> memref<4096xf32, #tpu.memory_space<hbm>>
      tpu.enqueue_dma source(%arg10 : memref<4096xf32, #tpu.memory_space<vmem>>) target(%dma_start3A_415 : memref<4096xf32, #tpu.memory_space<hbm>>) target_semaphore(%arg14 : memref<!tpu.dma_semaphore, #tpu.memory_space<semaphore_mem>>)
    }
    %scan3A_257 = arith.constant 28 : i32
    %dma_wait3A_258 = arith.constant 0 : i32
    %dma_wait3A_259 = arith.constant 0 : i32
    %dma_wait3A_260 = tpu.memref_slice %arg4[%dma_wait3A_258, %add3A_177, %dma_wait3A_259] : memref<200x64x4096xf32, #tpu.memory_space<hbm>> -> memref<1x1x4096xf32, #tpu.memory_space<hbm>>
    %dma_wait3A_261 = tpu.memref_squeeze %dma_wait3A_260 : memref<1x1x4096xf32, #tpu.memory_space<hbm>> -> memref<4096xf32, #tpu.memory_space<hbm>>
    %dma_wait3A_262 = arith.constant 0 : i32
    %dma_wait3A_263 = tpu.memref_slice %arg4[%dma_wait3A_258, %add3A_177, %dma_wait3A_262] : memref<200x64x4096xf32, #tpu.memory_space<hbm>> -> memref<1x1x4096xf32, #tpu.memory_space<hbm>>
    %dma_wait3A_264 = tpu.memref_squeeze %dma_wait3A_263 : memref<1x1x4096xf32, #tpu.memory_space<hbm>> -> memref<4096xf32, #tpu.memory_space<hbm>>
    tpu.wait_dma2 semaphore(%arg13 : memref<!tpu.dma_semaphore, #tpu.memory_space<semaphore_mem>>) src(%arg9 : memref<4096xf32, #tpu.memory_space<vmem>>) dst(%dma_wait3A_264 : memref<4096xf32, #tpu.memory_space<hbm>>)
    %dma_wait3A_265 = arith.constant 0 : i32
    %dma_wait3A_266 = arith.constant 0 : i32
    %dma_wait3A_267 = tpu.memref_slice %arg4[%dma_wait3A_265, %add3A_177, %dma_wait3A_266] : memref<200x64x4096xf32, #tpu.memory_space<hbm>> -> memref<1x1x4096xf32, #tpu.memory_space<hbm>>
    %dma_wait3A_268 = tpu.memref_squeeze %dma_wait3A_267 : memref<1x1x4096xf32, #tpu.memory_space<hbm>> -> memref<4096xf32, #tpu.memory_space<hbm>>
    %dma_wait3A_269 = arith.constant 0 : i32
    %dma_wait3A_270 = tpu.memref_slice %arg4[%dma_wait3A_265, %add3A_177, %dma_wait3A_269] : memref<200x64x4096xf32, #tpu.memory_space<hbm>> -> memref<1x1x4096xf32, #tpu.memory_space<hbm>>
    %dma_wait3A_271 = tpu.memref_squeeze %dma_wait3A_270 : memref<1x1x4096xf32, #tpu.memory_space<hbm>> -> memref<4096xf32, #tpu.memory_space<hbm>>
    tpu.wait_dma2 semaphore(%arg14 : memref<!tpu.dma_semaphore, #tpu.memory_space<semaphore_mem>>) src(%arg10 : memref<4096xf32, #tpu.memory_space<vmem>>) dst(%dma_wait3A_271 : memref<4096xf32, #tpu.memory_space<hbm>>)
    %barrier3A_272 = arith.constant 0 : index
    tpu.barrier barrier_id(%barrier3A_272)
    %eq3A_273 = arith.constant 0 : i32
    %eq3A_274 = arith.cmpi eq, %arg1, %eq3A_273 : i32
    %convert_element_type3A_275 = arith.extui %eq3A_274 : i1 to i32
    %cond3A_276 = arith.constant 0 : i32
    %cond3A_277 = arith.cmpi ne, %convert_element_type3A_275, %cond3A_276 : i32
    scf.if %cond3A_277 {
      "tpu.region"() ({
        %run_scoped3A = tpu.sem_alloc : memref<!tpu.dma_semaphore, #tpu.memory_space<semaphore_mem>>
        %dma_start3A_354 = arith.constant 0 : i32
        %dma_start3A_355 = arith.constant 0 : i32
        %dma_start3A_356 = tpu.memref_slice %arg6[%dma_start3A_354, %dma_start3A_355] : memref<56x4096xi32, #tpu.memory_space<vmem_shared>> -> memref<56x4096xi32, #tpu.memory_space<vmem_shared>>
        %dma_start3A_357 = arith.constant 112 : i32
        %dma_start3A_358 = arith.constant 0 : i32
        %dma_start3A_359 = tpu.memref_slice %arg2[%dma_start3A_357, %dma_start3A_358] : memref<200x4096xi32, #tpu.memory_space<hbm>> -> memref<56x4096xi32, #tpu.memory_space<hbm>>
        tpu.enqueue_dma source(%dma_start3A_359 : memref<56x4096xi32, #tpu.memory_space<hbm>>) target(%dma_start3A_356 : memref<56x4096xi32, #tpu.memory_space<vmem_shared>>) target_semaphore(%run_scoped3A : memref<!tpu.dma_semaphore, #tpu.memory_space<semaphore_mem>>)
        %dma_wait3A_360 = arith.constant 0 : i32
        %dma_wait3A_361 = arith.constant 0 : i32
        %dma_wait3A_362 = tpu.memref_slice %arg6[%dma_wait3A_360, %dma_wait3A_361] : memref<56x4096xi32, #tpu.memory_space<vmem_shared>> -> memref<56x4096xi32, #tpu.memory_space<vmem_shared>>
        %dma_wait3A_363 = arith.constant 112 : i32
        %dma_wait3A_364 = arith.constant 0 : i32
        %dma_wait3A_365 = tpu.memref_slice %arg2[%dma_wait3A_363, %dma_wait3A_364] : memref<200x4096xi32, #tpu.memory_space<hbm>> -> memref<56x4096xi32, #tpu.memory_space<hbm>>
        tpu.wait_dma2 semaphore(%run_scoped3A : memref<!tpu.dma_semaphore, #tpu.memory_space<semaphore_mem>>) src(%dma_wait3A_365 : memref<56x4096xi32, #tpu.memory_space<hbm>>) dst(%dma_wait3A_362 : memref<56x4096xi32, #tpu.memory_space<vmem_shared>>)
        tpu.yield
      }) : () -> ()
    } else {
    }
    %barrier3A_278 = arith.constant 0 : index
    tpu.barrier barrier_id(%barrier3A_278)
    %dma_start3A_279 = arith.constant 0 : i32
    %dma_start3A_280 = arith.constant 0 : i32
    %dma_start3A_281 = tpu.memref_slice %arg6[%dma_start3A_279, %dma_start3A_280] : memref<56x4096xi32, #tpu.memory_space<vmem_shared>> -> memref<1x4096xi32, #tpu.memory_space<vmem_shared>>
    %dma_start3A_282 = tpu.memref_squeeze %dma_start3A_281 : memref<1x4096xi32, #tpu.memory_space<vmem_shared>> -> memref<4096xi32, #tpu.memory_space<vmem_shared>>
    %dma_start3A_283 = arith.constant 0 : i32
    %dma_start3A_284 = tpu.memref_slice %arg6[%dma_start3A_279, %dma_start3A_283] : memref<56x4096xi32, #tpu.memory_space<vmem_shared>> -> memref<1x4096xi32, #tpu.memory_space<vmem_shared>>
    %dma_start3A_285 = tpu.memref_squeeze %dma_start3A_284 : memref<1x4096xi32, #tpu.memory_space<vmem_shared>> -> memref<4096xi32, #tpu.memory_space<vmem_shared>>
    tpu.enqueue_dma source(%dma_start3A_285 : memref<4096xi32, #tpu.memory_space<vmem_shared>>) target(%arg7 : memref<4096xi32, #tpu.memory_space<vmem>>) target_semaphore(%arg11 : memref<!tpu.dma_semaphore, #tpu.memory_space<semaphore_mem>>)
    %dma_start3A_286 = arith.constant 1 : i32
    %dma_start3A_287 = arith.constant 0 : i32
    %dma_start3A_288 = tpu.memref_slice %arg6[%dma_start3A_286, %dma_start3A_287] : memref<56x4096xi32, #tpu.memory_space<vmem_shared>> -> memref<1x4096xi32, #tpu.memory_space<vmem_shared>>
    %dma_start3A_289 = tpu.memref_squeeze %dma_start3A_288 : memref<1x4096xi32, #tpu.memory_space<vmem_shared>> -> memref<4096xi32, #tpu.memory_space<vmem_shared>>
    %dma_start3A_290 = arith.constant 0 : i32
    %dma_start3A_291 = tpu.memref_slice %arg6[%dma_start3A_286, %dma_start3A_290] : memref<56x4096xi32, #tpu.memory_space<vmem_shared>> -> memref<1x4096xi32, #tpu.memory_space<vmem_shared>>
    %dma_start3A_292 = tpu.memref_squeeze %dma_start3A_291 : memref<1x4096xi32, #tpu.memory_space<vmem_shared>> -> memref<4096xi32, #tpu.memory_space<vmem_shared>>
    tpu.enqueue_dma source(%dma_start3A_292 : memref<4096xi32, #tpu.memory_space<vmem_shared>>) target(%arg8 : memref<4096xi32, #tpu.memory_space<vmem>>) target_semaphore(%arg12 : memref<!tpu.dma_semaphore, #tpu.memory_space<semaphore_mem>>)
    %scan3A_293 = arith.constant 0 : i32
    %scan3A_294 = arith.constant 0 : i32
    %scan3A_295 = arith.constant 28 : i32
    %scan3A_296 = arith.addi %scan3A_294, %scan3A_295 : i32
    %scan3A_297 = arith.constant 1 : i32
    scf.for %scan3A_354 = %scan3A_294 to %scan3A_296 step %scan3A_297  : i32 {
      %mul3A_355 = arith.constant 2 : i32
      %mul3A_356 = arith.muli %mul3A_355, %scan3A_354 : i32
      %add3A_357 = arith.constant 0 : i32
      %add3A_358 = arith.addi %mul3A_356, %add3A_357 : i32
      %dma_wait3A_359 = arith.constant 0 : i32
      %dma_wait3A_360 = arith.constant 0 : i32
      %dma_wait3A_361 = tpu.memref_slice %arg6[%dma_wait3A_359, %dma_wait3A_360] : memref<56x4096xi32, #tpu.memory_space<vmem_shared>> -> memref<1x4096xi32, #tpu.memory_space<vmem_shared>>
      %dma_wait3A_362 = tpu.memref_squeeze %dma_wait3A_361 : memref<1x4096xi32, #tpu.memory_space<vmem_shared>> -> memref<4096xi32, #tpu.memory_space<vmem_shared>>
      %dma_wait3A_363 = arith.constant 0 : i32
      %dma_wait3A_364 = tpu.memref_slice %arg6[%dma_wait3A_359, %dma_wait3A_363] : memref<56x4096xi32, #tpu.memory_space<vmem_shared>> -> memref<1x4096xi32, #tpu.memory_space<vmem_shared>>
      %dma_wait3A_365 = tpu.memref_squeeze %dma_wait3A_364 : memref<1x4096xi32, #tpu.memory_space<vmem_shared>> -> memref<4096xi32, #tpu.memory_space<vmem_shared>>
      tpu.wait_dma2 semaphore(%arg11 : memref<!tpu.dma_semaphore, #tpu.memory_space<semaphore_mem>>) src(%dma_wait3A_365 : memref<4096xi32, #tpu.memory_space<vmem_shared>>) dst(%arg7 : memref<4096xi32, #tpu.memory_space<vmem>>)
      %gt3A = arith.constant 0 : i32
      %gt3A_366 = arith.cmpi sgt, %scan3A_354, %gt3A : i32
      %convert_element_type3A_367 = arith.extui %gt3A_366 : i1 to i32
      %cond3A_368 = arith.constant 0 : i32
      %cond3A_369 = arith.cmpi ne, %convert_element_type3A_367, %cond3A_368 : i32
      scf.if %cond3A_369 {
        %dma_wait3A_416 = arith.constant 0 : i32
        %dma_wait3A_417 = arith.constant 0 : i32
        %dma_wait3A_418 = tpu.memref_slice %arg4[%dma_wait3A_416, %add3A_177, %dma_wait3A_417] : memref<200x64x4096xf32, #tpu.memory_space<hbm>> -> memref<1x1x4096xf32, #tpu.memory_space<hbm>>
        %dma_wait3A_419 = tpu.memref_squeeze %dma_wait3A_418 : memref<1x1x4096xf32, #tpu.memory_space<hbm>> -> memref<4096xf32, #tpu.memory_space<hbm>>
        %dma_wait3A_420 = arith.constant 0 : i32
        %dma_wait3A_421 = tpu.memref_slice %arg4[%dma_wait3A_416, %add3A_177, %dma_wait3A_420] : memref<200x64x4096xf32, #tpu.memory_space<hbm>> -> memref<1x1x4096xf32, #tpu.memory_space<hbm>>
        %dma_wait3A_422 = tpu.memref_squeeze %dma_wait3A_421 : memref<1x1x4096xf32, #tpu.memory_space<hbm>> -> memref<4096xf32, #tpu.memory_space<hbm>>
        tpu.wait_dma2 semaphore(%arg13 : memref<!tpu.dma_semaphore, #tpu.memory_space<semaphore_mem>>) src(%arg9 : memref<4096xf32, #tpu.memory_space<vmem>>) dst(%dma_wait3A_422 : memref<4096xf32, #tpu.memory_space<hbm>>)
      } else {
      }
      %parallel_loop3A = arith.constant 0 : i32
      %parallel_loop3A_370 = arith.constant 4096 : i32
      %parallel_loop3A_371 = arith.constant 16 : i32
      scf.for %parallel_loop3A_416 = %parallel_loop3A to %parallel_loop3A_370 step %parallel_loop3A_371  : i32 {
        %parallel_loop3A_417 = arith.index_cast %parallel_loop3A_416 : i32 to index
        %parallel_loop3A_418 = tpu.vector_load %arg7[%parallel_loop3A_417] {strides = array<i32>} : memref<4096xi32, #tpu.memory_space<vmem>>, vector<16xi32>,
        %parallel_loop3A_419 = tpu.vector_load_idx %arg5[%parallel_loop3A_418] : memref<100000xf32, #tpu.memory_space<vmem>>[vector<16xi32>], vector<16xf32>,
        %parallel_loop3A_420 = arith.index_cast %parallel_loop3A_416 : i32 to index
        %parallel_loop3A_421 = tpu.vector_load %arg9[%parallel_loop3A_420] {strides = array<i32>} : memref<4096xf32, #tpu.memory_space<vmem>>, vector<16xf32>,
        tpu.vector_store %arg9[%parallel_loop3A_420], %parallel_loop3A_419 {strides = array<i32>} : memref<4096xf32, #tpu.memory_space<vmem>>, vector<16xf32>,
      } {sc.loop_unroll_factor = 16 : i64, sc.parallel_access}
      %lt3A = arith.constant 27 : i32
      %lt3A_372 = arith.cmpi slt, %scan3A_354, %lt3A : i32
      %convert_element_type3A_373 = arith.extui %lt3A_372 : i1 to i32
      %cond3A_374 = arith.constant 0 : i32
      %cond3A_375 = arith.cmpi ne, %convert_element_type3A_373, %cond3A_374 : i32
      scf.if %cond3A_375 {
        %add3A_416 = arith.constant 2 : i32
        %add3A_417 = arith.addi %add3A_358, %add3A_416 : i32
        %dma_start3A_418 = arith.constant 0 : i32
        %dma_start3A_419 = tpu.memref_slice %arg6[%add3A_417, %dma_start3A_418] : memref<56x4096xi32, #tpu.memory_space<vmem_shared>> -> memref<1x4096xi32, #tpu.memory_space<vmem_shared>>
        %dma_start3A_420 = tpu.memref_squeeze %dma_start3A_419 : memref<1x4096xi32, #tpu.memory_space<vmem_shared>> -> memref<4096xi32, #tpu.memory_space<vmem_shared>>
        %dma_start3A_421 = arith.constant 0 : i32
        %dma_start3A_422 = tpu.memref_slice %arg6[%add3A_417, %dma_start3A_421] : memref<56x4096xi32, #tpu.memory_space<vmem_shared>> -> memref<1x4096xi32, #tpu.memory_space<vmem_shared>>
        %dma_start3A_423 = tpu.memref_squeeze %dma_start3A_422 : memref<1x4096xi32, #tpu.memory_space<vmem_shared>> -> memref<4096xi32, #tpu.memory_space<vmem_shared>>
        tpu.enqueue_dma source(%dma_start3A_423 : memref<4096xi32, #tpu.memory_space<vmem_shared>>) target(%arg7 : memref<4096xi32, #tpu.memory_space<vmem>>) target_semaphore(%arg11 : memref<!tpu.dma_semaphore, #tpu.memory_space<semaphore_mem>>)
      } else {
      }
      %add3A_376 = arith.constant 112 : i32
      %add3A_377 = arith.addi %add3A_376, %add3A_358 : i32
      %dma_start3A_378 = arith.constant 0 : i32
      %dma_start3A_379 = tpu.memref_slice %arg4[%add3A_377, %add3A_177, %dma_start3A_378] : memref<200x64x4096xf32, #tpu.memory_space<hbm>> -> memref<1x1x4096xf32, #tpu.memory_space<hbm>>
      %dma_start3A_380 = tpu.memref_squeeze %dma_start3A_379 : memref<1x1x4096xf32, #tpu.memory_space<hbm>> -> memref<4096xf32, #tpu.memory_space<hbm>>
      %dma_start3A_381 = arith.constant 0 : i32
      %dma_start3A_382 = tpu.memref_slice %arg4[%add3A_377, %add3A_177, %dma_start3A_381] : memref<200x64x4096xf32, #tpu.memory_space<hbm>> -> memref<1x1x4096xf32, #tpu.memory_space<hbm>>
      %dma_start3A_383 = tpu.memref_squeeze %dma_start3A_382 : memref<1x1x4096xf32, #tpu.memory_space<hbm>> -> memref<4096xf32, #tpu.memory_space<hbm>>
      tpu.enqueue_dma source(%arg9 : memref<4096xf32, #tpu.memory_space<vmem>>) target(%dma_start3A_383 : memref<4096xf32, #tpu.memory_space<hbm>>) target_semaphore(%arg13 : memref<!tpu.dma_semaphore, #tpu.memory_space<semaphore_mem>>)
      %mul3A_384 = arith.constant 2 : i32
      %mul3A_385 = arith.muli %mul3A_384, %scan3A_354 : i32
      %add3A_386 = arith.constant 1 : i32
      %add3A_387 = arith.addi %mul3A_385, %add3A_386 : i32
      %dma_wait3A_388 = arith.constant 0 : i32
      %dma_wait3A_389 = arith.constant 0 : i32
      %dma_wait3A_390 = tpu.memref_slice %arg6[%dma_wait3A_388, %dma_wait3A_389] : memref<56x4096xi32, #tpu.memory_space<vmem_shared>> -> memref<1x4096xi32, #tpu.memory_space<vmem_shared>>
      %dma_wait3A_391 = tpu.memref_squeeze %dma_wait3A_390 : memref<1x4096xi32, #tpu.memory_space<vmem_shared>> -> memref<4096xi32, #tpu.memory_space<vmem_shared>>
      %dma_wait3A_392 = arith.constant 0 : i32
      %dma_wait3A_393 = tpu.memref_slice %arg6[%dma_wait3A_388, %dma_wait3A_392] : memref<56x4096xi32, #tpu.memory_space<vmem_shared>> -> memref<1x4096xi32, #tpu.memory_space<vmem_shared>>
      %dma_wait3A_394 = tpu.memref_squeeze %dma_wait3A_393 : memref<1x4096xi32, #tpu.memory_space<vmem_shared>> -> memref<4096xi32, #tpu.memory_space<vmem_shared>>
      tpu.wait_dma2 semaphore(%arg12 : memref<!tpu.dma_semaphore, #tpu.memory_space<semaphore_mem>>) src(%dma_wait3A_394 : memref<4096xi32, #tpu.memory_space<vmem_shared>>) dst(%arg8 : memref<4096xi32, #tpu.memory_space<vmem>>)
      %gt3A_395 = arith.constant 0 : i32
      %gt3A_396 = arith.cmpi sgt, %scan3A_354, %gt3A_395 : i32
      %convert_element_type3A_397 = arith.extui %gt3A_396 : i1 to i32
      %cond3A_398 = arith.constant 0 : i32
      %cond3A_399 = arith.cmpi ne, %convert_element_type3A_397, %cond3A_398 : i32
      scf.if %cond3A_399 {
        %dma_wait3A_416 = arith.constant 0 : i32
        %dma_wait3A_417 = arith.constant 0 : i32
        %dma_wait3A_418 = tpu.memref_slice %arg4[%dma_wait3A_416, %add3A_177, %dma_wait3A_417] : memref<200x64x4096xf32, #tpu.memory_space<hbm>> -> memref<1x1x4096xf32, #tpu.memory_space<hbm>>
        %dma_wait3A_419 = tpu.memref_squeeze %dma_wait3A_418 : memref<1x1x4096xf32, #tpu.memory_space<hbm>> -> memref<4096xf32, #tpu.memory_space<hbm>>
        %dma_wait3A_420 = arith.constant 0 : i32
        %dma_wait3A_421 = tpu.memref_slice %arg4[%dma_wait3A_416, %add3A_177, %dma_wait3A_420] : memref<200x64x4096xf32, #tpu.memory_space<hbm>> -> memref<1x1x4096xf32, #tpu.memory_space<hbm>>
        %dma_wait3A_422 = tpu.memref_squeeze %dma_wait3A_421 : memref<1x1x4096xf32, #tpu.memory_space<hbm>> -> memref<4096xf32, #tpu.memory_space<hbm>>
        tpu.wait_dma2 semaphore(%arg14 : memref<!tpu.dma_semaphore, #tpu.memory_space<semaphore_mem>>) src(%arg10 : memref<4096xf32, #tpu.memory_space<vmem>>) dst(%dma_wait3A_422 : memref<4096xf32, #tpu.memory_space<hbm>>)
      } else {
      }
      %parallel_loop3A_400 = arith.constant 0 : i32
      %parallel_loop3A_401 = arith.constant 4096 : i32
      %parallel_loop3A_402 = arith.constant 16 : i32
      scf.for %parallel_loop3A_416 = %parallel_loop3A_400 to %parallel_loop3A_401 step %parallel_loop3A_402  : i32 {
        %parallel_loop3A_417 = arith.index_cast %parallel_loop3A_416 : i32 to index
        %parallel_loop3A_418 = tpu.vector_load %arg8[%parallel_loop3A_417] {strides = array<i32>} : memref<4096xi32, #tpu.memory_space<vmem>>, vector<16xi32>,
        %parallel_loop3A_419 = tpu.vector_load_idx %arg5[%parallel_loop3A_418] : memref<100000xf32, #tpu.memory_space<vmem>>[vector<16xi32>], vector<16xf32>,
        %parallel_loop3A_420 = arith.index_cast %parallel_loop3A_416 : i32 to index
        %parallel_loop3A_421 = tpu.vector_load %arg10[%parallel_loop3A_420] {strides = array<i32>} : memref<4096xf32, #tpu.memory_space<vmem>>, vector<16xf32>,
        tpu.vector_store %arg10[%parallel_loop3A_420], %parallel_loop3A_419 {strides = array<i32>} : memref<4096xf32, #tpu.memory_space<vmem>>, vector<16xf32>,
      } {sc.loop_unroll_factor = 16 : i64, sc.parallel_access}
      %lt3A_403 = arith.constant 27 : i32
      %lt3A_404 = arith.cmpi slt, %scan3A_354, %lt3A_403 : i32
      %convert_element_type3A_405 = arith.extui %lt3A_404 : i1 to i32
      %cond3A_406 = arith.constant 0 : i32
      %cond3A_407 = arith.cmpi ne, %convert_element_type3A_405, %cond3A_406 : i32
      scf.if %cond3A_407 {
        %add3A_416 = arith.constant 2 : i32
        %add3A_417 = arith.addi %add3A_387, %add3A_416 : i32
        %dma_start3A_418 = arith.constant 0 : i32
        %dma_start3A_419 = tpu.memref_slice %arg6[%add3A_417, %dma_start3A_418] : memref<56x4096xi32, #tpu.memory_space<vmem_shared>> -> memref<1x4096xi32, #tpu.memory_space<vmem_shared>>
        %dma_start3A_420 = tpu.memref_squeeze %dma_start3A_419 : memref<1x4096xi32, #tpu.memory_space<vmem_shared>> -> memref<4096xi32, #tpu.memory_space<vmem_shared>>
        %dma_start3A_421 = arith.constant 0 : i32
        %dma_start3A_422 = tpu.memref_slice %arg6[%add3A_417, %dma_start3A_421] : memref<56x4096xi32, #tpu.memory_space<vmem_shared>> -> memref<1x4096xi32, #tpu.memory_space<vmem_shared>>
        %dma_start3A_423 = tpu.memref_squeeze %dma_start3A_422 : memref<1x4096xi32, #tpu.memory_space<vmem_shared>> -> memref<4096xi32, #tpu.memory_space<vmem_shared>>
        tpu.enqueue_dma source(%dma_start3A_423 : memref<4096xi32, #tpu.memory_space<vmem_shared>>) target(%arg8 : memref<4096xi32, #tpu.memory_space<vmem>>) target_semaphore(%arg12 : memref<!tpu.dma_semaphore, #tpu.memory_space<semaphore_mem>>)
      } else {
      }
      %add3A_408 = arith.constant 112 : i32
      %add3A_409 = arith.addi %add3A_408, %add3A_387 : i32
      %dma_start3A_410 = arith.constant 0 : i32
      %dma_start3A_411 = tpu.memref_slice %arg4[%add3A_409, %add3A_177, %dma_start3A_410] : memref<200x64x4096xf32, #tpu.memory_space<hbm>> -> memref<1x1x4096xf32, #tpu.memory_space<hbm>>
      %dma_start3A_412 = tpu.memref_squeeze %dma_start3A_411 : memref<1x1x4096xf32, #tpu.memory_space<hbm>> -> memref<4096xf32, #tpu.memory_space<hbm>>
      %dma_start3A_413 = arith.constant 0 : i32
      %dma_start3A_414 = tpu.memref_slice %arg4[%add3A_409, %add3A_177, %dma_start3A_413] : memref<200x64x4096xf32, #tpu.memory_space<hbm>> -> memref<1x1x4096xf32, #tpu.memory_space<hbm>>
      %dma_start3A_415 = tpu.memref_squeeze %dma_start3A_414 : memref<1x1x4096xf32, #tpu.memory_space<hbm>> -> memref<4096xf32, #tpu.memory_space<hbm>>
      tpu.enqueue_dma source(%arg10 : memref<4096xf32, #tpu.memory_space<vmem>>) target(%dma_start3A_415 : memref<4096xf32, #tpu.memory_space<hbm>>) target_semaphore(%arg14 : memref<!tpu.dma_semaphore, #tpu.memory_space<semaphore_mem>>)
    }
    %scan3A_298 = arith.constant 28 : i32
    %dma_wait3A_299 = arith.constant 0 : i32
    %dma_wait3A_300 = arith.constant 0 : i32
    %dma_wait3A_301 = tpu.memref_slice %arg4[%dma_wait3A_299, %add3A_177, %dma_wait3A_300] : memref<200x64x4096xf32, #tpu.memory_space<hbm>> -> memref<1x1x4096xf32, #tpu.memory_space<hbm>>
    %dma_wait3A_302 = tpu.memref_squeeze %dma_wait3A_301 : memref<1x1x4096xf32, #tpu.memory_space<hbm>> -> memref<4096xf32, #tpu.memory_space<hbm>>
    %dma_wait3A_303 = arith.constant 0 : i32
    %dma_wait3A_304 = tpu.memref_slice %arg4[%dma_wait3A_299, %add3A_177, %dma_wait3A_303] : memref<200x64x4096xf32, #tpu.memory_space<hbm>> -> memref<1x1x4096xf32, #tpu.memory_space<hbm>>
    %dma_wait3A_305 = tpu.memref_squeeze %dma_wait3A_304 : memref<1x1x4096xf32, #tpu.memory_space<hbm>> -> memref<4096xf32, #tpu.memory_space<hbm>>
    tpu.wait_dma2 semaphore(%arg13 : memref<!tpu.dma_semaphore, #tpu.memory_space<semaphore_mem>>) src(%arg9 : memref<4096xf32, #tpu.memory_space<vmem>>) dst(%dma_wait3A_305 : memref<4096xf32, #tpu.memory_space<hbm>>)
    %dma_wait3A_306 = arith.constant 0 : i32
    %dma_wait3A_307 = arith.constant 0 : i32
    %dma_wait3A_308 = tpu.memref_slice %arg4[%dma_wait3A_306, %add3A_177, %dma_wait3A_307] : memref<200x64x4096xf32, #tpu.memory_space<hbm>> -> memref<1x1x4096xf32, #tpu.memory_space<hbm>>
    %dma_wait3A_309 = tpu.memref_squeeze %dma_wait3A_308 : memref<1x1x4096xf32, #tpu.memory_space<hbm>> -> memref<4096xf32, #tpu.memory_space<hbm>>
    %dma_wait3A_310 = arith.constant 0 : i32
    %dma_wait3A_311 = tpu.memref_slice %arg4[%dma_wait3A_306, %add3A_177, %dma_wait3A_310] : memref<200x64x4096xf32, #tpu.memory_space<hbm>> -> memref<1x1x4096xf32, #tpu.memory_space<hbm>>
    %dma_wait3A_312 = tpu.memref_squeeze %dma_wait3A_311 : memref<1x1x4096xf32, #tpu.memory_space<hbm>> -> memref<4096xf32, #tpu.memory_space<hbm>>
    tpu.wait_dma2 semaphore(%arg14 : memref<!tpu.dma_semaphore, #tpu.memory_space<semaphore_mem>>) src(%arg10 : memref<4096xf32, #tpu.memory_space<vmem>>) dst(%dma_wait3A_312 : memref<4096xf32, #tpu.memory_space<hbm>>)
    %barrier3A_313 = arith.constant 0 : index
    tpu.barrier barrier_id(%barrier3A_313)
    %eq3A_314 = arith.constant 0 : i32
    %eq3A_315 = arith.cmpi eq, %arg1, %eq3A_314 : i32
    %convert_element_type3A_316 = arith.extui %eq3A_315 : i1 to i32
    %cond3A_317 = arith.constant 0 : i32
    %cond3A_318 = arith.cmpi ne, %convert_element_type3A_316, %cond3A_317 : i32
    scf.if %cond3A_318 {
      "tpu.region"() ({
        %run_scoped3A = tpu.sem_alloc : memref<!tpu.dma_semaphore, #tpu.memory_space<semaphore_mem>>
        %dma_start3A_354 = arith.constant 0 : i32
        %dma_start3A_355 = arith.constant 0 : i32
        %dma_start3A_356 = tpu.memref_slice %arg6[%dma_start3A_354, %dma_start3A_355] : memref<56x4096xi32, #tpu.memory_space<vmem_shared>> -> memref<32x4096xi32, #tpu.memory_space<vmem_shared>>
        %dma_start3A_357 = arith.constant 168 : i32
        %dma_start3A_358 = arith.constant 0 : i32
        %dma_start3A_359 = tpu.memref_slice %arg2[%dma_start3A_357, %dma_start3A_358] : memref<200x4096xi32, #tpu.memory_space<hbm>> -> memref<32x4096xi32, #tpu.memory_space<hbm>>
        tpu.enqueue_dma source(%dma_start3A_359 : memref<32x4096xi32, #tpu.memory_space<hbm>>) target(%dma_start3A_356 : memref<32x4096xi32, #tpu.memory_space<vmem_shared>>) target_semaphore(%run_scoped3A : memref<!tpu.dma_semaphore, #tpu.memory_space<semaphore_mem>>)
        %dma_wait3A_360 = arith.constant 0 : i32
        %dma_wait3A_361 = arith.constant 0 : i32
        %dma_wait3A_362 = tpu.memref_slice %arg6[%dma_wait3A_360, %dma_wait3A_361] : memref<56x4096xi32, #tpu.memory_space<vmem_shared>> -> memref<32x4096xi32, #tpu.memory_space<vmem_shared>>
        %dma_wait3A_363 = arith.constant 168 : i32
        %dma_wait3A_364 = arith.constant 0 : i32
        %dma_wait3A_365 = tpu.memref_slice %arg2[%dma_wait3A_363, %dma_wait3A_364] : memref<200x4096xi32, #tpu.memory_space<hbm>> -> memref<32x4096xi32, #tpu.memory_space<hbm>>
        tpu.wait_dma2 semaphore(%run_scoped3A : memref<!tpu.dma_semaphore, #tpu.memory_space<semaphore_mem>>) src(%dma_wait3A_365 : memref<32x4096xi32, #tpu.memory_space<hbm>>) dst(%dma_wait3A_362 : memref<32x4096xi32, #tpu.memory_space<vmem_shared>>)
        tpu.yield
      }) : () -> ()
    } else {
    }
    %barrier3A_319 = arith.constant 0 : index
    tpu.barrier barrier_id(%barrier3A_319)
    %dma_start3A_320 = arith.constant 0 : i32
    %dma_start3A_321 = arith.constant 0 : i32
    %dma_start3A_322 = tpu.memref_slice %arg6[%dma_start3A_320, %dma_start3A_321] : memref<56x4096xi32, #tpu.memory_space<vmem_shared>> -> memref<1x4096xi32, #tpu.memory_space<vmem_shared>>
    %dma_start3A_323 = tpu.memref_squeeze %dma_start3A_322 : memref<1x4096xi32, #tpu.memory_space<vmem_shared>> -> memref<4096xi32, #tpu.memory_space<vmem_shared>>
    %dma_start3A_324 = arith.constant 0 : i32
    %dma_start3A_325 = tpu.memref_slice %arg6[%dma_start3A_320, %dma_start3A_324] : memref<56x4096xi32, #tpu.memory_space<vmem_shared>> -> memref<1x4096xi32, #tpu.memory_space<vmem_shared>>
    %dma_start3A_326 = tpu.memref_squeeze %dma_start3A_325 : memref<1x4096xi32, #tpu.memory_space<vmem_shared>> -> memref<4096xi32, #tpu.memory_space<vmem_shared>>
    tpu.enqueue_dma source(%dma_start3A_326 : memref<4096xi32, #tpu.memory_space<vmem_shared>>) target(%arg7 : memref<4096xi32, #tpu.memory_space<vmem>>) target_semaphore(%arg11 : memref<!tpu.dma_semaphore, #tpu.memory_space<semaphore_mem>>)
    %dma_start3A_327 = arith.constant 1 : i32
    %dma_start3A_328 = arith.constant 0 : i32
    %dma_start3A_329 = tpu.memref_slice %arg6[%dma_start3A_327, %dma_start3A_328] : memref<56x4096xi32, #tpu.memory_space<vmem_shared>> -> memref<1x4096xi32, #tpu.memory_space<vmem_shared>>
    %dma_start3A_330 = tpu.memref_squeeze %dma_start3A_329 : memref<1x4096xi32, #tpu.memory_space<vmem_shared>> -> memref<4096xi32, #tpu.memory_space<vmem_shared>>
    %dma_start3A_331 = arith.constant 0 : i32
    %dma_start3A_332 = tpu.memref_slice %arg6[%dma_start3A_327, %dma_start3A_331] : memref<56x4096xi32, #tpu.memory_space<vmem_shared>> -> memref<1x4096xi32, #tpu.memory_space<vmem_shared>>
    %dma_start3A_333 = tpu.memref_squeeze %dma_start3A_332 : memref<1x4096xi32, #tpu.memory_space<vmem_shared>> -> memref<4096xi32, #tpu.memory_space<vmem_shared>>
    tpu.enqueue_dma source(%dma_start3A_333 : memref<4096xi32, #tpu.memory_space<vmem_shared>>) target(%arg8 : memref<4096xi32, #tpu.memory_space<vmem>>) target_semaphore(%arg12 : memref<!tpu.dma_semaphore, #tpu.memory_space<semaphore_mem>>)
    %scan3A_334 = arith.constant 0 : i32
    %scan3A_335 = arith.constant 0 : i32
    %scan3A_336 = arith.constant 16 : i32
    %scan3A_337 = arith.addi %scan3A_335, %scan3A_336 : i32
    %scan3A_338 = arith.constant 1 : i32
    scf.for %scan3A_354 = %scan3A_335 to %scan3A_337 step %scan3A_338  : i32 {
      %mul3A_355 = arith.constant 2 : i32
      %mul3A_356 = arith.muli %mul3A_355, %scan3A_354 : i32
      %add3A_357 = arith.constant 0 : i32
      %add3A_358 = arith.addi %mul3A_356, %add3A_357 : i32
      %dma_wait3A_359 = arith.constant 0 : i32
      %dma_wait3A_360 = arith.constant 0 : i32
      %dma_wait3A_361 = tpu.memref_slice %arg6[%dma_wait3A_359, %dma_wait3A_360] : memref<56x4096xi32, #tpu.memory_space<vmem_shared>> -> memref<1x4096xi32, #tpu.memory_space<vmem_shared>>
      %dma_wait3A_362 = tpu.memref_squeeze %dma_wait3A_361 : memref<1x4096xi32, #tpu.memory_space<vmem_shared>> -> memref<4096xi32, #tpu.memory_space<vmem_shared>>
      %dma_wait3A_363 = arith.constant 0 : i32
      %dma_wait3A_364 = tpu.memref_slice %arg6[%dma_wait3A_359, %dma_wait3A_363] : memref<56x4096xi32, #tpu.memory_space<vmem_shared>> -> memref<1x4096xi32, #tpu.memory_space<vmem_shared>>
      %dma_wait3A_365 = tpu.memref_squeeze %dma_wait3A_364 : memref<1x4096xi32, #tpu.memory_space<vmem_shared>> -> memref<4096xi32, #tpu.memory_space<vmem_shared>>
      tpu.wait_dma2 semaphore(%arg11 : memref<!tpu.dma_semaphore, #tpu.memory_space<semaphore_mem>>) src(%dma_wait3A_365 : memref<4096xi32, #tpu.memory_space<vmem_shared>>) dst(%arg7 : memref<4096xi32, #tpu.memory_space<vmem>>)
      %gt3A = arith.constant 0 : i32
      %gt3A_366 = arith.cmpi sgt, %scan3A_354, %gt3A : i32
      %convert_element_type3A_367 = arith.extui %gt3A_366 : i1 to i32
      %cond3A_368 = arith.constant 0 : i32
      %cond3A_369 = arith.cmpi ne, %convert_element_type3A_367, %cond3A_368 : i32
      scf.if %cond3A_369 {
        %dma_wait3A_416 = arith.constant 0 : i32
        %dma_wait3A_417 = arith.constant 0 : i32
        %dma_wait3A_418 = tpu.memref_slice %arg4[%dma_wait3A_416, %add3A_177, %dma_wait3A_417] : memref<200x64x4096xf32, #tpu.memory_space<hbm>> -> memref<1x1x4096xf32, #tpu.memory_space<hbm>>
        %dma_wait3A_419 = tpu.memref_squeeze %dma_wait3A_418 : memref<1x1x4096xf32, #tpu.memory_space<hbm>> -> memref<4096xf32, #tpu.memory_space<hbm>>
        %dma_wait3A_420 = arith.constant 0 : i32
        %dma_wait3A_421 = tpu.memref_slice %arg4[%dma_wait3A_416, %add3A_177, %dma_wait3A_420] : memref<200x64x4096xf32, #tpu.memory_space<hbm>> -> memref<1x1x4096xf32, #tpu.memory_space<hbm>>
        %dma_wait3A_422 = tpu.memref_squeeze %dma_wait3A_421 : memref<1x1x4096xf32, #tpu.memory_space<hbm>> -> memref<4096xf32, #tpu.memory_space<hbm>>
        tpu.wait_dma2 semaphore(%arg13 : memref<!tpu.dma_semaphore, #tpu.memory_space<semaphore_mem>>) src(%arg9 : memref<4096xf32, #tpu.memory_space<vmem>>) dst(%dma_wait3A_422 : memref<4096xf32, #tpu.memory_space<hbm>>)
      } else {
      }
      %parallel_loop3A = arith.constant 0 : i32
      %parallel_loop3A_370 = arith.constant 4096 : i32
      %parallel_loop3A_371 = arith.constant 16 : i32
      scf.for %parallel_loop3A_416 = %parallel_loop3A to %parallel_loop3A_370 step %parallel_loop3A_371  : i32 {
        %parallel_loop3A_417 = arith.index_cast %parallel_loop3A_416 : i32 to index
        %parallel_loop3A_418 = tpu.vector_load %arg7[%parallel_loop3A_417] {strides = array<i32>} : memref<4096xi32, #tpu.memory_space<vmem>>, vector<16xi32>,
        %parallel_loop3A_419 = tpu.vector_load_idx %arg5[%parallel_loop3A_418] : memref<100000xf32, #tpu.memory_space<vmem>>[vector<16xi32>], vector<16xf32>,
        %parallel_loop3A_420 = arith.index_cast %parallel_loop3A_416 : i32 to index
        %parallel_loop3A_421 = tpu.vector_load %arg9[%parallel_loop3A_420] {strides = array<i32>} : memref<4096xf32, #tpu.memory_space<vmem>>, vector<16xf32>,
        tpu.vector_store %arg9[%parallel_loop3A_420], %parallel_loop3A_419 {strides = array<i32>} : memref<4096xf32, #tpu.memory_space<vmem>>, vector<16xf32>,
      } {sc.loop_unroll_factor = 16 : i64, sc.parallel_access}
      %lt3A = arith.constant 15 : i32
      %lt3A_372 = arith.cmpi slt, %scan3A_354, %lt3A : i32
      %convert_element_type3A_373 = arith.extui %lt3A_372 : i1 to i32
      %cond3A_374 = arith.constant 0 : i32
      %cond3A_375 = arith.cmpi ne, %convert_element_type3A_373, %cond3A_374 : i32
      scf.if %cond3A_375 {
        %add3A_416 = arith.constant 2 : i32
        %add3A_417 = arith.addi %add3A_358, %add3A_416 : i32
        %dma_start3A_418 = arith.constant 0 : i32
        %dma_start3A_419 = tpu.memref_slice %arg6[%add3A_417, %dma_start3A_418] : memref<56x4096xi32, #tpu.memory_space<vmem_shared>> -> memref<1x4096xi32, #tpu.memory_space<vmem_shared>>
        %dma_start3A_420 = tpu.memref_squeeze %dma_start3A_419 : memref<1x4096xi32, #tpu.memory_space<vmem_shared>> -> memref<4096xi32, #tpu.memory_space<vmem_shared>>
        %dma_start3A_421 = arith.constant 0 : i32
        %dma_start3A_422 = tpu.memref_slice %arg6[%add3A_417, %dma_start3A_421] : memref<56x4096xi32, #tpu.memory_space<vmem_shared>> -> memref<1x4096xi32, #tpu.memory_space<vmem_shared>>
        %dma_start3A_423 = tpu.memref_squeeze %dma_start3A_422 : memref<1x4096xi32, #tpu.memory_space<vmem_shared>> -> memref<4096xi32, #tpu.memory_space<vmem_shared>>
        tpu.enqueue_dma source(%dma_start3A_423 : memref<4096xi32, #tpu.memory_space<vmem_shared>>) target(%arg7 : memref<4096xi32, #tpu.memory_space<vmem>>) target_semaphore(%arg11 : memref<!tpu.dma_semaphore, #tpu.memory_space<semaphore_mem>>)
      } else {
      }
      %add3A_376 = arith.constant 168 : i32
      %add3A_377 = arith.addi %add3A_376, %add3A_358 : i32
      %dma_start3A_378 = arith.constant 0 : i32
      %dma_start3A_379 = tpu.memref_slice %arg4[%add3A_377, %add3A_177, %dma_start3A_378] : memref<200x64x4096xf32, #tpu.memory_space<hbm>> -> memref<1x1x4096xf32, #tpu.memory_space<hbm>>
      %dma_start3A_380 = tpu.memref_squeeze %dma_start3A_379 : memref<1x1x4096xf32, #tpu.memory_space<hbm>> -> memref<4096xf32, #tpu.memory_space<hbm>>
      %dma_start3A_381 = arith.constant 0 : i32
      %dma_start3A_382 = tpu.memref_slice %arg4[%add3A_377, %add3A_177, %dma_start3A_381] : memref<200x64x4096xf32, #tpu.memory_space<hbm>> -> memref<1x1x4096xf32, #tpu.memory_space<hbm>>
      %dma_start3A_383 = tpu.memref_squeeze %dma_start3A_382 : memref<1x1x4096xf32, #tpu.memory_space<hbm>> -> memref<4096xf32, #tpu.memory_space<hbm>>
      tpu.enqueue_dma source(%arg9 : memref<4096xf32, #tpu.memory_space<vmem>>) target(%dma_start3A_383 : memref<4096xf32, #tpu.memory_space<hbm>>) target_semaphore(%arg13 : memref<!tpu.dma_semaphore, #tpu.memory_space<semaphore_mem>>)
      %mul3A_384 = arith.constant 2 : i32
      %mul3A_385 = arith.muli %mul3A_384, %scan3A_354 : i32
      %add3A_386 = arith.constant 1 : i32
      %add3A_387 = arith.addi %mul3A_385, %add3A_386 : i32
      %dma_wait3A_388 = arith.constant 0 : i32
      %dma_wait3A_389 = arith.constant 0 : i32
      %dma_wait3A_390 = tpu.memref_slice %arg6[%dma_wait3A_388, %dma_wait3A_389] : memref<56x4096xi32, #tpu.memory_space<vmem_shared>> -> memref<1x4096xi32, #tpu.memory_space<vmem_shared>>
      %dma_wait3A_391 = tpu.memref_squeeze %dma_wait3A_390 : memref<1x4096xi32, #tpu.memory_space<vmem_shared>> -> memref<4096xi32, #tpu.memory_space<vmem_shared>>
      %dma_wait3A_392 = arith.constant 0 : i32
      %dma_wait3A_393 = tpu.memref_slice %arg6[%dma_wait3A_388, %dma_wait3A_392] : memref<56x4096xi32, #tpu.memory_space<vmem_shared>> -> memref<1x4096xi32, #tpu.memory_space<vmem_shared>>
      %dma_wait3A_394 = tpu.memref_squeeze %dma_wait3A_393 : memref<1x4096xi32, #tpu.memory_space<vmem_shared>> -> memref<4096xi32, #tpu.memory_space<vmem_shared>>
      tpu.wait_dma2 semaphore(%arg12 : memref<!tpu.dma_semaphore, #tpu.memory_space<semaphore_mem>>) src(%dma_wait3A_394 : memref<4096xi32, #tpu.memory_space<vmem_shared>>) dst(%arg8 : memref<4096xi32, #tpu.memory_space<vmem>>)
      %gt3A_395 = arith.constant 0 : i32
      %gt3A_396 = arith.cmpi sgt, %scan3A_354, %gt3A_395 : i32
      %convert_element_type3A_397 = arith.extui %gt3A_396 : i1 to i32
      %cond3A_398 = arith.constant 0 : i32
      %cond3A_399 = arith.cmpi ne, %convert_element_type3A_397, %cond3A_398 : i32
      scf.if %cond3A_399 {
        %dma_wait3A_416 = arith.constant 0 : i32
        %dma_wait3A_417 = arith.constant 0 : i32
        %dma_wait3A_418 = tpu.memref_slice %arg4[%dma_wait3A_416, %add3A_177, %dma_wait3A_417] : memref<200x64x4096xf32, #tpu.memory_space<hbm>> -> memref<1x1x4096xf32, #tpu.memory_space<hbm>>
        %dma_wait3A_419 = tpu.memref_squeeze %dma_wait3A_418 : memref<1x1x4096xf32, #tpu.memory_space<hbm>> -> memref<4096xf32, #tpu.memory_space<hbm>>
        %dma_wait3A_420 = arith.constant 0 : i32
        %dma_wait3A_421 = tpu.memref_slice %arg4[%dma_wait3A_416, %add3A_177, %dma_wait3A_420] : memref<200x64x4096xf32, #tpu.memory_space<hbm>> -> memref<1x1x4096xf32, #tpu.memory_space<hbm>>
        %dma_wait3A_422 = tpu.memref_squeeze %dma_wait3A_421 : memref<1x1x4096xf32, #tpu.memory_space<hbm>> -> memref<4096xf32, #tpu.memory_space<hbm>>
        tpu.wait_dma2 semaphore(%arg14 : memref<!tpu.dma_semaphore, #tpu.memory_space<semaphore_mem>>) src(%arg10 : memref<4096xf32, #tpu.memory_space<vmem>>) dst(%dma_wait3A_422 : memref<4096xf32, #tpu.memory_space<hbm>>)
      } else {
      }
      %parallel_loop3A_400 = arith.constant 0 : i32
      %parallel_loop3A_401 = arith.constant 4096 : i32
      %parallel_loop3A_402 = arith.constant 16 : i32
      scf.for %parallel_loop3A_416 = %parallel_loop3A_400 to %parallel_loop3A_401 step %parallel_loop3A_402  : i32 {
        %parallel_loop3A_417 = arith.index_cast %parallel_loop3A_416 : i32 to index
        %parallel_loop3A_418 = tpu.vector_load %arg8[%parallel_loop3A_417] {strides = array<i32>} : memref<4096xi32, #tpu.memory_space<vmem>>, vector<16xi32>,
        %parallel_loop3A_419 = tpu.vector_load_idx %arg5[%parallel_loop3A_418] : memref<100000xf32, #tpu.memory_space<vmem>>[vector<16xi32>], vector<16xf32>,
        %parallel_loop3A_420 = arith.index_cast %parallel_loop3A_416 : i32 to index
        %parallel_loop3A_421 = tpu.vector_load %arg10[%parallel_loop3A_420] {strides = array<i32>} : memref<4096xf32, #tpu.memory_space<vmem>>, vector<16xf32>,
        tpu.vector_store %arg10[%parallel_loop3A_420], %parallel_loop3A_419 {strides = array<i32>} : memref<4096xf32, #tpu.memory_space<vmem>>, vector<16xf32>,
      } {sc.loop_unroll_factor = 16 : i64, sc.parallel_access}
      %lt3A_403 = arith.constant 15 : i32
      %lt3A_404 = arith.cmpi slt, %scan3A_354, %lt3A_403 : i32
      %convert_element_type3A_405 = arith.extui %lt3A_404 : i1 to i32
      %cond3A_406 = arith.constant 0 : i32
      %cond3A_407 = arith.cmpi ne, %convert_element_type3A_405, %cond3A_406 : i32
      scf.if %cond3A_407 {
        %add3A_416 = arith.constant 2 : i32
        %add3A_417 = arith.addi %add3A_387, %add3A_416 : i32
        %dma_start3A_418 = arith.constant 0 : i32
        %dma_start3A_419 = tpu.memref_slice %arg6[%add3A_417, %dma_start3A_418] : memref<56x4096xi32, #tpu.memory_space<vmem_shared>> -> memref<1x4096xi32, #tpu.memory_space<vmem_shared>>
        %dma_start3A_420 = tpu.memref_squeeze %dma_start3A_419 : memref<1x4096xi32, #tpu.memory_space<vmem_shared>> -> memref<4096xi32, #tpu.memory_space<vmem_shared>>
        %dma_start3A_421 = arith.constant 0 : i32
        %dma_start3A_422 = tpu.memref_slice %arg6[%add3A_417, %dma_start3A_421] : memref<56x4096xi32, #tpu.memory_space<vmem_shared>> -> memref<1x4096xi32, #tpu.memory_space<vmem_shared>>
        %dma_start3A_423 = tpu.memref_squeeze %dma_start3A_422 : memref<1x4096xi32, #tpu.memory_space<vmem_shared>> -> memref<4096xi32, #tpu.memory_space<vmem_shared>>
        tpu.enqueue_dma source(%dma_start3A_423 : memref<4096xi32, #tpu.memory_space<vmem_shared>>) target(%arg8 : memref<4096xi32, #tpu.memory_space<vmem>>) target_semaphore(%arg12 : memref<!tpu.dma_semaphore, #tpu.memory_space<semaphore_mem>>)
      } else {
      }
      %add3A_408 = arith.constant 168 : i32
      %add3A_409 = arith.addi %add3A_408, %add3A_387 : i32
      %dma_start3A_410 = arith.constant 0 : i32
      %dma_start3A_411 = tpu.memref_slice %arg4[%add3A_409, %add3A_177, %dma_start3A_410] : memref<200x64x4096xf32, #tpu.memory_space<hbm>> -> memref<1x1x4096xf32, #tpu.memory_space<hbm>>
      %dma_start3A_412 = tpu.memref_squeeze %dma_start3A_411 : memref<1x1x4096xf32, #tpu.memory_space<hbm>> -> memref<4096xf32, #tpu.memory_space<hbm>>
      %dma_start3A_413 = arith.constant 0 : i32
      %dma_start3A_414 = tpu.memref_slice %arg4[%add3A_409, %add3A_177, %dma_start3A_413] : memref<200x64x4096xf32, #tpu.memory_space<hbm>> -> memref<1x1x4096xf32, #tpu.memory_space<hbm>>
      %dma_start3A_415 = tpu.memref_squeeze %dma_start3A_414 : memref<1x1x4096xf32, #tpu.memory_space<hbm>> -> memref<4096xf32, #tpu.memory_space<hbm>>
      tpu.enqueue_dma source(%arg10 : memref<4096xf32, #tpu.memory_space<vmem>>) target(%dma_start3A_415 : memref<4096xf32, #tpu.memory_space<hbm>>) target_semaphore(%arg14 : memref<!tpu.dma_semaphore, #tpu.memory_space<semaphore_mem>>)
    }
    %scan3A_339 = arith.constant 16 : i32
    %dma_wait3A_340 = arith.constant 0 : i32
    %dma_wait3A_341 = arith.constant 0 : i32
    %dma_wait3A_342 = tpu.memref_slice %arg4[%dma_wait3A_340, %add3A_177, %dma_wait3A_341] : memref<200x64x4096xf32, #tpu.memory_space<hbm>> -> memref<1x1x4096xf32, #tpu.memory_space<hbm>>
    %dma_wait3A_343 = tpu.memref_squeeze %dma_wait3A_342 : memref<1x1x4096xf32, #tpu.memory_space<hbm>> -> memref<4096xf32, #tpu.memory_space<hbm>>
    %dma_wait3A_344 = arith.constant 0 : i32
    %dma_wait3A_345 = tpu.memref_slice %arg4[%dma_wait3A_340, %add3A_177, %dma_wait3A_344] : memref<200x64x4096xf32, #tpu.memory_space<hbm>> -> memref<1x1x4096xf32, #tpu.memory_space<hbm>>
    %dma_wait3A_346 = tpu.memref_squeeze %dma_wait3A_345 : memref<1x1x4096xf32, #tpu.memory_space<hbm>> -> memref<4096xf32, #tpu.memory_space<hbm>>
    tpu.wait_dma2 semaphore(%arg13 : memref<!tpu.dma_semaphore, #tpu.memory_space<semaphore_mem>>) src(%arg9 : memref<4096xf32, #tpu.memory_space<vmem>>) dst(%dma_wait3A_346 : memref<4096xf32, #tpu.memory_space<hbm>>)
    %dma_wait3A_347 = arith.constant 0 : i32
    %dma_wait3A_348 = arith.constant 0 : i32
    %dma_wait3A_349 = tpu.memref_slice %arg4[%dma_wait3A_347, %add3A_177, %dma_wait3A_348] : memref<200x64x4096xf32, #tpu.memory_space<hbm>> -> memref<1x1x4096xf32, #tpu.memory_space<hbm>>
    %dma_wait3A_350 = tpu.memref_squeeze %dma_wait3A_349 : memref<1x1x4096xf32, #tpu.memory_space<hbm>> -> memref<4096xf32, #tpu.memory_space<hbm>>
    %dma_wait3A_351 = arith.constant 0 : i32
    %dma_wait3A_352 = tpu.memref_slice %arg4[%dma_wait3A_347, %add3A_177, %dma_wait3A_351] : memref<200x64x4096xf32, #tpu.memory_space<hbm>> -> memref<1x1x4096xf32, #tpu.memory_space<hbm>>
    %dma_wait3A_353 = tpu.memref_squeeze %dma_wait3A_352 : memref<1x1x4096xf32, #tpu.memory_space<hbm>> -> memref<4096xf32, #tpu.memory_space<hbm>>
    tpu.wait_dma2 semaphore(%arg14 : memref<!tpu.dma_semaphore, #tpu.memory_space<semaphore_mem>>) src(%arg10 : memref<4096xf32, #tpu.memory_space<vmem>>) dst(%dma_wait3A_353 : memref<4096xf32, #tpu.memory_space<hbm>>)
    return
  }
}

</mosaic_0001>

<sc_bundles>
// kernel: kernel.3.cloned.1.call-start
scs
__scs_entry_jumppad:
0x0: {  	(pc) =	sbr.rel $0x88, $3  }
0x1: {  	(tag) =	ssettag $0x0;
	lr =	simm.s32 $0x1  }
0x2: {  	[smem:$0x3F9F] =	sst lr;
	_ =	strace $0xD0000000  }
0x3: {  	_ = 	snop  }
0x4: {  	_ = 	snop  }
0x5: {  	_ = 	snop  }
0x6: {  	_ = 	snop  }
0x7: {  	_ = 	snop  }
__scs_overlays_trampoline_lowered:
0x8: {  	[smem:$0x3FAE] =	sst s0  }
0x9: {  	[smem:$0x3FAF] =	sst s1  }
0xa: {  	[smem:$0x3FB0] =	sst s2  }
0xb: {  	[smem:$0x3FB1] =	sst s3  }
0xc: {  	[smem:$0x3FB2] =	sst s4  }
0xd: {  	[smem:$0x3FB3] =	sst s5  }
0xe: {  	[smem:$0x3FB4] =	sst s6  }
0xf: {  	[smem:$0x3FB5] =	sst s7  }
0x10: {  	[smem:$0x3FB6] =	sst s8  }
0x11: {  	[smem:$0x3FB7] =	sst s9;
	s0 =	simm.s32 @!p0 $0x0  }
0x12: {  	s1 =	sld [smem:$0x3F9D];
	s0 =	simm.s32 @p0 $0x1  }
0x13: {  	[smem:$0x3FB8] =	sst s0;
	s0 =	simm.s32 @!p1 $0x0  }
0x14: {  	s2 =	sld [smem:$0x3F9C];
	s0 =	simm.s32 @p1 $0x1  }
0x15: {  	[smem:$0x3FB9] =	sst s0;
	s0 =	simm.s32 @!p2 $0x0  }
0x16: {  	s3 =	sld [smem:$0x3FDB];
	s0 =	simm.s32 @p2 $0x1  }
0x17: {  	s4 =	simm.s32 $0x1BF5;
	[smem:$0x3FBB] =	sst s0  }
0x18: {  	s0 =	sld [smem:$0x3F9E];
	_ =	swait.ge [sflag:s4], $0x0  }
0x19: {  	s7 =	sld [smem:$0x3F9F]  }
0x1a: {  	s8 =	sadd.s32 $0xFFFFE003, lr  }
0x1b: {  	s9 =	sadd.s32 $0xFFFFFEF7, lr;
	s5 =	simm.s32 $0xFFFFFFFF;
	p2 =	slt.u32 s8, $0xFFFFF086  }
0x1c: {  	p1 =	slt.u32 s9, $0xF7A;
	s5 =	simm.s32 @!p2 $0x0  }
0x1d: {  	s5 =	simm.s32 @p1 $0x1;
	p0 =	seq.s32 s7, s2  }
0x1e: {  	s7 =	smul.u32 @!p0 $0xF7A, s2;
	p2 =	seq.s32 @!p0 s5, $0x0  }
0x1f: {  	s9 =	smul.u32 $0xF7A, s1;
	s8 =	simm.s32 @!p0 $0x1BF5;
	p2 =	por !p2, p0  }
0x20: {  	[sflag:s8] =	ssyncset.s32 @!p0 $0xFFFFF086;
	s6 =	sadd.s32 @!p0 s3, s7;
	s7 =	simm.s32 @!p0 $0x108  }
0x21: {  	s3 =	sadd.s32 s3, s9;
	s6 =	sadd.s32 @!p0 $0x88, s6;
	s7 =	simm.s32 @p2 $0x1082  }
0x22: {  	[simem:s7], [sflag:s8] =	dma.local @!p0 [hbm:s6], $0xF7A  }
0x23: {  	s9 =	sor.u32 $0xD0000000, s2;
	s6 =	simm.s32 $0x108;
	_ =	swait.ge @!p0 [sflag:s8], $0x0  }
0x24: {  	s3 =	sadd.s32 $0x88, s3;
	s6 =	simm.s32 @!p1 $0x1082;
	[sflag:s4] =	ssyncset.s32 $0xFFFFF086  }
0x25: {  	[simem:s6], [sflag:s4] =	dma.local [hbm:s3], $0xF7A  }
0x26: {  	[smem:$0x3F9F] =	sst s1;
	(tag) =	ssettag s2;
	_ =	strace s9  }
0x27: {  	s1 =	sld [smem:$0x3FAF]  }
0x28: {  	s2 =	sld [smem:$0x3FB0]  }
0x29: {  	s4 =	sld [smem:$0x3FB2]  }
0x2a: {  	p0 =	seq.s32 s5, $0x0;
	s5 =	sld [smem:$0x3FB3]  }
0x2b: {  	s6 =	sld [smem:$0x3FB4]  }
0x2c: {  	s7 =	sld [smem:$0x3FB5]  }
0x2d: {  	s3 =	simm.s32 $0x108;
	s8 =	sld [smem:$0x3FB6]  }
0x2e: {  	s3 =	simm.s32 @!p0 $0x1082;
	s9 =	sld [smem:$0x3FB7]  }
0x2f: {  	lr =	sadd.s32 s0, s3;
	s0 =	sld [smem:$0x3FAE]  }
0x30: {  	s3 =	sld [smem:$0x3FB1]  }
0x31: {  	[smem:$0x3FBA] =	sst s10  }
0x32: {  	s10 =	sld [smem:$0x3FB8];
	_ =	sdelay $0x3  }
0x33: {  	p0 =	seq.s32 s10, $0x1;
	s10 =	sld [smem:$0x3FBA];
	_ =	sdelay $0x3  }
0x34: {  	[smem:$0x3FBA] =	sst s10  }
0x35: {  	s10 =	sld [smem:$0x3FB9];
	_ =	sdelay $0x3  }
0x36: {  	p1 =	seq.s32 s10, $0x1;
	s10 =	sld [smem:$0x3FBA];
	_ =	sdelay $0x3  }
0x37: {  	[smem:$0x3FBA] =	sst s10  }
0x38: {  	s10 =	sld [smem:$0x3FBB]  }
0x39: {  	_ = 	snop;
	(pc) =	sbr.ind lr, $3  }
0x3a: {  	_ = 	snop  }
0x3b: {  	_ = 	snop  }
0x3c: {  	p2 =	seq.s32 s10, $0x1;
	s10 =	sld [smem:$0x3FBA]  }
0x3d: {  	_ =	shalt  }
0x3e: {  	_ =	shalt  }
0x3f: {  	_ =	shalt  }
0x40: {  	_ =	shalt  }
0x41: {  	_ =	shalt  }
0x42: {  	_ =	shalt  }
0x43: {  	_ =	shalt  }
0x44: {  	_ =	shalt  }
0x45: {  	_ =	shalt  }
0x46: {  	_ =	shalt  }
0x47: {  	_ =	shalt  }
0x48: {  	_ =	shalt  }
0x49: {  	_ =	shalt  }
0x4a: {  	_ =	shalt  }
0x4b: {  	_ =	shalt  }
0x4c: {  	_ =	shalt  }
0x4d: {  	_ =	shalt  }
0x4e: {  	_ =	shalt  }
0x4f: {  	_ =	shalt  }
0x50: {  	_ =	shalt  }
0x51: {  	_ =	shalt  }
0x52: {  	_ =	shalt  }
0x53: {  	_ =	shalt  }
0x54: {  	_ =	shalt  }
0x55: {  	_ =	shalt  }
0x56: {  	_ =	shalt  }
0x57: {  	_ =	shalt  }
0x58: {  	_ =	shalt  }
0x59: {  	_ =	shalt  }
0x5a: {  	_ =	shalt  }
0x5b: {  	_ =	shalt  }
0x5c: {  	_ =	shalt  }
0x5d: {  	_ =	shalt  }
0x5e: {  	_ =	shalt  }
0x5f: {  	_ =	shalt  }
0x60: {  	_ =	shalt  }
0x61: {  	_ =	shalt  }
0x62: {  	_ =	shalt  }
0x63: {  	_ =	shalt  }
0x64: {  	_ =	shalt  }
0x65: {  	_ =	shalt  }
0x66: {  	_ =	shalt  }
0x67: {  	_ =	shalt  }
0x68: {  	_ =	shalt  }
0x69: {  	_ =	shalt  }
0x6a: {  	_ =	shalt  }
0x6b: {  	_ =	shalt  }
0x6c: {  	_ =	shalt  }
0x6d: {  	_ =	shalt  }
0x6e: {  	_ =	shalt  }
0x6f: {  	_ =	shalt  }
0x70: {  	_ =	shalt  }
0x71: {  	_ =	shalt  }
0x72: {  	_ =	shalt  }
0x73: {  	_ =	shalt  }
0x74: {  	_ =	shalt  }
0x75: {  	_ =	shalt  }
0x76: {  	_ =	shalt  }
0x77: {  	_ =	shalt  }
0x78: {  	_ =	shalt  }
0x79: {  	_ =	shalt  }
0x7a: {  	_ =	shalt  }
0x7b: {  	_ =	shalt  }
0x7c: {  	_ =	shalt  }
0x7d: {  	_ =	shalt  }
0x7e: {  	_ =	shalt  }
0x7f: {  	_ =	shalt  }
0x80: {  	_ =	shalt  }
0x81: {  	_ =	shalt  }
0x82: {  	_ =	shalt  }
0x83: {  	_ =	shalt  }
0x84: {  	_ =	shalt  }
0x85: {  	_ =	shalt  }
0x86: {  	_ =	shalt  }
0x87: {  	_ =	shalt  }
.Lfunc_end0:
.L_simem_size_0:
called_computation_lowered:
.L_overlay_start_0:
0x88: {  	s2 =	sld [smem:$0x3FD9]  }
0x89: {  	s3 =	sld [smem:$0x3FFE];
	_ =	sdelay $0x1  }
0x8a: {  	s1 =	srdreg.scid  }
0x8b: {  	s0 =	sand.u32 $0x1, s1  }
0x8c: {  	s18 =	sshll.u32 s0, $0xA;
	s2 =	sadd.s32 s3, s2  }
0x8d: {  	s2 =	sadd.s32 s2, s18  }
0x8e: {  	[smem:$0x3FC6] =	sst s2  }
0x8f: {  	_ = 	snop  }
0x90: {  	s2 =	sld [smem:$0x3FC9]  }
0x91: {  	s19 =	sld [smem:$0x3FC8]  }
0x92: {  	s4 =	sld [smem:$0x3FD0];
	(tm) =	ssettm $0x1  }
0x93: {  	s5 =	sld [smem:$0x3FFB];
	_ =	sdelay $0x3  }
0x94: {  	_ =	strace s5  }
0x95: {  	s5 =	sld [smem:$0x3FFC];
	_ =	sdelay $0x3  }
0x96: {  	_ =	strace s5  }
0x97: {  	s5 =	sld [smem:$0x3FFD];
	_ =	sdelay $0x3  }
0x98: {  	_ =	strace s5  }
0x99: {  	_ =	strace $0x8FFFFFFF  }
0x9a: {  	s20 =	sld [smem:$0x3FDB];
	_ =	sdelay $0x1  }
0x9b: {  	s6 =	simm.s32 $_scs_section_size  }
0x9c: {  	s7 =	simm.s32 $_size__tile_overlayer_lowered;
	s8 =	simm.s32 $_tile_overlayer_lowered  }
0x9d: {  	s23 =	simm.s32 $0x1BFF;
	s22 =	sshll.u32 s8, $0x1;
	s5 =	sadd.s32 s6, s20  }
0x9e: {  	s9 =	simm.s32 $0x0;
	s21 =	sshll.u32 s7, $0x1;
	s7 =	sadd.s32 s22, s5  }
0x9f: {  	[timem:s9], [sflag:s23] =	dma.local [hbm:s7], s21  }
0xa0: {  	_ =	swait.ge [sflag:s23], s21  }
0xa1: {  	s6 =	ssub.s32 $0x0, s21;
	[sflag:s23] =	ssyncset.done $0x0  }
0xa2: {  	[sflag:s23] =	ssyncadd.s32 s6;
	_ =	sdelay $0x1  }
0xa3: {  	s24 =	simm.s32 $0x1B8B  }
0xa4: {  	_ =	swait.ge [sflag:s24], $0x1  }
0xa5: {  	[sflag:s24] =	ssyncset.done $0x0  }
0xa6: {  	s25 =	simm.s32 $0x1B8E;
	[sflag:s24] =	ssyncadd.s32 $0xFFFFFFFF  }
0xa7: {  	s26 =	simm.s32 $execute0_lowered;
	[smem:$0x3FD2] =	sst s25  }
0xa8: {  	s6 =	sshll.u32 s26, $0x1;
	_ =	strace $0x80000046;
	[dreg:$0x1] =	wrdreg $0xFFFFFFFF  }
0xa9: {  	s28 =	simm.s32 $_size_execute0_lowered;
	s5 =	sadd.s32 s5, s6;
	[dreg:$0x0] =	wrdreg $0x0  }
0xaa: {  	s6 =	sshll.u32 s28, $0x1;
	[dreg:$0x2] =	wrdreg s5  }
0xab: {  	[dreg:$0x3] =	wrdreg s6  }
0xac: {  	[dreg:$0x4] =	wrdreg $0xC0  }
0xad: {  	_ =	task [dreg:s9], $0x5FFFF  }
0xae: {  	[dreg:$0x1] =	wrdreg $0xFFFFFFFF  }
0xaf: {  	[dreg:$0x0] =	wrdreg $0x60  }
0xb0: {  	[dreg:$0x2] =	wrdreg s2  }
0xb1: {  	[dreg:$0x3] =	wrdreg s19  }
0xb2: {  	[dreg:$0x4] =	wrdreg s4  }
0xb3: {  	[dreg:$0x5] =	wrdreg $0x187000  }
0xb4: {  	[dreg:$0x6] =	wrdreg $0x9  }
0xb5: {  	_ =	task.clear_ibuf [dreg:s9], $0x7FFFF;
	_ =	strace $0x90000046  }
0xb6: {  	s29 =	simm.s32 $0x9;
	_ =	strace $0x80000048  }
0xb7: {  	_ =	swait.ge [sflag:s29], $0x1  }
0xb8: {  	[sflag:s29] =	ssyncadd.s32 $0xFFFFFFFF  }
0xb9: {  	_ =	strace $0x90000048  }
0xba: {  	_ =	sfence  }
0xbb: {  	s30 =	sld [smem:$0x0];
	_ =	sdelay $0x2  }
0xbc: {  	s31 =	sshll.u32 s1, $0xD;
	s1 =	sshrl.u32 s1, $0x2  }
0xbd: {  	s3 =	sand.u32 $0x4000, s31;
	s1 =	sadd.s32 s1, s30  }
0xbe: {  	s0 =	sor.u32 s3, s0;
	s1 =	sshll.u32 s1, $0x11  }
0xbf: {  	s0 =	sor.u32 s1, s0  }
0xc0: {  	s0 =	sadd.s32 $0x8F2B, s0  }
0xc1: {  	[sflag:s0] =	ssyncadd.remote.s32 $0x1  }
0xc2: {  	_ =	sfence.sel $0xFFFF  }
0xc3: {  	[dreg:$0x0] =	wrdreg $0xFFFFFFFF;
	(pc) =	sbr.abs _section_cstart, $3  }
0xc4: {  	[dreg:$0x1] =	wrdreg $0xFFFFFFFF  }
0xc5: {  	_ =	task.clear_ibuf [dreg:s9], $0x2FFFF;
	_ =	strace $0x9FFFFFFF  }
0xc6: {  	(tm) =	ssettm $0x7FFFFFFF  }
0xc7: {  	_ =	shalt  }
tec
execute0_lowered:
.L_overlay_start_1:
0x0: {  	(tag) =	ssettag $0x1  }
0x1: {  	s15 =	rddreg [dreg:$0x0]  }
0x2: {  	s0 =	rddreg [dreg:$0x1]  }
0x3: {  	s2 =	rddreg [dreg:$0x2]  }
0x4: {  	s3 =	rddreg [dreg:$0x3]  }
0x5: {  	s1 =	srdreg.scid;
	s5 =	stileid.u32  }
0x6: {  	s28 =	simm.s32 $0x80;
	s29 =	simm.s32 $0x400;
	s19 =	simm.s32 $0x1DF00  }
0x7: {  	s1 =	sand.u32 $0x1, s1;
	s4 =	sshll.u32 s5, $0x9;
	s6 =	sshrl.u32 s5, $0x1  }
0x8: {  	s26 =	sadd.s32 $0x80, s3;
	s30 =	sadd.s32 $0x7000, s15;
	s13 =	sadd.s32 $0xE000, s15  }
0x9: {  	s15 =	sadd.s32 $0x15000, s15;
	p0 =	sne.s32 s5, $0x0;
	s5 =	simm.s32 $0x1  }
0xa: {  	s7 =	sshll.u32 s1, $0x8;
	s8 =	sand.u32 $0x200, s4;
	s4 =	simm.s32 $0x0  }
0xb: {  	s12 =	smul.u32 $0xC3800, s6;
	s1 =	ssub.s32 $0x2, s1;
	[smem:$0x7FF] =	sst s4  }
0xc: {  	s6 =	sshll.u32 s6, $0xF;
	_ =	strace $0x80000047;
	[dreg:$0x6] =	wrdreg s26  }
0xd: {  	s8 =	sor.u32 s7, s8;
	s24 =	sshrl.u32 s1, $0x1;
	[dreg:$0x7] =	wrdreg s30  }
0xe: {  	s9 =	sor.u32 s12, s8;
	s1 =	ssub.s32 s1, s24;
	[dreg:$0x8] =	wrdreg s13  }
0xf: {  	[dreg:$0x9] =	wrdreg s15;
	s25 =	sshrl.u32 s9, $0x3;
	s9 =	sor.u32 s8, s6  }
0x10: {  	s8 =	sor.u32 $0x80, s8;
	s31 =	smax.u32 s1, $0x1;
	s1 =	simm.s32 $0x1EF00  }
0x11: {  	s7 =	sadd.s32 s0, s25;
	s10 =	sor.u32 $0xE00000, s9;
	s11 =	sor.u32 $0xE40000, s9  }
0x12: {  	s13 =	sor.u32 $0x1C00000, s9;
	s14 =	sor.u32 $0x1C40000, s9;
	s16 =	sor.u32 $0x2A00000, s9  }
0x13: {  	s12 =	sor.u32 s12, s8;
	s17 =	sor.u32 $0x2A40000, s9;
	s18 =	sor.u32 s8, s6  }
0x14: {  	[dreg:$0xb] =	wrdreg s31;
	s25 =	simm.s32 $0x2;
	s6 =	simm.s32 $0x0  }
0x15: {  	[dreg:$0x5] =	wrdreg s7;
	s7 =	sadd.s32 $0x8000, s2;
	s12 =	sshrl.u32 s12, $0x3  }
0x16: {  	s20 =	sor.u32 $0xE00000, s18;
	s21 =	sor.u32 $0xE40000, s18;
	s22 =	sor.u32 $0x1C00000, s18  }
0x17: {  	s23 =	sor.u32 $0x1C40000, s18;
	s24 =	sor.u32 $0x2A00000, s18;
	s0 =	sadd.s32 s0, s12  }
0x18: {  	s26 =	sor.u32 $0x2A40000, s18;
	s12 =	simm.s32 $0x4;
	[dreg:$0xa] =	wrdreg s0  }
.LBB2_1:
0x19: {  	[dreg:$0xc] =	wrdreg s6  }
0x1a: {  	s0 =	rddreg [dreg:$0x5]  }
0x1b: {  	[tilespmem:s4], [sflag:$0x5] =	stream.strided.gather [hbm4b:s0+s28], $0x18700, s29, s28, $0x38;
	[tilespmem:$0x1FF00] =	vst v63  }
0x1c: {  	[bflag:$0x0] =	sbarrier.arrive $0xFFFF  }
0x1d: {  	s8 =	sshrl.u32 @!p0 s3, $0x3;
	s6 =	rddreg [dreg:$0x0]  }
0x1e: {  	s0 =	simm.s32 @!p0 $0x1C06;
	[dreg:$0xd] =	wrdreg s8  }
0x1f: {  	[spmem:s8], [sflag:s0] =	dma.local @!p0 [hbm:s6], $0x7000  }
0x20: {  	s0 =	simm.s32 @!p0 $0x6  }
0x21: {  	_ =	swait.ge @!p0 [sflag:s0], $0x7000  }
0x22: {  	[sflag:s0] =	ssyncset.done @!p0 $0x0  }
0x23: {  	[sflag:s0] =	ssyncadd.s32 @!p0 $0xFFFF9000  }
0x24: {  	s6 =	simm.s32 $0x5;
	[bflag:$0x0] =	sbarrier.arrive $0xFFFF  }
0x25: {  	_ =	swait.ge [sflag:s6], $0x18700  }
0x26: {  	[sflag:s6] =	ssyncset.done $0x0  }
0x27: {  	s8 =	simm.s32 $0x1BF00;
	[sflag:s6] =	ssyncadd.s32 $0xFFFE7900  }
0x28: {  	[tilespmem:s8], [sflag:$0x1] =	stream.strided.gather [spmem:s3], $0x1000, s29, s28, $0x38;
	[tilespmem:$0x1FF00] =	vst v63  }
0x29: {  	s30 =	simm.s32 $0x1CF00;
	s31 =	simm.s32 $0x0;
	s15 =	rddreg [dreg:$0x6]  }
0x2a: {  	[tilespmem:s30], [sflag:$0x2] =	stream.strided.gather [spmem:s15], $0x1000, s29, s28, $0x38;
	[tilespmem:$0x1FF00] =	vst v63  }
.LBB2_2:
0x2b: {  	_ =	swait.ge [sflag:s5], $0x1000  }
0x2c: {  	p2 =	seq.s32 s31, $0x0;
	[sflag:s5] =	ssyncset.done $0x0  }
0x2d: {  	s0 =	simm.s32 @!p2 $0x3;
	[sflag:s5] =	ssyncadd.s32 $0xFFFFF000  }
0x2e: {  	_ =	swait.ge @!p2 [sflag:s0], $0x1000  }
0x2f: {  	[sflag:s0] =	ssyncset.done @!p2 $0x0  }
0x30: {  	s15 =	simm.s32 $0x1BF80;
	[sflag:s0] =	ssyncadd.s32 @!p2 $0xFFFFF000  }
0x31: {  	v0 =	vld [tilespmem:s15+$0x70]  }
0x32: {  	v1 =	vld [tilespmem:s15+$0xFFFFFF90]  }
0x33: {  	v2 =	vld [tilespmem:s15+$0xFFFFFFA0]  }
0x34: {  	v3 =	vld [tilespmem:s15+$0xFFFFFFB0]  }
0x35: {  	v4 =	vld [tilespmem:s15+$0xFFFFFFC0]  }
0x36: {  	v5 =	vld [tilespmem:s15+$0xFFFFFFD0]  }
0x37: {  	v6 =	vld [tilespmem:s15+$0xFFFFFFE0]  }
0x38: {  	v7 =	vld [tilespmem:s15+$0xFFFFFFF0]  }
0x39: {  	v8 =	vld [tilespmem:s15+$0x0]  }
0x3a: {  	v9 =	vld [tilespmem:s15+$0x10]  }
0x3b: {  	v10 =	vld [tilespmem:s15+$0x20]  }
0x3c: {  	v11 =	vld [tilespmem:s15+$0x30]  }
0x3d: {  	v12 =	vld [tilespmem:s15+$0x40]  }
0x3e: {  	v13 =	vld [tilespmem:s15+$0x50]  }
0x3f: {  	v14 =	vld [tilespmem:s15+$0x60]  }
0x40: {  	v15 =	vld [tilespmem:s15+$0xFFFFFF80]  }
0x41: {  	v0 =	vld.idx.msk [tilespmem:v0+s4+$0x0], $0xffff  }
0x42: {  	v1 =	vld.idx.msk [tilespmem:v1+s4+$0x0], $0xffff  }
0x43: {  	v2 =	vld.idx.msk [tilespmem:v2+s4+$0x0], $0xffff  }
0x44: {  	v3 =	vld.idx.msk [tilespmem:v3+s4+$0x0], $0xffff  }
0x45: {  	v4 =	vld.idx.msk [tilespmem:v4+s4+$0x0], $0xffff  }
0x46: {  	s15 =	simm.s32 $0x1DF80;
	v16 =	vld.idx.msk [tilespmem:v5+s4+$0x0], $0xffff  }
0x47: {  	v5 =	vld.idx.msk [tilespmem:v9+s4+$0x0], $0xffff;
	[tilespmem:s15+$0x70] =	vst v0  }
0x48: {  	v0 =	vld.idx.msk [tilespmem:v6+s4+$0x0], $0xffff;
	[tilespmem:s15+$0xFFFFFF90] =	vst v1  }
0x49: {  	v1 =	vld.idx.msk [tilespmem:v7+s4+$0x0], $0xffff;
	[tilespmem:s15+$0xFFFFFFA0] =	vst v2  }
0x4a: {  	v6 =	vld.idx.msk [tilespmem:v15+s4+$0x0], $0xffff;
	[tilespmem:s15+$0xFFFFFFB0] =	vst v3  }
0x4b: {  	v7 =	vld.idx.msk [tilespmem:v8+s4+$0x0], $0xffff;
	[tilespmem:s15+$0xFFFFFFC0] =	vst v4  }
0x4c: {  	[tilespmem:s15+$0xFFFFFFD0] =	vst v16;
	v2 =	vld.idx.msk [tilespmem:v10+s4+$0x0], $0xffff  }
0x4d: {  	v3 =	vld.idx.msk [tilespmem:v11+s4+$0x0], $0xffff;
	[tilespmem:s15+$0xFFFFFFE0] =	vst v0  }
0x4e: {  	v4 =	vld.idx.msk [tilespmem:v14+s4+$0x0], $0xffff;
	[tilespmem:s15+$0xFFFFFFF0] =	vst v1  }
0x4f: {  	v1 =	vld.idx.msk [tilespmem:v12+s4+$0x0], $0xffff;
	[tilespmem:s15+$0xFFFFFF80] =	vst v6  }
0x50: {  	s6 =	simm.s32 $0x0;
	s30 =	simm.s32 $0x1C080;
	s0 =	sshll.u32 s31, $0x1;
	v0 =	vld.idx.msk [tilespmem:v13+s4+$0x0], $0xffff;
	[tilespmem:s15+$0x0] =	vst v7  }
.LBB2_3:
0x51: {  	v6 =	vld [tilespmem:s30+$0x70];
	s6 =	sadd.s32 $0x100, s6;
	[tilespmem:s15+$0x10] =	vst v5  }
0x52: {  	v5 =	vld [tilespmem:s30+$0xFFFFFF90];
	p1 =	slt.u32 s6, $0xF00;
	[tilespmem:s15+$0x20] =	vst v2  }
0x53: {  	v2 =	vld [tilespmem:s30+$0xFFFFFFA0];
	[tilespmem:s15+$0x30] =	vst v3  }
0x54: {  	v3 =	vld [tilespmem:s30+$0xFFFFFFB0];
	[tilespmem:s15+$0x40] =	vst v1  }
0x55: {  	v1 =	vld [tilespmem:s30+$0xFFFFFFC0];
	[tilespmem:s15+$0x50] =	vst v0  }
0x56: {  	v0 =	vld [tilespmem:s30+$0xFFFFFFD0];
	[tilespmem:s15+$0x60] =	vst v4  }
0x57: {  	v4 =	vld [tilespmem:s30+$0xFFFFFFE0]  }
0x58: {  	v7 =	vld [tilespmem:s30+$0xFFFFFFF0]  }
0x59: {  	v6 =	vld.idx.msk [tilespmem:v6+s4+$0x0], $0xffff  }
0x5a: {  	v8 =	vld [tilespmem:s30+$0x0]  }
0x5b: {  	v9 =	vld [tilespmem:s30+$0x10]  }
0x5c: {  	v10 =	vld [tilespmem:s30+$0x20]  }
0x5d: {  	v11 =	vld [tilespmem:s30+$0x30]  }
0x5e: {  	s15 =	sadd.s32 $0x100, s15;
	v12 =	vld [tilespmem:s30+$0x40]  }
0x5f: {  	v13 =	vld [tilespmem:s30+$0x50];
	[tilespmem:s15+$0x70] =	vst v6  }
0x60: {  	v6 =	vld [tilespmem:s30+$0x60]  }
0x61: {  	v14 =	vld [tilespmem:s30+$0xFFFFFF80]  }
0x62: {  	v5 =	vld.idx.msk [tilespmem:v5+s4+$0x0], $0xffff  }
0x63: {  	v2 =	vld.idx.msk [tilespmem:v2+s4+$0x0], $0xffff  }
0x64: {  	v3 =	vld.idx.msk [tilespmem:v3+s4+$0x0], $0xffff  }
0x65: {  	v1 =	vld.idx.msk [tilespmem:v1+s4+$0x0], $0xffff  }
0x66: {  	v0 =	vld.idx.msk [tilespmem:v0+s4+$0x0], $0xffff  }
0x67: {  	v4 =	vld.idx.msk [tilespmem:v4+s4+$0x0], $0xffff  }
0x68: {  	[tilespmem:s15+$0xFFFFFF90] =	vst v5;
	v7 =	vld.idx.msk [tilespmem:v7+s4+$0x0], $0xffff  }
0x69: {  	v14 =	vld.idx.msk [tilespmem:v14+s4+$0x0], $0xffff;
	[tilespmem:s15+$0xFFFFFFA0] =	vst v2  }
0x6a: {  	[tilespmem:s15+$0xFFFFFFB0] =	vst v3;
	v8 =	vld.idx.msk [tilespmem:v8+s4+$0x0], $0xffff  }
0x6b: {  	[tilespmem:s15+$0xFFFFFFC0] =	vst v1;
	v5 =	vld.idx.msk [tilespmem:v9+s4+$0x0], $0xffff  }
.Ltmp0:
0x6c: {  	[tilespmem:s15+$0xFFFFFFD0] =	vst v0;
	v2 =	vld.idx.msk [tilespmem:v10+s4+$0x0], $0xffff;
	(pc) =	sbr.rel @p1 .LBB2_3-.Ltmp0, $4  }
0x6d: {  	[tilespmem:s15+$0xFFFFFFE0] =	vst v4;
	v3 =	vld.idx.msk [tilespmem:v11+s4+$0x0], $0xffff  }
0x6e: {  	[tilespmem:s15+$0xFFFFFFF0] =	vst v7;
	v1 =	vld.idx.msk [tilespmem:v12+s4+$0x0], $0xffff  }
0x6f: {  	[tilespmem:s15+$0xFFFFFF80] =	vst v14;
	v0 =	vld.idx.msk [tilespmem:v13+s4+$0x0], $0xffff  }
0x70: {  	s30 =	sadd.s32 $0x100, s30;
	[tilespmem:s15+$0x0] =	vst v8;
	v4 =	vld.idx.msk [tilespmem:v6+s4+$0x0], $0xffff  }
0x71: {  	p1 =	seq.s32 s31, $0x1B;
	[tilespmem:s15+$0x10] =	vst v5  }
0x72: {  	[tilespmem:s15+$0x20] =	vst v2;
	s6 =	sadd.s32 @!p1 $0x2, s0  }
0x73: {  	[tilespmem:s15+$0x30] =	vst v3;
	s8 =	sshll.u32 @!p1 s6, $0xC  }
0x74: {  	s6 =	sshll.u32 @!p1 s6, $0x7;
	[tilespmem:s15+$0x40] =	vst v1;
	s8 =	sand.u32 @!p1 $0x78000, s8  }
0x75: {  	s30 =	simm.s32 @!p1 $0x1BF00;
	s6 =	sand.u32 @!p1 $0x300, s6;
	[tilespmem:s15+$0x50] =	vst v0;
	s8 =	sadd.s32 @!p1 s8, s3  }
0x76: {  	[tilespmem:s15+$0x60] =	vst v4;
	s15 =	simm.s32 @!p1 $0x400;
	s6 =	sadd.s32 @!p1 s6, s8;
	s8 =	simm.s32 @!p1 $0x80  }
0x77: {  	[tilespmem:s30], [sflag:$0x1] =	stream.strided.gather @!p1 [spmem:s6], $0x1000, s15, s8, $0x38;
	[tilespmem:$0x1FF00] =	vst v63  }
0x78: {  	s15 =	sshll.u32 s31, $0x13  }
0x79: {  	s6 =	sor.u32 s9, s15  }
0x7a: {  	s15 =	sshrl.u32 s6, $0x3  }
0x7b: {  	s6 =	sadd.s32 s2, s15  }
0x7c: {  	[hbm4b:s6+s28] =	stream.strided.scatter [tilespmem:s19], [sflag:$0x3], $0x1000, s29, s28, $0x38;
	[tilespmem:$0x1FF00] =	vst v63  }
0x7d: {  	_ =	swait.ge [sflag:s25], $0x1000  }
0x7e: {  	[sflag:s25] =	ssyncset.done $0x0  }
0x7f: {  	s6 =	simm.s32 @!p2 $0x4;
	[sflag:s25] =	ssyncadd.s32 $0xFFFFF000  }
0x80: {  	_ =	swait.ge @!p2 [sflag:s6], $0x1000  }
0x81: {  	[sflag:s6] =	ssyncset.done @!p2 $0x0  }
0x82: {  	s8 =	simm.s32 $0x1CF80;
	[sflag:s6] =	ssyncadd.s32 @!p2 $0xFFFFF000  }
0x83: {  	v0 =	vld [tilespmem:s8+$0x70]  }
0x84: {  	v1 =	vld [tilespmem:s8+$0xFFFFFF90]  }
0x85: {  	v2 =	vld [tilespmem:s8+$0xFFFFFFA0]  }
0x86: {  	v3 =	vld [tilespmem:s8+$0xFFFFFFB0]  }
0x87: {  	v4 =	vld [tilespmem:s8+$0xFFFFFFC0]  }
0x88: {  	v5 =	vld [tilespmem:s8+$0xFFFFFFD0]  }
0x89: {  	v6 =	vld [tilespmem:s8+$0xFFFFFFE0]  }
0x8a: {  	v7 =	vld [tilespmem:s8+$0xFFFFFFF0]  }
0x8b: {  	v8 =	vld [tilespmem:s8+$0x0]  }
0x8c: {  	v9 =	vld [tilespmem:s8+$0x10]  }
0x8d: {  	v10 =	vld [tilespmem:s8+$0x20]  }
0x8e: {  	v11 =	vld [tilespmem:s8+$0x30]  }
0x8f: {  	v12 =	vld [tilespmem:s8+$0x40]  }
0x90: {  	v13 =	vld [tilespmem:s8+$0x50]  }
0x91: {  	v14 =	vld [tilespmem:s8+$0x60]  }
0x92: {  	v15 =	vld [tilespmem:s8+$0xFFFFFF80]  }
0x93: {  	v0 =	vld.idx.msk [tilespmem:v0+s4+$0x0], $0xffff  }
0x94: {  	v1 =	vld.idx.msk [tilespmem:v1+s4+$0x0], $0xffff  }
0x95: {  	v2 =	vld.idx.msk [tilespmem:v2+s4+$0x0], $0xffff  }
0x96: {  	v3 =	vld.idx.msk [tilespmem:v3+s4+$0x0], $0xffff  }
0x97: {  	v4 =	vld.idx.msk [tilespmem:v4+s4+$0x0], $0xffff  }
0x98: {  	s6 =	simm.s32 $0x1EF80;
	v16 =	vld.idx.msk [tilespmem:v5+s4+$0x0], $0xffff  }
0x99: {  	v5 =	vld.idx.msk [tilespmem:v9+s4+$0x0], $0xffff;
	[tilespmem:s6+$0x70] =	vst v0  }
0x9a: {  	v0 =	vld.idx.msk [tilespmem:v6+s4+$0x0], $0xffff;
	[tilespmem:s6+$0xFFFFFF90] =	vst v1  }
0x9b: {  	v1 =	vld.idx.msk [tilespmem:v7+s4+$0x0], $0xffff;
	[tilespmem:s6+$0xFFFFFFA0] =	vst v2  }
0x9c: {  	v6 =	vld.idx.msk [tilespmem:v15+s4+$0x0], $0xffff;
	[tilespmem:s6+$0xFFFFFFB0] =	vst v3  }
0x9d: {  	v2 =	vld.idx.msk [tilespmem:v8+s4+$0x0], $0xffff;
	[tilespmem:s6+$0xFFFFFFC0] =	vst v4  }
0x9e: {  	[tilespmem:s6+$0xFFFFFFD0] =	vst v16;
	v3 =	vld.idx.msk [tilespmem:v10+s4+$0x0], $0xffff  }
0x9f: {  	v4 =	vld.idx.msk [tilespmem:v11+s4+$0x0], $0xffff;
	[tilespmem:s6+$0xFFFFFFE0] =	vst v0  }
0xa0: {  	[tilespmem:s6+$0xFFFFFFF0] =	vst v1;
	v1 =	vld.idx.msk [tilespmem:v12+s4+$0x0], $0xffff  }
0xa1: {  	[tilespmem:s6+$0xFFFFFF80] =	vst v6;
	v0 =	vld.idx.msk [tilespmem:v13+s4+$0x0], $0xffff  }
0xa2: {  	s30 =	simm.s32 $0x0;
	s8 =	simm.s32 $0x1D080;
	[tilespmem:s6+$0x0] =	vst v2;
	v2 =	vld.idx.msk [tilespmem:v14+s4+$0x0], $0xffff  }
.LBB2_5:
0xa3: {  	v6 =	vld [tilespmem:s8+$0x70];
	s30 =	sadd.s32 $0x100, s30;
	[tilespmem:s6+$0x10] =	vst v5  }
0xa4: {  	v5 =	vld [tilespmem:s8+$0xFFFFFF90];
	p2 =	slt.u32 s30, $0xF00;
	[tilespmem:s6+$0x20] =	vst v3  }
0xa5: {  	v3 =	vld [tilespmem:s8+$0xFFFFFFA0];
	[tilespmem:s6+$0x30] =	vst v4  }
0xa6: {  	v4 =	vld [tilespmem:s8+$0xFFFFFFB0];
	[tilespmem:s6+$0x40] =	vst v1  }
0xa7: {  	v1 =	vld [tilespmem:s8+$0xFFFFFFC0];
	[tilespmem:s6+$0x50] =	vst v0  }
0xa8: {  	v0 =	vld [tilespmem:s8+$0xFFFFFFD0];
	[tilespmem:s6+$0x60] =	vst v2  }
0xa9: {  	v2 =	vld [tilespmem:s8+$0xFFFFFFE0]  }
0xaa: {  	v7 =	vld [tilespmem:s8+$0xFFFFFFF0]  }
0xab: {  	v6 =	vld.idx.msk [tilespmem:v6+s4+$0x0], $0xffff  }
0xac: {  	v8 =	vld [tilespmem:s8+$0x0]  }
0xad: {  	v9 =	vld [tilespmem:s8+$0x10]  }
0xae: {  	v10 =	vld [tilespmem:s8+$0x20]  }
0xaf: {  	v11 =	vld [tilespmem:s8+$0x30]  }
0xb0: {  	s6 =	sadd.s32 $0x100, s6;
	v12 =	vld [tilespmem:s8+$0x40]  }
0xb1: {  	v13 =	vld [tilespmem:s8+$0x50];
	[tilespmem:s6+$0x70] =	vst v6  }
0xb2: {  	v6 =	vld [tilespmem:s8+$0x60]  }
0xb3: {  	v14 =	vld [tilespmem:s8+$0xFFFFFF80]  }
0xb4: {  	v5 =	vld.idx.msk [tilespmem:v5+s4+$0x0], $0xffff  }
0xb5: {  	v3 =	vld.idx.msk [tilespmem:v3+s4+$0x0], $0xffff  }
0xb6: {  	v4 =	vld.idx.msk [tilespmem:v4+s4+$0x0], $0xffff  }
0xb7: {  	v1 =	vld.idx.msk [tilespmem:v1+s4+$0x0], $0xffff  }
0xb8: {  	v0 =	vld.idx.msk [tilespmem:v0+s4+$0x0], $0xffff  }
0xb9: {  	v2 =	vld.idx.msk [tilespmem:v2+s4+$0x0], $0xffff  }
0xba: {  	[tilespmem:s6+$0xFFFFFF90] =	vst v5;
	v7 =	vld.idx.msk [tilespmem:v7+s4+$0x0], $0xffff  }
0xbb: {  	v14 =	vld.idx.msk [tilespmem:v14+s4+$0x0], $0xffff;
	[tilespmem:s6+$0xFFFFFFA0] =	vst v3  }
0xbc: {  	[tilespmem:s6+$0xFFFFFFB0] =	vst v4;
	v8 =	vld.idx.msk [tilespmem:v8+s4+$0x0], $0xffff  }
0xbd: {  	[tilespmem:s6+$0xFFFFFFC0] =	vst v1;
	v5 =	vld.idx.msk [tilespmem:v9+s4+$0x0], $0xffff  }
.Ltmp1:
0xbe: {  	[tilespmem:s6+$0xFFFFFFD0] =	vst v0;
	v3 =	vld.idx.msk [tilespmem:v10+s4+$0x0], $0xffff;
	(pc) =	sbr.rel @p2 .LBB2_5-.Ltmp1, $4  }
0xbf: {  	[tilespmem:s6+$0xFFFFFFE0] =	vst v2;
	v4 =	vld.idx.msk [tilespmem:v11+s4+$0x0], $0xffff  }
0xc0: {  	[tilespmem:s6+$0xFFFFFFF0] =	vst v7;
	v1 =	vld.idx.msk [tilespmem:v12+s4+$0x0], $0xffff  }
0xc1: {  	[tilespmem:s6+$0xFFFFFF80] =	vst v14;
	v0 =	vld.idx.msk [tilespmem:v13+s4+$0x0], $0xffff  }
0xc2: {  	s8 =	sadd.s32 $0x100, s8;
	[tilespmem:s6+$0x0] =	vst v8;
	v2 =	vld.idx.msk [tilespmem:v6+s4+$0x0], $0xffff  }
0xc3: {  	[tilespmem:s6+$0x10] =	vst v5  }
0xc4: {  	s0 =	sadd.s32 @!p1 $0x3, s0;
	[tilespmem:s6+$0x20] =	vst v3  }
0xc5: {  	s8 =	sshll.u32 @!p1 s0, $0xC;
	[tilespmem:s6+$0x30] =	vst v4  }
0xc6: {  	s30 =	simm.s32 @!p1 $0x1CF00;
	s0 =	sshll.u32 @!p1 s0, $0x7;
	s8 =	sand.u32 @!p1 $0x78000, s8;
	[tilespmem:s6+$0x40] =	vst v1  }
0xc7: {  	s31 =	sadd.s32 $0x1, s31;
	s0 =	sand.u32 @!p1 $0x380, s0;
	s8 =	sadd.s32 @!p1 s8, s3;
	[tilespmem:s6+$0x50] =	vst v0  }
0xc8: {  	s0 =	sadd.s32 @!p1 s0, s8;
	[tilespmem:s6+$0x60] =	vst v2;
	s6 =	simm.s32 @!p1 $0x80;
	s8 =	simm.s32 @!p1 $0x400  }
0xc9: {  	[tilespmem:s30], [sflag:$0x2] =	stream.strided.gather @!p1 [spmem:s0], $0x1000, s8, s6, $0x38;
	[tilespmem:$0x1FF00] =	vst v63  }
0xca: {  	p1 =	sne.s32 s31, $0x1C  }
.Ltmp2:
0xcb: {  	_ = 	snop;
	(pc) =	sbr.rel @p1 .LBB2_2-.Ltmp2, $3  }
0xcc: {  	_ =	sdelay $0x1  }
0xcd: {  	s30 =	sadd.s32 s15, s7  }
0xce: {  	[hbm4b:s30+s28] =	stream.strided.scatter [tilespmem:s1], [sflag:$0x4], $0x1000, s29, s28, $0x38;
	[tilespmem:$0x1FF00] =	vst v63  }
0xcf: {  	s0 =	simm.s32 $0x3  }
0xd0: {  	_ =	swait.ge [sflag:s0], $0x1000  }
0xd1: {  	[sflag:s0] =	ssyncset.done $0x0  }
0xd2: {  	[sflag:s0] =	ssyncadd.s32 $0xFFFFF000  }
0xd3: {  	_ =	swait.ge [sflag:s12], $0x1000  }
0xd4: {  	[sflag:s12] =	ssyncset.done $0x0  }
0xd5: {  	[sflag:s12] =	ssyncadd.s32 $0xFFFFF000  }
0xd6: {  	[bflag:$0x0] =	sbarrier.arrive $0xFFFF  }
0xd7: {  	s6 =	rddreg [dreg:$0x7]  }
0xd8: {  	s0 =	simm.s32 @!p0 $0x1C06;
	s8 =	rddreg [dreg:$0xd]  }
0xd9: {  	[spmem:s8], [sflag:s0] =	dma.local @!p0 [hbm:s6], $0x7000  }
0xda: {  	s0 =	simm.s32 @!p0 $0x6  }
0xdb: {  	_ =	swait.ge @!p0 [sflag:s0], $0x7000  }
0xdc: {  	[sflag:s0] =	ssyncset.done @!p0 $0x0  }
0xdd: {  	[sflag:s0] =	ssyncadd.s32 @!p0 $0xFFFF9000  }
0xde: {  	s8 =	simm.s32 $0x1BF00;
	[bflag:$0x0] =	sbarrier.arrive $0xFFFF  }
0xdf: {  	[tilespmem:s8], [sflag:$0x1] =	stream.strided.gather [spmem:s3], $0x1000, s29, s28, $0x38;
	[tilespmem:$0x1FF00] =	vst v63  }
0xe0: {  	s30 =	simm.s32 $0x1CF00;
	s31 =	simm.s32 $0x0;
	s15 =	rddreg [dreg:$0x6]  }
0xe1: {  	[tilespmem:s30], [sflag:$0x2] =	stream.strided.gather [spmem:s15], $0x1000, s29, s28, $0x38;
	[tilespmem:$0x1FF00] =	vst v63  }
.LBB2_8:
0xe2: {  	_ =	swait.ge [sflag:s5], $0x1000  }
0xe3: {  	p2 =	seq.s32 s31, $0x0;
	[sflag:s5] =	ssyncset.done $0x0  }
0xe4: {  	s0 =	simm.s32 @!p2 $0x3;
	[sflag:s5] =	ssyncadd.s32 $0xFFFFF000  }
0xe5: {  	_ =	swait.ge @!p2 [sflag:s0], $0x1000  }
0xe6: {  	[sflag:s0] =	ssyncset.done @!p2 $0x0  }
0xe7: {  	s30 =	simm.s32 $0x1BF80;
	[sflag:s0] =	ssyncadd.s32 @!p2 $0xFFFFF000  }
0xe8: {  	v0 =	vld [tilespmem:s30+$0x70]  }
0xe9: {  	v1 =	vld [tilespmem:s30+$0xFFFFFF90]  }
0xea: {  	v2 =	vld [tilespmem:s30+$0xFFFFFFA0]  }
0xeb: {  	v3 =	vld [tilespmem:s30+$0xFFFFFFB0]  }
0xec: {  	v4 =	vld [tilespmem:s30+$0xFFFFFFC0]  }
0xed: {  	v5 =	vld [tilespmem:s30+$0xFFFFFFD0]  }
0xee: {  	v6 =	vld [tilespmem:s30+$0xFFFFFFE0]  }
0xef: {  	v7 =	vld [tilespmem:s30+$0xFFFFFFF0]  }
0xf0: {  	v8 =	vld [tilespmem:s30+$0x0]  }
0xf1: {  	v9 =	vld [tilespmem:s30+$0x10]  }
0xf2: {  	v10 =	vld [tilespmem:s30+$0x20]  }
0xf3: {  	v11 =	vld [tilespmem:s30+$0x30]  }
0xf4: {  	v12 =	vld [tilespmem:s30+$0x40]  }
0xf5: {  	v13 =	vld [tilespmem:s30+$0x50]  }
0xf6: {  	v14 =	vld [tilespmem:s30+$0x60]  }
0xf7: {  	v15 =	vld [tilespmem:s30+$0xFFFFFF80]  }
0xf8: {  	v0 =	vld.idx.msk [tilespmem:v0+s4+$0x0], $0xffff  }
0xf9: {  	v1 =	vld.idx.msk [tilespmem:v1+s4+$0x0], $0xffff  }
0xfa: {  	v2 =	vld.idx.msk [tilespmem:v2+s4+$0x0], $0xffff  }
0xfb: {  	v3 =	vld.idx.msk [tilespmem:v3+s4+$0x0], $0xffff  }
0xfc: {  	v4 =	vld.idx.msk [tilespmem:v4+s4+$0x0], $0xffff  }
0xfd: {  	s15 =	simm.s32 $0x1DF80;
	v16 =	vld.idx.msk [tilespmem:v5+s4+$0x0], $0xffff  }
0xfe: {  	v5 =	vld.idx.msk [tilespmem:v9+s4+$0x0], $0xffff;
	[tilespmem:s15+$0x70] =	vst v0  }
0xff: {  	v0 =	vld.idx.msk [tilespmem:v6+s4+$0x0], $0xffff;
	[tilespmem:s15+$0xFFFFFF90] =	vst v1  }
0x100: {  	v1 =	vld.idx.msk [tilespmem:v7+s4+$0x0], $0xffff;
	[tilespmem:s15+$0xFFFFFFA0] =	vst v2  }
0x101: {  	v6 =	vld.idx.msk [tilespmem:v15+s4+$0x0], $0xffff;
	[tilespmem:s15+$0xFFFFFFB0] =	vst v3  }
0x102: {  	v7 =	vld.idx.msk [tilespmem:v8+s4+$0x0], $0xffff;
	[tilespmem:s15+$0xFFFFFFC0] =	vst v4  }
0x103: {  	[tilespmem:s15+$0xFFFFFFD0] =	vst v16;
	v2 =	vld.idx.msk [tilespmem:v10+s4+$0x0], $0xffff  }
0x104: {  	v3 =	vld.idx.msk [tilespmem:v11+s4+$0x0], $0xffff;
	[tilespmem:s15+$0xFFFFFFE0] =	vst v0  }
0x105: {  	v4 =	vld.idx.msk [tilespmem:v14+s4+$0x0], $0xffff;
	[tilespmem:s15+$0xFFFFFFF0] =	vst v1  }
0x106: {  	v1 =	vld.idx.msk [tilespmem:v12+s4+$0x0], $0xffff;
	[tilespmem:s15+$0xFFFFFF80] =	vst v6  }
0x107: {  	s6 =	simm.s32 $0x0;
	s8 =	simm.s32 $0x1C080;
	s0 =	sshll.u32 s31, $0x1;
	v0 =	vld.idx.msk [tilespmem:v13+s4+$0x0], $0xffff;
	[tilespmem:s15+$0x0] =	vst v7  }
.LBB2_9:
0x108: {  	v6 =	vld [tilespmem:s8+$0x70];
	s6 =	sadd.s32 $0x100, s6;
	[tilespmem:s15+$0x10] =	vst v5  }
0x109: {  	v5 =	vld [tilespmem:s8+$0xFFFFFF90];
	p1 =	slt.u32 s6, $0xF00;
	[tilespmem:s15+$0x20] =	vst v2  }
0x10a: {  	v2 =	vld [tilespmem:s8+$0xFFFFFFA0];
	[tilespmem:s15+$0x30] =	vst v3  }
0x10b: {  	v3 =	vld [tilespmem:s8+$0xFFFFFFB0];
	[tilespmem:s15+$0x40] =	vst v1  }
0x10c: {  	v1 =	vld [tilespmem:s8+$0xFFFFFFC0];
	[tilespmem:s15+$0x50] =	vst v0  }
0x10d: {  	v0 =	vld [tilespmem:s8+$0xFFFFFFD0];
	[tilespmem:s15+$0x60] =	vst v4  }
0x10e: {  	v4 =	vld [tilespmem:s8+$0xFFFFFFE0]  }
0x10f: {  	v7 =	vld [tilespmem:s8+$0xFFFFFFF0]  }
0x110: {  	v6 =	vld.idx.msk [tilespmem:v6+s4+$0x0], $0xffff  }
0x111: {  	v8 =	vld [tilespmem:s8+$0x0]  }
0x112: {  	v9 =	vld [tilespmem:s8+$0x10]  }
0x113: {  	v10 =	vld [tilespmem:s8+$0x20]  }
0x114: {  	v11 =	vld [tilespmem:s8+$0x30]  }
0x115: {  	s15 =	sadd.s32 $0x100, s15;
	v12 =	vld [tilespmem:s8+$0x40]  }
0x116: {  	v13 =	vld [tilespmem:s8+$0x50];
	[tilespmem:s15+$0x70] =	vst v6  }
0x117: {  	v6 =	vld [tilespmem:s8+$0x60]  }
0x118: {  	v14 =	vld [tilespmem:s8+$0xFFFFFF80]  }
0x119: {  	v5 =	vld.idx.msk [tilespmem:v5+s4+$0x0], $0xffff  }
0x11a: {  	v2 =	vld.idx.msk [tilespmem:v2+s4+$0x0], $0xffff  }
0x11b: {  	v3 =	vld.idx.msk [tilespmem:v3+s4+$0x0], $0xffff  }
0x11c: {  	v1 =	vld.idx.msk [tilespmem:v1+s4+$0x0], $0xffff  }
0x11d: {  	v0 =	vld.idx.msk [tilespmem:v0+s4+$0x0], $0xffff  }
0x11e: {  	v4 =	vld.idx.msk [tilespmem:v4+s4+$0x0], $0xffff  }
0x11f: {  	[tilespmem:s15+$0xFFFFFF90] =	vst v5;
	v7 =	vld.idx.msk [tilespmem:v7+s4+$0x0], $0xffff  }
0x120: {  	v14 =	vld.idx.msk [tilespmem:v14+s4+$0x0], $0xffff;
	[tilespmem:s15+$0xFFFFFFA0] =	vst v2  }
0x121: {  	[tilespmem:s15+$0xFFFFFFB0] =	vst v3;
	v8 =	vld.idx.msk [tilespmem:v8+s4+$0x0], $0xffff  }
0x122: {  	[tilespmem:s15+$0xFFFFFFC0] =	vst v1;
	v5 =	vld.idx.msk [tilespmem:v9+s4+$0x0], $0xffff  }
.Ltmp3:
0x123: {  	[tilespmem:s15+$0xFFFFFFD0] =	vst v0;
	v2 =	vld.idx.msk [tilespmem:v10+s4+$0x0], $0xffff;
	(pc) =	sbr.rel @p1 .LBB2_9-.Ltmp3, $4  }
0x124: {  	[tilespmem:s15+$0xFFFFFFE0] =	vst v4;
	v3 =	vld.idx.msk [tilespmem:v11+s4+$0x0], $0xffff  }
0x125: {  	[tilespmem:s15+$0xFFFFFFF0] =	vst v7;
	v1 =	vld.idx.msk [tilespmem:v12+s4+$0x0], $0xffff  }
0x126: {  	[tilespmem:s15+$0xFFFFFF80] =	vst v14;
	v0 =	vld.idx.msk [tilespmem:v13+s4+$0x0], $0xffff  }
0x127: {  	s8 =	sadd.s32 $0x100, s8;
	[tilespmem:s15+$0x0] =	vst v8;
	v4 =	vld.idx.msk [tilespmem:v6+s4+$0x0], $0xffff  }
0x128: {  	p1 =	seq.s32 s31, $0x1B;
	[tilespmem:s15+$0x10] =	vst v5  }
0x129: {  	[tilespmem:s15+$0x20] =	vst v2;
	s6 =	sadd.s32 @!p1 $0x2, s0  }
0x12a: {  	[tilespmem:s15+$0x30] =	vst v3;
	s8 =	sshll.u32 @!p1 s6, $0xC  }
0x12b: {  	s6 =	sshll.u32 @!p1 s6, $0x7;
	[tilespmem:s15+$0x40] =	vst v1;
	s8 =	sand.u32 @!p1 $0x78000, s8  }
0x12c: {  	s30 =	simm.s32 @!p1 $0x1BF00;
	s6 =	sand.u32 @!p1 $0x300, s6;
	[tilespmem:s15+$0x50] =	vst v0;
	s8 =	sadd.s32 @!p1 s8, s3  }
0x12d: {  	[tilespmem:s15+$0x60] =	vst v4;
	s15 =	simm.s32 @!p1 $0x400;
	s6 =	sadd.s32 @!p1 s6, s8;
	s8 =	simm.s32 @!p1 $0x80  }
0x12e: {  	[tilespmem:s30], [sflag:$0x1] =	stream.strided.gather @!p1 [spmem:s6], $0x1000, s15, s8, $0x38;
	[tilespmem:$0x1FF00] =	vst v63  }
0x12f: {  	s15 =	sshll.u32 s31, $0x13  }
0x130: {  	s8 =	sadd.s32 s10, s15  }
0x131: {  	s6 =	sshrl.u32 s8, $0x3  }
0x132: {  	s6 =	sadd.s32 s2, s6  }
0x133: {  	[hbm4b:s6+s28] =	stream.strided.scatter [tilespmem:s19], [sflag:$0x3], $0x1000, s29, s28, $0x38;
	[tilespmem:$0x1FF00] =	vst v63  }
0x134: {  	_ =	swait.ge [sflag:s25], $0x1000  }
0x135: {  	[sflag:s25] =	ssyncset.done $0x0  }
0x136: {  	s6 =	simm.s32 @!p2 $0x4;
	[sflag:s25] =	ssyncadd.s32 $0xFFFFF000  }
0x137: {  	_ =	swait.ge @!p2 [sflag:s6], $0x1000  }
0x138: {  	[sflag:s6] =	ssyncset.done @!p2 $0x0  }
0x139: {  	s8 =	simm.s32 $0x1CF80;
	[sflag:s6] =	ssyncadd.s32 @!p2 $0xFFFFF000  }
0x13a: {  	v0 =	vld [tilespmem:s8+$0x70]  }
0x13b: {  	v1 =	vld [tilespmem:s8+$0xFFFFFF90]  }
0x13c: {  	v2 =	vld [tilespmem:s8+$0xFFFFFFA0]  }
0x13d: {  	v3 =	vld [tilespmem:s8+$0xFFFFFFB0]  }
0x13e: {  	v4 =	vld [tilespmem:s8+$0xFFFFFFC0]  }
0x13f: {  	v5 =	vld [tilespmem:s8+$0xFFFFFFD0]  }
0x140: {  	v6 =	vld [tilespmem:s8+$0xFFFFFFE0]  }
0x141: {  	v7 =	vld [tilespmem:s8+$0xFFFFFFF0]  }
0x142: {  	v8 =	vld [tilespmem:s8+$0x0]  }
0x143: {  	v9 =	vld [tilespmem:s8+$0x10]  }
0x144: {  	v10 =	vld [tilespmem:s8+$0x20]  }
0x145: {  	v11 =	vld [tilespmem:s8+$0x30]  }
0x146: {  	v12 =	vld [tilespmem:s8+$0x40]  }
0x147: {  	v13 =	vld [tilespmem:s8+$0x50]  }
0x148: {  	v14 =	vld [tilespmem:s8+$0x60]  }
0x149: {  	v15 =	vld [tilespmem:s8+$0xFFFFFF80]  }
0x14a: {  	v0 =	vld.idx.msk [tilespmem:v0+s4+$0x0], $0xffff  }
0x14b: {  	v1 =	vld.idx.msk [tilespmem:v1+s4+$0x0], $0xffff  }
0x14c: {  	v2 =	vld.idx.msk [tilespmem:v2+s4+$0x0], $0xffff  }
0x14d: {  	v3 =	vld.idx.msk [tilespmem:v3+s4+$0x0], $0xffff  }
0x14e: {  	v4 =	vld.idx.msk [tilespmem:v4+s4+$0x0], $0xffff  }
0x14f: {  	s6 =	simm.s32 $0x1EF80;
	v16 =	vld.idx.msk [tilespmem:v5+s4+$0x0], $0xffff  }
0x150: {  	v5 =	vld.idx.msk [tilespmem:v9+s4+$0x0], $0xffff;
	[tilespmem:s6+$0x70] =	vst v0  }
0x151: {  	v0 =	vld.idx.msk [tilespmem:v6+s4+$0x0], $0xffff;
	[tilespmem:s6+$0xFFFFFF90] =	vst v1  }
0x152: {  	v1 =	vld.idx.msk [tilespmem:v7+s4+$0x0], $0xffff;
	[tilespmem:s6+$0xFFFFFFA0] =	vst v2  }
0x153: {  	v6 =	vld.idx.msk [tilespmem:v15+s4+$0x0], $0xffff;
	[tilespmem:s6+$0xFFFFFFB0] =	vst v3  }
0x154: {  	v2 =	vld.idx.msk [tilespmem:v8+s4+$0x0], $0xffff;
	[tilespmem:s6+$0xFFFFFFC0] =	vst v4  }
0x155: {  	[tilespmem:s6+$0xFFFFFFD0] =	vst v16;
	v3 =	vld.idx.msk [tilespmem:v10+s4+$0x0], $0xffff  }
0x156: {  	v4 =	vld.idx.msk [tilespmem:v11+s4+$0x0], $0xffff;
	[tilespmem:s6+$0xFFFFFFE0] =	vst v0  }
0x157: {  	[tilespmem:s6+$0xFFFFFFF0] =	vst v1;
	v1 =	vld.idx.msk [tilespmem:v12+s4+$0x0], $0xffff  }
0x158: {  	[tilespmem:s6+$0xFFFFFF80] =	vst v6;
	v0 =	vld.idx.msk [tilespmem:v13+s4+$0x0], $0xffff  }
0x159: {  	s30 =	simm.s32 $0x0;
	s8 =	simm.s32 $0x1D080;
	[tilespmem:s6+$0x0] =	vst v2;
	v2 =	vld.idx.msk [tilespmem:v14+s4+$0x0], $0xffff  }
.LBB2_11:
0x15a: {  	v6 =	vld [tilespmem:s8+$0x70];
	s30 =	sadd.s32 $0x100, s30;
	[tilespmem:s6+$0x10] =	vst v5  }
0x15b: {  	v5 =	vld [tilespmem:s8+$0xFFFFFF90];
	p2 =	slt.u32 s30, $0xF00;
	[tilespmem:s6+$0x20] =	vst v3  }
0x15c: {  	v3 =	vld [tilespmem:s8+$0xFFFFFFA0];
	[tilespmem:s6+$0x30] =	vst v4  }
0x15d: {  	v4 =	vld [tilespmem:s8+$0xFFFFFFB0];
	[tilespmem:s6+$0x40] =	vst v1  }
0x15e: {  	v1 =	vld [tilespmem:s8+$0xFFFFFFC0];
	[tilespmem:s6+$0x50] =	vst v0  }
0x15f: {  	v0 =	vld [tilespmem:s8+$0xFFFFFFD0];
	[tilespmem:s6+$0x60] =	vst v2  }
0x160: {  	v2 =	vld [tilespmem:s8+$0xFFFFFFE0]  }
0x161: {  	v7 =	vld [tilespmem:s8+$0xFFFFFFF0]  }
0x162: {  	v6 =	vld.idx.msk [tilespmem:v6+s4+$0x0], $0xffff  }
0x163: {  	v8 =	vld [tilespmem:s8+$0x0]  }
0x164: {  	v9 =	vld [tilespmem:s8+$0x10]  }
0x165: {  	v10 =	vld [tilespmem:s8+$0x20]  }
0x166: {  	v11 =	vld [tilespmem:s8+$0x30]  }
0x167: {  	s6 =	sadd.s32 $0x100, s6;
	v12 =	vld [tilespmem:s8+$0x40]  }
0x168: {  	v13 =	vld [tilespmem:s8+$0x50];
	[tilespmem:s6+$0x70] =	vst v6  }
0x169: {  	v6 =	vld [tilespmem:s8+$0x60]  }
0x16a: {  	v14 =	vld [tilespmem:s8+$0xFFFFFF80]  }
0x16b: {  	v5 =	vld.idx.msk [tilespmem:v5+s4+$0x0], $0xffff  }
0x16c: {  	v3 =	vld.idx.msk [tilespmem:v3+s4+$0x0], $0xffff  }
0x16d: {  	v4 =	vld.idx.msk [tilespmem:v4+s4+$0x0], $0xffff  }
0x16e: {  	v1 =	vld.idx.msk [tilespmem:v1+s4+$0x0], $0xffff  }
0x16f: {  	v0 =	vld.idx.msk [tilespmem:v0+s4+$0x0], $0xffff  }
0x170: {  	v2 =	vld.idx.msk [tilespmem:v2+s4+$0x0], $0xffff  }
0x171: {  	[tilespmem:s6+$0xFFFFFF90] =	vst v5;
	v7 =	vld.idx.msk [tilespmem:v7+s4+$0x0], $0xffff  }
0x172: {  	v14 =	vld.idx.msk [tilespmem:v14+s4+$0x0], $0xffff;
	[tilespmem:s6+$0xFFFFFFA0] =	vst v3  }
0x173: {  	[tilespmem:s6+$0xFFFFFFB0] =	vst v4;
	v8 =	vld.idx.msk [tilespmem:v8+s4+$0x0], $0xffff  }
0x174: {  	[tilespmem:s6+$0xFFFFFFC0] =	vst v1;
	v5 =	vld.idx.msk [tilespmem:v9+s4+$0x0], $0xffff  }
.Ltmp4:
0x175: {  	[tilespmem:s6+$0xFFFFFFD0] =	vst v0;
	v3 =	vld.idx.msk [tilespmem:v10+s4+$0x0], $0xffff;
	(pc) =	sbr.rel @p2 .LBB2_11-.Ltmp4, $4  }
0x176: {  	[tilespmem:s6+$0xFFFFFFE0] =	vst v2;
	v4 =	vld.idx.msk [tilespmem:v11+s4+$0x0], $0xffff  }
0x177: {  	[tilespmem:s6+$0xFFFFFFF0] =	vst v7;
	v1 =	vld.idx.msk [tilespmem:v12+s4+$0x0], $0xffff  }
0x178: {  	[tilespmem:s6+$0xFFFFFF80] =	vst v14;
	v0 =	vld.idx.msk [tilespmem:v13+s4+$0x0], $0xffff  }
0x179: {  	s8 =	sadd.s32 $0x100, s8;
	[tilespmem:s6+$0x0] =	vst v8;
	v2 =	vld.idx.msk [tilespmem:v6+s4+$0x0], $0xffff  }
0x17a: {  	[tilespmem:s6+$0x10] =	vst v5  }
0x17b: {  	s0 =	sadd.s32 @!p1 $0x3, s0;
	[tilespmem:s6+$0x20] =	vst v3  }
0x17c: {  	s8 =	sshll.u32 @!p1 s0, $0xC;
	[tilespmem:s6+$0x30] =	vst v4  }
0x17d: {  	s30 =	simm.s32 @!p1 $0x1CF00;
	s0 =	sshll.u32 @!p1 s0, $0x7;
	s8 =	sand.u32 @!p1 $0x78000, s8;
	[tilespmem:s6+$0x40] =	vst v1  }
0x17e: {  	s31 =	sadd.s32 $0x1, s31;
	s0 =	sand.u32 @!p1 $0x380, s0;
	s8 =	sadd.s32 @!p1 s8, s3;
	[tilespmem:s6+$0x50] =	vst v0  }
0x17f: {  	s0 =	sadd.s32 @!p1 s0, s8;
	[tilespmem:s6+$0x60] =	vst v2;
	s6 =	simm.s32 @!p1 $0x80;
	s8 =	simm.s32 @!p1 $0x400  }
0x180: {  	[tilespmem:s30], [sflag:$0x2] =	stream.strided.gather @!p1 [spmem:s0], $0x1000, s8, s6, $0x38;
	[tilespmem:$0x1FF00] =	vst v63  }
0x181: {  	p1 =	sne.s32 s31, $0x1C  }
.Ltmp5:
0x182: {  	_ = 	snop;
	(pc) =	sbr.rel @p1 .LBB2_8-.Ltmp5, $4  }
0x183: {  	s30 =	sadd.s32 s11, s15  }
0x184: {  	s0 =	sshrl.u32 s30, $0x3  }
0x185: {  	s0 =	sadd.s32 s2, s0  }
0x186: {  	[hbm4b:s0+s28] =	stream.strided.scatter [tilespmem:s1], [sflag:$0x4], $0x1000, s29, s28, $0x38;
	[tilespmem:$0x1FF00] =	vst v63  }
0x187: {  	s0 =	simm.s32 $0x3  }
0x188: {  	_ =	swait.ge [sflag:s0], $0x1000  }
0x189: {  	[sflag:s0] =	ssyncset.done $0x0  }
0x18a: {  	[sflag:s0] =	ssyncadd.s32 $0xFFFFF000  }
0x18b: {  	_ =	swait.ge [sflag:s12], $0x1000  }
0x18c: {  	[sflag:s12] =	ssyncset.done $0x0  }
0x18d: {  	[sflag:s12] =	ssyncadd.s32 $0xFFFFF000  }
0x18e: {  	[bflag:$0x0] =	sbarrier.arrive $0xFFFF  }
0x18f: {  	s6 =	rddreg [dreg:$0x8]  }
0x190: {  	s0 =	simm.s32 @!p0 $0x1C06;
	s8 =	rddreg [dreg:$0xd]  }
0x191: {  	[spmem:s8], [sflag:s0] =	dma.local @!p0 [hbm:s6], $0x7000  }
0x192: {  	s0 =	simm.s32 @!p0 $0x6  }
0x193: {  	_ =	swait.ge @!p0 [sflag:s0], $0x7000  }
0x194: {  	[sflag:s0] =	ssyncset.done @!p0 $0x0  }
0x195: {  	[sflag:s0] =	ssyncadd.s32 @!p0 $0xFFFF9000  }
0x196: {  	s8 =	simm.s32 $0x1BF00;
	[bflag:$0x0] =	sbarrier.arrive $0xFFFF  }
0x197: {  	[tilespmem:s8], [sflag:$0x1] =	stream.strided.gather [spmem:s3], $0x1000, s29, s28, $0x38;
	[tilespmem:$0x1FF00] =	vst v63  }
0x198: {  	s30 =	simm.s32 $0x1CF00;
	s31 =	simm.s32 $0x0;
	s15 =	rddreg [dreg:$0x6]  }
0x199: {  	[tilespmem:s30], [sflag:$0x2] =	stream.strided.gather [spmem:s15], $0x1000, s29, s28, $0x38;
	[tilespmem:$0x1FF00] =	vst v63  }
.LBB2_14:
0x19a: {  	_ =	swait.ge [sflag:s5], $0x1000  }
0x19b: {  	p2 =	seq.s32 s31, $0x0;
	[sflag:s5] =	ssyncset.done $0x0  }
0x19c: {  	s0 =	simm.s32 @!p2 $0x3;
	[sflag:s5] =	ssyncadd.s32 $0xFFFFF000  }
0x19d: {  	_ =	swait.ge @!p2 [sflag:s0], $0x1000  }
0x19e: {  	[sflag:s0] =	ssyncset.done @!p2 $0x0  }
0x19f: {  	s30 =	simm.s32 $0x1BF80;
	[sflag:s0] =	ssyncadd.s32 @!p2 $0xFFFFF000  }
0x1a0: {  	v0 =	vld [tilespmem:s30+$0x70]  }
0x1a1: {  	v1 =	vld [tilespmem:s30+$0xFFFFFF90]  }
0x1a2: {  	v2 =	vld [tilespmem:s30+$0xFFFFFFA0]  }
0x1a3: {  	v3 =	vld [tilespmem:s30+$0xFFFFFFB0]  }
0x1a4: {  	v4 =	vld [tilespmem:s30+$0xFFFFFFC0]  }
0x1a5: {  	v5 =	vld [tilespmem:s30+$0xFFFFFFD0]  }
0x1a6: {  	v6 =	vld [tilespmem:s30+$0xFFFFFFE0]  }
0x1a7: {  	v7 =	vld [tilespmem:s30+$0xFFFFFFF0]  }
0x1a8: {  	v8 =	vld [tilespmem:s30+$0x0]  }
0x1a9: {  	v9 =	vld [tilespmem:s30+$0x10]  }
0x1aa: {  	v10 =	vld [tilespmem:s30+$0x20]  }
0x1ab: {  	v11 =	vld [tilespmem:s30+$0x30]  }
0x1ac: {  	v12 =	vld [tilespmem:s30+$0x40]  }
0x1ad: {  	v13 =	vld [tilespmem:s30+$0x50]  }
0x1ae: {  	v14 =	vld [tilespmem:s30+$0x60]  }
0x1af: {  	v15 =	vld [tilespmem:s30+$0xFFFFFF80]  }
0x1b0: {  	v0 =	vld.idx.msk [tilespmem:v0+s4+$0x0], $0xffff  }
0x1b1: {  	v1 =	vld.idx.msk [tilespmem:v1+s4+$0x0], $0xffff  }
0x1b2: {  	v2 =	vld.idx.msk [tilespmem:v2+s4+$0x0], $0xffff  }
0x1b3: {  	v3 =	vld.idx.msk [tilespmem:v3+s4+$0x0], $0xffff  }
0x1b4: {  	v4 =	vld.idx.msk [tilespmem:v4+s4+$0x0], $0xffff  }
0x1b5: {  	s15 =	simm.s32 $0x1DF80;
	v16 =	vld.idx.msk [tilespmem:v5+s4+$0x0], $0xffff  }
0x1b6: {  	v5 =	vld.idx.msk [tilespmem:v9+s4+$0x0], $0xffff;
	[tilespmem:s15+$0x70] =	vst v0  }
0x1b7: {  	v0 =	vld.idx.msk [tilespmem:v6+s4+$0x0], $0xffff;
	[tilespmem:s15+$0xFFFFFF90] =	vst v1  }
0x1b8: {  	v1 =	vld.idx.msk [tilespmem:v7+s4+$0x0], $0xffff;
	[tilespmem:s15+$0xFFFFFFA0] =	vst v2  }
0x1b9: {  	v6 =	vld.idx.msk [tilespmem:v15+s4+$0x0], $0xffff;
	[tilespmem:s15+$0xFFFFFFB0] =	vst v3  }
0x1ba: {  	v7 =	vld.idx.msk [tilespmem:v8+s4+$0x0], $0xffff;
	[tilespmem:s15+$0xFFFFFFC0] =	vst v4  }
0x1bb: {  	[tilespmem:s15+$0xFFFFFFD0] =	vst v16;
	v2 =	vld.idx.msk [tilespmem:v10+s4+$0x0], $0xffff  }
0x1bc: {  	v3 =	vld.idx.msk [tilespmem:v11+s4+$0x0], $0xffff;
	[tilespmem:s15+$0xFFFFFFE0] =	vst v0  }
0x1bd: {  	v4 =	vld.idx.msk [tilespmem:v14+s4+$0x0], $0xffff;
	[tilespmem:s15+$0xFFFFFFF0] =	vst v1  }
0x1be: {  	v1 =	vld.idx.msk [tilespmem:v12+s4+$0x0], $0xffff;
	[tilespmem:s15+$0xFFFFFF80] =	vst v6  }
0x1bf: {  	s6 =	simm.s32 $0x0;
	s8 =	simm.s32 $0x1C080;
	s0 =	sshll.u32 s31, $0x1;
	v0 =	vld.idx.msk [tilespmem:v13+s4+$0x0], $0xffff;
	[tilespmem:s15+$0x0] =	vst v7  }
.LBB2_15:
0x1c0: {  	v6 =	vld [tilespmem:s8+$0x70];
	s6 =	sadd.s32 $0x100, s6;
	[tilespmem:s15+$0x10] =	vst v5  }
0x1c1: {  	v5 =	vld [tilespmem:s8+$0xFFFFFF90];
	p1 =	slt.u32 s6, $0xF00;
	[tilespmem:s15+$0x20] =	vst v2  }
0x1c2: {  	v2 =	vld [tilespmem:s8+$0xFFFFFFA0];
	[tilespmem:s15+$0x30] =	vst v3  }
0x1c3: {  	v3 =	vld [tilespmem:s8+$0xFFFFFFB0];
	[tilespmem:s15+$0x40] =	vst v1  }
0x1c4: {  	v1 =	vld [tilespmem:s8+$0xFFFFFFC0];
	[tilespmem:s15+$0x50] =	vst v0  }
0x1c5: {  	v0 =	vld [tilespmem:s8+$0xFFFFFFD0];
	[tilespmem:s15+$0x60] =	vst v4  }
0x1c6: {  	v4 =	vld [tilespmem:s8+$0xFFFFFFE0]  }
0x1c7: {  	v7 =	vld [tilespmem:s8+$0xFFFFFFF0]  }
0x1c8: {  	v6 =	vld.idx.msk [tilespmem:v6+s4+$0x0], $0xffff  }
0x1c9: {  	v8 =	vld [tilespmem:s8+$0x0]  }
0x1ca: {  	v9 =	vld [tilespmem:s8+$0x10]  }
0x1cb: {  	v10 =	vld [tilespmem:s8+$0x20]  }
0x1cc: {  	v11 =	vld [tilespmem:s8+$0x30]  }
0x1cd: {  	s15 =	sadd.s32 $0x100, s15;
	v12 =	vld [tilespmem:s8+$0x40]  }
0x1ce: {  	v13 =	vld [tilespmem:s8+$0x50];
	[tilespmem:s15+$0x70] =	vst v6  }
0x1cf: {  	v6 =	vld [tilespmem:s8+$0x60]  }
0x1d0: {  	v14 =	vld [tilespmem:s8+$0xFFFFFF80]  }
0x1d1: {  	v5 =	vld.idx.msk [tilespmem:v5+s4+$0x0], $0xffff  }
0x1d2: {  	v2 =	vld.idx.msk [tilespmem:v2+s4+$0x0], $0xffff  }
0x1d3: {  	v3 =	vld.idx.msk [tilespmem:v3+s4+$0x0], $0xffff  }
0x1d4: {  	v1 =	vld.idx.msk [tilespmem:v1+s4+$0x0], $0xffff  }
0x1d5: {  	v0 =	vld.idx.msk [tilespmem:v0+s4+$0x0], $0xffff  }
0x1d6: {  	v4 =	vld.idx.msk [tilespmem:v4+s4+$0x0], $0xffff  }
0x1d7: {  	[tilespmem:s15+$0xFFFFFF90] =	vst v5;
	v7 =	vld.idx.msk [tilespmem:v7+s4+$0x0], $0xffff  }
0x1d8: {  	v14 =	vld.idx.msk [tilespmem:v14+s4+$0x0], $0xffff;
	[tilespmem:s15+$0xFFFFFFA0] =	vst v2  }
0x1d9: {  	[tilespmem:s15+$0xFFFFFFB0] =	vst v3;
	v8 =	vld.idx.msk [tilespmem:v8+s4+$0x0], $0xffff  }
0x1da: {  	[tilespmem:s15+$0xFFFFFFC0] =	vst v1;
	v5 =	vld.idx.msk [tilespmem:v9+s4+$0x0], $0xffff  }
.Ltmp6:
0x1db: {  	[tilespmem:s15+$0xFFFFFFD0] =	vst v0;
	v2 =	vld.idx.msk [tilespmem:v10+s4+$0x0], $0xffff;
	(pc) =	sbr.rel @p1 .LBB2_15-.Ltmp6, $4  }
0x1dc: {  	[tilespmem:s15+$0xFFFFFFE0] =	vst v4;
	v3 =	vld.idx.msk [tilespmem:v11+s4+$0x0], $0xffff  }
0x1dd: {  	[tilespmem:s15+$0xFFFFFFF0] =	vst v7;
	v1 =	vld.idx.msk [tilespmem:v12+s4+$0x0], $0xffff  }
0x1de: {  	[tilespmem:s15+$0xFFFFFF80] =	vst v14;
	v0 =	vld.idx.msk [tilespmem:v13+s4+$0x0], $0xffff  }
0x1df: {  	s8 =	sadd.s32 $0x100, s8;
	[tilespmem:s15+$0x0] =	vst v8;
	v4 =	vld.idx.msk [tilespmem:v6+s4+$0x0], $0xffff  }
0x1e0: {  	p1 =	seq.s32 s31, $0x1B;
	[tilespmem:s15+$0x10] =	vst v5  }
0x1e1: {  	[tilespmem:s15+$0x20] =	vst v2;
	s6 =	sadd.s32 @!p1 $0x2, s0  }
0x1e2: {  	[tilespmem:s15+$0x30] =	vst v3;
	s8 =	sshll.u32 @!p1 s6, $0xC  }
0x1e3: {  	s6 =	sshll.u32 @!p1 s6, $0x7;
	[tilespmem:s15+$0x40] =	vst v1;
	s8 =	sand.u32 @!p1 $0x78000, s8  }
0x1e4: {  	s30 =	simm.s32 @!p1 $0x1BF00;
	s6 =	sand.u32 @!p1 $0x300, s6;
	[tilespmem:s15+$0x50] =	vst v0;
	s8 =	sadd.s32 @!p1 s8, s3  }
0x1e5: {  	[tilespmem:s15+$0x60] =	vst v4;
	s15 =	simm.s32 @!p1 $0x400;
	s6 =	sadd.s32 @!p1 s6, s8;
	s8 =	simm.s32 @!p1 $0x80  }
0x1e6: {  	[tilespmem:s30], [sflag:$0x1] =	stream.strided.gather @!p1 [spmem:s6], $0x1000, s15, s8, $0x38;
	[tilespmem:$0x1FF00] =	vst v63  }
0x1e7: {  	s15 =	sshll.u32 s31, $0x13  }
0x1e8: {  	s8 =	sadd.s32 s13, s15  }
0x1e9: {  	s6 =	sshrl.u32 s8, $0x3  }
0x1ea: {  	s6 =	sadd.s32 s2, s6  }
0x1eb: {  	[hbm4b:s6+s28] =	stream.strided.scatter [tilespmem:s19], [sflag:$0x3], $0x1000, s29, s28, $0x38;
	[tilespmem:$0x1FF00] =	vst v63  }
0x1ec: {  	_ =	swait.ge [sflag:s25], $0x1000  }
0x1ed: {  	[sflag:s25] =	ssyncset.done $0x0  }
0x1ee: {  	s6 =	simm.s32 @!p2 $0x4;
	[sflag:s25] =	ssyncadd.s32 $0xFFFFF000  }
0x1ef: {  	_ =	swait.ge @!p2 [sflag:s6], $0x1000  }
0x1f0: {  	[sflag:s6] =	ssyncset.done @!p2 $0x0  }
0x1f1: {  	s8 =	simm.s32 $0x1CF80;
	[sflag:s6] =	ssyncadd.s32 @!p2 $0xFFFFF000  }
0x1f2: {  	v0 =	vld [tilespmem:s8+$0x70]  }
0x1f3: {  	v1 =	vld [tilespmem:s8+$0xFFFFFF90]  }
0x1f4: {  	v2 =	vld [tilespmem:s8+$0xFFFFFFA0]  }
0x1f5: {  	v3 =	vld [tilespmem:s8+$0xFFFFFFB0]  }
0x1f6: {  	v4 =	vld [tilespmem:s8+$0xFFFFFFC0]  }
0x1f7: {  	v5 =	vld [tilespmem:s8+$0xFFFFFFD0]  }
0x1f8: {  	v6 =	vld [tilespmem:s8+$0xFFFFFFE0]  }
0x1f9: {  	v7 =	vld [tilespmem:s8+$0xFFFFFFF0]  }
0x1fa: {  	v8 =	vld [tilespmem:s8+$0x0]  }
0x1fb: {  	v9 =	vld [tilespmem:s8+$0x10]  }
0x1fc: {  	v10 =	vld [tilespmem:s8+$0x20]  }
0x1fd: {  	v11 =	vld [tilespmem:s8+$0x30]  }
0x1fe: {  	v12 =	vld [tilespmem:s8+$0x40]  }
0x1ff: {  	v13 =	vld [tilespmem:s8+$0x50]  }
0x200: {  	v14 =	vld [tilespmem:s8+$0x60]  }
0x201: {  	v15 =	vld [tilespmem:s8+$0xFFFFFF80]  }
0x202: {  	v0 =	vld.idx.msk [tilespmem:v0+s4+$0x0], $0xffff  }
0x203: {  	v1 =	vld.idx.msk [tilespmem:v1+s4+$0x0], $0xffff  }
0x204: {  	v2 =	vld.idx.msk [tilespmem:v2+s4+$0x0], $0xffff  }
0x205: {  	v3 =	vld.idx.msk [tilespmem:v3+s4+$0x0], $0xffff  }
0x206: {  	v4 =	vld.idx.msk [tilespmem:v4+s4+$0x0], $0xffff  }
0x207: {  	s6 =	simm.s32 $0x1EF80;
	v16 =	vld.idx.msk [tilespmem:v5+s4+$0x0], $0xffff  }
0x208: {  	v5 =	vld.idx.msk [tilespmem:v9+s4+$0x0], $0xffff;
	[tilespmem:s6+$0x70] =	vst v0  }
0x209: {  	v0 =	vld.idx.msk [tilespmem:v6+s4+$0x0], $0xffff;
	[tilespmem:s6+$0xFFFFFF90] =	vst v1  }
0x20a: {  	v1 =	vld.idx.msk [tilespmem:v7+s4+$0x0], $0xffff;
	[tilespmem:s6+$0xFFFFFFA0] =	vst v2  }
0x20b: {  	v6 =	vld.idx.msk [tilespmem:v15+s4+$0x0], $0xffff;
	[tilespmem:s6+$0xFFFFFFB0] =	vst v3  }
0x20c: {  	v2 =	vld.idx.msk [tilespmem:v8+s4+$0x0], $0xffff;
	[tilespmem:s6+$0xFFFFFFC0] =	vst v4  }
0x20d: {  	[tilespmem:s6+$0xFFFFFFD0] =	vst v16;
	v3 =	vld.idx.msk [tilespmem:v10+s4+$0x0], $0xffff  }
0x20e: {  	v4 =	vld.idx.msk [tilespmem:v11+s4+$0x0], $0xffff;
	[tilespmem:s6+$0xFFFFFFE0] =	vst v0  }
0x20f: {  	[tilespmem:s6+$0xFFFFFFF0] =	vst v1;
	v1 =	vld.idx.msk [tilespmem:v12+s4+$0x0], $0xffff  }
0x210: {  	[tilespmem:s6+$0xFFFFFF80] =	vst v6;
	v0 =	vld.idx.msk [tilespmem:v13+s4+$0x0], $0xffff  }
0x211: {  	s30 =	simm.s32 $0x0;
	s8 =	simm.s32 $0x1D080;
	[tilespmem:s6+$0x0] =	vst v2;
	v2 =	vld.idx.msk [tilespmem:v14+s4+$0x0], $0xffff  }
.LBB2_17:
0x212: {  	v6 =	vld [tilespmem:s8+$0x70];
	s30 =	sadd.s32 $0x100, s30;
	[tilespmem:s6+$0x10] =	vst v5  }
0x213: {  	v5 =	vld [tilespmem:s8+$0xFFFFFF90];
	p2 =	slt.u32 s30, $0xF00;
	[tilespmem:s6+$0x20] =	vst v3  }
0x214: {  	v3 =	vld [tilespmem:s8+$0xFFFFFFA0];
	[tilespmem:s6+$0x30] =	vst v4  }
0x215: {  	v4 =	vld [tilespmem:s8+$0xFFFFFFB0];
	[tilespmem:s6+$0x40] =	vst v1  }
0x216: {  	v1 =	vld [tilespmem:s8+$0xFFFFFFC0];
	[tilespmem:s6+$0x50] =	vst v0  }
0x217: {  	v0 =	vld [tilespmem:s8+$0xFFFFFFD0];
	[tilespmem:s6+$0x60] =	vst v2  }
0x218: {  	v2 =	vld [tilespmem:s8+$0xFFFFFFE0]  }
0x219: {  	v7 =	vld [tilespmem:s8+$0xFFFFFFF0]  }
0x21a: {  	v6 =	vld.idx.msk [tilespmem:v6+s4+$0x0], $0xffff  }
0x21b: {  	v8 =	vld [tilespmem:s8+$0x0]  }
0x21c: {  	v9 =	vld [tilespmem:s8+$0x10]  }
0x21d: {  	v10 =	vld [tilespmem:s8+$0x20]  }
0x21e: {  	v11 =	vld [tilespmem:s8+$0x30]  }
0x21f: {  	s6 =	sadd.s32 $0x100, s6;
	v12 =	vld [tilespmem:s8+$0x40]  }
0x220: {  	v13 =	vld [tilespmem:s8+$0x50];
	[tilespmem:s6+$0x70] =	vst v6  }
0x221: {  	v6 =	vld [tilespmem:s8+$0x60]  }
0x222: {  	v14 =	vld [tilespmem:s8+$0xFFFFFF80]  }
0x223: {  	v5 =	vld.idx.msk [tilespmem:v5+s4+$0x0], $0xffff  }
0x224: {  	v3 =	vld.idx.msk [tilespmem:v3+s4+$0x0], $0xffff  }
0x225: {  	v4 =	vld.idx.msk [tilespmem:v4+s4+$0x0], $0xffff  }
0x226: {  	v1 =	vld.idx.msk [tilespmem:v1+s4+$0x0], $0xffff  }
0x227: {  	v0 =	vld.idx.msk [tilespmem:v0+s4+$0x0], $0xffff  }
0x228: {  	v2 =	vld.idx.msk [tilespmem:v2+s4+$0x0], $0xffff  }
0x229: {  	[tilespmem:s6+$0xFFFFFF90] =	vst v5;
	v7 =	vld.idx.msk [tilespmem:v7+s4+$0x0], $0xffff  }
0x22a: {  	v14 =	vld.idx.msk [tilespmem:v14+s4+$0x0], $0xffff;
	[tilespmem:s6+$0xFFFFFFA0] =	vst v3  }
0x22b: {  	[tilespmem:s6+$0xFFFFFFB0] =	vst v4;
	v8 =	vld.idx.msk [tilespmem:v8+s4+$0x0], $0xffff  }
0x22c: {  	[tilespmem:s6+$0xFFFFFFC0] =	vst v1;
	v5 =	vld.idx.msk [tilespmem:v9+s4+$0x0], $0xffff  }
.Ltmp7:
0x22d: {  	[tilespmem:s6+$0xFFFFFFD0] =	vst v0;
	v3 =	vld.idx.msk [tilespmem:v10+s4+$0x0], $0xffff;
	(pc) =	sbr.rel @p2 .LBB2_17-.Ltmp7, $4  }
0x22e: {  	[tilespmem:s6+$0xFFFFFFE0] =	vst v2;
	v4 =	vld.idx.msk [tilespmem:v11+s4+$0x0], $0xffff  }
0x22f: {  	[tilespmem:s6+$0xFFFFFFF0] =	vst v7;
	v1 =	vld.idx.msk [tilespmem:v12+s4+$0x0], $0xffff  }
0x230: {  	[tilespmem:s6+$0xFFFFFF80] =	vst v14;
	v0 =	vld.idx.msk [tilespmem:v13+s4+$0x0], $0xffff  }
0x231: {  	s8 =	sadd.s32 $0x100, s8;
	[tilespmem:s6+$0x0] =	vst v8;
	v2 =	vld.idx.msk [tilespmem:v6+s4+$0x0], $0xffff  }
0x232: {  	[tilespmem:s6+$0x10] =	vst v5  }
0x233: {  	s0 =	sadd.s32 @!p1 $0x3, s0;
	[tilespmem:s6+$0x20] =	vst v3  }
0x234: {  	s8 =	sshll.u32 @!p1 s0, $0xC;
	[tilespmem:s6+$0x30] =	vst v4  }
0x235: {  	s30 =	simm.s32 @!p1 $0x1CF00;
	s0 =	sshll.u32 @!p1 s0, $0x7;
	s8 =	sand.u32 @!p1 $0x78000, s8;
	[tilespmem:s6+$0x40] =	vst v1  }
0x236: {  	s31 =	sadd.s32 $0x1, s31;
	s0 =	sand.u32 @!p1 $0x380, s0;
	s8 =	sadd.s32 @!p1 s8, s3;
	[tilespmem:s6+$0x50] =	vst v0  }
0x237: {  	s0 =	sadd.s32 @!p1 s0, s8;
	[tilespmem:s6+$0x60] =	vst v2;
	s6 =	simm.s32 @!p1 $0x80;
	s8 =	simm.s32 @!p1 $0x400  }
0x238: {  	[tilespmem:s30], [sflag:$0x2] =	stream.strided.gather @!p1 [spmem:s0], $0x1000, s8, s6, $0x38;
	[tilespmem:$0x1FF00] =	vst v63  }
0x239: {  	p1 =	sne.s32 s31, $0x1C  }
.Ltmp8:
0x23a: {  	_ = 	snop;
	(pc) =	sbr.rel @p1 .LBB2_14-.Ltmp8, $4  }
0x23b: {  	s30 =	sadd.s32 s14, s15  }
0x23c: {  	s0 =	sshrl.u32 s30, $0x3  }
0x23d: {  	s0 =	sadd.s32 s2, s0  }
0x23e: {  	[hbm4b:s0+s28] =	stream.strided.scatter [tilespmem:s1], [sflag:$0x4], $0x1000, s29, s28, $0x38;
	[tilespmem:$0x1FF00] =	vst v63  }
0x23f: {  	s0 =	simm.s32 $0x3  }
0x240: {  	_ =	swait.ge [sflag:s0], $0x1000  }
0x241: {  	[sflag:s0] =	ssyncset.done $0x0  }
0x242: {  	[sflag:s0] =	ssyncadd.s32 $0xFFFFF000  }
0x243: {  	_ =	swait.ge [sflag:s12], $0x1000  }
0x244: {  	[sflag:s12] =	ssyncset.done $0x0  }
0x245: {  	[sflag:s12] =	ssyncadd.s32 $0xFFFFF000  }
0x246: {  	[bflag:$0x0] =	sbarrier.arrive $0xFFFF  }
0x247: {  	s6 =	rddreg [dreg:$0x9]  }
0x248: {  	s0 =	simm.s32 @!p0 $0x1C06;
	s8 =	rddreg [dreg:$0xd]  }
0x249: {  	[spmem:s8], [sflag:s0] =	dma.local @!p0 [hbm:s6], $0x4000  }
0x24a: {  	s0 =	simm.s32 @!p0 $0x6  }
0x24b: {  	_ =	swait.ge @!p0 [sflag:s0], $0x4000  }
0x24c: {  	[sflag:s0] =	ssyncset.done @!p0 $0x0  }
0x24d: {  	[sflag:s0] =	ssyncadd.s32 @!p0 $0xFFFFC000  }
0x24e: {  	s8 =	simm.s32 $0x1BF00;
	[bflag:$0x0] =	sbarrier.arrive $0xFFFF  }
0x24f: {  	[tilespmem:s8], [sflag:$0x1] =	stream.strided.gather [spmem:s3], $0x1000, s29, s28, $0x38;
	[tilespmem:$0x1FF00] =	vst v63  }
0x250: {  	s30 =	simm.s32 $0x1CF00;
	s31 =	simm.s32 $0x0;
	s15 =	rddreg [dreg:$0x6]  }
0x251: {  	[tilespmem:s30], [sflag:$0x2] =	stream.strided.gather [spmem:s15], $0x1000, s29, s28, $0x38;
	[tilespmem:$0x1FF00] =	vst v63  }
.LBB2_20:
0x252: {  	_ =	swait.ge [sflag:s5], $0x1000  }
0x253: {  	p2 =	seq.s32 s31, $0x0;
	[sflag:s5] =	ssyncset.done $0x0  }
0x254: {  	s0 =	simm.s32 @!p2 $0x3;
	[sflag:s5] =	ssyncadd.s32 $0xFFFFF000  }
0x255: {  	_ =	swait.ge @!p2 [sflag:s0], $0x1000  }
0x256: {  	[sflag:s0] =	ssyncset.done @!p2 $0x0  }
0x257: {  	s30 =	simm.s32 $0x1BF80;
	[sflag:s0] =	ssyncadd.s32 @!p2 $0xFFFFF000  }
0x258: {  	v0 =	vld [tilespmem:s30+$0x70]  }
0x259: {  	v1 =	vld [tilespmem:s30+$0xFFFFFF90]  }
0x25a: {  	v2 =	vld [tilespmem:s30+$0xFFFFFFA0]  }
0x25b: {  	v3 =	vld [tilespmem:s30+$0xFFFFFFB0]  }
0x25c: {  	v4 =	vld [tilespmem:s30+$0xFFFFFFC0]  }
0x25d: {  	v5 =	vld [tilespmem:s30+$0xFFFFFFD0]  }
0x25e: {  	v6 =	vld [tilespmem:s30+$0xFFFFFFE0]  }
0x25f: {  	v7 =	vld [tilespmem:s30+$0xFFFFFFF0]  }
0x260: {  	v8 =	vld [tilespmem:s30+$0x0]  }
0x261: {  	v9 =	vld [tilespmem:s30+$0x10]  }
0x262: {  	v10 =	vld [tilespmem:s30+$0x20]  }
0x263: {  	v11 =	vld [tilespmem:s30+$0x30]  }
0x264: {  	v12 =	vld [tilespmem:s30+$0x40]  }
0x265: {  	v13 =	vld [tilespmem:s30+$0x50]  }
0x266: {  	v14 =	vld [tilespmem:s30+$0x60]  }
0x267: {  	v15 =	vld [tilespmem:s30+$0xFFFFFF80]  }
0x268: {  	v0 =	vld.idx.msk [tilespmem:v0+s4+$0x0], $0xffff  }
0x269: {  	v1 =	vld.idx.msk [tilespmem:v1+s4+$0x0], $0xffff  }
0x26a: {  	v2 =	vld.idx.msk [tilespmem:v2+s4+$0x0], $0xffff  }
0x26b: {  	v3 =	vld.idx.msk [tilespmem:v3+s4+$0x0], $0xffff  }
0x26c: {  	v4 =	vld.idx.msk [tilespmem:v4+s4+$0x0], $0xffff  }
0x26d: {  	s15 =	simm.s32 $0x1DF80;
	v16 =	vld.idx.msk [tilespmem:v5+s4+$0x0], $0xffff  }
0x26e: {  	v5 =	vld.idx.msk [tilespmem:v9+s4+$0x0], $0xffff;
	[tilespmem:s15+$0x70] =	vst v0  }
0x26f: {  	v0 =	vld.idx.msk [tilespmem:v6+s4+$0x0], $0xffff;
	[tilespmem:s15+$0xFFFFFF90] =	vst v1  }
0x270: {  	v1 =	vld.idx.msk [tilespmem:v7+s4+$0x0], $0xffff;
	[tilespmem:s15+$0xFFFFFFA0] =	vst v2  }
0x271: {  	v6 =	vld.idx.msk [tilespmem:v15+s4+$0x0], $0xffff;
	[tilespmem:s15+$0xFFFFFFB0] =	vst v3  }
0x272: {  	v7 =	vld.idx.msk [tilespmem:v8+s4+$0x0], $0xffff;
	[tilespmem:s15+$0xFFFFFFC0] =	vst v4  }
0x273: {  	[tilespmem:s15+$0xFFFFFFD0] =	vst v16;
	v2 =	vld.idx.msk [tilespmem:v10+s4+$0x0], $0xffff  }
0x274: {  	v3 =	vld.idx.msk [tilespmem:v11+s4+$0x0], $0xffff;
	[tilespmem:s15+$0xFFFFFFE0] =	vst v0  }
0x275: {  	v4 =	vld.idx.msk [tilespmem:v14+s4+$0x0], $0xffff;
	[tilespmem:s15+$0xFFFFFFF0] =	vst v1  }
0x276: {  	v1 =	vld.idx.msk [tilespmem:v12+s4+$0x0], $0xffff;
	[tilespmem:s15+$0xFFFFFF80] =	vst v6  }
0x277: {  	s6 =	simm.s32 $0x0;
	s8 =	simm.s32 $0x1C080;
	s0 =	sshll.u32 s31, $0x1;
	v0 =	vld.idx.msk [tilespmem:v13+s4+$0x0], $0xffff;
	[tilespmem:s15+$0x0] =	vst v7  }
.LBB2_21:
0x278: {  	v6 =	vld [tilespmem:s8+$0x70];
	s6 =	sadd.s32 $0x100, s6;
	[tilespmem:s15+$0x10] =	vst v5  }
0x279: {  	v5 =	vld [tilespmem:s8+$0xFFFFFF90];
	p1 =	slt.u32 s6, $0xF00;
	[tilespmem:s15+$0x20] =	vst v2  }
0x27a: {  	v2 =	vld [tilespmem:s8+$0xFFFFFFA0];
	[tilespmem:s15+$0x30] =	vst v3  }
0x27b: {  	v3 =	vld [tilespmem:s8+$0xFFFFFFB0];
	[tilespmem:s15+$0x40] =	vst v1  }
0x27c: {  	v1 =	vld [tilespmem:s8+$0xFFFFFFC0];
	[tilespmem:s15+$0x50] =	vst v0  }
0x27d: {  	v0 =	vld [tilespmem:s8+$0xFFFFFFD0];
	[tilespmem:s15+$0x60] =	vst v4  }
0x27e: {  	v4 =	vld [tilespmem:s8+$0xFFFFFFE0]  }
0x27f: {  	v7 =	vld [tilespmem:s8+$0xFFFFFFF0]  }
0x280: {  	v6 =	vld.idx.msk [tilespmem:v6+s4+$0x0], $0xffff  }
0x281: {  	v8 =	vld [tilespmem:s8+$0x0]  }
0x282: {  	v9 =	vld [tilespmem:s8+$0x10]  }
0x283: {  	v10 =	vld [tilespmem:s8+$0x20]  }
0x284: {  	v11 =	vld [tilespmem:s8+$0x30]  }
0x285: {  	s15 =	sadd.s32 $0x100, s15;
	v12 =	vld [tilespmem:s8+$0x40]  }
0x286: {  	v13 =	vld [tilespmem:s8+$0x50];
	[tilespmem:s15+$0x70] =	vst v6  }
0x287: {  	v6 =	vld [tilespmem:s8+$0x60]  }
0x288: {  	v14 =	vld [tilespmem:s8+$0xFFFFFF80]  }
0x289: {  	v5 =	vld.idx.msk [tilespmem:v5+s4+$0x0], $0xffff  }
0x28a: {  	v2 =	vld.idx.msk [tilespmem:v2+s4+$0x0], $0xffff  }
0x28b: {  	v3 =	vld.idx.msk [tilespmem:v3+s4+$0x0], $0xffff  }
0x28c: {  	v1 =	vld.idx.msk [tilespmem:v1+s4+$0x0], $0xffff  }
0x28d: {  	v0 =	vld.idx.msk [tilespmem:v0+s4+$0x0], $0xffff  }
0x28e: {  	v4 =	vld.idx.msk [tilespmem:v4+s4+$0x0], $0xffff  }
0x28f: {  	[tilespmem:s15+$0xFFFFFF90] =	vst v5;
	v7 =	vld.idx.msk [tilespmem:v7+s4+$0x0], $0xffff  }
0x290: {  	v14 =	vld.idx.msk [tilespmem:v14+s4+$0x0], $0xffff;
	[tilespmem:s15+$0xFFFFFFA0] =	vst v2  }
0x291: {  	[tilespmem:s15+$0xFFFFFFB0] =	vst v3;
	v8 =	vld.idx.msk [tilespmem:v8+s4+$0x0], $0xffff  }
0x292: {  	[tilespmem:s15+$0xFFFFFFC0] =	vst v1;
	v5 =	vld.idx.msk [tilespmem:v9+s4+$0x0], $0xffff  }
.Ltmp9:
0x293: {  	[tilespmem:s15+$0xFFFFFFD0] =	vst v0;
	v2 =	vld.idx.msk [tilespmem:v10+s4+$0x0], $0xffff;
	(pc) =	sbr.rel @p1 .LBB2_21-.Ltmp9, $4  }
0x294: {  	[tilespmem:s15+$0xFFFFFFE0] =	vst v4;
	v3 =	vld.idx.msk [tilespmem:v11+s4+$0x0], $0xffff  }
0x295: {  	[tilespmem:s15+$0xFFFFFFF0] =	vst v7;
	v1 =	vld.idx.msk [tilespmem:v12+s4+$0x0], $0xffff  }
0x296: {  	[tilespmem:s15+$0xFFFFFF80] =	vst v14;
	v0 =	vld.idx.msk [tilespmem:v13+s4+$0x0], $0xffff  }
0x297: {  	s8 =	sadd.s32 $0x100, s8;
	[tilespmem:s15+$0x0] =	vst v8;
	v4 =	vld.idx.msk [tilespmem:v6+s4+$0x0], $0xffff  }
0x298: {  	p1 =	seq.s32 s31, $0xF;
	[tilespmem:s15+$0x10] =	vst v5  }
0x299: {  	[tilespmem:s15+$0x20] =	vst v2;
	s6 =	sadd.s32 @!p1 $0x2, s0  }
0x29a: {  	[tilespmem:s15+$0x30] =	vst v3;
	s8 =	sshll.u32 @!p1 s6, $0xC  }
0x29b: {  	s6 =	sshll.u32 @!p1 s6, $0x7;
	[tilespmem:s15+$0x40] =	vst v1;
	s8 =	sand.u32 @!p1 $0x38000, s8  }
0x29c: {  	s30 =	simm.s32 @!p1 $0x1BF00;
	s6 =	sand.u32 @!p1 $0x300, s6;
	[tilespmem:s15+$0x50] =	vst v0;
	s8 =	sadd.s32 @!p1 s8, s3  }
0x29d: {  	[tilespmem:s15+$0x60] =	vst v4;
	s15 =	simm.s32 @!p1 $0x400;
	s6 =	sadd.s32 @!p1 s6, s8;
	s8 =	simm.s32 @!p1 $0x80  }
0x29e: {  	[tilespmem:s30], [sflag:$0x1] =	stream.strided.gather @!p1 [spmem:s6], $0x1000, s15, s8, $0x38;
	[tilespmem:$0x1FF00] =	vst v63  }
0x29f: {  	s15 =	sshll.u32 s31, $0x13  }
0x2a0: {  	s8 =	sadd.s32 s16, s15  }
0x2a1: {  	s6 =	sshrl.u32 s8, $0x3  }
0x2a2: {  	s6 =	sadd.s32 s2, s6  }
0x2a3: {  	[hbm4b:s6+s28] =	stream.strided.scatter [tilespmem:s19], [sflag:$0x3], $0x1000, s29, s28, $0x38;
	[tilespmem:$0x1FF00] =	vst v63  }
0x2a4: {  	_ =	swait.ge [sflag:s25], $0x1000  }
0x2a5: {  	[sflag:s25] =	ssyncset.done $0x0  }
0x2a6: {  	s6 =	simm.s32 @!p2 $0x4;
	[sflag:s25] =	ssyncadd.s32 $0xFFFFF000  }
0x2a7: {  	_ =	swait.ge @!p2 [sflag:s6], $0x1000  }
0x2a8: {  	[sflag:s6] =	ssyncset.done @!p2 $0x0  }
0x2a9: {  	s8 =	simm.s32 $0x1CF80;
	[sflag:s6] =	ssyncadd.s32 @!p2 $0xFFFFF000  }
0x2aa: {  	v0 =	vld [tilespmem:s8+$0x70]  }
0x2ab: {  	v1 =	vld [tilespmem:s8+$0xFFFFFF90]  }
0x2ac: {  	v2 =	vld [tilespmem:s8+$0xFFFFFFA0]  }
0x2ad: {  	v3 =	vld [tilespmem:s8+$0xFFFFFFB0]  }
0x2ae: {  	v4 =	vld [tilespmem:s8+$0xFFFFFFC0]  }
0x2af: {  	v5 =	vld [tilespmem:s8+$0xFFFFFFD0]  }
0x2b0: {  	v6 =	vld [tilespmem:s8+$0xFFFFFFE0]  }
0x2b1: {  	v7 =	vld [tilespmem:s8+$0xFFFFFFF0]  }
0x2b2: {  	v8 =	vld [tilespmem:s8+$0x0]  }
0x2b3: {  	v9 =	vld [tilespmem:s8+$0x10]  }
0x2b4: {  	v10 =	vld [tilespmem:s8+$0x20]  }
0x2b5: {  	v11 =	vld [tilespmem:s8+$0x30]  }
0x2b6: {  	v12 =	vld [tilespmem:s8+$0x40]  }
0x2b7: {  	v13 =	vld [tilespmem:s8+$0x50]  }
0x2b8: {  	v14 =	vld [tilespmem:s8+$0x60]  }
0x2b9: {  	v15 =	vld [tilespmem:s8+$0xFFFFFF80]  }
0x2ba: {  	v0 =	vld.idx.msk [tilespmem:v0+s4+$0x0], $0xffff  }
0x2bb: {  	v1 =	vld.idx.msk [tilespmem:v1+s4+$0x0], $0xffff  }
0x2bc: {  	v2 =	vld.idx.msk [tilespmem:v2+s4+$0x0], $0xffff  }
0x2bd: {  	v3 =	vld.idx.msk [tilespmem:v3+s4+$0x0], $0xffff  }
0x2be: {  	v4 =	vld.idx.msk [tilespmem:v4+s4+$0x0], $0xffff  }
0x2bf: {  	s6 =	simm.s32 $0x1EF80;
	v16 =	vld.idx.msk [tilespmem:v5+s4+$0x0], $0xffff  }
0x2c0: {  	v5 =	vld.idx.msk [tilespmem:v9+s4+$0x0], $0xffff;
	[tilespmem:s6+$0x70] =	vst v0  }
0x2c1: {  	v0 =	vld.idx.msk [tilespmem:v6+s4+$0x0], $0xffff;
	[tilespmem:s6+$0xFFFFFF90] =	vst v1  }
0x2c2: {  	v1 =	vld.idx.msk [tilespmem:v7+s4+$0x0], $0xffff;
	[tilespmem:s6+$0xFFFFFFA0] =	vst v2  }
0x2c3: {  	v6 =	vld.idx.msk [tilespmem:v15+s4+$0x0], $0xffff;
	[tilespmem:s6+$0xFFFFFFB0] =	vst v3  }
0x2c4: {  	v2 =	vld.idx.msk [tilespmem:v8+s4+$0x0], $0xffff;
	[tilespmem:s6+$0xFFFFFFC0] =	vst v4  }
0x2c5: {  	[tilespmem:s6+$0xFFFFFFD0] =	vst v16;
	v3 =	vld.idx.msk [tilespmem:v10+s4+$0x0], $0xffff  }
0x2c6: {  	v4 =	vld.idx.msk [tilespmem:v11+s4+$0x0], $0xffff;
	[tilespmem:s6+$0xFFFFFFE0] =	vst v0  }
0x2c7: {  	[tilespmem:s6+$0xFFFFFFF0] =	vst v1;
	v1 =	vld.idx.msk [tilespmem:v12+s4+$0x0], $0xffff  }
0x2c8: {  	[tilespmem:s6+$0xFFFFFF80] =	vst v6;
	v0 =	vld.idx.msk [tilespmem:v13+s4+$0x0], $0xffff  }
0x2c9: {  	s30 =	simm.s32 $0x0;
	s8 =	simm.s32 $0x1D080;
	[tilespmem:s6+$0x0] =	vst v2;
	v2 =	vld.idx.msk [tilespmem:v14+s4+$0x0], $0xffff  }
.LBB2_23:
0x2ca: {  	v6 =	vld [tilespmem:s8+$0x70];
	s30 =	sadd.s32 $0x100, s30;
	[tilespmem:s6+$0x10] =	vst v5  }
0x2cb: {  	v5 =	vld [tilespmem:s8+$0xFFFFFF90];
	p2 =	slt.u32 s30, $0xF00;
	[tilespmem:s6+$0x20] =	vst v3  }
0x2cc: {  	v3 =	vld [tilespmem:s8+$0xFFFFFFA0];
	[tilespmem:s6+$0x30] =	vst v4  }
0x2cd: {  	v4 =	vld [tilespmem:s8+$0xFFFFFFB0];
	[tilespmem:s6+$0x40] =	vst v1  }
0x2ce: {  	v1 =	vld [tilespmem:s8+$0xFFFFFFC0];
	[tilespmem:s6+$0x50] =	vst v0  }
0x2cf: {  	v0 =	vld [tilespmem:s8+$0xFFFFFFD0];
	[tilespmem:s6+$0x60] =	vst v2  }
0x2d0: {  	v2 =	vld [tilespmem:s8+$0xFFFFFFE0]  }
0x2d1: {  	v7 =	vld [tilespmem:s8+$0xFFFFFFF0]  }
0x2d2: {  	v6 =	vld.idx.msk [tilespmem:v6+s4+$0x0], $0xffff  }
0x2d3: {  	v8 =	vld [tilespmem:s8+$0x0]  }
0x2d4: {  	v9 =	vld [tilespmem:s8+$0x10]  }
0x2d5: {  	v10 =	vld [tilespmem:s8+$0x20]  }
0x2d6: {  	v11 =	vld [tilespmem:s8+$0x30]  }
0x2d7: {  	s6 =	sadd.s32 $0x100, s6;
	v12 =	vld [tilespmem:s8+$0x40]  }
0x2d8: {  	v13 =	vld [tilespmem:s8+$0x50];
	[tilespmem:s6+$0x70] =	vst v6  }
0x2d9: {  	v6 =	vld [tilespmem:s8+$0x60]  }
0x2da: {  	v14 =	vld [tilespmem:s8+$0xFFFFFF80]  }
0x2db: {  	v5 =	vld.idx.msk [tilespmem:v5+s4+$0x0], $0xffff  }
0x2dc: {  	v3 =	vld.idx.msk [tilespmem:v3+s4+$0x0], $0xffff  }
0x2dd: {  	v4 =	vld.idx.msk [tilespmem:v4+s4+$0x0], $0xffff  }
0x2de: {  	v1 =	vld.idx.msk [tilespmem:v1+s4+$0x0], $0xffff  }
0x2df: {  	v0 =	vld.idx.msk [tilespmem:v0+s4+$0x0], $0xffff  }
0x2e0: {  	v2 =	vld.idx.msk [tilespmem:v2+s4+$0x0], $0xffff  }
0x2e1: {  	[tilespmem:s6+$0xFFFFFF90] =	vst v5;
	v7 =	vld.idx.msk [tilespmem:v7+s4+$0x0], $0xffff  }
0x2e2: {  	v14 =	vld.idx.msk [tilespmem:v14+s4+$0x0], $0xffff;
	[tilespmem:s6+$0xFFFFFFA0] =	vst v3  }
0x2e3: {  	[tilespmem:s6+$0xFFFFFFB0] =	vst v4;
	v8 =	vld.idx.msk [tilespmem:v8+s4+$0x0], $0xffff  }
0x2e4: {  	[tilespmem:s6+$0xFFFFFFC0] =	vst v1;
	v5 =	vld.idx.msk [tilespmem:v9+s4+$0x0], $0xffff  }
.Ltmp10:
0x2e5: {  	[tilespmem:s6+$0xFFFFFFD0] =	vst v0;
	v3 =	vld.idx.msk [tilespmem:v10+s4+$0x0], $0xffff;
	(pc) =	sbr.rel @p2 .LBB2_23-.Ltmp10, $4  }
0x2e6: {  	[tilespmem:s6+$0xFFFFFFE0] =	vst v2;
	v4 =	vld.idx.msk [tilespmem:v11+s4+$0x0], $0xffff  }
0x2e7: {  	[tilespmem:s6+$0xFFFFFFF0] =	vst v7;
	v1 =	vld.idx.msk [tilespmem:v12+s4+$0x0], $0xffff  }
0x2e8: {  	[tilespmem:s6+$0xFFFFFF80] =	vst v14;
	v0 =	vld.idx.msk [tilespmem:v13+s4+$0x0], $0xffff  }
0x2e9: {  	s8 =	sadd.s32 $0x100, s8;
	[tilespmem:s6+$0x0] =	vst v8;
	v2 =	vld.idx.msk [tilespmem:v6+s4+$0x0], $0xffff  }
0x2ea: {  	[tilespmem:s6+$0x10] =	vst v5  }
0x2eb: {  	s0 =	sadd.s32 @!p1 $0x3, s0;
	[tilespmem:s6+$0x20] =	vst v3  }
0x2ec: {  	s8 =	sshll.u32 @!p1 s0, $0xC;
	[tilespmem:s6+$0x30] =	vst v4  }
0x2ed: {  	s30 =	simm.s32 @!p1 $0x1CF00;
	s0 =	sshll.u32 @!p1 s0, $0x7;
	s8 =	sand.u32 @!p1 $0x38000, s8;
	[tilespmem:s6+$0x40] =	vst v1  }
0x2ee: {  	s31 =	sadd.s32 $0x1, s31;
	s0 =	sand.u32 @!p1 $0x380, s0;
	s8 =	sadd.s32 @!p1 s8, s3;
	[tilespmem:s6+$0x50] =	vst v0  }
0x2ef: {  	s0 =	sadd.s32 @!p1 s0, s8;
	[tilespmem:s6+$0x60] =	vst v2;
	s6 =	simm.s32 @!p1 $0x80;
	s8 =	simm.s32 @!p1 $0x400  }
0x2f0: {  	[tilespmem:s30], [sflag:$0x2] =	stream.strided.gather @!p1 [spmem:s0], $0x1000, s8, s6, $0x38;
	[tilespmem:$0x1FF00] =	vst v63  }
0x2f1: {  	p1 =	sne.s32 s31, $0x10  }
.Ltmp11:
0x2f2: {  	_ = 	snop;
	(pc) =	sbr.rel @p1 .LBB2_20-.Ltmp11, $4  }
0x2f3: {  	s30 =	sadd.s32 s17, s15  }
0x2f4: {  	s0 =	sshrl.u32 s30, $0x3  }
0x2f5: {  	s0 =	sadd.s32 s2, s0  }
0x2f6: {  	[hbm4b:s0+s28] =	stream.strided.scatter [tilespmem:s1], [sflag:$0x4], $0x1000, s29, s28, $0x38;
	[tilespmem:$0x1FF00] =	vst v63  }
0x2f7: {  	s0 =	simm.s32 $0x3  }
0x2f8: {  	_ =	swait.ge [sflag:s0], $0x1000  }
0x2f9: {  	[sflag:s0] =	ssyncset.done $0x0  }
0x2fa: {  	[sflag:s0] =	ssyncadd.s32 $0xFFFFF000  }
0x2fb: {  	_ =	swait.ge [sflag:s12], $0x1000  }
0x2fc: {  	[sflag:s12] =	ssyncset.done $0x0  }
0x2fd: {  	s30 =	rddreg [dreg:$0xa];
	[sflag:s12] =	ssyncadd.s32 $0xFFFFF000  }
0x2fe: {  	[tilespmem:s4], [sflag:$0x5] =	stream.strided.gather [hbm4b:s30+s28], $0x18700, s29, s28, $0x38;
	[tilespmem:$0x1FF00] =	vst v63  }
0x2ff: {  	[bflag:$0x0] =	sbarrier.arrive $0xFFFF  }
0x300: {  	s6 =	rddreg [dreg:$0x0]  }
0x301: {  	s0 =	simm.s32 @!p0 $0x1C06;
	s8 =	rddreg [dreg:$0xd]  }
0x302: {  	[spmem:s8], [sflag:s0] =	dma.local @!p0 [hbm:s6], $0x7000  }
0x303: {  	s0 =	simm.s32 @!p0 $0x6  }
0x304: {  	_ =	swait.ge @!p0 [sflag:s0], $0x7000  }
0x305: {  	[sflag:s0] =	ssyncset.done @!p0 $0x0  }
0x306: {  	[sflag:s0] =	ssyncadd.s32 @!p0 $0xFFFF9000  }
0x307: {  	s6 =	simm.s32 $0x5;
	[bflag:$0x0] =	sbarrier.arrive $0xFFFF  }
0x308: {  	_ =	swait.ge [sflag:s6], $0x18700  }
0x309: {  	[sflag:s6] =	ssyncset.done $0x0  }
0x30a: {  	s8 =	simm.s32 $0x1BF00;
	[sflag:s6] =	ssyncadd.s32 $0xFFFE7900  }
0x30b: {  	[tilespmem:s8], [sflag:$0x1] =	stream.strided.gather [spmem:s3], $0x1000, s29, s28, $0x38;
	[tilespmem:$0x1FF00] =	vst v63  }
0x30c: {  	s31 =	simm.s32 $0x0;
	s30 =	simm.s32 $0x1CF00;
	s15 =	rddreg [dreg:$0x6]  }
0x30d: {  	[tilespmem:s30], [sflag:$0x2] =	stream.strided.gather [spmem:s15], $0x1000, s29, s28, $0x38;
	[tilespmem:$0x1FF00] =	vst v63  }
.LBB2_26:
0x30e: {  	_ =	swait.ge [sflag:s5], $0x1000  }
0x30f: {  	p2 =	seq.s32 s31, $0x0;
	[sflag:s5] =	ssyncset.done $0x0  }
0x310: {  	s0 =	simm.s32 @!p2 $0x3;
	[sflag:s5] =	ssyncadd.s32 $0xFFFFF000  }
0x311: {  	_ =	swait.ge @!p2 [sflag:s0], $0x1000  }
0x312: {  	[sflag:s0] =	ssyncset.done @!p2 $0x0  }
0x313: {  	s30 =	simm.s32 $0x1BF80;
	[sflag:s0] =	ssyncadd.s32 @!p2 $0xFFFFF000  }
0x314: {  	v0 =	vld [tilespmem:s30+$0x70]  }
0x315: {  	v1 =	vld [tilespmem:s30+$0xFFFFFF90]  }
0x316: {  	v2 =	vld [tilespmem:s30+$0xFFFFFFA0]  }
0x317: {  	v3 =	vld [tilespmem:s30+$0xFFFFFFB0]  }
0x318: {  	v4 =	vld [tilespmem:s30+$0xFFFFFFC0]  }
0x319: {  	v5 =	vld [tilespmem:s30+$0xFFFFFFD0]  }
0x31a: {  	v6 =	vld [tilespmem:s30+$0xFFFFFFE0]  }
0x31b: {  	v7 =	vld [tilespmem:s30+$0xFFFFFFF0]  }
0x31c: {  	v8 =	vld [tilespmem:s30+$0x0]  }
0x31d: {  	v9 =	vld [tilespmem:s30+$0x10]  }
0x31e: {  	v10 =	vld [tilespmem:s30+$0x20]  }
0x31f: {  	v11 =	vld [tilespmem:s30+$0x30]  }
0x320: {  	v12 =	vld [tilespmem:s30+$0x40]  }
0x321: {  	v13 =	vld [tilespmem:s30+$0x50]  }
0x322: {  	v14 =	vld [tilespmem:s30+$0x60]  }
0x323: {  	v15 =	vld [tilespmem:s30+$0xFFFFFF80]  }
0x324: {  	v0 =	vld.idx.msk [tilespmem:v0+s4+$0x0], $0xffff  }
0x325: {  	v1 =	vld.idx.msk [tilespmem:v1+s4+$0x0], $0xffff  }
0x326: {  	v2 =	vld.idx.msk [tilespmem:v2+s4+$0x0], $0xffff  }
0x327: {  	v3 =	vld.idx.msk [tilespmem:v3+s4+$0x0], $0xffff  }
0x328: {  	v4 =	vld.idx.msk [tilespmem:v4+s4+$0x0], $0xffff  }
0x329: {  	s15 =	simm.s32 $0x1DF80;
	v16 =	vld.idx.msk [tilespmem:v5+s4+$0x0], $0xffff  }
0x32a: {  	v5 =	vld.idx.msk [tilespmem:v9+s4+$0x0], $0xffff;
	[tilespmem:s15+$0x70] =	vst v0  }
0x32b: {  	v0 =	vld.idx.msk [tilespmem:v6+s4+$0x0], $0xffff;
	[tilespmem:s15+$0xFFFFFF90] =	vst v1  }
0x32c: {  	v1 =	vld.idx.msk [tilespmem:v7+s4+$0x0], $0xffff;
	[tilespmem:s15+$0xFFFFFFA0] =	vst v2  }
0x32d: {  	v6 =	vld.idx.msk [tilespmem:v15+s4+$0x0], $0xffff;
	[tilespmem:s15+$0xFFFFFFB0] =	vst v3  }
0x32e: {  	v7 =	vld.idx.msk [tilespmem:v8+s4+$0x0], $0xffff;
	[tilespmem:s15+$0xFFFFFFC0] =	vst v4  }
0x32f: {  	[tilespmem:s15+$0xFFFFFFD0] =	vst v16;
	v2 =	vld.idx.msk [tilespmem:v10+s4+$0x0], $0xffff  }
0x330: {  	v3 =	vld.idx.msk [tilespmem:v11+s4+$0x0], $0xffff;
	[tilespmem:s15+$0xFFFFFFE0] =	vst v0  }
0x331: {  	v4 =	vld.idx.msk [tilespmem:v14+s4+$0x0], $0xffff;
	[tilespmem:s15+$0xFFFFFFF0] =	vst v1  }
0x332: {  	v1 =	vld.idx.msk [tilespmem:v12+s4+$0x0], $0xffff;
	[tilespmem:s15+$0xFFFFFF80] =	vst v6  }
0x333: {  	s6 =	simm.s32 $0x0;
	s8 =	simm.s32 $0x1C080;
	s0 =	sshll.u32 s31, $0x1;
	v0 =	vld.idx.msk [tilespmem:v13+s4+$0x0], $0xffff;
	[tilespmem:s15+$0x0] =	vst v7  }
.LBB2_27:
0x334: {  	v6 =	vld [tilespmem:s8+$0x70];
	s6 =	sadd.s32 $0x100, s6;
	[tilespmem:s15+$0x10] =	vst v5  }
0x335: {  	v5 =	vld [tilespmem:s8+$0xFFFFFF90];
	p1 =	slt.u32 s6, $0xF00;
	[tilespmem:s15+$0x20] =	vst v2  }
0x336: {  	v2 =	vld [tilespmem:s8+$0xFFFFFFA0];
	[tilespmem:s15+$0x30] =	vst v3  }
0x337: {  	v3 =	vld [tilespmem:s8+$0xFFFFFFB0];
	[tilespmem:s15+$0x40] =	vst v1  }
0x338: {  	v1 =	vld [tilespmem:s8+$0xFFFFFFC0];
	[tilespmem:s15+$0x50] =	vst v0  }
0x339: {  	v0 =	vld [tilespmem:s8+$0xFFFFFFD0];
	[tilespmem:s15+$0x60] =	vst v4  }
0x33a: {  	v4 =	vld [tilespmem:s8+$0xFFFFFFE0]  }
0x33b: {  	v7 =	vld [tilespmem:s8+$0xFFFFFFF0]  }
0x33c: {  	v6 =	vld.idx.msk [tilespmem:v6+s4+$0x0], $0xffff  }
0x33d: {  	v8 =	vld [tilespmem:s8+$0x0]  }
0x33e: {  	v9 =	vld [tilespmem:s8+$0x10]  }
0x33f: {  	v10 =	vld [tilespmem:s8+$0x20]  }
0x340: {  	v11 =	vld [tilespmem:s8+$0x30]  }
0x341: {  	s15 =	sadd.s32 $0x100, s15;
	v12 =	vld [tilespmem:s8+$0x40]  }
0x342: {  	v13 =	vld [tilespmem:s8+$0x50];
	[tilespmem:s15+$0x70] =	vst v6  }
0x343: {  	v6 =	vld [tilespmem:s8+$0x60]  }
0x344: {  	v14 =	vld [tilespmem:s8+$0xFFFFFF80]  }
0x345: {  	v5 =	vld.idx.msk [tilespmem:v5+s4+$0x0], $0xffff  }
0x346: {  	v2 =	vld.idx.msk [tilespmem:v2+s4+$0x0], $0xffff  }
0x347: {  	v3 =	vld.idx.msk [tilespmem:v3+s4+$0x0], $0xffff  }
0x348: {  	v1 =	vld.idx.msk [tilespmem:v1+s4+$0x0], $0xffff  }
0x349: {  	v0 =	vld.idx.msk [tilespmem:v0+s4+$0x0], $0xffff  }
0x34a: {  	v4 =	vld.idx.msk [tilespmem:v4+s4+$0x0], $0xffff  }
0x34b: {  	[tilespmem:s15+$0xFFFFFF90] =	vst v5;
	v7 =	vld.idx.msk [tilespmem:v7+s4+$0x0], $0xffff  }
0x34c: {  	v14 =	vld.idx.msk [tilespmem:v14+s4+$0x0], $0xffff;
	[tilespmem:s15+$0xFFFFFFA0] =	vst v2  }
0x34d: {  	[tilespmem:s15+$0xFFFFFFB0] =	vst v3;
	v8 =	vld.idx.msk [tilespmem:v8+s4+$0x0], $0xffff  }
0x34e: {  	[tilespmem:s15+$0xFFFFFFC0] =	vst v1;
	v5 =	vld.idx.msk [tilespmem:v9+s4+$0x0], $0xffff  }
.Ltmp12:
0x34f: {  	[tilespmem:s15+$0xFFFFFFD0] =	vst v0;
	v2 =	vld.idx.msk [tilespmem:v10+s4+$0x0], $0xffff;
	(pc) =	sbr.rel @p1 .LBB2_27-.Ltmp12, $4  }
0x350: {  	[tilespmem:s15+$0xFFFFFFE0] =	vst v4;
	v3 =	vld.idx.msk [tilespmem:v11+s4+$0x0], $0xffff  }
0x351: {  	[tilespmem:s15+$0xFFFFFFF0] =	vst v7;
	v1 =	vld.idx.msk [tilespmem:v12+s4+$0x0], $0xffff  }
0x352: {  	[tilespmem:s15+$0xFFFFFF80] =	vst v14;
	v0 =	vld.idx.msk [tilespmem:v13+s4+$0x0], $0xffff  }
0x353: {  	s8 =	sadd.s32 $0x100, s8;
	[tilespmem:s15+$0x0] =	vst v8;
	v4 =	vld.idx.msk [tilespmem:v6+s4+$0x0], $0xffff  }
0x354: {  	p1 =	seq.s32 s31, $0x1B;
	[tilespmem:s15+$0x10] =	vst v5  }
0x355: {  	[tilespmem:s15+$0x20] =	vst v2;
	s6 =	sadd.s32 @!p1 $0x2, s0  }
0x356: {  	[tilespmem:s15+$0x30] =	vst v3;
	s8 =	sshll.u32 @!p1 s6, $0xC  }
0x357: {  	s6 =	sshll.u32 @!p1 s6, $0x7;
	[tilespmem:s15+$0x40] =	vst v1;
	s8 =	sand.u32 @!p1 $0x78000, s8  }
0x358: {  	s30 =	simm.s32 @!p1 $0x1BF00;
	s6 =	sand.u32 @!p1 $0x300, s6;
	[tilespmem:s15+$0x50] =	vst v0;
	s8 =	sadd.s32 @!p1 s8, s3  }
0x359: {  	[tilespmem:s15+$0x60] =	vst v4;
	s15 =	simm.s32 @!p1 $0x400;
	s6 =	sadd.s32 @!p1 s6, s8;
	s8 =	simm.s32 @!p1 $0x80  }
0x35a: {  	[tilespmem:s30], [sflag:$0x1] =	stream.strided.gather @!p1 [spmem:s6], $0x1000, s15, s8, $0x38;
	[tilespmem:$0x1FF00] =	vst v63  }
0x35b: {  	s15 =	sshll.u32 s31, $0x13  }
0x35c: {  	s6 =	sor.u32 s18, s15  }
0x35d: {  	s15 =	sshrl.u32 s6, $0x3  }
0x35e: {  	s6 =	sadd.s32 s2, s15  }
0x35f: {  	[hbm4b:s6+s28] =	stream.strided.scatter [tilespmem:s19], [sflag:$0x3], $0x1000, s29, s28, $0x38;
	[tilespmem:$0x1FF00] =	vst v63  }
0x360: {  	_ =	swait.ge [sflag:s25], $0x1000  }
0x361: {  	[sflag:s25] =	ssyncset.done $0x0  }
0x362: {  	s6 =	simm.s32 @!p2 $0x4;
	[sflag:s25] =	ssyncadd.s32 $0xFFFFF000  }
0x363: {  	_ =	swait.ge @!p2 [sflag:s6], $0x1000  }
0x364: {  	[sflag:s6] =	ssyncset.done @!p2 $0x0  }
0x365: {  	s8 =	simm.s32 $0x1CF80;
	[sflag:s6] =	ssyncadd.s32 @!p2 $0xFFFFF000  }
0x366: {  	v0 =	vld [tilespmem:s8+$0x70]  }
0x367: {  	v1 =	vld [tilespmem:s8+$0xFFFFFF90]  }
0x368: {  	v2 =	vld [tilespmem:s8+$0xFFFFFFA0]  }
0x369: {  	v3 =	vld [tilespmem:s8+$0xFFFFFFB0]  }
0x36a: {  	v4 =	vld [tilespmem:s8+$0xFFFFFFC0]  }
0x36b: {  	v5 =	vld [tilespmem:s8+$0xFFFFFFD0]  }
0x36c: {  	v6 =	vld [tilespmem:s8+$0xFFFFFFE0]  }
0x36d: {  	v7 =	vld [tilespmem:s8+$0xFFFFFFF0]  }
0x36e: {  	v8 =	vld [tilespmem:s8+$0x0]  }
0x36f: {  	v9 =	vld [tilespmem:s8+$0x10]  }
0x370: {  	v10 =	vld [tilespmem:s8+$0x20]  }
0x371: {  	v11 =	vld [tilespmem:s8+$0x30]  }
0x372: {  	v12 =	vld [tilespmem:s8+$0x40]  }
0x373: {  	v13 =	vld [tilespmem:s8+$0x50]  }
0x374: {  	v14 =	vld [tilespmem:s8+$0x60]  }
0x375: {  	v15 =	vld [tilespmem:s8+$0xFFFFFF80]  }
0x376: {  	v0 =	vld.idx.msk [tilespmem:v0+s4+$0x0], $0xffff  }
0x377: {  	v1 =	vld.idx.msk [tilespmem:v1+s4+$0x0], $0xffff  }
0x378: {  	v2 =	vld.idx.msk [tilespmem:v2+s4+$0x0], $0xffff  }
0x379: {  	v3 =	vld.idx.msk [tilespmem:v3+s4+$0x0], $0xffff  }
0x37a: {  	v4 =	vld.idx.msk [tilespmem:v4+s4+$0x0], $0xffff  }
0x37b: {  	s6 =	simm.s32 $0x1EF80;
	v16 =	vld.idx.msk [tilespmem:v5+s4+$0x0], $0xffff  }
0x37c: {  	v5 =	vld.idx.msk [tilespmem:v9+s4+$0x0], $0xffff;
	[tilespmem:s6+$0x70] =	vst v0  }
0x37d: {  	v0 =	vld.idx.msk [tilespmem:v6+s4+$0x0], $0xffff;
	[tilespmem:s6+$0xFFFFFF90] =	vst v1  }
0x37e: {  	v1 =	vld.idx.msk [tilespmem:v7+s4+$0x0], $0xffff;
	[tilespmem:s6+$0xFFFFFFA0] =	vst v2  }
0x37f: {  	v6 =	vld.idx.msk [tilespmem:v15+s4+$0x0], $0xffff;
	[tilespmem:s6+$0xFFFFFFB0] =	vst v3  }
0x380: {  	v2 =	vld.idx.msk [tilespmem:v8+s4+$0x0], $0xffff;
	[tilespmem:s6+$0xFFFFFFC0] =	vst v4  }
0x381: {  	[tilespmem:s6+$0xFFFFFFD0] =	vst v16;
	v3 =	vld.idx.msk [tilespmem:v10+s4+$0x0], $0xffff  }
0x382: {  	v4 =	vld.idx.msk [tilespmem:v11+s4+$0x0], $0xffff;
	[tilespmem:s6+$0xFFFFFFE0] =	vst v0  }
0x383: {  	[tilespmem:s6+$0xFFFFFFF0] =	vst v1;
	v1 =	vld.idx.msk [tilespmem:v12+s4+$0x0], $0xffff  }
0x384: {  	[tilespmem:s6+$0xFFFFFF80] =	vst v6;
	v0 =	vld.idx.msk [tilespmem:v13+s4+$0x0], $0xffff  }
0x385: {  	s30 =	simm.s32 $0x0;
	s8 =	simm.s32 $0x1D080;
	[tilespmem:s6+$0x0] =	vst v2;
	v2 =	vld.idx.msk [tilespmem:v14+s4+$0x0], $0xffff  }
.LBB2_29:
0x386: {  	v6 =	vld [tilespmem:s8+$0x70];
	s30 =	sadd.s32 $0x100, s30;
	[tilespmem:s6+$0x10] =	vst v5  }
0x387: {  	v5 =	vld [tilespmem:s8+$0xFFFFFF90];
	p2 =	slt.u32 s30, $0xF00;
	[tilespmem:s6+$0x20] =	vst v3  }
0x388: {  	v3 =	vld [tilespmem:s8+$0xFFFFFFA0];
	[tilespmem:s6+$0x30] =	vst v4  }
0x389: {  	v4 =	vld [tilespmem:s8+$0xFFFFFFB0];
	[tilespmem:s6+$0x40] =	vst v1  }
0x38a: {  	v1 =	vld [tilespmem:s8+$0xFFFFFFC0];
	[tilespmem:s6+$0x50] =	vst v0  }
0x38b: {  	v0 =	vld [tilespmem:s8+$0xFFFFFFD0];
	[tilespmem:s6+$0x60] =	vst v2  }
0x38c: {  	v2 =	vld [tilespmem:s8+$0xFFFFFFE0]  }
0x38d: {  	v7 =	vld [tilespmem:s8+$0xFFFFFFF0]  }
0x38e: {  	v6 =	vld.idx.msk [tilespmem:v6+s4+$0x0], $0xffff  }
0x38f: {  	v8 =	vld [tilespmem:s8+$0x0]  }
0x390: {  	v9 =	vld [tilespmem:s8+$0x10]  }
0x391: {  	v10 =	vld [tilespmem:s8+$0x20]  }
0x392: {  	v11 =	vld [tilespmem:s8+$0x30]  }
0x393: {  	s6 =	sadd.s32 $0x100, s6;
	v12 =	vld [tilespmem:s8+$0x40]  }
0x394: {  	v13 =	vld [tilespmem:s8+$0x50];
	[tilespmem:s6+$0x70] =	vst v6  }
0x395: {  	v6 =	vld [tilespmem:s8+$0x60]  }
0x396: {  	v14 =	vld [tilespmem:s8+$0xFFFFFF80]  }
0x397: {  	v5 =	vld.idx.msk [tilespmem:v5+s4+$0x0], $0xffff  }
0x398: {  	v3 =	vld.idx.msk [tilespmem:v3+s4+$0x0], $0xffff  }
0x399: {  	v4 =	vld.idx.msk [tilespmem:v4+s4+$0x0], $0xffff  }
0x39a: {  	v1 =	vld.idx.msk [tilespmem:v1+s4+$0x0], $0xffff  }
0x39b: {  	v0 =	vld.idx.msk [tilespmem:v0+s4+$0x0], $0xffff  }
0x39c: {  	v2 =	vld.idx.msk [tilespmem:v2+s4+$0x0], $0xffff  }
0x39d: {  	[tilespmem:s6+$0xFFFFFF90] =	vst v5;
	v7 =	vld.idx.msk [tilespmem:v7+s4+$0x0], $0xffff  }
0x39e: {  	v14 =	vld.idx.msk [tilespmem:v14+s4+$0x0], $0xffff;
	[tilespmem:s6+$0xFFFFFFA0] =	vst v3  }
0x39f: {  	[tilespmem:s6+$0xFFFFFFB0] =	vst v4;
	v8 =	vld.idx.msk [tilespmem:v8+s4+$0x0], $0xffff  }
0x3a0: {  	[tilespmem:s6+$0xFFFFFFC0] =	vst v1;
	v5 =	vld.idx.msk [tilespmem:v9+s4+$0x0], $0xffff  }
.Ltmp13:
0x3a1: {  	[tilespmem:s6+$0xFFFFFFD0] =	vst v0;
	v3 =	vld.idx.msk [tilespmem:v10+s4+$0x0], $0xffff;
	(pc) =	sbr.rel @p2 .LBB2_29-.Ltmp13, $4  }
0x3a2: {  	[tilespmem:s6+$0xFFFFFFE0] =	vst v2;
	v4 =	vld.idx.msk [tilespmem:v11+s4+$0x0], $0xffff  }
0x3a3: {  	[tilespmem:s6+$0xFFFFFFF0] =	vst v7;
	v1 =	vld.idx.msk [tilespmem:v12+s4+$0x0], $0xffff  }
0x3a4: {  	[tilespmem:s6+$0xFFFFFF80] =	vst v14;
	v0 =	vld.idx.msk [tilespmem:v13+s4+$0x0], $0xffff  }
0x3a5: {  	s8 =	sadd.s32 $0x100, s8;
	[tilespmem:s6+$0x0] =	vst v8;
	v2 =	vld.idx.msk [tilespmem:v6+s4+$0x0], $0xffff  }
0x3a6: {  	[tilespmem:s6+$0x10] =	vst v5  }
0x3a7: {  	s0 =	sadd.s32 @!p1 $0x3, s0;
	[tilespmem:s6+$0x20] =	vst v3  }
0x3a8: {  	s8 =	sshll.u32 @!p1 s0, $0xC;
	[tilespmem:s6+$0x30] =	vst v4  }
0x3a9: {  	s30 =	simm.s32 @!p1 $0x1CF00;
	s0 =	sshll.u32 @!p1 s0, $0x7;
	s8 =	sand.u32 @!p1 $0x78000, s8;
	[tilespmem:s6+$0x40] =	vst v1  }
0x3aa: {  	s31 =	sadd.s32 $0x1, s31;
	s0 =	sand.u32 @!p1 $0x380, s0;
	s8 =	sadd.s32 @!p1 s8, s3;
	[tilespmem:s6+$0x50] =	vst v0  }
0x3ab: {  	s0 =	sadd.s32 @!p1 s0, s8;
	[tilespmem:s6+$0x60] =	vst v2;
	s6 =	simm.s32 @!p1 $0x80;
	s8 =	simm.s32 @!p1 $0x400  }
0x3ac: {  	[tilespmem:s30], [sflag:$0x2] =	stream.strided.gather @!p1 [spmem:s0], $0x1000, s8, s6, $0x38;
	[tilespmem:$0x1FF00] =	vst v63  }
0x3ad: {  	p1 =	sne.s32 s31, $0x1C  }
.Ltmp14:
0x3ae: {  	_ = 	snop;
	(pc) =	sbr.rel @p1 .LBB2_26-.Ltmp14, $3  }
0x3af: {  	_ =	sdelay $0x1  }
0x3b0: {  	s30 =	sadd.s32 s15, s7  }
0x3b1: {  	[hbm4b:s30+s28] =	stream.strided.scatter [tilespmem:s1], [sflag:$0x4], $0x1000, s29, s28, $0x38;
	[tilespmem:$0x1FF00] =	vst v63  }
0x3b2: {  	s0 =	simm.s32 $0x3  }
0x3b3: {  	_ =	swait.ge [sflag:s0], $0x1000  }
0x3b4: {  	[sflag:s0] =	ssyncset.done $0x0  }
0x3b5: {  	[sflag:s0] =	ssyncadd.s32 $0xFFFFF000  }
0x3b6: {  	_ =	swait.ge [sflag:s12], $0x1000  }
0x3b7: {  	[sflag:s12] =	ssyncset.done $0x0  }
0x3b8: {  	[sflag:s12] =	ssyncadd.s32 $0xFFFFF000  }
0x3b9: {  	[bflag:$0x0] =	sbarrier.arrive $0xFFFF  }
0x3ba: {  	s6 =	rddreg [dreg:$0x7]  }
0x3bb: {  	s0 =	simm.s32 @!p0 $0x1C06;
	s8 =	rddreg [dreg:$0xd]  }
0x3bc: {  	[spmem:s8], [sflag:s0] =	dma.local @!p0 [hbm:s6], $0x7000  }
0x3bd: {  	s0 =	simm.s32 @!p0 $0x6  }
0x3be: {  	_ =	swait.ge @!p0 [sflag:s0], $0x7000  }
0x3bf: {  	[sflag:s0] =	ssyncset.done @!p0 $0x0  }
0x3c0: {  	[sflag:s0] =	ssyncadd.s32 @!p0 $0xFFFF9000  }
0x3c1: {  	s8 =	simm.s32 $0x1BF00;
	[bflag:$0x0] =	sbarrier.arrive $0xFFFF  }
0x3c2: {  	[tilespmem:s8], [sflag:$0x1] =	stream.strided.gather [spmem:s3], $0x1000, s29, s28, $0x38;
	[tilespmem:$0x1FF00] =	vst v63  }
0x3c3: {  	s30 =	simm.s32 $0x1CF00;
	s31 =	simm.s32 $0x0;
	s15 =	rddreg [dreg:$0x6]  }
0x3c4: {  	[tilespmem:s30], [sflag:$0x2] =	stream.strided.gather [spmem:s15], $0x1000, s29, s28, $0x38;
	[tilespmem:$0x1FF00] =	vst v63  }
.LBB2_32:
0x3c5: {  	_ =	swait.ge [sflag:s5], $0x1000  }
0x3c6: {  	p2 =	seq.s32 s31, $0x0;
	[sflag:s5] =	ssyncset.done $0x0  }
0x3c7: {  	s0 =	simm.s32 @!p2 $0x3;
	[sflag:s5] =	ssyncadd.s32 $0xFFFFF000  }
0x3c8: {  	_ =	swait.ge @!p2 [sflag:s0], $0x1000  }
0x3c9: {  	[sflag:s0] =	ssyncset.done @!p2 $0x0  }
0x3ca: {  	s30 =	simm.s32 $0x1BF80;
	[sflag:s0] =	ssyncadd.s32 @!p2 $0xFFFFF000  }
0x3cb: {  	v0 =	vld [tilespmem:s30+$0x70]  }
0x3cc: {  	v1 =	vld [tilespmem:s30+$0xFFFFFF90]  }
0x3cd: {  	v2 =	vld [tilespmem:s30+$0xFFFFFFA0]  }
0x3ce: {  	v3 =	vld [tilespmem:s30+$0xFFFFFFB0]  }
0x3cf: {  	v4 =	vld [tilespmem:s30+$0xFFFFFFC0]  }
0x3d0: {  	v5 =	vld [tilespmem:s30+$0xFFFFFFD0]  }
0x3d1: {  	v6 =	vld [tilespmem:s30+$0xFFFFFFE0]  }
0x3d2: {  	v7 =	vld [tilespmem:s30+$0xFFFFFFF0]  }
0x3d3: {  	v8 =	vld [tilespmem:s30+$0x0]  }
0x3d4: {  	v9 =	vld [tilespmem:s30+$0x10]  }
0x3d5: {  	v10 =	vld [tilespmem:s30+$0x20]  }
0x3d6: {  	v11 =	vld [tilespmem:s30+$0x30]  }
0x3d7: {  	v12 =	vld [tilespmem:s30+$0x40]  }
0x3d8: {  	v13 =	vld [tilespmem:s30+$0x50]  }
0x3d9: {  	v14 =	vld [tilespmem:s30+$0x60]  }
0x3da: {  	v15 =	vld [tilespmem:s30+$0xFFFFFF80]  }
0x3db: {  	v0 =	vld.idx.msk [tilespmem:v0+s4+$0x0], $0xffff  }
0x3dc: {  	v1 =	vld.idx.msk [tilespmem:v1+s4+$0x0], $0xffff  }
0x3dd: {  	v2 =	vld.idx.msk [tilespmem:v2+s4+$0x0], $0xffff  }
0x3de: {  	v3 =	vld.idx.msk [tilespmem:v3+s4+$0x0], $0xffff  }
0x3df: {  	v4 =	vld.idx.msk [tilespmem:v4+s4+$0x0], $0xffff  }
0x3e0: {  	s15 =	simm.s32 $0x1DF80;
	v16 =	vld.idx.msk [tilespmem:v5+s4+$0x0], $0xffff  }
0x3e1: {  	v5 =	vld.idx.msk [tilespmem:v9+s4+$0x0], $0xffff;
	[tilespmem:s15+$0x70] =	vst v0  }
0x3e2: {  	v0 =	vld.idx.msk [tilespmem:v6+s4+$0x0], $0xffff;
	[tilespmem:s15+$0xFFFFFF90] =	vst v1  }
0x3e3: {  	v1 =	vld.idx.msk [tilespmem:v7+s4+$0x0], $0xffff;
	[tilespmem:s15+$0xFFFFFFA0] =	vst v2  }
0x3e4: {  	v6 =	vld.idx.msk [tilespmem:v15+s4+$0x0], $0xffff;
	[tilespmem:s15+$0xFFFFFFB0] =	vst v3  }
0x3e5: {  	v7 =	vld.idx.msk [tilespmem:v8+s4+$0x0], $0xffff;
	[tilespmem:s15+$0xFFFFFFC0] =	vst v4  }
0x3e6: {  	[tilespmem:s15+$0xFFFFFFD0] =	vst v16;
	v2 =	vld.idx.msk [tilespmem:v10+s4+$0x0], $0xffff  }
0x3e7: {  	v3 =	vld.idx.msk [tilespmem:v11+s4+$0x0], $0xffff;
	[tilespmem:s15+$0xFFFFFFE0] =	vst v0  }
0x3e8: {  	v4 =	vld.idx.msk [tilespmem:v14+s4+$0x0], $0xffff;
	[tilespmem:s15+$0xFFFFFFF0] =	vst v1  }
0x3e9: {  	v1 =	vld.idx.msk [tilespmem:v12+s4+$0x0], $0xffff;
	[tilespmem:s15+$0xFFFFFF80] =	vst v6  }
0x3ea: {  	s6 =	simm.s32 $0x0;
	s8 =	simm.s32 $0x1C080;
	s0 =	sshll.u32 s31, $0x1;
	v0 =	vld.idx.msk [tilespmem:v13+s4+$0x0], $0xffff;
	[tilespmem:s15+$0x0] =	vst v7  }
.LBB2_33:
0x3eb: {  	v6 =	vld [tilespmem:s8+$0x70];
	s6 =	sadd.s32 $0x100, s6;
	[tilespmem:s15+$0x10] =	vst v5  }
0x3ec: {  	v5 =	vld [tilespmem:s8+$0xFFFFFF90];
	p1 =	slt.u32 s6, $0xF00;
	[tilespmem:s15+$0x20] =	vst v2  }
0x3ed: {  	v2 =	vld [tilespmem:s8+$0xFFFFFFA0];
	[tilespmem:s15+$0x30] =	vst v3  }
0x3ee: {  	v3 =	vld [tilespmem:s8+$0xFFFFFFB0];
	[tilespmem:s15+$0x40] =	vst v1  }
0x3ef: {  	v1 =	vld [tilespmem:s8+$0xFFFFFFC0];
	[tilespmem:s15+$0x50] =	vst v0  }
0x3f0: {  	v0 =	vld [tilespmem:s8+$0xFFFFFFD0];
	[tilespmem:s15+$0x60] =	vst v4  }
0x3f1: {  	v4 =	vld [tilespmem:s8+$0xFFFFFFE0]  }
0x3f2: {  	v7 =	vld [tilespmem:s8+$0xFFFFFFF0]  }
0x3f3: {  	v6 =	vld.idx.msk [tilespmem:v6+s4+$0x0], $0xffff  }
0x3f4: {  	v8 =	vld [tilespmem:s8+$0x0]  }
0x3f5: {  	v9 =	vld [tilespmem:s8+$0x10]  }
0x3f6: {  	v10 =	vld [tilespmem:s8+$0x20]  }
0x3f7: {  	v11 =	vld [tilespmem:s8+$0x30]  }
0x3f8: {  	s15 =	sadd.s32 $0x100, s15;
	v12 =	vld [tilespmem:s8+$0x40]  }
0x3f9: {  	v13 =	vld [tilespmem:s8+$0x50];
	[tilespmem:s15+$0x70] =	vst v6  }
0x3fa: {  	v6 =	vld [tilespmem:s8+$0x60]  }
0x3fb: {  	v14 =	vld [tilespmem:s8+$0xFFFFFF80]  }
0x3fc: {  	v5 =	vld.idx.msk [tilespmem:v5+s4+$0x0], $0xffff  }
0x3fd: {  	v2 =	vld.idx.msk [tilespmem:v2+s4+$0x0], $0xffff  }
0x3fe: {  	v3 =	vld.idx.msk [tilespmem:v3+s4+$0x0], $0xffff  }
0x3ff: {  	v1 =	vld.idx.msk [tilespmem:v1+s4+$0x0], $0xffff  }
0x400: {  	v0 =	vld.idx.msk [tilespmem:v0+s4+$0x0], $0xffff  }
0x401: {  	v4 =	vld.idx.msk [tilespmem:v4+s4+$0x0], $0xffff  }
0x402: {  	[tilespmem:s15+$0xFFFFFF90] =	vst v5;
	v7 =	vld.idx.msk [tilespmem:v7+s4+$0x0], $0xffff  }
0x403: {  	v14 =	vld.idx.msk [tilespmem:v14+s4+$0x0], $0xffff;
	[tilespmem:s15+$0xFFFFFFA0] =	vst v2  }
0x404: {  	[tilespmem:s15+$0xFFFFFFB0] =	vst v3;
	v8 =	vld.idx.msk [tilespmem:v8+s4+$0x0], $0xffff  }
0x405: {  	[tilespmem:s15+$0xFFFFFFC0] =	vst v1;
	v5 =	vld.idx.msk [tilespmem:v9+s4+$0x0], $0xffff  }
.Ltmp15:
0x406: {  	[tilespmem:s15+$0xFFFFFFD0] =	vst v0;
	v2 =	vld.idx.msk [tilespmem:v10+s4+$0x0], $0xffff;
	(pc) =	sbr.rel @p1 .LBB2_33-.Ltmp15, $4  }
0x407: {  	[tilespmem:s15+$0xFFFFFFE0] =	vst v4;
	v3 =	vld.idx.msk [tilespmem:v11+s4+$0x0], $0xffff  }
0x408: {  	[tilespmem:s15+$0xFFFFFFF0] =	vst v7;
	v1 =	vld.idx.msk [tilespmem:v12+s4+$0x0], $0xffff  }
0x409: {  	[tilespmem:s15+$0xFFFFFF80] =	vst v14;
	v0 =	vld.idx.msk [tilespmem:v13+s4+$0x0], $0xffff  }
0x40a: {  	s8 =	sadd.s32 $0x100, s8;
	[tilespmem:s15+$0x0] =	vst v8;
	v4 =	vld.idx.msk [tilespmem:v6+s4+$0x0], $0xffff  }
0x40b: {  	p1 =	seq.s32 s31, $0x1B;
	[tilespmem:s15+$0x10] =	vst v5  }
0x40c: {  	[tilespmem:s15+$0x20] =	vst v2;
	s6 =	sadd.s32 @!p1 $0x2, s0  }
0x40d: {  	[tilespmem:s15+$0x30] =	vst v3;
	s8 =	sshll.u32 @!p1 s6, $0xC  }
0x40e: {  	s6 =	sshll.u32 @!p1 s6, $0x7;
	[tilespmem:s15+$0x40] =	vst v1;
	s8 =	sand.u32 @!p1 $0x78000, s8  }
0x40f: {  	s30 =	simm.s32 @!p1 $0x1BF00;
	s6 =	sand.u32 @!p1 $0x300, s6;
	[tilespmem:s15+$0x50] =	vst v0;
	s8 =	sadd.s32 @!p1 s8, s3  }
0x410: {  	[tilespmem:s15+$0x60] =	vst v4;
	s15 =	simm.s32 @!p1 $0x400;
	s6 =	sadd.s32 @!p1 s6, s8;
	s8 =	simm.s32 @!p1 $0x80  }
0x411: {  	[tilespmem:s30], [sflag:$0x1] =	stream.strided.gather @!p1 [spmem:s6], $0x1000, s15, s8, $0x38;
	[tilespmem:$0x1FF00] =	vst v63  }
0x412: {  	s15 =	sshll.u32 s31, $0x13  }
0x413: {  	s8 =	sadd.s32 s20, s15  }
0x414: {  	s6 =	sshrl.u32 s8, $0x3  }
0x415: {  	s6 =	sadd.s32 s2, s6  }
0x416: {  	[hbm4b:s6+s28] =	stream.strided.scatter [tilespmem:s19], [sflag:$0x3], $0x1000, s29, s28, $0x38;
	[tilespmem:$0x1FF00] =	vst v63  }
0x417: {  	_ =	swait.ge [sflag:s25], $0x1000  }
0x418: {  	[sflag:s25] =	ssyncset.done $0x0  }
0x419: {  	s6 =	simm.s32 @!p2 $0x4;
	[sflag:s25] =	ssyncadd.s32 $0xFFFFF000  }
0x41a: {  	_ =	swait.ge @!p2 [sflag:s6], $0x1000  }
0x41b: {  	[sflag:s6] =	ssyncset.done @!p2 $0x0  }
0x41c: {  	s8 =	simm.s32 $0x1CF80;
	[sflag:s6] =	ssyncadd.s32 @!p2 $0xFFFFF000  }
0x41d: {  	v0 =	vld [tilespmem:s8+$0x70]  }
0x41e: {  	v1 =	vld [tilespmem:s8+$0xFFFFFF90]  }
0x41f: {  	v2 =	vld [tilespmem:s8+$0xFFFFFFA0]  }
0x420: {  	v3 =	vld [tilespmem:s8+$0xFFFFFFB0]  }
0x421: {  	v4 =	vld [tilespmem:s8+$0xFFFFFFC0]  }
0x422: {  	v5 =	vld [tilespmem:s8+$0xFFFFFFD0]  }
0x423: {  	v6 =	vld [tilespmem:s8+$0xFFFFFFE0]  }
0x424: {  	v7 =	vld [tilespmem:s8+$0xFFFFFFF0]  }
0x425: {  	v8 =	vld [tilespmem:s8+$0x0]  }
0x426: {  	v9 =	vld [tilespmem:s8+$0x10]  }
0x427: {  	v10 =	vld [tilespmem:s8+$0x20]  }
0x428: {  	v11 =	vld [tilespmem:s8+$0x30]  }
0x429: {  	v12 =	vld [tilespmem:s8+$0x40]  }
0x42a: {  	v13 =	vld [tilespmem:s8+$0x50]  }
0x42b: {  	v14 =	vld [tilespmem:s8+$0x60]  }
0x42c: {  	v15 =	vld [tilespmem:s8+$0xFFFFFF80]  }
0x42d: {  	v0 =	vld.idx.msk [tilespmem:v0+s4+$0x0], $0xffff  }
0x42e: {  	v1 =	vld.idx.msk [tilespmem:v1+s4+$0x0], $0xffff  }
0x42f: {  	v2 =	vld.idx.msk [tilespmem:v2+s4+$0x0], $0xffff  }
0x430: {  	v3 =	vld.idx.msk [tilespmem:v3+s4+$0x0], $0xffff  }
0x431: {  	v4 =	vld.idx.msk [tilespmem:v4+s4+$0x0], $0xffff  }
0x432: {  	s6 =	simm.s32 $0x1EF80;
	v16 =	vld.idx.msk [tilespmem:v5+s4+$0x0], $0xffff  }
0x433: {  	v5 =	vld.idx.msk [tilespmem:v9+s4+$0x0], $0xffff;
	[tilespmem:s6+$0x70] =	vst v0  }
0x434: {  	v0 =	vld.idx.msk [tilespmem:v6+s4+$0x0], $0xffff;
	[tilespmem:s6+$0xFFFFFF90] =	vst v1  }
0x435: {  	v1 =	vld.idx.msk [tilespmem:v7+s4+$0x0], $0xffff;
	[tilespmem:s6+$0xFFFFFFA0] =	vst v2  }
0x436: {  	v6 =	vld.idx.msk [tilespmem:v15+s4+$0x0], $0xffff;
	[tilespmem:s6+$0xFFFFFFB0] =	vst v3  }
0x437: {  	v2 =	vld.idx.msk [tilespmem:v8+s4+$0x0], $0xffff;
	[tilespmem:s6+$0xFFFFFFC0] =	vst v4  }
0x438: {  	[tilespmem:s6+$0xFFFFFFD0] =	vst v16;
	v3 =	vld.idx.msk [tilespmem:v10+s4+$0x0], $0xffff  }
0x439: {  	v4 =	vld.idx.msk [tilespmem:v11+s4+$0x0], $0xffff;
	[tilespmem:s6+$0xFFFFFFE0] =	vst v0  }
0x43a: {  	[tilespmem:s6+$0xFFFFFFF0] =	vst v1;
	v1 =	vld.idx.msk [tilespmem:v12+s4+$0x0], $0xffff  }
0x43b: {  	[tilespmem:s6+$0xFFFFFF80] =	vst v6;
	v0 =	vld.idx.msk [tilespmem:v13+s4+$0x0], $0xffff  }
0x43c: {  	s30 =	simm.s32 $0x0;
	s8 =	simm.s32 $0x1D080;
	[tilespmem:s6+$0x0] =	vst v2;
	v2 =	vld.idx.msk [tilespmem:v14+s4+$0x0], $0xffff  }
.LBB2_35:
0x43d: {  	v6 =	vld [tilespmem:s8+$0x70];
	s30 =	sadd.s32 $0x100, s30;
	[tilespmem:s6+$0x10] =	vst v5  }
0x43e: {  	v5 =	vld [tilespmem:s8+$0xFFFFFF90];
	p2 =	slt.u32 s30, $0xF00;
	[tilespmem:s6+$0x20] =	vst v3  }
0x43f: {  	v3 =	vld [tilespmem:s8+$0xFFFFFFA0];
	[tilespmem:s6+$0x30] =	vst v4  }
0x440: {  	v4 =	vld [tilespmem:s8+$0xFFFFFFB0];
	[tilespmem:s6+$0x40] =	vst v1  }
0x441: {  	v1 =	vld [tilespmem:s8+$0xFFFFFFC0];
	[tilespmem:s6+$0x50] =	vst v0  }
0x442: {  	v0 =	vld [tilespmem:s8+$0xFFFFFFD0];
	[tilespmem:s6+$0x60] =	vst v2  }
0x443: {  	v2 =	vld [tilespmem:s8+$0xFFFFFFE0]  }
0x444: {  	v7 =	vld [tilespmem:s8+$0xFFFFFFF0]  }
0x445: {  	v6 =	vld.idx.msk [tilespmem:v6+s4+$0x0], $0xffff  }
0x446: {  	v8 =	vld [tilespmem:s8+$0x0]  }
0x447: {  	v9 =	vld [tilespmem:s8+$0x10]  }
0x448: {  	v10 =	vld [tilespmem:s8+$0x20]  }
0x449: {  	v11 =	vld [tilespmem:s8+$0x30]  }
0x44a: {  	s6 =	sadd.s32 $0x100, s6;
	v12 =	vld [tilespmem:s8+$0x40]  }
0x44b: {  	v13 =	vld [tilespmem:s8+$0x50];
	[tilespmem:s6+$0x70] =	vst v6  }
0x44c: {  	v6 =	vld [tilespmem:s8+$0x60]  }
0x44d: {  	v14 =	vld [tilespmem:s8+$0xFFFFFF80]  }
0x44e: {  	v5 =	vld.idx.msk [tilespmem:v5+s4+$0x0], $0xffff  }
0x44f: {  	v3 =	vld.idx.msk [tilespmem:v3+s4+$0x0], $0xffff  }
0x450: {  	v4 =	vld.idx.msk [tilespmem:v4+s4+$0x0], $0xffff  }
0x451: {  	v1 =	vld.idx.msk [tilespmem:v1+s4+$0x0], $0xffff  }
0x452: {  	v0 =	vld.idx.msk [tilespmem:v0+s4+$0x0], $0xffff  }
0x453: {  	v2 =	vld.idx.msk [tilespmem:v2+s4+$0x0], $0xffff  }
0x454: {  	[tilespmem:s6+$0xFFFFFF90] =	vst v5;
	v7 =	vld.idx.msk [tilespmem:v7+s4+$0x0], $0xffff  }
0x455: {  	v14 =	vld.idx.msk [tilespmem:v14+s4+$0x0], $0xffff;
	[tilespmem:s6+$0xFFFFFFA0] =	vst v3  }
0x456: {  	[tilespmem:s6+$0xFFFFFFB0] =	vst v4;
	v8 =	vld.idx.msk [tilespmem:v8+s4+$0x0], $0xffff  }
0x457: {  	[tilespmem:s6+$0xFFFFFFC0] =	vst v1;
	v5 =	vld.idx.msk [tilespmem:v9+s4+$0x0], $0xffff  }
.Ltmp16:
0x458: {  	[tilespmem:s6+$0xFFFFFFD0] =	vst v0;
	v3 =	vld.idx.msk [tilespmem:v10+s4+$0x0], $0xffff;
	(pc) =	sbr.rel @p2 .LBB2_35-.Ltmp16, $4  }
0x459: {  	[tilespmem:s6+$0xFFFFFFE0] =	vst v2;
	v4 =	vld.idx.msk [tilespmem:v11+s4+$0x0], $0xffff  }
0x45a: {  	[tilespmem:s6+$0xFFFFFFF0] =	vst v7;
	v1 =	vld.idx.msk [tilespmem:v12+s4+$0x0], $0xffff  }
0x45b: {  	[tilespmem:s6+$0xFFFFFF80] =	vst v14;
	v0 =	vld.idx.msk [tilespmem:v13+s4+$0x0], $0xffff  }
0x45c: {  	s8 =	sadd.s32 $0x100, s8;
	[tilespmem:s6+$0x0] =	vst v8;
	v2 =	vld.idx.msk [tilespmem:v6+s4+$0x0], $0xffff  }
0x45d: {  	[tilespmem:s6+$0x10] =	vst v5  }
0x45e: {  	s0 =	sadd.s32 @!p1 $0x3, s0;
	[tilespmem:s6+$0x20] =	vst v3  }
0x45f: {  	s8 =	sshll.u32 @!p1 s0, $0xC;
	[tilespmem:s6+$0x30] =	vst v4  }
0x460: {  	s30 =	simm.s32 @!p1 $0x1CF00;
	s0 =	sshll.u32 @!p1 s0, $0x7;
	s8 =	sand.u32 @!p1 $0x78000, s8;
	[tilespmem:s6+$0x40] =	vst v1  }
0x461: {  	s31 =	sadd.s32 $0x1, s31;
	s0 =	sand.u32 @!p1 $0x380, s0;
	s8 =	sadd.s32 @!p1 s8, s3;
	[tilespmem:s6+$0x50] =	vst v0  }
0x462: {  	s0 =	sadd.s32 @!p1 s0, s8;
	[tilespmem:s6+$0x60] =	vst v2;
	s6 =	simm.s32 @!p1 $0x80;
	s8 =	simm.s32 @!p1 $0x400  }
0x463: {  	[tilespmem:s30], [sflag:$0x2] =	stream.strided.gather @!p1 [spmem:s0], $0x1000, s8, s6, $0x38;
	[tilespmem:$0x1FF00] =	vst v63  }
0x464: {  	p1 =	sne.s32 s31, $0x1C  }
.Ltmp17:
0x465: {  	_ = 	snop;
	(pc) =	sbr.rel @p1 .LBB2_32-.Ltmp17, $4  }
0x466: {  	s30 =	sadd.s32 s21, s15  }
0x467: {  	s0 =	sshrl.u32 s30, $0x3  }
0x468: {  	s0 =	sadd.s32 s2, s0  }
0x469: {  	[hbm4b:s0+s28] =	stream.strided.scatter [tilespmem:s1], [sflag:$0x4], $0x1000, s29, s28, $0x38;
	[tilespmem:$0x1FF00] =	vst v63  }
0x46a: {  	s0 =	simm.s32 $0x3  }
0x46b: {  	_ =	swait.ge [sflag:s0], $0x1000  }
0x46c: {  	[sflag:s0] =	ssyncset.done $0x0  }
0x46d: {  	[sflag:s0] =	ssyncadd.s32 $0xFFFFF000  }
0x46e: {  	_ =	swait.ge [sflag:s12], $0x1000  }
0x46f: {  	[sflag:s12] =	ssyncset.done $0x0  }
0x470: {  	[sflag:s12] =	ssyncadd.s32 $0xFFFFF000  }
0x471: {  	[bflag:$0x0] =	sbarrier.arrive $0xFFFF  }
0x472: {  	s6 =	rddreg [dreg:$0x8]  }
0x473: {  	s0 =	simm.s32 @!p0 $0x1C06;
	s8 =	rddreg [dreg:$0xd]  }
0x474: {  	[spmem:s8], [sflag:s0] =	dma.local @!p0 [hbm:s6], $0x7000  }
0x475: {  	s0 =	simm.s32 @!p0 $0x6  }
0x476: {  	_ =	swait.ge @!p0 [sflag:s0], $0x7000  }
0x477: {  	[sflag:s0] =	ssyncset.done @!p0 $0x0  }
0x478: {  	[sflag:s0] =	ssyncadd.s32 @!p0 $0xFFFF9000  }
0x479: {  	s8 =	simm.s32 $0x1BF00;
	[bflag:$0x0] =	sbarrier.arrive $0xFFFF  }
0x47a: {  	[tilespmem:s8], [sflag:$0x1] =	stream.strided.gather [spmem:s3], $0x1000, s29, s28, $0x38;
	[tilespmem:$0x1FF00] =	vst v63  }
0x47b: {  	s30 =	simm.s32 $0x1CF00;
	s31 =	simm.s32 $0x0;
	s15 =	rddreg [dreg:$0x6]  }
0x47c: {  	[tilespmem:s30], [sflag:$0x2] =	stream.strided.gather [spmem:s15], $0x1000, s29, s28, $0x38;
	[tilespmem:$0x1FF00] =	vst v63  }
.LBB2_38:
0x47d: {  	_ =	swait.ge [sflag:s5], $0x1000  }
0x47e: {  	p2 =	seq.s32 s31, $0x0;
	[sflag:s5] =	ssyncset.done $0x0  }
0x47f: {  	s0 =	simm.s32 @!p2 $0x3;
	[sflag:s5] =	ssyncadd.s32 $0xFFFFF000  }
0x480: {  	_ =	swait.ge @!p2 [sflag:s0], $0x1000  }
0x481: {  	[sflag:s0] =	ssyncset.done @!p2 $0x0  }
0x482: {  	s30 =	simm.s32 $0x1BF80;
	[sflag:s0] =	ssyncadd.s32 @!p2 $0xFFFFF000  }
0x483: {  	v0 =	vld [tilespmem:s30+$0x70]  }
0x484: {  	v1 =	vld [tilespmem:s30+$0xFFFFFF90]  }
0x485: {  	v2 =	vld [tilespmem:s30+$0xFFFFFFA0]  }
0x486: {  	v3 =	vld [tilespmem:s30+$0xFFFFFFB0]  }
0x487: {  	v4 =	vld [tilespmem:s30+$0xFFFFFFC0]  }
0x488: {  	v5 =	vld [tilespmem:s30+$0xFFFFFFD0]  }
0x489: {  	v6 =	vld [tilespmem:s30+$0xFFFFFFE0]  }
0x48a: {  	v7 =	vld [tilespmem:s30+$0xFFFFFFF0]  }
0x48b: {  	v8 =	vld [tilespmem:s30+$0x0]  }
0x48c: {  	v9 =	vld [tilespmem:s30+$0x10]  }
0x48d: {  	v10 =	vld [tilespmem:s30+$0x20]  }
0x48e: {  	v11 =	vld [tilespmem:s30+$0x30]  }
0x48f: {  	v12 =	vld [tilespmem:s30+$0x40]  }
0x490: {  	v13 =	vld [tilespmem:s30+$0x50]  }
0x491: {  	v14 =	vld [tilespmem:s30+$0x60]  }
0x492: {  	v15 =	vld [tilespmem:s30+$0xFFFFFF80]  }
0x493: {  	v0 =	vld.idx.msk [tilespmem:v0+s4+$0x0], $0xffff  }
0x494: {  	v1 =	vld.idx.msk [tilespmem:v1+s4+$0x0], $0xffff  }
0x495: {  	v2 =	vld.idx.msk [tilespmem:v2+s4+$0x0], $0xffff  }
0x496: {  	v3 =	vld.idx.msk [tilespmem:v3+s4+$0x0], $0xffff  }
0x497: {  	v4 =	vld.idx.msk [tilespmem:v4+s4+$0x0], $0xffff  }
0x498: {  	s15 =	simm.s32 $0x1DF80;
	v16 =	vld.idx.msk [tilespmem:v5+s4+$0x0], $0xffff  }
0x499: {  	v5 =	vld.idx.msk [tilespmem:v9+s4+$0x0], $0xffff;
	[tilespmem:s15+$0x70] =	vst v0  }
0x49a: {  	v0 =	vld.idx.msk [tilespmem:v6+s4+$0x0], $0xffff;
	[tilespmem:s15+$0xFFFFFF90] =	vst v1  }
0x49b: {  	v1 =	vld.idx.msk [tilespmem:v7+s4+$0x0], $0xffff;
	[tilespmem:s15+$0xFFFFFFA0] =	vst v2  }
0x49c: {  	v6 =	vld.idx.msk [tilespmem:v15+s4+$0x0], $0xffff;
	[tilespmem:s15+$0xFFFFFFB0] =	vst v3  }
0x49d: {  	v7 =	vld.idx.msk [tilespmem:v8+s4+$0x0], $0xffff;
	[tilespmem:s15+$0xFFFFFFC0] =	vst v4  }
0x49e: {  	[tilespmem:s15+$0xFFFFFFD0] =	vst v16;
	v2 =	vld.idx.msk [tilespmem:v10+s4+$0x0], $0xffff  }
0x49f: {  	v3 =	vld.idx.msk [tilespmem:v11+s4+$0x0], $0xffff;
	[tilespmem:s15+$0xFFFFFFE0] =	vst v0  }
0x4a0: {  	v4 =	vld.idx.msk [tilespmem:v14+s4+$0x0], $0xffff;
	[tilespmem:s15+$0xFFFFFFF0] =	vst v1  }
0x4a1: {  	v1 =	vld.idx.msk [tilespmem:v12+s4+$0x0], $0xffff;
	[tilespmem:s15+$0xFFFFFF80] =	vst v6  }
0x4a2: {  	s6 =	simm.s32 $0x0;
	s8 =	simm.s32 $0x1C080;
	s0 =	sshll.u32 s31, $0x1;
	v0 =	vld.idx.msk [tilespmem:v13+s4+$0x0], $0xffff;
	[tilespmem:s15+$0x0] =	vst v7  }
.LBB2_39:
0x4a3: {  	v6 =	vld [tilespmem:s8+$0x70];
	s6 =	sadd.s32 $0x100, s6;
	[tilespmem:s15+$0x10] =	vst v5  }
0x4a4: {  	v5 =	vld [tilespmem:s8+$0xFFFFFF90];
	p1 =	slt.u32 s6, $0xF00;
	[tilespmem:s15+$0x20] =	vst v2  }
0x4a5: {  	v2 =	vld [tilespmem:s8+$0xFFFFFFA0];
	[tilespmem:s15+$0x30] =	vst v3  }
0x4a6: {  	v3 =	vld [tilespmem:s8+$0xFFFFFFB0];
	[tilespmem:s15+$0x40] =	vst v1  }
0x4a7: {  	v1 =	vld [tilespmem:s8+$0xFFFFFFC0];
	[tilespmem:s15+$0x50] =	vst v0  }
0x4a8: {  	v0 =	vld [tilespmem:s8+$0xFFFFFFD0];
	[tilespmem:s15+$0x60] =	vst v4  }
0x4a9: {  	v4 =	vld [tilespmem:s8+$0xFFFFFFE0]  }
0x4aa: {  	v7 =	vld [tilespmem:s8+$0xFFFFFFF0]  }
0x4ab: {  	v6 =	vld.idx.msk [tilespmem:v6+s4+$0x0], $0xffff  }
0x4ac: {  	v8 =	vld [tilespmem:s8+$0x0]  }
0x4ad: {  	v9 =	vld [tilespmem:s8+$0x10]  }
0x4ae: {  	v10 =	vld [tilespmem:s8+$0x20]  }
0x4af: {  	v11 =	vld [tilespmem:s8+$0x30]  }
0x4b0: {  	s15 =	sadd.s32 $0x100, s15;
	v12 =	vld [tilespmem:s8+$0x40]  }
0x4b1: {  	v13 =	vld [tilespmem:s8+$0x50];
	[tilespmem:s15+$0x70] =	vst v6  }
0x4b2: {  	v6 =	vld [tilespmem:s8+$0x60]  }
0x4b3: {  	v14 =	vld [tilespmem:s8+$0xFFFFFF80]  }
0x4b4: {  	v5 =	vld.idx.msk [tilespmem:v5+s4+$0x0], $0xffff  }
0x4b5: {  	v2 =	vld.idx.msk [tilespmem:v2+s4+$0x0], $0xffff  }
0x4b6: {  	v3 =	vld.idx.msk [tilespmem:v3+s4+$0x0], $0xffff  }
0x4b7: {  	v1 =	vld.idx.msk [tilespmem:v1+s4+$0x0], $0xffff  }
0x4b8: {  	v0 =	vld.idx.msk [tilespmem:v0+s4+$0x0], $0xffff  }
0x4b9: {  	v4 =	vld.idx.msk [tilespmem:v4+s4+$0x0], $0xffff  }
0x4ba: {  	[tilespmem:s15+$0xFFFFFF90] =	vst v5;
	v7 =	vld.idx.msk [tilespmem:v7+s4+$0x0], $0xffff  }
0x4bb: {  	v14 =	vld.idx.msk [tilespmem:v14+s4+$0x0], $0xffff;
	[tilespmem:s15+$0xFFFFFFA0] =	vst v2  }
0x4bc: {  	[tilespmem:s15+$0xFFFFFFB0] =	vst v3;
	v8 =	vld.idx.msk [tilespmem:v8+s4+$0x0], $0xffff  }
0x4bd: {  	[tilespmem:s15+$0xFFFFFFC0] =	vst v1;
	v5 =	vld.idx.msk [tilespmem:v9+s4+$0x0], $0xffff  }
.Ltmp18:
0x4be: {  	[tilespmem:s15+$0xFFFFFFD0] =	vst v0;
	v2 =	vld.idx.msk [tilespmem:v10+s4+$0x0], $0xffff;
	(pc) =	sbr.rel @p1 .LBB2_39-.Ltmp18, $4  }
0x4bf: {  	[tilespmem:s15+$0xFFFFFFE0] =	vst v4;
	v3 =	vld.idx.msk [tilespmem:v11+s4+$0x0], $0xffff  }
0x4c0: {  	[tilespmem:s15+$0xFFFFFFF0] =	vst v7;
	v1 =	vld.idx.msk [tilespmem:v12+s4+$0x0], $0xffff  }
0x4c1: {  	[tilespmem:s15+$0xFFFFFF80] =	vst v14;
	v0 =	vld.idx.msk [tilespmem:v13+s4+$0x0], $0xffff  }
0x4c2: {  	s8 =	sadd.s32 $0x100, s8;
	[tilespmem:s15+$0x0] =	vst v8;
	v4 =	vld.idx.msk [tilespmem:v6+s4+$0x0], $0xffff  }
0x4c3: {  	p1 =	seq.s32 s31, $0x1B;
	[tilespmem:s15+$0x10] =	vst v5  }
0x4c4: {  	[tilespmem:s15+$0x20] =	vst v2;
	s6 =	sadd.s32 @!p1 $0x2, s0  }
0x4c5: {  	[tilespmem:s15+$0x30] =	vst v3;
	s8 =	sshll.u32 @!p1 s6, $0xC  }
0x4c6: {  	s6 =	sshll.u32 @!p1 s6, $0x7;
	[tilespmem:s15+$0x40] =	vst v1;
	s8 =	sand.u32 @!p1 $0x78000, s8  }
0x4c7: {  	s30 =	simm.s32 @!p1 $0x1BF00;
	s6 =	sand.u32 @!p1 $0x300, s6;
	[tilespmem:s15+$0x50] =	vst v0;
	s8 =	sadd.s32 @!p1 s8, s3  }
0x4c8: {  	[tilespmem:s15+$0x60] =	vst v4;
	s15 =	simm.s32 @!p1 $0x400;
	s6 =	sadd.s32 @!p1 s6, s8;
	s8 =	simm.s32 @!p1 $0x80  }
0x4c9: {  	[tilespmem:s30], [sflag:$0x1] =	stream.strided.gather @!p1 [spmem:s6], $0x1000, s15, s8, $0x38;
	[tilespmem:$0x1FF00] =	vst v63  }
0x4ca: {  	s15 =	sshll.u32 s31, $0x13  }
0x4cb: {  	s8 =	sadd.s32 s22, s15  }
0x4cc: {  	s6 =	sshrl.u32 s8, $0x3  }
0x4cd: {  	s6 =	sadd.s32 s2, s6  }
0x4ce: {  	[hbm4b:s6+s28] =	stream.strided.scatter [tilespmem:s19], [sflag:$0x3], $0x1000, s29, s28, $0x38;
	[tilespmem:$0x1FF00] =	vst v63  }
0x4cf: {  	_ =	swait.ge [sflag:s25], $0x1000  }
0x4d0: {  	[sflag:s25] =	ssyncset.done $0x0  }
0x4d1: {  	s6 =	simm.s32 @!p2 $0x4;
	[sflag:s25] =	ssyncadd.s32 $0xFFFFF000  }
0x4d2: {  	_ =	swait.ge @!p2 [sflag:s6], $0x1000  }
0x4d3: {  	[sflag:s6] =	ssyncset.done @!p2 $0x0  }
0x4d4: {  	s8 =	simm.s32 $0x1CF80;
	[sflag:s6] =	ssyncadd.s32 @!p2 $0xFFFFF000  }
0x4d5: {  	v0 =	vld [tilespmem:s8+$0x70]  }
0x4d6: {  	v1 =	vld [tilespmem:s8+$0xFFFFFF90]  }
0x4d7: {  	v2 =	vld [tilespmem:s8+$0xFFFFFFA0]  }
0x4d8: {  	v3 =	vld [tilespmem:s8+$0xFFFFFFB0]  }
0x4d9: {  	v4 =	vld [tilespmem:s8+$0xFFFFFFC0]  }
0x4da: {  	v5 =	vld [tilespmem:s8+$0xFFFFFFD0]  }
0x4db: {  	v6 =	vld [tilespmem:s8+$0xFFFFFFE0]  }
0x4dc: {  	v7 =	vld [tilespmem:s8+$0xFFFFFFF0]  }
0x4dd: {  	v8 =	vld [tilespmem:s8+$0x0]  }
0x4de: {  	v9 =	vld [tilespmem:s8+$0x10]  }
0x4df: {  	v10 =	vld [tilespmem:s8+$0x20]  }
0x4e0: {  	v11 =	vld [tilespmem:s8+$0x30]  }
0x4e1: {  	v12 =	vld [tilespmem:s8+$0x40]  }
0x4e2: {  	v13 =	vld [tilespmem:s8+$0x50]  }
0x4e3: {  	v14 =	vld [tilespmem:s8+$0x60]  }
0x4e4: {  	v15 =	vld [tilespmem:s8+$0xFFFFFF80]  }
0x4e5: {  	v0 =	vld.idx.msk [tilespmem:v0+s4+$0x0], $0xffff  }
0x4e6: {  	v1 =	vld.idx.msk [tilespmem:v1+s4+$0x0], $0xffff  }
0x4e7: {  	v2 =	vld.idx.msk [tilespmem:v2+s4+$0x0], $0xffff  }
0x4e8: {  	v3 =	vld.idx.msk [tilespmem:v3+s4+$0x0], $0xffff  }
0x4e9: {  	v4 =	vld.idx.msk [tilespmem:v4+s4+$0x0], $0xffff  }
0x4ea: {  	s6 =	simm.s32 $0x1EF80;
	v16 =	vld.idx.msk [tilespmem:v5+s4+$0x0], $0xffff  }
0x4eb: {  	v5 =	vld.idx.msk [tilespmem:v9+s4+$0x0], $0xffff;
	[tilespmem:s6+$0x70] =	vst v0  }
0x4ec: {  	v0 =	vld.idx.msk [tilespmem:v6+s4+$0x0], $0xffff;
	[tilespmem:s6+$0xFFFFFF90] =	vst v1  }
0x4ed: {  	v1 =	vld.idx.msk [tilespmem:v7+s4+$0x0], $0xffff;
	[tilespmem:s6+$0xFFFFFFA0] =	vst v2  }
0x4ee: {  	v6 =	vld.idx.msk [tilespmem:v15+s4+$0x0], $0xffff;
	[tilespmem:s6+$0xFFFFFFB0] =	vst v3  }
0x4ef: {  	v2 =	vld.idx.msk [tilespmem:v8+s4+$0x0], $0xffff;
	[tilespmem:s6+$0xFFFFFFC0] =	vst v4  }
0x4f0: {  	[tilespmem:s6+$0xFFFFFFD0] =	vst v16;
	v3 =	vld.idx.msk [tilespmem:v10+s4+$0x0], $0xffff  }
0x4f1: {  	v4 =	vld.idx.msk [tilespmem:v11+s4+$0x0], $0xffff;
	[tilespmem:s6+$0xFFFFFFE0] =	vst v0  }
0x4f2: {  	[tilespmem:s6+$0xFFFFFFF0] =	vst v1;
	v1 =	vld.idx.msk [tilespmem:v12+s4+$0x0], $0xffff  }
0x4f3: {  	[tilespmem:s6+$0xFFFFFF80] =	vst v6;
	v0 =	vld.idx.msk [tilespmem:v13+s4+$0x0], $0xffff  }
0x4f4: {  	s30 =	simm.s32 $0x0;
	s8 =	simm.s32 $0x1D080;
	[tilespmem:s6+$0x0] =	vst v2;
	v2 =	vld.idx.msk [tilespmem:v14+s4+$0x0], $0xffff  }
.LBB2_41:
0x4f5: {  	v6 =	vld [tilespmem:s8+$0x70];
	s30 =	sadd.s32 $0x100, s30;
	[tilespmem:s6+$0x10] =	vst v5  }
0x4f6: {  	v5 =	vld [tilespmem:s8+$0xFFFFFF90];
	p2 =	slt.u32 s30, $0xF00;
	[tilespmem:s6+$0x20] =	vst v3  }
0x4f7: {  	v3 =	vld [tilespmem:s8+$0xFFFFFFA0];
	[tilespmem:s6+$0x30] =	vst v4  }
0x4f8: {  	v4 =	vld [tilespmem:s8+$0xFFFFFFB0];
	[tilespmem:s6+$0x40] =	vst v1  }
0x4f9: {  	v1 =	vld [tilespmem:s8+$0xFFFFFFC0];
	[tilespmem:s6+$0x50] =	vst v0  }
0x4fa: {  	v0 =	vld [tilespmem:s8+$0xFFFFFFD0];
	[tilespmem:s6+$0x60] =	vst v2  }
0x4fb: {  	v2 =	vld [tilespmem:s8+$0xFFFFFFE0]  }
0x4fc: {  	v7 =	vld [tilespmem:s8+$0xFFFFFFF0]  }
0x4fd: {  	v6 =	vld.idx.msk [tilespmem:v6+s4+$0x0], $0xffff  }
0x4fe: {  	v8 =	vld [tilespmem:s8+$0x0]  }
0x4ff: {  	v9 =	vld [tilespmem:s8+$0x10]  }
0x500: {  	v10 =	vld [tilespmem:s8+$0x20]  }
0x501: {  	v11 =	vld [tilespmem:s8+$0x30]  }
0x502: {  	s6 =	sadd.s32 $0x100, s6;
	v12 =	vld [tilespmem:s8+$0x40]  }
0x503: {  	v13 =	vld [tilespmem:s8+$0x50];
	[tilespmem:s6+$0x70] =	vst v6  }
0x504: {  	v6 =	vld [tilespmem:s8+$0x60]  }
0x505: {  	v14 =	vld [tilespmem:s8+$0xFFFFFF80]  }
0x506: {  	v5 =	vld.idx.msk [tilespmem:v5+s4+$0x0], $0xffff  }
0x507: {  	v3 =	vld.idx.msk [tilespmem:v3+s4+$0x0], $0xffff  }
0x508: {  	v4 =	vld.idx.msk [tilespmem:v4+s4+$0x0], $0xffff  }
0x509: {  	v1 =	vld.idx.msk [tilespmem:v1+s4+$0x0], $0xffff  }
0x50a: {  	v0 =	vld.idx.msk [tilespmem:v0+s4+$0x0], $0xffff  }
0x50b: {  	v2 =	vld.idx.msk [tilespmem:v2+s4+$0x0], $0xffff  }
0x50c: {  	[tilespmem:s6+$0xFFFFFF90] =	vst v5;
	v7 =	vld.idx.msk [tilespmem:v7+s4+$0x0], $0xffff  }
0x50d: {  	v14 =	vld.idx.msk [tilespmem:v14+s4+$0x0], $0xffff;
	[tilespmem:s6+$0xFFFFFFA0] =	vst v3  }
0x50e: {  	[tilespmem:s6+$0xFFFFFFB0] =	vst v4;
	v8 =	vld.idx.msk [tilespmem:v8+s4+$0x0], $0xffff  }
0x50f: {  	[tilespmem:s6+$0xFFFFFFC0] =	vst v1;
	v5 =	vld.idx.msk [tilespmem:v9+s4+$0x0], $0xffff  }
.Ltmp19:
0x510: {  	[tilespmem:s6+$0xFFFFFFD0] =	vst v0;
	v3 =	vld.idx.msk [tilespmem:v10+s4+$0x0], $0xffff;
	(pc) =	sbr.rel @p2 .LBB2_41-.Ltmp19, $4  }
0x511: {  	[tilespmem:s6+$0xFFFFFFE0] =	vst v2;
	v4 =	vld.idx.msk [tilespmem:v11+s4+$0x0], $0xffff  }
0x512: {  	[tilespmem:s6+$0xFFFFFFF0] =	vst v7;
	v1 =	vld.idx.msk [tilespmem:v12+s4+$0x0], $0xffff  }
0x513: {  	[tilespmem:s6+$0xFFFFFF80] =	vst v14;
	v0 =	vld.idx.msk [tilespmem:v13+s4+$0x0], $0xffff  }
0x514: {  	s8 =	sadd.s32 $0x100, s8;
	[tilespmem:s6+$0x0] =	vst v8;
	v2 =	vld.idx.msk [tilespmem:v6+s4+$0x0], $0xffff  }
0x515: {  	[tilespmem:s6+$0x10] =	vst v5  }
0x516: {  	s0 =	sadd.s32 @!p1 $0x3, s0;
	[tilespmem:s6+$0x20] =	vst v3  }
0x517: {  	s8 =	sshll.u32 @!p1 s0, $0xC;
	[tilespmem:s6+$0x30] =	vst v4  }
0x518: {  	s30 =	simm.s32 @!p1 $0x1CF00;
	s0 =	sshll.u32 @!p1 s0, $0x7;
	s8 =	sand.u32 @!p1 $0x78000, s8;
	[tilespmem:s6+$0x40] =	vst v1  }
0x519: {  	s31 =	sadd.s32 $0x1, s31;
	s0 =	sand.u32 @!p1 $0x380, s0;
	s8 =	sadd.s32 @!p1 s8, s3;
	[tilespmem:s6+$0x50] =	vst v0  }
0x51a: {  	s0 =	sadd.s32 @!p1 s0, s8;
	[tilespmem:s6+$0x60] =	vst v2;
	s6 =	simm.s32 @!p1 $0x80;
	s8 =	simm.s32 @!p1 $0x400  }
0x51b: {  	[tilespmem:s30], [sflag:$0x2] =	stream.strided.gather @!p1 [spmem:s0], $0x1000, s8, s6, $0x38;
	[tilespmem:$0x1FF00] =	vst v63  }
0x51c: {  	p1 =	sne.s32 s31, $0x1C  }
.Ltmp20:
0x51d: {  	_ = 	snop;
	(pc) =	sbr.rel @p1 .LBB2_38-.Ltmp20, $4  }
0x51e: {  	s30 =	sadd.s32 s23, s15  }
0x51f: {  	s0 =	sshrl.u32 s30, $0x3  }
0x520: {  	s0 =	sadd.s32 s2, s0  }
0x521: {  	[hbm4b:s0+s28] =	stream.strided.scatter [tilespmem:s1], [sflag:$0x4], $0x1000, s29, s28, $0x38;
	[tilespmem:$0x1FF00] =	vst v63  }
0x522: {  	s0 =	simm.s32 $0x3  }
0x523: {  	_ =	swait.ge [sflag:s0], $0x1000  }
0x524: {  	[sflag:s0] =	ssyncset.done $0x0  }
0x525: {  	[sflag:s0] =	ssyncadd.s32 $0xFFFFF000  }
0x526: {  	_ =	swait.ge [sflag:s12], $0x1000  }
0x527: {  	[sflag:s12] =	ssyncset.done $0x0  }
0x528: {  	[sflag:s12] =	ssyncadd.s32 $0xFFFFF000  }
0x529: {  	[bflag:$0x0] =	sbarrier.arrive $0xFFFF  }
0x52a: {  	s6 =	rddreg [dreg:$0x9]  }
0x52b: {  	s0 =	simm.s32 @!p0 $0x1C06;
	s8 =	rddreg [dreg:$0xd]  }
0x52c: {  	[spmem:s8], [sflag:s0] =	dma.local @!p0 [hbm:s6], $0x4000  }
0x52d: {  	s0 =	simm.s32 @!p0 $0x6  }
0x52e: {  	_ =	swait.ge @!p0 [sflag:s0], $0x4000  }
0x52f: {  	[sflag:s0] =	ssyncset.done @!p0 $0x0  }
0x530: {  	[sflag:s0] =	ssyncadd.s32 @!p0 $0xFFFFC000  }
0x531: {  	s8 =	simm.s32 $0x1BF00;
	[bflag:$0x0] =	sbarrier.arrive $0xFFFF  }
0x532: {  	[tilespmem:s8], [sflag:$0x1] =	stream.strided.gather [spmem:s3], $0x1000, s29, s28, $0x38;
	[tilespmem:$0x1FF00] =	vst v63  }
0x533: {  	s31 =	simm.s32 $0x1CF00;
	s30 =	simm.s32 $0x0;
	s15 =	rddreg [dreg:$0x6]  }
0x534: {  	[tilespmem:s31], [sflag:$0x2] =	stream.strided.gather [spmem:s15], $0x1000, s29, s28, $0x38;
	[tilespmem:$0x1FF00] =	vst v63  }
.LBB2_44:
0x535: {  	_ =	swait.ge [sflag:s5], $0x1000  }
0x536: {  	p2 =	seq.s32 s30, $0x0;
	[sflag:s5] =	ssyncset.done $0x0  }
0x537: {  	s0 =	simm.s32 @!p2 $0x3;
	[sflag:s5] =	ssyncadd.s32 $0xFFFFF000  }
0x538: {  	_ =	swait.ge @!p2 [sflag:s0], $0x1000  }
0x539: {  	[sflag:s0] =	ssyncset.done @!p2 $0x0  }
0x53a: {  	s31 =	simm.s32 $0x1BF80;
	[sflag:s0] =	ssyncadd.s32 @!p2 $0xFFFFF000  }
0x53b: {  	v0 =	vld [tilespmem:s31+$0x70]  }
0x53c: {  	v1 =	vld [tilespmem:s31+$0xFFFFFF90]  }
0x53d: {  	v2 =	vld [tilespmem:s31+$0xFFFFFFA0]  }
0x53e: {  	v3 =	vld [tilespmem:s31+$0xFFFFFFB0]  }
0x53f: {  	v4 =	vld [tilespmem:s31+$0xFFFFFFC0]  }
0x540: {  	v5 =	vld [tilespmem:s31+$0xFFFFFFD0]  }
0x541: {  	v6 =	vld [tilespmem:s31+$0xFFFFFFE0]  }
0x542: {  	v7 =	vld [tilespmem:s31+$0xFFFFFFF0]  }
0x543: {  	v8 =	vld [tilespmem:s31+$0x0]  }
0x544: {  	v9 =	vld [tilespmem:s31+$0x10]  }
0x545: {  	v10 =	vld [tilespmem:s31+$0x20]  }
0x546: {  	v11 =	vld [tilespmem:s31+$0x30]  }
0x547: {  	v12 =	vld [tilespmem:s31+$0x40]  }
0x548: {  	v13 =	vld [tilespmem:s31+$0x50]  }
0x549: {  	v14 =	vld [tilespmem:s31+$0x60]  }
0x54a: {  	v15 =	vld [tilespmem:s31+$0xFFFFFF80]  }
0x54b: {  	v0 =	vld.idx.msk [tilespmem:v0+s4+$0x0], $0xffff  }
0x54c: {  	v1 =	vld.idx.msk [tilespmem:v1+s4+$0x0], $0xffff  }
0x54d: {  	v2 =	vld.idx.msk [tilespmem:v2+s4+$0x0], $0xffff  }
0x54e: {  	v3 =	vld.idx.msk [tilespmem:v3+s4+$0x0], $0xffff  }
0x54f: {  	v4 =	vld.idx.msk [tilespmem:v4+s4+$0x0], $0xffff  }
0x550: {  	s15 =	simm.s32 $0x1DF80;
	v16 =	vld.idx.msk [tilespmem:v5+s4+$0x0], $0xffff  }
0x551: {  	v5 =	vld.idx.msk [tilespmem:v9+s4+$0x0], $0xffff;
	[tilespmem:s15+$0x70] =	vst v0  }
0x552: {  	v0 =	vld.idx.msk [tilespmem:v6+s4+$0x0], $0xffff;
	[tilespmem:s15+$0xFFFFFF90] =	vst v1  }
0x553: {  	v1 =	vld.idx.msk [tilespmem:v7+s4+$0x0], $0xffff;
	[tilespmem:s15+$0xFFFFFFA0] =	vst v2  }
0x554: {  	v6 =	vld.idx.msk [tilespmem:v15+s4+$0x0], $0xffff;
	[tilespmem:s15+$0xFFFFFFB0] =	vst v3  }
0x555: {  	v7 =	vld.idx.msk [tilespmem:v8+s4+$0x0], $0xffff;
	[tilespmem:s15+$0xFFFFFFC0] =	vst v4  }
0x556: {  	[tilespmem:s15+$0xFFFFFFD0] =	vst v16;
	v2 =	vld.idx.msk [tilespmem:v10+s4+$0x0], $0xffff  }
0x557: {  	v3 =	vld.idx.msk [tilespmem:v11+s4+$0x0], $0xffff;
	[tilespmem:s15+$0xFFFFFFE0] =	vst v0  }
0x558: {  	v4 =	vld.idx.msk [tilespmem:v14+s4+$0x0], $0xffff;
	[tilespmem:s15+$0xFFFFFFF0] =	vst v1  }
0x559: {  	v1 =	vld.idx.msk [tilespmem:v12+s4+$0x0], $0xffff;
	[tilespmem:s15+$0xFFFFFF80] =	vst v6  }
0x55a: {  	s6 =	simm.s32 $0x0;
	s8 =	simm.s32 $0x1C080;
	s0 =	sshll.u32 s30, $0x1;
	v0 =	vld.idx.msk [tilespmem:v13+s4+$0x0], $0xffff;
	[tilespmem:s15+$0x0] =	vst v7  }
.LBB2_45:
0x55b: {  	v6 =	vld [tilespmem:s8+$0x70];
	s6 =	sadd.s32 $0x100, s6;
	[tilespmem:s15+$0x10] =	vst v5  }
0x55c: {  	v5 =	vld [tilespmem:s8+$0xFFFFFF90];
	p1 =	slt.u32 s6, $0xF00;
	[tilespmem:s15+$0x20] =	vst v2  }
0x55d: {  	v2 =	vld [tilespmem:s8+$0xFFFFFFA0];
	[tilespmem:s15+$0x30] =	vst v3  }
0x55e: {  	v3 =	vld [tilespmem:s8+$0xFFFFFFB0];
	[tilespmem:s15+$0x40] =	vst v1  }
0x55f: {  	v1 =	vld [tilespmem:s8+$0xFFFFFFC0];
	[tilespmem:s15+$0x50] =	vst v0  }
0x560: {  	v0 =	vld [tilespmem:s8+$0xFFFFFFD0];
	[tilespmem:s15+$0x60] =	vst v4  }
0x561: {  	v4 =	vld [tilespmem:s8+$0xFFFFFFE0]  }
0x562: {  	v7 =	vld [tilespmem:s8+$0xFFFFFFF0]  }
0x563: {  	v6 =	vld.idx.msk [tilespmem:v6+s4+$0x0], $0xffff  }
0x564: {  	v8 =	vld [tilespmem:s8+$0x0]  }
0x565: {  	v9 =	vld [tilespmem:s8+$0x10]  }
0x566: {  	v10 =	vld [tilespmem:s8+$0x20]  }
0x567: {  	v11 =	vld [tilespmem:s8+$0x30]  }
0x568: {  	s15 =	sadd.s32 $0x100, s15;
	v12 =	vld [tilespmem:s8+$0x40]  }
0x569: {  	v13 =	vld [tilespmem:s8+$0x50];
	[tilespmem:s15+$0x70] =	vst v6  }
0x56a: {  	v6 =	vld [tilespmem:s8+$0x60]  }
0x56b: {  	v14 =	vld [tilespmem:s8+$0xFFFFFF80]  }
0x56c: {  	v5 =	vld.idx.msk [tilespmem:v5+s4+$0x0], $0xffff  }
0x56d: {  	v2 =	vld.idx.msk [tilespmem:v2+s4+$0x0], $0xffff  }
0x56e: {  	v3 =	vld.idx.msk [tilespmem:v3+s4+$0x0], $0xffff  }
0x56f: {  	v1 =	vld.idx.msk [tilespmem:v1+s4+$0x0], $0xffff  }
0x570: {  	v0 =	vld.idx.msk [tilespmem:v0+s4+$0x0], $0xffff  }
0x571: {  	v4 =	vld.idx.msk [tilespmem:v4+s4+$0x0], $0xffff  }
0x572: {  	[tilespmem:s15+$0xFFFFFF90] =	vst v5;
	v7 =	vld.idx.msk [tilespmem:v7+s4+$0x0], $0xffff  }
0x573: {  	v14 =	vld.idx.msk [tilespmem:v14+s4+$0x0], $0xffff;
	[tilespmem:s15+$0xFFFFFFA0] =	vst v2  }
0x574: {  	[tilespmem:s15+$0xFFFFFFB0] =	vst v3;
	v8 =	vld.idx.msk [tilespmem:v8+s4+$0x0], $0xffff  }
0x575: {  	[tilespmem:s15+$0xFFFFFFC0] =	vst v1;
	v5 =	vld.idx.msk [tilespmem:v9+s4+$0x0], $0xffff  }
.Ltmp21:
0x576: {  	[tilespmem:s15+$0xFFFFFFD0] =	vst v0;
	v2 =	vld.idx.msk [tilespmem:v10+s4+$0x0], $0xffff;
	(pc) =	sbr.rel @p1 .LBB2_45-.Ltmp21, $4  }
0x577: {  	[tilespmem:s15+$0xFFFFFFE0] =	vst v4;
	v3 =	vld.idx.msk [tilespmem:v11+s4+$0x0], $0xffff  }
0x578: {  	[tilespmem:s15+$0xFFFFFFF0] =	vst v7;
	v1 =	vld.idx.msk [tilespmem:v12+s4+$0x0], $0xffff  }
0x579: {  	[tilespmem:s15+$0xFFFFFF80] =	vst v14;
	v0 =	vld.idx.msk [tilespmem:v13+s4+$0x0], $0xffff  }
0x57a: {  	s8 =	sadd.s32 $0x100, s8;
	[tilespmem:s15+$0x0] =	vst v8;
	v4 =	vld.idx.msk [tilespmem:v6+s4+$0x0], $0xffff  }
0x57b: {  	p1 =	seq.s32 s30, $0xF;
	[tilespmem:s15+$0x10] =	vst v5  }
0x57c: {  	[tilespmem:s15+$0x20] =	vst v2;
	s6 =	sadd.s32 @!p1 $0x2, s0  }
0x57d: {  	[tilespmem:s15+$0x30] =	vst v3;
	s8 =	sshll.u32 @!p1 s6, $0xC  }
0x57e: {  	s6 =	sshll.u32 @!p1 s6, $0x7;
	[tilespmem:s15+$0x40] =	vst v1;
	s8 =	sand.u32 @!p1 $0x38000, s8  }
0x57f: {  	s31 =	simm.s32 @!p1 $0x1BF00;
	s6 =	sand.u32 @!p1 $0x300, s6;
	[tilespmem:s15+$0x50] =	vst v0;
	s8 =	sadd.s32 @!p1 s8, s3  }
0x580: {  	[tilespmem:s15+$0x60] =	vst v4;
	s15 =	simm.s32 @!p1 $0x400;
	s6 =	sadd.s32 @!p1 s6, s8;
	s8 =	simm.s32 @!p1 $0x80  }
0x581: {  	[tilespmem:s31], [sflag:$0x1] =	stream.strided.gather @!p1 [spmem:s6], $0x1000, s15, s8, $0x38;
	[tilespmem:$0x1FF00] =	vst v63  }
0x582: {  	s15 =	sshll.u32 s30, $0x13  }
0x583: {  	s8 =	sadd.s32 s24, s15  }
0x584: {  	s6 =	sshrl.u32 s8, $0x3  }
0x585: {  	s6 =	sadd.s32 s2, s6  }
0x586: {  	[hbm4b:s6+s28] =	stream.strided.scatter [tilespmem:s19], [sflag:$0x3], $0x1000, s29, s28, $0x38;
	[tilespmem:$0x1FF00] =	vst v63  }
0x587: {  	_ =	swait.ge [sflag:s25], $0x1000  }
0x588: {  	[sflag:s25] =	ssyncset.done $0x0  }
0x589: {  	s6 =	simm.s32 @!p2 $0x4;
	[sflag:s25] =	ssyncadd.s32 $0xFFFFF000  }
0x58a: {  	_ =	swait.ge @!p2 [sflag:s6], $0x1000  }
0x58b: {  	[sflag:s6] =	ssyncset.done @!p2 $0x0  }
0x58c: {  	s8 =	simm.s32 $0x1CF80;
	[sflag:s6] =	ssyncadd.s32 @!p2 $0xFFFFF000  }
0x58d: {  	v0 =	vld [tilespmem:s8+$0x70]  }
0x58e: {  	v1 =	vld [tilespmem:s8+$0xFFFFFF90]  }
0x58f: {  	v2 =	vld [tilespmem:s8+$0xFFFFFFA0]  }
0x590: {  	v3 =	vld [tilespmem:s8+$0xFFFFFFB0]  }
0x591: {  	v4 =	vld [tilespmem:s8+$0xFFFFFFC0]  }
0x592: {  	v5 =	vld [tilespmem:s8+$0xFFFFFFD0]  }
0x593: {  	v6 =	vld [tilespmem:s8+$0xFFFFFFE0]  }
0x594: {  	v7 =	vld [tilespmem:s8+$0xFFFFFFF0]  }
0x595: {  	v8 =	vld [tilespmem:s8+$0x0]  }
0x596: {  	v9 =	vld [tilespmem:s8+$0x10]  }
0x597: {  	v10 =	vld [tilespmem:s8+$0x20]  }
0x598: {  	v11 =	vld [tilespmem:s8+$0x30]  }
0x599: {  	v12 =	vld [tilespmem:s8+$0x40]  }
0x59a: {  	v13 =	vld [tilespmem:s8+$0x50]  }
0x59b: {  	v14 =	vld [tilespmem:s8+$0x60]  }
0x59c: {  	v15 =	vld [tilespmem:s8+$0xFFFFFF80]  }
0x59d: {  	v0 =	vld.idx.msk [tilespmem:v0+s4+$0x0], $0xffff  }
0x59e: {  	v1 =	vld.idx.msk [tilespmem:v1+s4+$0x0], $0xffff  }
0x59f: {  	v2 =	vld.idx.msk [tilespmem:v2+s4+$0x0], $0xffff  }
0x5a0: {  	v3 =	vld.idx.msk [tilespmem:v3+s4+$0x0], $0xffff  }
0x5a1: {  	v4 =	vld.idx.msk [tilespmem:v4+s4+$0x0], $0xffff  }
0x5a2: {  	s6 =	simm.s32 $0x1EF80;
	v16 =	vld.idx.msk [tilespmem:v5+s4+$0x0], $0xffff  }
0x5a3: {  	v5 =	vld.idx.msk [tilespmem:v9+s4+$0x0], $0xffff;
	[tilespmem:s6+$0x70] =	vst v0  }
0x5a4: {  	v0 =	vld.idx.msk [tilespmem:v6+s4+$0x0], $0xffff;
	[tilespmem:s6+$0xFFFFFF90] =	vst v1  }
0x5a5: {  	v1 =	vld.idx.msk [tilespmem:v7+s4+$0x0], $0xffff;
	[tilespmem:s6+$0xFFFFFFA0] =	vst v2  }
0x5a6: {  	v6 =	vld.idx.msk [tilespmem:v15+s4+$0x0], $0xffff;
	[tilespmem:s6+$0xFFFFFFB0] =	vst v3  }
0x5a7: {  	v2 =	vld.idx.msk [tilespmem:v8+s4+$0x0], $0xffff;
	[tilespmem:s6+$0xFFFFFFC0] =	vst v4  }
0x5a8: {  	[tilespmem:s6+$0xFFFFFFD0] =	vst v16;
	v3 =	vld.idx.msk [tilespmem:v10+s4+$0x0], $0xffff  }
0x5a9: {  	v4 =	vld.idx.msk [tilespmem:v11+s4+$0x0], $0xffff;
	[tilespmem:s6+$0xFFFFFFE0] =	vst v0  }
0x5aa: {  	[tilespmem:s6+$0xFFFFFFF0] =	vst v1;
	v1 =	vld.idx.msk [tilespmem:v12+s4+$0x0], $0xffff  }
0x5ab: {  	[tilespmem:s6+$0xFFFFFF80] =	vst v6;
	v0 =	vld.idx.msk [tilespmem:v13+s4+$0x0], $0xffff  }
0x5ac: {  	s31 =	simm.s32 $0x0;
	s8 =	simm.s32 $0x1D080;
	[tilespmem:s6+$0x0] =	vst v2;
	v2 =	vld.idx.msk [tilespmem:v14+s4+$0x0], $0xffff  }
.LBB2_47:
0x5ad: {  	v6 =	vld [tilespmem:s8+$0x70];
	s31 =	sadd.s32 $0x100, s31;
	[tilespmem:s6+$0x10] =	vst v5  }
0x5ae: {  	v5 =	vld [tilespmem:s8+$0xFFFFFF90];
	p2 =	slt.u32 s31, $0xF00;
	[tilespmem:s6+$0x20] =	vst v3  }
0x5af: {  	v3 =	vld [tilespmem:s8+$0xFFFFFFA0];
	[tilespmem:s6+$0x30] =	vst v4  }
0x5b0: {  	v4 =	vld [tilespmem:s8+$0xFFFFFFB0];
	[tilespmem:s6+$0x40] =	vst v1  }
0x5b1: {  	v1 =	vld [tilespmem:s8+$0xFFFFFFC0];
	[tilespmem:s6+$0x50] =	vst v0  }
0x5b2: {  	v0 =	vld [tilespmem:s8+$0xFFFFFFD0];
	[tilespmem:s6+$0x60] =	vst v2  }
0x5b3: {  	v2 =	vld [tilespmem:s8+$0xFFFFFFE0]  }
0x5b4: {  	v7 =	vld [tilespmem:s8+$0xFFFFFFF0]  }
0x5b5: {  	v6 =	vld.idx.msk [tilespmem:v6+s4+$0x0], $0xffff  }
0x5b6: {  	v8 =	vld [tilespmem:s8+$0x0]  }
0x5b7: {  	v9 =	vld [tilespmem:s8+$0x10]  }
0x5b8: {  	v10 =	vld [tilespmem:s8+$0x20]  }
0x5b9: {  	v11 =	vld [tilespmem:s8+$0x30]  }
0x5ba: {  	s6 =	sadd.s32 $0x100, s6;
	v12 =	vld [tilespmem:s8+$0x40]  }
0x5bb: {  	v13 =	vld [tilespmem:s8+$0x50];
	[tilespmem:s6+$0x70] =	vst v6  }
0x5bc: {  	v6 =	vld [tilespmem:s8+$0x60]  }
0x5bd: {  	v14 =	vld [tilespmem:s8+$0xFFFFFF80]  }
0x5be: {  	v5 =	vld.idx.msk [tilespmem:v5+s4+$0x0], $0xffff  }
0x5bf: {  	v3 =	vld.idx.msk [tilespmem:v3+s4+$0x0], $0xffff  }
0x5c0: {  	v4 =	vld.idx.msk [tilespmem:v4+s4+$0x0], $0xffff  }
0x5c1: {  	v1 =	vld.idx.msk [tilespmem:v1+s4+$0x0], $0xffff  }
0x5c2: {  	v0 =	vld.idx.msk [tilespmem:v0+s4+$0x0], $0xffff  }
0x5c3: {  	v2 =	vld.idx.msk [tilespmem:v2+s4+$0x0], $0xffff  }
0x5c4: {  	[tilespmem:s6+$0xFFFFFF90] =	vst v5;
	v7 =	vld.idx.msk [tilespmem:v7+s4+$0x0], $0xffff  }
0x5c5: {  	v14 =	vld.idx.msk [tilespmem:v14+s4+$0x0], $0xffff;
	[tilespmem:s6+$0xFFFFFFA0] =	vst v3  }
0x5c6: {  	[tilespmem:s6+$0xFFFFFFB0] =	vst v4;
	v8 =	vld.idx.msk [tilespmem:v8+s4+$0x0], $0xffff  }
0x5c7: {  	[tilespmem:s6+$0xFFFFFFC0] =	vst v1;
	v5 =	vld.idx.msk [tilespmem:v9+s4+$0x0], $0xffff  }
.Ltmp22:
0x5c8: {  	[tilespmem:s6+$0xFFFFFFD0] =	vst v0;
	v3 =	vld.idx.msk [tilespmem:v10+s4+$0x0], $0xffff;
	(pc) =	sbr.rel @p2 .LBB2_47-.Ltmp22, $4  }
0x5c9: {  	[tilespmem:s6+$0xFFFFFFE0] =	vst v2;
	v4 =	vld.idx.msk [tilespmem:v11+s4+$0x0], $0xffff  }
0x5ca: {  	[tilespmem:s6+$0xFFFFFFF0] =	vst v7;
	v1 =	vld.idx.msk [tilespmem:v12+s4+$0x0], $0xffff  }
0x5cb: {  	[tilespmem:s6+$0xFFFFFF80] =	vst v14;
	v0 =	vld.idx.msk [tilespmem:v13+s4+$0x0], $0xffff  }
0x5cc: {  	s8 =	sadd.s32 $0x100, s8;
	[tilespmem:s6+$0x0] =	vst v8;
	v2 =	vld.idx.msk [tilespmem:v6+s4+$0x0], $0xffff  }
0x5cd: {  	[tilespmem:s6+$0x10] =	vst v5  }
0x5ce: {  	s0 =	sadd.s32 @!p1 $0x3, s0;
	[tilespmem:s6+$0x20] =	vst v3  }
0x5cf: {  	s8 =	sshll.u32 @!p1 s0, $0xC;
	[tilespmem:s6+$0x30] =	vst v4  }
0x5d0: {  	s31 =	simm.s32 @!p1 $0x1CF00;
	s0 =	sshll.u32 @!p1 s0, $0x7;
	s8 =	sand.u32 @!p1 $0x38000, s8;
	[tilespmem:s6+$0x40] =	vst v1  }
0x5d1: {  	s30 =	sadd.s32 $0x1, s30;
	s0 =	sand.u32 @!p1 $0x380, s0;
	s8 =	sadd.s32 @!p1 s8, s3;
	[tilespmem:s6+$0x50] =	vst v0  }
0x5d2: {  	s0 =	sadd.s32 @!p1 s0, s8;
	[tilespmem:s6+$0x60] =	vst v2;
	s6 =	simm.s32 @!p1 $0x80;
	s8 =	simm.s32 @!p1 $0x400  }
0x5d3: {  	[tilespmem:s31], [sflag:$0x2] =	stream.strided.gather @!p1 [spmem:s0], $0x1000, s8, s6, $0x38;
	[tilespmem:$0x1FF00] =	vst v63  }
0x5d4: {  	p1 =	sne.s32 s30, $0x10  }
.Ltmp23:
0x5d5: {  	_ = 	snop;
	(pc) =	sbr.rel @p1 .LBB2_44-.Ltmp23, $4  }
0x5d6: {  	s31 =	sadd.s32 s26, s15  }
0x5d7: {  	s0 =	sshrl.u32 s31, $0x3  }
0x5d8: {  	s0 =	sadd.s32 s2, s0  }
0x5d9: {  	[hbm4b:s0+s28] =	stream.strided.scatter [tilespmem:s1], [sflag:$0x4], $0x1000, s29, s28, $0x38;
	[tilespmem:$0x1FF00] =	vst v63  }
0x5da: {  	s0 =	simm.s32 $0x3  }
0x5db: {  	_ =	swait.ge [sflag:s0], $0x1000  }
0x5dc: {  	[sflag:s0] =	ssyncset.done $0x0  }
0x5dd: {  	[sflag:s0] =	ssyncadd.s32 $0xFFFFF000  }
0x5de: {  	_ =	swait.ge [sflag:s12], $0x1000  }
0x5df: {  	s6 =	rddreg [dreg:$0xc]  }
0x5e0: {  	s31 =	rddreg [dreg:$0xb];
	s6 =	sadd.s32 $0x1, s6  }
0x5e1: {  	p1 =	sne.s32 s6, s31  }
.Ltmp24:
0x5e2: {  	_ = 	snop;
	(pc) =	sbr.rel @p1 .LBB2_1-.Ltmp24, $3  }
0x5e3: {  	_ =	sdelay $0x1  }
0x5e4: {  	[sflag:s12] =	ssyncset.done $0x0  }
0x5e5: {  	[sflag:s12] =	ssyncadd.s32 $0xFFFFF000  }
0x5e6: {  	_ =	sfence.sel $0x180000  }
0x5e7: {  	[bflag:$0x0] =	sbarrier.arrive $0xFFFF  }
0x5e8: {  	_ =	strace $0x90000047  }
0x5e9: {  	[bflag:$0x2] =	sbarrier.arrive $0xFFFF  }
0x5ea: {  	s0 =	rddreg [dreg:$0x4]  }
0x5eb: {  	s0 =	sadd.s32 @!p0 $0x100000, s0  }
0x5ec: {  	[sflag:s0] =	ssyncadd.tile.s32 @!p0 $0x1;
	_ =	shalt  }
.Lfunc_end2:
_tile_overlayer_lowered:
.L_overlay_start_2:
0x5ed: {  	(tag) =	ssettag $0x2  }
0x5ee: {  	s0 =	rddreg [dreg:$0x0];
	s2 =	stileid.u32  }
0x5ef: {  	s1 =	rddreg [dreg:$0x1];
	p0 =	sne.s32 s2, $0x0  }
0x5f0: {  	s3 =	rddreg [dreg:$0x2];
	[bflag:$0x3] =	sbarrier.arrive $0xFFFF;
	s2 =	simm.s32 @!p0 $0x1C06  }
0x5f1: {  	[timem:s3], [sflag:s2] =	dma.local @!p0 [hbm:s0], s1  }
0x5f2: {  	s0 =	simm.s32 @!p0 $0x6  }
0x5f3: {  	_ =	swait.ge @!p0 [sflag:s0], s1  }
0x5f4: {  	s1 =	ssub.s32 @!p0 $0x0, s1;
	[sflag:s0] =	ssyncset.done @!p0 $0x0  }
0x5f5: {  	[sflag:s0] =	ssyncadd.s32 @!p0 s1  }
0x5f6: {  	[bflag:$0x3] =	sbarrier.arrive $0xFFFF  }
0x5f7: {  	_ =	shalt  }

</sc_bundles>
